<compile_context>
chip_gen: v7x
topology: tpu7x:2x2x1
jax: 0.10.2.dev20260603
libtpu: 0.0.44.dev20260713+nightly
codegen_flags: <defaults>
</compile_context>

<pallas_src>
import functools

import jax
import jax.numpy as jnp
from jax import lax
from jax.experimental import pallas as pl
from jax.experimental.pallas import tpu as pltpu
from jax.experimental.pallas import tpu_sc as plsc

BATCH = 1024
LQ = 20
LD = 200
EMB = 128
NBINS = 30
BB = 32
CH = 128
DEPTH = 5


def _bin_thresholds():
    import numpy as np
    w = np.float32(2.0 / NBINS)
    out = []
    for k in range(1, NBINS):
        y = np.float32(np.float64(k) * np.float64(w))
        kf = np.float32(k)
        if np.float32(y / w) >= kf:
            while True:
                y2 = np.nextafter(y, np.float32(-np.inf), dtype=np.float32)
                if np.float32(y2 / w) >= kf:
                    y = y2
                else:
                    break
        else:
            while np.float32(y / w) < kf:
                y = np.nextafter(y, np.float32(np.inf), dtype=np.float32)
        out.append(float(y))
    return out


_THRESH = _bin_thresholds()


def _refined_rsqrt(x):
    x = jnp.maximum(x, jnp.float32(1e-16))
    r = lax.rsqrt(x)
    return r * (jnp.float32(1.5) - jnp.float32(0.5) * x * r * r)


def _b16(x):
    return x.astype(jnp.bfloat16).astype(jnp.float32)


def _sc_gather(table, qidx, didx):
    info = plsc.get_sparse_core_info()
    nc, ns = info.num_cores, info.num_subcores
    nw = nc * ns
    nq, nd = BATCH * LQ, BATCH * LD
    nch_q = nq // (nw * CH)
    nch_d = nd // (nw * CH)
    assert nq % (nw * CH) == 0 and nd % (nw * CH) == 0
    assert nch_q % DEPTH == 0 and nch_d % DEPTH == 0

    qidx3 = qidx.reshape(nw, nch_q, CH)
    didx3 = didx.reshape(nw, nch_d, CH)

    mesh = plsc.VectorSubcoreMesh(core_axis_name="c", subcore_axis_name="s")

    @functools.partial(
        pl.kernel,
        mesh=mesh,
        out_type=[
            jax.ShapeDtypeStruct((nq, EMB), jnp.float32),
            jax.ShapeDtypeStruct((nd, EMB), jnp.float32),
        ],
        scratch_types=[
            pltpu.VMEM((nch_q, CH), jnp.int32),
            pltpu.VMEM((nch_d, CH), jnp.int32),
            pltpu.VMEM((DEPTH, CH, EMB), jnp.float32),
        ]
        + [pltpu.SemaphoreType.DMA] * (2 * DEPTH),
    )
    def gather_kernel(tbl, qi3, di3, qout, dout, qidx_v, didx_v, rows_v, *sems):
        gsem = sems[:DEPTH]
        osem = sems[DEPTH:]
        wid = lax.axis_index("s") * nc + lax.axis_index("c")
        pltpu.sync_copy(di3.at[wid], didx_v)
        pltpu.sync_copy(qi3.at[wid], qidx_v)

        def phase(idx_v, out_hbm, nch):
            base = wid * (nch * CH)

            def round_body(r, carry):
                for b in range(DEPTH):
                    c = r * DEPTH + b
                    pltpu.make_async_copy(
                        tbl.at[idx_v.at[c]], rows_v.at[b], gsem[b]
                    ).start()
                for b in range(DEPTH):
                    c = r * DEPTH + b
                    pltpu.make_async_copy(
                        tbl.at[idx_v.at[c]], rows_v.at[b], gsem[b]
                    ).wait()
                    pltpu.make_async_copy(
                        rows_v.at[b],
                        out_hbm.at[pl.ds(base + c * CH, CH)],
                        osem[b],
                    ).start()
                for b in range(DEPTH):
                    c = r * DEPTH + b
                    pltpu.make_async_copy(
                        rows_v.at[b],
                        out_hbm.at[pl.ds(base + c * CH, CH)],
                        osem[b],
                    ).wait()
                return carry

            lax.fori_loop(0, nch // DEPTH, round_body, 0)

        phase(didx_v, dout, nch_d)
        phase(qidx_v, qout, nch_q)

    return gather_kernel(table, qidx3, didx3)


NL = BB * LQ


def _tc_body(qe_ref, de_ref, qlen_ref, w1_ref, b1_ref, w2_ref, b2_ref,
             w3_ref, b3_ref, wg_ref, bg_ref, out_ref, y_sc):
    f32 = jnp.float32
    nt = (((1,), (1,)), ((), ()))
    ones_row = jnp.ones((1, EMB), f32)

    for i in range(BB):
        q = qe_ref[i]
        d = de_ref[i]
        dotsT = lax.dot_general(d.astype(jnp.bfloat16), q.astype(jnp.bfloat16),
                                nt, preferred_element_type=f32)
        qsq = q * q
        qsq_h = _b16(qsq)
        qsq_l = qsq - qsq_h
        qn2 = (lax.dot_general(ones_row, qsq_h, nt, preferred_element_type=f32)
               + lax.dot_general(ones_row, qsq_l, nt,
                                 preferred_element_type=f32))
        rdc = _refined_rsqrt(jnp.sum(d * d, axis=1, keepdims=True))
        yT = dotsT * rdc * _refined_rsqrt(qn2) + f32(1.0)
        y_sc[:, i * LQ:(i + 1) * LQ] = yT

    Y = y_sc[...]
    s = [None] * (NBINS + 1)
    for g in range(10):
        ks = [kk for kk in (3 * g + 1, 3 * g + 2, 3 * g + 3) if kk < NBINS]
        p = None
        for j, kk in enumerate(ks):
            t = jnp.where(Y >= f32(_THRESH[kk - 1]), f32(256.0 ** j), f32(0.0))
            p = t if p is None else p + t
        r = jnp.sum(p, axis=0, keepdims=True)
        c2 = jnp.floor(r * f32(1.0 / 65536.0))
        rem = r - c2 * f32(65536.0)
        c1 = jnp.floor(rem * f32(1.0 / 256.0))
        dec = (rem - c1 * f32(256.0), c1, c2)
        for j, kk in enumerate(ks):
            s[kk] = dec[j]

    il = lax.broadcasted_iota(jnp.int32, (1, NL), 1).astype(f32)
    bi = jnp.floor(il * f32(0.05))
    qpos = il - f32(LQ) * bi
    seg = (bi == lax.broadcasted_iota(jnp.int32, (BB, NL), 0).astype(f32))
    seg = seg.astype(f32)
    qlen8 = qlen_ref[...].reshape(1, BB)
    qlen_row = lax.dot_general(qlen8, seg, (((1,), (0,)), ((), ())),
                               preferred_element_type=f32)
    mask = (qpos < qlen_row).astype(f32)

    acc = jnp.zeros((8, NL), f32)
    for k in range(NBINS):
        if k == 0:
            cnt = f32(LD) - s[1]
        elif k == NBINS - 1:
            cnt = s[NBINS - 1]
        else:
            cnt = s[k] - s[k + 1]
        lh = _b16(jnp.log1p(cnt * mask))
        acc = acc + lh * w1_ref[:, k:k + 1]
    z1 = jnp.tanh(acc + b1_ref[...])
    z2 = jnp.tanh(jnp.sum(_b16(z1) * w2_ref[...], axis=0, keepdims=True)
                  + b2_ref[...])
    z3 = jnp.tanh(z2 * w3_ref[...] + b3_ref[...])

    qall = qe_ref[...].reshape(NL, EMB)
    glog = lax.dot_general(wg_ref[...], qall, nt,
                           preferred_element_type=f32) + bg_ref[...]
    e = jnp.exp(glog)
    z3e = z3 * e
    eh = _b16(e)
    zh = _b16(z3e)
    den = (lax.dot_general(eh, seg, nt, preferred_element_type=f32)
           + lax.dot_general(e - eh, seg, nt, preferred_element_type=f32))
    num = (lax.dot_general(zh, seg, nt, preferred_element_type=f32)
           + lax.dot_general(z3e - zh, seg, nt, preferred_element_type=f32))
    out_ref[...] = (num / den).reshape(1, 1, BB)


def _tc_call(qe, de, qlenf, w1p, b1c, w2c, b2s, w3s, b3s, wg, bgs):
    grid = BATCH // BB
    full = lambda shape: pl.BlockSpec(shape, lambda i: (0,) * len(shape))
    out = pl.pallas_call(
        _tc_body,
        grid=(grid,),
        in_specs=[
            pl.BlockSpec((BB, LQ, EMB), lambda i: (i, 0, 0)),
            pl.BlockSpec((BB, LD, EMB), lambda i: (i, 0, 0)),
            pl.BlockSpec((1, 1, BB), lambda i: (i, 0, 0)),
            full((8, 32)), full((8, 1)), full((8, 1)), full((1, 1)),
            full((1, 1)), full((1, 1)), full((1, EMB)), full((1, 1)),
        ],
        out_specs=pl.BlockSpec((1, 1, BB), lambda i: (i, 0, 0)),
        out_shape=jax.ShapeDtypeStruct((grid, 1, BB), jnp.float32),
        scratch_shapes=[pltpu.VMEM((LD, NL), jnp.float32)],
    )(qe, de, qlenf, w1p, b1c, w2c, b2s, w3s, b3s, wg, bgs)
    return out.reshape(BATCH)


def kernel(query, query_len, document, table, W1, b1, W2, b2, W3, b3, Wg, bg):
    qidx = query.reshape(-1).astype(jnp.int32)
    didx = document.reshape(-1).astype(jnp.int32)
    q_emb, d_emb = _sc_gather(table, qidx, didx)
    qe = q_emb.reshape(BATCH, LQ, EMB)
    de = d_emb.reshape(BATCH, LD, EMB)
    qlenf = query_len.astype(jnp.float32).reshape(BATCH // BB, 1, BB)
    f32 = jnp.float32
    r16 = lambda x: x.astype(jnp.bfloat16).astype(jnp.float32)
    w1p = jnp.zeros((8, 32), f32).at[:5, :NBINS].set(r16(W1))
    b1c = jnp.zeros((8, 1), f32).at[:5, 0].set(b1)
    w2c = jnp.zeros((8, 1), f32).at[:5, 0].set(r16(W2[0]))
    b2s = b2.reshape(1, 1).astype(f32)
    w3s = W3.reshape(1, 1).astype(f32)
    b3s = b3.reshape(1, 1).astype(f32)
    wg = Wg.reshape(1, EMB).astype(f32)
    bgs = bg.reshape(1, 1).astype(f32)
    return _tc_call(qe, de, qlenf, w1p, b1c, w2c, b2s, w3s, b3s, wg, bgs)

# --- scband reference (transcript-rebuilt; emitter-appended) ---
"""Pipeline reference for scband-drmm-56238301773937 (READ-ONLY COPY).

The authoritative reference and input builder live on the scoring server;
editing this copy changes nothing except your own understanding.
"""

import jax, jax.numpy as jnp
import numpy as np

VOCAB = 100000
EMBED = 128
NBINS = 30
B = 1024
LQ = 20
LD = 200


def setup_inputs(seed: int = 0) -> dict:
    key = jax.random.key(seed)
    ks = jax.random.split(key, 12)
    query = jax.random.randint(ks[0], (B, LQ), 0, VOCAB)
    query_len = jax.random.randint(ks[1], (B,), 0, LQ)
    document = jax.random.randint(ks[2], (B, LD), 0, VOCAB)
    table = jax.random.normal(ks[3], (VOCAB, EMBED), dtype=jnp.float32) * 0.02
    W1 = jax.random.normal(ks[4], (5, NBINS), dtype=jnp.float32) * 0.1
    b1 = jnp.zeros((5,), dtype=jnp.float32)
    W2 = jax.random.normal(ks[5], (1, 5), dtype=jnp.float32) * 0.1
    b2 = jnp.zeros((1,), dtype=jnp.float32)
    W3 = jax.random.normal(ks[6], (1, 1), dtype=jnp.float32) * 0.1
    b3 = jnp.zeros((1,), dtype=jnp.float32)
    Wg = jax.random.normal(ks[7], (1, EMBED), dtype=jnp.float32) * 0.02
    bg = jnp.zeros((1,), dtype=jnp.float32)
    return {"query": query, "query_len": query_len, "document": document,
            "table": table, "W1": W1, "b1": b1, "W2": W2, "b2": b2,
            "W3": W3, "b3": b3, "Wg": Wg, "bg": bg}


def reference(query, query_len, document, table, W1, b1, W2, b2, W3, b3, Wg, bg):
    eps = 1e-8
    q_emb = jnp.take(table, query, axis=0)      # [B, LQ, E]  (embedding gather)
    d_emb = jnp.take(table, document, axis=0)   # [B, LD, E]  (embedding gather)
    # cosine similarity between every (query token, doc token) pair
    qn = jnp.maximum(jnp.sqrt(jnp.sum(q_emb * q_emb, axis=-1)), eps)  # [B, LQ]
    dn = jnp.maximum(jnp.sqrt(jnp.sum(d_emb * d_emb, axis=-1)), eps)  # [B, LD]
    dots = jnp.einsum('bqe,bde->bqd', q_emb, d_emb)                   # [B, LQ, LD]
    interaction = dots / (qn[:, :, None] * dn[:, None, :])
    # histogram over doc axis (torch.histc bins=[-1,1]; max value lands in last bin)
    width = 2.0 / NBINS
    bins = jnp.clip(jnp.floor((interaction + 1.0) / width).astype(jnp.int32), 0, NBINS - 1)
    b_idx = jnp.arange(B, dtype=jnp.int32)[:, None, None]
    q_idx = jnp.arange(LQ, dtype=jnp.int32)[None, :, None]
    flat = ((b_idx * LQ + q_idx) * NBINS + bins).reshape(-1)
    h = jnp.zeros((B * LQ * NBINS,), dtype=jnp.float32).at[flat].add(1.0)
    h = h.reshape(B, LQ, NBINS)
    # rows with q >= query_len[b] stay zero (torch loop only fills q < query_len)
    mask = (jnp.arange(LQ)[None, :] < query_len[:, None]).astype(jnp.float32)
    h = h * mask[:, :, None]
    h = jnp.log1p(h)
    # ffn: Linear(30,5)-Tanh-Linear(5,1)-Tanh-Linear(1,1)-Tanh
    z = jnp.tanh(h @ W1.T + b1)
    z = jnp.tanh(z @ W2.T + b2)
    z = jnp.tanh(z @ W3.T + b3)
    z = z.squeeze(-1)                     # [B, LQ]
    g = (q_emb @ Wg.T + bg).squeeze(-1)   # [B, LQ]
    g = jax.nn.softmax(g, axis=1)
    scores = jnp.sum(z * g, axis=1)       # [B]
    return scores

if __name__ == "__main__":
    import jax
    _d = setup_inputs()
    print(jax.jit(kernel)(*tuple(_d.values())))

</pallas_src>

<mosaic_0001>
#map = affine_map<(d0, d1) -> (0, 0)>
#map1 = affine_map<(d0, d1) -> (0, 0, 0)>
module attributes {stable_mosaic.version = 14 : i64} {
  func.func @gather_kernel(%arg0: i32, %arg1: i32, %arg2: memref<100000x128xf32, #tpu.memory_space<hbm>>, %arg3: memref<32x5x128xi32, #tpu.memory_space<hbm>>, %arg4: memref<32x50x128xi32, #tpu.memory_space<hbm>>, %arg5: memref<20480x128xf32, #tpu.memory_space<hbm>>, %arg6: memref<204800x128xf32, #tpu.memory_space<hbm>>, %arg7: memref<5x128xi32, #tpu.memory_space<vmem>>, %arg8: memref<50x128xi32, #tpu.memory_space<vmem>>, %arg9: memref<5x128x128xf32, #tpu.memory_space<vmem>>, %arg10: memref<!tpu.dma_semaphore, #tpu.memory_space<semaphore_mem>>, %arg11: memref<!tpu.dma_semaphore, #tpu.memory_space<semaphore_mem>>, %arg12: memref<!tpu.dma_semaphore, #tpu.memory_space<semaphore_mem>>, %arg13: memref<!tpu.dma_semaphore, #tpu.memory_space<semaphore_mem>>, %arg14: memref<!tpu.dma_semaphore, #tpu.memory_space<semaphore_mem>>, %arg15: memref<!tpu.dma_semaphore, #tpu.memory_space<semaphore_mem>>, %arg16: memref<!tpu.dma_semaphore, #tpu.memory_space<semaphore_mem>>, %arg17: memref<!tpu.dma_semaphore, #tpu.memory_space<semaphore_mem>>, %arg18: memref<!tpu.dma_semaphore, #tpu.memory_space<semaphore_mem>>, %arg19: memref<!tpu.dma_semaphore, #tpu.memory_space<semaphore_mem>>) attributes {dimension_semantics = [#tpu.dimension_semantics<core_parallel>, #tpu.dimension_semantics<subcore_parallel>], iteration_bounds = array<i64: 2, 16>, scalar_prefetch = 0 : i64, scratch_operands = 13 : i64, tpu.core_type = #tpu.core_type<sc_vector_subcore>, window_params = [{transform_indices = #map}, {transform_indices = #map1}, {transform_indices = #map1}, {transform_indices = #map}, {transform_indices = #map}]} {
    %mul3A = arith.constant 2 : i32
    %mul3A_0 = arith.muli %arg1, %mul3A : i32
    %add3A = arith.addi %mul3A_0, %arg0 : i32
    "tpu.region"() ({
      %run_scoped3A = tpu.sem_alloc : memref<!tpu.dma_semaphore, #tpu.memory_space<semaphore_mem>>
      %dma_start3A_341 = arith.constant 0 : i32
      %dma_start3A_342 = arith.constant 0 : i32
      %dma_start3A_343 = tpu.memref_slice %arg4[%add3A, %dma_start3A_341, %dma_start3A_342] : memref<32x50x128xi32, #tpu.memory_space<hbm>> -> memref<1x50x128xi32, #tpu.memory_space<hbm>>
      %dma_start3A_344 = tpu.memref_squeeze %dma_start3A_343 : memref<1x50x128xi32, #tpu.memory_space<hbm>> -> memref<50x128xi32, #tpu.memory_space<hbm>>
      %dma_start3A_345 = arith.constant 0 : i32
      %dma_start3A_346 = arith.constant 0 : i32
      %dma_start3A_347 = tpu.memref_slice %arg4[%add3A, %dma_start3A_345, %dma_start3A_346] : memref<32x50x128xi32, #tpu.memory_space<hbm>> -> memref<1x50x128xi32, #tpu.memory_space<hbm>>
      %dma_start3A_348 = tpu.memref_squeeze %dma_start3A_347 : memref<1x50x128xi32, #tpu.memory_space<hbm>> -> memref<50x128xi32, #tpu.memory_space<hbm>>
      tpu.enqueue_dma source(%dma_start3A_348 : memref<50x128xi32, #tpu.memory_space<hbm>>) target(%arg8 : memref<50x128xi32, #tpu.memory_space<vmem>>) target_semaphore(%run_scoped3A : memref<!tpu.dma_semaphore, #tpu.memory_space<semaphore_mem>>)
      %dma_wait3A_349 = arith.constant 0 : i32
      %dma_wait3A_350 = arith.constant 0 : i32
      %dma_wait3A_351 = tpu.memref_slice %arg4[%add3A, %dma_wait3A_349, %dma_wait3A_350] : memref<32x50x128xi32, #tpu.memory_space<hbm>> -> memref<1x50x128xi32, #tpu.memory_space<hbm>>
      %dma_wait3A_352 = tpu.memref_squeeze %dma_wait3A_351 : memref<1x50x128xi32, #tpu.memory_space<hbm>> -> memref<50x128xi32, #tpu.memory_space<hbm>>
      %dma_wait3A_353 = arith.constant 0 : i32
      %dma_wait3A_354 = arith.constant 0 : i32
      %dma_wait3A_355 = tpu.memref_slice %arg4[%add3A, %dma_wait3A_353, %dma_wait3A_354] : memref<32x50x128xi32, #tpu.memory_space<hbm>> -> memref<1x50x128xi32, #tpu.memory_space<hbm>>
      %dma_wait3A_356 = tpu.memref_squeeze %dma_wait3A_355 : memref<1x50x128xi32, #tpu.memory_space<hbm>> -> memref<50x128xi32, #tpu.memory_space<hbm>>
      tpu.wait_dma2 semaphore(%run_scoped3A : memref<!tpu.dma_semaphore, #tpu.memory_space<semaphore_mem>>) src(%dma_wait3A_356 : memref<50x128xi32, #tpu.memory_space<hbm>>) dst(%arg8 : memref<50x128xi32, #tpu.memory_space<vmem>>)
      tpu.yield
    }) : () -> ()
    "tpu.region"() ({
      %run_scoped3A = tpu.sem_alloc : memref<!tpu.dma_semaphore, #tpu.memory_space<semaphore_mem>>
      %dma_start3A_341 = arith.constant 0 : i32
      %dma_start3A_342 = arith.constant 0 : i32
      %dma_start3A_343 = tpu.memref_slice %arg3[%add3A, %dma_start3A_341, %dma_start3A_342] : memref<32x5x128xi32, #tpu.memory_space<hbm>> -> memref<1x5x128xi32, #tpu.memory_space<hbm>>
      %dma_start3A_344 = tpu.memref_squeeze %dma_start3A_343 : memref<1x5x128xi32, #tpu.memory_space<hbm>> -> memref<5x128xi32, #tpu.memory_space<hbm>>
      %dma_start3A_345 = arith.constant 0 : i32
      %dma_start3A_346 = arith.constant 0 : i32
      %dma_start3A_347 = tpu.memref_slice %arg3[%add3A, %dma_start3A_345, %dma_start3A_346] : memref<32x5x128xi32, #tpu.memory_space<hbm>> -> memref<1x5x128xi32, #tpu.memory_space<hbm>>
      %dma_start3A_348 = tpu.memref_squeeze %dma_start3A_347 : memref<1x5x128xi32, #tpu.memory_space<hbm>> -> memref<5x128xi32, #tpu.memory_space<hbm>>
      tpu.enqueue_dma source(%dma_start3A_348 : memref<5x128xi32, #tpu.memory_space<hbm>>) target(%arg7 : memref<5x128xi32, #tpu.memory_space<vmem>>) target_semaphore(%run_scoped3A : memref<!tpu.dma_semaphore, #tpu.memory_space<semaphore_mem>>)
      %dma_wait3A_349 = arith.constant 0 : i32
      %dma_wait3A_350 = arith.constant 0 : i32
      %dma_wait3A_351 = tpu.memref_slice %arg3[%add3A, %dma_wait3A_349, %dma_wait3A_350] : memref<32x5x128xi32, #tpu.memory_space<hbm>> -> memref<1x5x128xi32, #tpu.memory_space<hbm>>
      %dma_wait3A_352 = tpu.memref_squeeze %dma_wait3A_351 : memref<1x5x128xi32, #tpu.memory_space<hbm>> -> memref<5x128xi32, #tpu.memory_space<hbm>>
      %dma_wait3A_353 = arith.constant 0 : i32
      %dma_wait3A_354 = arith.constant 0 : i32
      %dma_wait3A_355 = tpu.memref_slice %arg3[%add3A, %dma_wait3A_353, %dma_wait3A_354] : memref<32x5x128xi32, #tpu.memory_space<hbm>> -> memref<1x5x128xi32, #tpu.memory_space<hbm>>
      %dma_wait3A_356 = tpu.memref_squeeze %dma_wait3A_355 : memref<1x5x128xi32, #tpu.memory_space<hbm>> -> memref<5x128xi32, #tpu.memory_space<hbm>>
      tpu.wait_dma2 semaphore(%run_scoped3A : memref<!tpu.dma_semaphore, #tpu.memory_space<semaphore_mem>>) src(%dma_wait3A_356 : memref<5x128xi32, #tpu.memory_space<hbm>>) dst(%arg7 : memref<5x128xi32, #tpu.memory_space<vmem>>)
      tpu.yield
    }) : () -> ()
    %mul3A_1 = arith.constant 6400 : i32
    %mul3A_2 = arith.muli %add3A, %mul3A_1 : i32
    %scan3A = arith.constant 0 : i32
    %scan3A_3 = arith.constant 0 : i32
    %scan3A_4 = arith.constant 10 : i32
    %scan3A_5 = arith.addi %scan3A_3, %scan3A_4 : i32
    %scan3A_6 = arith.constant 1 : i32
    scf.for %scan3A_341 = %scan3A_3 to %scan3A_5 step %scan3A_6  : i32 {
      %mul3A_342 = arith.constant 5 : i32
      %mul3A_343 = arith.muli %scan3A_341, %mul3A_342 : i32
      %add3A_344 = arith.constant 0 : i32
      %add3A_345 = arith.addi %mul3A_343, %add3A_344 : i32
      %dma_start3A_346 = arith.constant 0 : i32
      %dma_start3A_347 = arith.constant 0 : i32
      %dma_start3A_348 = arith.constant 0 : i32
      %dma_start3A_349 = tpu.memref_slice %arg9[%dma_start3A_346, %dma_start3A_347, %dma_start3A_348] : memref<5x128x128xf32, #tpu.memory_space<vmem>> -> memref<1x128x128xf32, #tpu.memory_space<vmem>>
      %dma_start3A_350 = tpu.memref_squeeze %dma_start3A_349 : memref<1x128x128xf32, #tpu.memory_space<vmem>> -> memref<128x128xf32, #tpu.memory_space<vmem>>
      %dma_start3A_351 = arith.constant 0 : i32
      %dma_start3A_352 = tpu.memref_slice %arg8[%add3A_345, %dma_start3A_351] : memref<50x128xi32, #tpu.memory_space<vmem>> -> memref<1x128xi32, #tpu.memory_space<vmem>>
      %dma_start3A_353 = tpu.memref_squeeze %dma_start3A_352 : memref<1x128xi32, #tpu.memory_space<vmem>> -> memref<128xi32, #tpu.memory_space<vmem>>
      %dma_start3A_354 = arith.constant 0 : i32
      %dma_start3A_355 = arith.constant 0 : i32
      %dma_start3A_356 = tpu.memref_slice %arg2[%dma_start3A_354, %dma_start3A_355] : memref<100000x128xf32, #tpu.memory_space<hbm>> -> memref<100000x128xf32, #tpu.memory_space<hbm>>
      tpu.enqueue_indirect_dma source(%dma_start3A_356 : memref<100000x128xf32, #tpu.memory_space<hbm>>) target(%dma_start3A_350 : memref<128x128xf32, #tpu.memory_space<vmem>>) offsets(%dma_start3A_353 : memref<128xi32, #tpu.memory_space<vmem>>) semaphore(%arg10 : memref<!tpu.dma_semaphore, #tpu.memory_space<semaphore_mem>>)
      %mul3A_357 = arith.constant 5 : i32
      %mul3A_358 = arith.muli %scan3A_341, %mul3A_357 : i32
      %add3A_359 = arith.constant 1 : i32
      %add3A_360 = arith.addi %mul3A_358, %add3A_359 : i32
      %dma_start3A_361 = arith.constant 1 : i32
      %dma_start3A_362 = arith.constant 0 : i32
      %dma_start3A_363 = arith.constant 0 : i32
      %dma_start3A_364 = tpu.memref_slice %arg9[%dma_start3A_361, %dma_start3A_362, %dma_start3A_363] : memref<5x128x128xf32, #tpu.memory_space<vmem>> -> memref<1x128x128xf32, #tpu.memory_space<vmem>>
      %dma_start3A_365 = tpu.memref_squeeze %dma_start3A_364 : memref<1x128x128xf32, #tpu.memory_space<vmem>> -> memref<128x128xf32, #tpu.memory_space<vmem>>
      %dma_start3A_366 = arith.constant 0 : i32
      %dma_start3A_367 = tpu.memref_slice %arg8[%add3A_360, %dma_start3A_366] : memref<50x128xi32, #tpu.memory_space<vmem>> -> memref<1x128xi32, #tpu.memory_space<vmem>>
      %dma_start3A_368 = tpu.memref_squeeze %dma_start3A_367 : memref<1x128xi32, #tpu.memory_space<vmem>> -> memref<128xi32, #tpu.memory_space<vmem>>
      %dma_start3A_369 = arith.constant 0 : i32
      %dma_start3A_370 = arith.constant 0 : i32
      %dma_start3A_371 = tpu.memref_slice %arg2[%dma_start3A_369, %dma_start3A_370] : memref<100000x128xf32, #tpu.memory_space<hbm>> -> memref<100000x128xf32, #tpu.memory_space<hbm>>
      tpu.enqueue_indirect_dma source(%dma_start3A_371 : memref<100000x128xf32, #tpu.memory_space<hbm>>) target(%dma_start3A_365 : memref<128x128xf32, #tpu.memory_space<vmem>>) offsets(%dma_start3A_368 : memref<128xi32, #tpu.memory_space<vmem>>) semaphore(%arg11 : memref<!tpu.dma_semaphore, #tpu.memory_space<semaphore_mem>>)
      %mul3A_372 = arith.constant 5 : i32
      %mul3A_373 = arith.muli %scan3A_341, %mul3A_372 : i32
      %add3A_374 = arith.constant 2 : i32
      %add3A_375 = arith.addi %mul3A_373, %add3A_374 : i32
      %dma_start3A_376 = arith.constant 2 : i32
      %dma_start3A_377 = arith.constant 0 : i32
      %dma_start3A_378 = arith.constant 0 : i32
      %dma_start3A_379 = tpu.memref_slice %arg9[%dma_start3A_376, %dma_start3A_377, %dma_start3A_378] : memref<5x128x128xf32, #tpu.memory_space<vmem>> -> memref<1x128x128xf32, #tpu.memory_space<vmem>>
      %dma_start3A_380 = tpu.memref_squeeze %dma_start3A_379 : memref<1x128x128xf32, #tpu.memory_space<vmem>> -> memref<128x128xf32, #tpu.memory_space<vmem>>
      %dma_start3A_381 = arith.constant 0 : i32
      %dma_start3A_382 = tpu.memref_slice %arg8[%add3A_375, %dma_start3A_381] : memref<50x128xi32, #tpu.memory_space<vmem>> -> memref<1x128xi32, #tpu.memory_space<vmem>>
      %dma_start3A_383 = tpu.memref_squeeze %dma_start3A_382 : memref<1x128xi32, #tpu.memory_space<vmem>> -> memref<128xi32, #tpu.memory_space<vmem>>
      %dma_start3A_384 = arith.constant 0 : i32
      %dma_start3A_385 = arith.constant 0 : i32
      %dma_start3A_386 = tpu.memref_slice %arg2[%dma_start3A_384, %dma_start3A_385] : memref<100000x128xf32, #tpu.memory_space<hbm>> -> memref<100000x128xf32, #tpu.memory_space<hbm>>
      tpu.enqueue_indirect_dma source(%dma_start3A_386 : memref<100000x128xf32, #tpu.memory_space<hbm>>) target(%dma_start3A_380 : memref<128x128xf32, #tpu.memory_space<vmem>>) offsets(%dma_start3A_383 : memref<128xi32, #tpu.memory_space<vmem>>) semaphore(%arg12 : memref<!tpu.dma_semaphore, #tpu.memory_space<semaphore_mem>>)
      %mul3A_387 = arith.constant 5 : i32
      %mul3A_388 = arith.muli %scan3A_341, %mul3A_387 : i32
      %add3A_389 = arith.constant 3 : i32
      %add3A_390 = arith.addi %mul3A_388, %add3A_389 : i32
      %dma_start3A_391 = arith.constant 3 : i32
      %dma_start3A_392 = arith.constant 0 : i32
      %dma_start3A_393 = arith.constant 0 : i32
      %dma_start3A_394 = tpu.memref_slice %arg9[%dma_start3A_391, %dma_start3A_392, %dma_start3A_393] : memref<5x128x128xf32, #tpu.memory_space<vmem>> -> memref<1x128x128xf32, #tpu.memory_space<vmem>>
      %dma_start3A_395 = tpu.memref_squeeze %dma_start3A_394 : memref<1x128x128xf32, #tpu.memory_space<vmem>> -> memref<128x128xf32, #tpu.memory_space<vmem>>
      %dma_start3A_396 = arith.constant 0 : i32
      %dma_start3A_397 = tpu.memref_slice %arg8[%add3A_390, %dma_start3A_396] : memref<50x128xi32, #tpu.memory_space<vmem>> -> memref<1x128xi32, #tpu.memory_space<vmem>>
      %dma_start3A_398 = tpu.memref_squeeze %dma_start3A_397 : memref<1x128xi32, #tpu.memory_space<vmem>> -> memref<128xi32, #tpu.memory_space<vmem>>
      %dma_start3A_399 = arith.constant 0 : i32
      %dma_start3A_400 = arith.constant 0 : i32
      %dma_start3A_401 = tpu.memref_slice %arg2[%dma_start3A_399, %dma_start3A_400] : memref<100000x128xf32, #tpu.memory_space<hbm>> -> memref<100000x128xf32, #tpu.memory_space<hbm>>
      tpu.enqueue_indirect_dma source(%dma_start3A_401 : memref<100000x128xf32, #tpu.memory_space<hbm>>) target(%dma_start3A_395 : memref<128x128xf32, #tpu.memory_space<vmem>>) offsets(%dma_start3A_398 : memref<128xi32, #tpu.memory_space<vmem>>) semaphore(%arg13 : memref<!tpu.dma_semaphore, #tpu.memory_space<semaphore_mem>>)
      %mul3A_402 = arith.constant 5 : i32
      %mul3A_403 = arith.muli %scan3A_341, %mul3A_402 : i32
      %add3A_404 = arith.constant 4 : i32
      %add3A_405 = arith.addi %mul3A_403, %add3A_404 : i32
      %dma_start3A_406 = arith.constant 4 : i32
      %dma_start3A_407 = arith.constant 0 : i32
      %dma_start3A_408 = arith.constant 0 : i32
      %dma_start3A_409 = tpu.memref_slice %arg9[%dma_start3A_406, %dma_start3A_407, %dma_start3A_408] : memref<5x128x128xf32, #tpu.memory_space<vmem>> -> memref<1x128x128xf32, #tpu.memory_space<vmem>>
      %dma_start3A_410 = tpu.memref_squeeze %dma_start3A_409 : memref<1x128x128xf32, #tpu.memory_space<vmem>> -> memref<128x128xf32, #tpu.memory_space<vmem>>
      %dma_start3A_411 = arith.constant 0 : i32
      %dma_start3A_412 = tpu.memref_slice %arg8[%add3A_405, %dma_start3A_411] : memref<50x128xi32, #tpu.memory_space<vmem>> -> memref<1x128xi32, #tpu.memory_space<vmem>>
      %dma_start3A_413 = tpu.memref_squeeze %dma_start3A_412 : memref<1x128xi32, #tpu.memory_space<vmem>> -> memref<128xi32, #tpu.memory_space<vmem>>
      %dma_start3A_414 = arith.constant 0 : i32
      %dma_start3A_415 = arith.constant 0 : i32
      %dma_start3A_416 = tpu.memref_slice %arg2[%dma_start3A_414, %dma_start3A_415] : memref<100000x128xf32, #tpu.memory_space<hbm>> -> memref<100000x128xf32, #tpu.memory_space<hbm>>
      tpu.enqueue_indirect_dma source(%dma_start3A_416 : memref<100000x128xf32, #tpu.memory_space<hbm>>) target(%dma_start3A_410 : memref<128x128xf32, #tpu.memory_space<vmem>>) offsets(%dma_start3A_413 : memref<128xi32, #tpu.memory_space<vmem>>) semaphore(%arg14 : memref<!tpu.dma_semaphore, #tpu.memory_space<semaphore_mem>>)
      %mul3A_417 = arith.constant 5 : i32
      %mul3A_418 = arith.muli %scan3A_341, %mul3A_417 : i32
      %add3A_419 = arith.constant 0 : i32
      %add3A_420 = arith.addi %mul3A_418, %add3A_419 : i32
      %dma_wait3A_421 = arith.constant 0 : i32
      %dma_wait3A_422 = arith.constant 0 : i32
      %dma_wait3A_423 = arith.constant 0 : i32
      %dma_wait3A_424 = tpu.memref_slice %arg9[%dma_wait3A_421, %dma_wait3A_422, %dma_wait3A_423] : memref<5x128x128xf32, #tpu.memory_space<vmem>> -> memref<1x128x128xf32, #tpu.memory_space<vmem>>
      %dma_wait3A_425 = tpu.memref_squeeze %dma_wait3A_424 : memref<1x128x128xf32, #tpu.memory_space<vmem>> -> memref<128x128xf32, #tpu.memory_space<vmem>>
      %dma_wait3A_426 = arith.constant 0 : i32
      %dma_wait3A_427 = tpu.memref_slice %arg8[%add3A_420, %dma_wait3A_426] : memref<50x128xi32, #tpu.memory_space<vmem>> -> memref<1x128xi32, #tpu.memory_space<vmem>>
      %dma_wait3A_428 = tpu.memref_squeeze %dma_wait3A_427 : memref<1x128xi32, #tpu.memory_space<vmem>> -> memref<128xi32, #tpu.memory_space<vmem>>
      %dma_wait3A_429 = arith.constant 0 : i32
      %dma_wait3A_430 = arith.constant 0 : i32
      %dma_wait3A_431 = tpu.memref_slice %arg2[%dma_wait3A_429, %dma_wait3A_430] : memref<100000x128xf32, #tpu.memory_space<hbm>> -> memref<100000x128xf32, #tpu.memory_space<hbm>>
      tpu.wait_indirect_dma semaphore(%arg10 : memref<!tpu.dma_semaphore, #tpu.memory_space<semaphore_mem>>) src(%dma_wait3A_431 : memref<100000x128xf32, #tpu.memory_space<hbm>>) dst(%dma_wait3A_425 : memref<128x128xf32, #tpu.memory_space<vmem>>)
      %mul3A_432 = arith.constant 128 : i32
      %mul3A_433 = arith.muli %add3A_420, %mul3A_432 : i32
      %add3A_434 = arith.addi %mul3A_2, %mul3A_433 : i32
      %dma_start3A_435 = arith.constant 0 : i32
      %dma_start3A_436 = arith.constant 0 : i32
      %dma_start3A_437 = arith.constant 0 : i32
      %dma_start3A_438 = tpu.memref_slice %arg9[%dma_start3A_435, %dma_start3A_436, %dma_start3A_437] : memref<5x128x128xf32, #tpu.memory_space<vmem>> -> memref<1x128x128xf32, #tpu.memory_space<vmem>>
      %dma_start3A_439 = tpu.memref_squeeze %dma_start3A_438 : memref<1x128x128xf32, #tpu.memory_space<vmem>> -> memref<128x128xf32, #tpu.memory_space<vmem>>
      %dma_start3A_440 = arith.constant 0 : i32
      %dma_start3A_441 = tpu.memref_slice %arg6[%add3A_434, %dma_start3A_440] : memref<204800x128xf32, #tpu.memory_space<hbm>> -> memref<128x128xf32, #tpu.memory_space<hbm>>
      %dma_start3A_442 = arith.constant 0 : i32
      %dma_start3A_443 = tpu.memref_slice %arg6[%add3A_434, %dma_start3A_442] : memref<204800x128xf32, #tpu.memory_space<hbm>> -> memref<128x128xf32, #tpu.memory_space<hbm>>
      %dma_start3A_444 = arith.constant 0 : i32
      %dma_start3A_445 = arith.constant 0 : i32
      %dma_start3A_446 = tpu.memref_slice %arg9[%dma_start3A_435, %dma_start3A_444, %dma_start3A_445] : memref<5x128x128xf32, #tpu.memory_space<vmem>> -> memref<1x128x128xf32, #tpu.memory_space<vmem>>
      %dma_start3A_447 = tpu.memref_squeeze %dma_start3A_446 : memref<1x128x128xf32, #tpu.memory_space<vmem>> -> memref<128x128xf32, #tpu.memory_space<vmem>>
      tpu.enqueue_dma source(%dma_start3A_447 : memref<128x128xf32, #tpu.memory_space<vmem>>) target(%dma_start3A_443 : memref<128x128xf32, #tpu.memory_space<hbm>>) target_semaphore(%arg15 : memref<!tpu.dma_semaphore, #tpu.memory_space<semaphore_mem>>)
      %mul3A_448 = arith.constant 5 : i32
      %mul3A_449 = arith.muli %scan3A_341, %mul3A_448 : i32
      %add3A_450 = arith.constant 1 : i32
      %add3A_451 = arith.addi %mul3A_449, %add3A_450 : i32
      %dma_wait3A_452 = arith.constant 1 : i32
      %dma_wait3A_453 = arith.constant 0 : i32
      %dma_wait3A_454 = arith.constant 0 : i32
      %dma_wait3A_455 = tpu.memref_slice %arg9[%dma_wait3A_452, %dma_wait3A_453, %dma_wait3A_454] : memref<5x128x128xf32, #tpu.memory_space<vmem>> -> memref<1x128x128xf32, #tpu.memory_space<vmem>>
      %dma_wait3A_456 = tpu.memref_squeeze %dma_wait3A_455 : memref<1x128x128xf32, #tpu.memory_space<vmem>> -> memref<128x128xf32, #tpu.memory_space<vmem>>
      %dma_wait3A_457 = arith.constant 0 : i32
      %dma_wait3A_458 = tpu.memref_slice %arg8[%add3A_451, %dma_wait3A_457] : memref<50x128xi32, #tpu.memory_space<vmem>> -> memref<1x128xi32, #tpu.memory_space<vmem>>
      %dma_wait3A_459 = tpu.memref_squeeze %dma_wait3A_458 : memref<1x128xi32, #tpu.memory_space<vmem>> -> memref<128xi32, #tpu.memory_space<vmem>>
      %dma_wait3A_460 = arith.constant 0 : i32
      %dma_wait3A_461 = arith.constant 0 : i32
      %dma_wait3A_462 = tpu.memref_slice %arg2[%dma_wait3A_460, %dma_wait3A_461] : memref<100000x128xf32, #tpu.memory_space<hbm>> -> memref<100000x128xf32, #tpu.memory_space<hbm>>
      tpu.wait_indirect_dma semaphore(%arg11 : memref<!tpu.dma_semaphore, #tpu.memory_space<semaphore_mem>>) src(%dma_wait3A_462 : memref<100000x128xf32, #tpu.memory_space<hbm>>) dst(%dma_wait3A_456 : memref<128x128xf32, #tpu.memory_space<vmem>>)
      %mul3A_463 = arith.constant 128 : i32
      %mul3A_464 = arith.muli %add3A_451, %mul3A_463 : i32
      %add3A_465 = arith.addi %mul3A_2, %mul3A_464 : i32
      %dma_start3A_466 = arith.constant 1 : i32
      %dma_start3A_467 = arith.constant 0 : i32
      %dma_start3A_468 = arith.constant 0 : i32
      %dma_start3A_469 = tpu.memref_slice %arg9[%dma_start3A_466, %dma_start3A_467, %dma_start3A_468] : memref<5x128x128xf32, #tpu.memory_space<vmem>> -> memref<1x128x128xf32, #tpu.memory_space<vmem>>
      %dma_start3A_470 = tpu.memref_squeeze %dma_start3A_469 : memref<1x128x128xf32, #tpu.memory_space<vmem>> -> memref<128x128xf32, #tpu.memory_space<vmem>>
      %dma_start3A_471 = arith.constant 0 : i32
      %dma_start3A_472 = tpu.memref_slice %arg6[%add3A_465, %dma_start3A_471] : memref<204800x128xf32, #tpu.memory_space<hbm>> -> memref<128x128xf32, #tpu.memory_space<hbm>>
      %dma_start3A_473 = arith.constant 0 : i32
      %dma_start3A_474 = tpu.memref_slice %arg6[%add3A_465, %dma_start3A_473] : memref<204800x128xf32, #tpu.memory_space<hbm>> -> memref<128x128xf32, #tpu.memory_space<hbm>>
      %dma_start3A_475 = arith.constant 0 : i32
      %dma_start3A_476 = arith.constant 0 : i32
      %dma_start3A_477 = tpu.memref_slice %arg9[%dma_start3A_466, %dma_start3A_475, %dma_start3A_476] : memref<5x128x128xf32, #tpu.memory_space<vmem>> -> memref<1x128x128xf32, #tpu.memory_space<vmem>>
      %dma_start3A_478 = tpu.memref_squeeze %dma_start3A_477 : memref<1x128x128xf32, #tpu.memory_space<vmem>> -> memref<128x128xf32, #tpu.memory_space<vmem>>
      tpu.enqueue_dma source(%dma_start3A_478 : memref<128x128xf32, #tpu.memory_space<vmem>>) target(%dma_start3A_474 : memref<128x128xf32, #tpu.memory_space<hbm>>) target_semaphore(%arg16 : memref<!tpu.dma_semaphore, #tpu.memory_space<semaphore_mem>>)
      %mul3A_479 = arith.constant 5 : i32
      %mul3A_480 = arith.muli %scan3A_341, %mul3A_479 : i32
      %add3A_481 = arith.constant 2 : i32
      %add3A_482 = arith.addi %mul3A_480, %add3A_481 : i32
      %dma_wait3A_483 = arith.constant 2 : i32
      %dma_wait3A_484 = arith.constant 0 : i32
      %dma_wait3A_485 = arith.constant 0 : i32
      %dma_wait3A_486 = tpu.memref_slice %arg9[%dma_wait3A_483, %dma_wait3A_484, %dma_wait3A_485] : memref<5x128x128xf32, #tpu.memory_space<vmem>> -> memref<1x128x128xf32, #tpu.memory_space<vmem>>
      %dma_wait3A_487 = tpu.memref_squeeze %dma_wait3A_486 : memref<1x128x128xf32, #tpu.memory_space<vmem>> -> memref<128x128xf32, #tpu.memory_space<vmem>>
      %dma_wait3A_488 = arith.constant 0 : i32
      %dma_wait3A_489 = tpu.memref_slice %arg8[%add3A_482, %dma_wait3A_488] : memref<50x128xi32, #tpu.memory_space<vmem>> -> memref<1x128xi32, #tpu.memory_space<vmem>>
      %dma_wait3A_490 = tpu.memref_squeeze %dma_wait3A_489 : memref<1x128xi32, #tpu.memory_space<vmem>> -> memref<128xi32, #tpu.memory_space<vmem>>
      %dma_wait3A_491 = arith.constant 0 : i32
      %dma_wait3A_492 = arith.constant 0 : i32
      %dma_wait3A_493 = tpu.memref_slice %arg2[%dma_wait3A_491, %dma_wait3A_492] : memref<100000x128xf32, #tpu.memory_space<hbm>> -> memref<100000x128xf32, #tpu.memory_space<hbm>>
      tpu.wait_indirect_dma semaphore(%arg12 : memref<!tpu.dma_semaphore, #tpu.memory_space<semaphore_mem>>) src(%dma_wait3A_493 : memref<100000x128xf32, #tpu.memory_space<hbm>>) dst(%dma_wait3A_487 : memref<128x128xf32, #tpu.memory_space<vmem>>)
      %mul3A_494 = arith.constant 128 : i32
      %mul3A_495 = arith.muli %add3A_482, %mul3A_494 : i32
      %add3A_496 = arith.addi %mul3A_2, %mul3A_495 : i32
      %dma_start3A_497 = arith.constant 2 : i32
      %dma_start3A_498 = arith.constant 0 : i32
      %dma_start3A_499 = arith.constant 0 : i32
      %dma_start3A_500 = tpu.memref_slice %arg9[%dma_start3A_497, %dma_start3A_498, %dma_start3A_499] : memref<5x128x128xf32, #tpu.memory_space<vmem>> -> memref<1x128x128xf32, #tpu.memory_space<vmem>>
      %dma_start3A_501 = tpu.memref_squeeze %dma_start3A_500 : memref<1x128x128xf32, #tpu.memory_space<vmem>> -> memref<128x128xf32, #tpu.memory_space<vmem>>
      %dma_start3A_502 = arith.constant 0 : i32
      %dma_start3A_503 = tpu.memref_slice %arg6[%add3A_496, %dma_start3A_502] : memref<204800x128xf32, #tpu.memory_space<hbm>> -> memref<128x128xf32, #tpu.memory_space<hbm>>
      %dma_start3A_504 = arith.constant 0 : i32
      %dma_start3A_505 = tpu.memref_slice %arg6[%add3A_496, %dma_start3A_504] : memref<204800x128xf32, #tpu.memory_space<hbm>> -> memref<128x128xf32, #tpu.memory_space<hbm>>
      %dma_start3A_506 = arith.constant 0 : i32
      %dma_start3A_507 = arith.constant 0 : i32
      %dma_start3A_508 = tpu.memref_slice %arg9[%dma_start3A_497, %dma_start3A_506, %dma_start3A_507] : memref<5x128x128xf32, #tpu.memory_space<vmem>> -> memref<1x128x128xf32, #tpu.memory_space<vmem>>
      %dma_start3A_509 = tpu.memref_squeeze %dma_start3A_508 : memref<1x128x128xf32, #tpu.memory_space<vmem>> -> memref<128x128xf32, #tpu.memory_space<vmem>>
      tpu.enqueue_dma source(%dma_start3A_509 : memref<128x128xf32, #tpu.memory_space<vmem>>) target(%dma_start3A_505 : memref<128x128xf32, #tpu.memory_space<hbm>>) target_semaphore(%arg17 : memref<!tpu.dma_semaphore, #tpu.memory_space<semaphore_mem>>)
      %mul3A_510 = arith.constant 5 : i32
      %mul3A_511 = arith.muli %scan3A_341, %mul3A_510 : i32
      %add3A_512 = arith.constant 3 : i32
      %add3A_513 = arith.addi %mul3A_511, %add3A_512 : i32
      %dma_wait3A_514 = arith.constant 3 : i32
      %dma_wait3A_515 = arith.constant 0 : i32
      %dma_wait3A_516 = arith.constant 0 : i32
      %dma_wait3A_517 = tpu.memref_slice %arg9[%dma_wait3A_514, %dma_wait3A_515, %dma_wait3A_516] : memref<5x128x128xf32, #tpu.memory_space<vmem>> -> memref<1x128x128xf32, #tpu.memory_space<vmem>>
      %dma_wait3A_518 = tpu.memref_squeeze %dma_wait3A_517 : memref<1x128x128xf32, #tpu.memory_space<vmem>> -> memref<128x128xf32, #tpu.memory_space<vmem>>
      %dma_wait3A_519 = arith.constant 0 : i32
      %dma_wait3A_520 = tpu.memref_slice %arg8[%add3A_513, %dma_wait3A_519] : memref<50x128xi32, #tpu.memory_space<vmem>> -> memref<1x128xi32, #tpu.memory_space<vmem>>
      %dma_wait3A_521 = tpu.memref_squeeze %dma_wait3A_520 : memref<1x128xi32, #tpu.memory_space<vmem>> -> memref<128xi32, #tpu.memory_space<vmem>>
      %dma_wait3A_522 = arith.constant 0 : i32
      %dma_wait3A_523 = arith.constant 0 : i32
      %dma_wait3A_524 = tpu.memref_slice %arg2[%dma_wait3A_522, %dma_wait3A_523] : memref<100000x128xf32, #tpu.memory_space<hbm>> -> memref<100000x128xf32, #tpu.memory_space<hbm>>
      tpu.wait_indirect_dma semaphore(%arg13 : memref<!tpu.dma_semaphore, #tpu.memory_space<semaphore_mem>>) src(%dma_wait3A_524 : memref<100000x128xf32, #tpu.memory_space<hbm>>) dst(%dma_wait3A_518 : memref<128x128xf32, #tpu.memory_space<vmem>>)
      %mul3A_525 = arith.constant 128 : i32
      %mul3A_526 = arith.muli %add3A_513, %mul3A_525 : i32
      %add3A_527 = arith.addi %mul3A_2, %mul3A_526 : i32
      %dma_start3A_528 = arith.constant 3 : i32
      %dma_start3A_529 = arith.constant 0 : i32
      %dma_start3A_530 = arith.constant 0 : i32
      %dma_start3A_531 = tpu.memref_slice %arg9[%dma_start3A_528, %dma_start3A_529, %dma_start3A_530] : memref<5x128x128xf32, #tpu.memory_space<vmem>> -> memref<1x128x128xf32, #tpu.memory_space<vmem>>
      %dma_start3A_532 = tpu.memref_squeeze %dma_start3A_531 : memref<1x128x128xf32, #tpu.memory_space<vmem>> -> memref<128x128xf32, #tpu.memory_space<vmem>>
      %dma_start3A_533 = arith.constant 0 : i32
      %dma_start3A_534 = tpu.memref_slice %arg6[%add3A_527, %dma_start3A_533] : memref<204800x128xf32, #tpu.memory_space<hbm>> -> memref<128x128xf32, #tpu.memory_space<hbm>>
      %dma_start3A_535 = arith.constant 0 : i32
      %dma_start3A_536 = tpu.memref_slice %arg6[%add3A_527, %dma_start3A_535] : memref<204800x128xf32, #tpu.memory_space<hbm>> -> memref<128x128xf32, #tpu.memory_space<hbm>>
      %dma_start3A_537 = arith.constant 0 : i32
      %dma_start3A_538 = arith.constant 0 : i32
      %dma_start3A_539 = tpu.memref_slice %arg9[%dma_start3A_528, %dma_start3A_537, %dma_start3A_538] : memref<5x128x128xf32, #tpu.memory_space<vmem>> -> memref<1x128x128xf32, #tpu.memory_space<vmem>>
      %dma_start3A_540 = tpu.memref_squeeze %dma_start3A_539 : memref<1x128x128xf32, #tpu.memory_space<vmem>> -> memref<128x128xf32, #tpu.memory_space<vmem>>
      tpu.enqueue_dma source(%dma_start3A_540 : memref<128x128xf32, #tpu.memory_space<vmem>>) target(%dma_start3A_536 : memref<128x128xf32, #tpu.memory_space<hbm>>) target_semaphore(%arg18 : memref<!tpu.dma_semaphore, #tpu.memory_space<semaphore_mem>>)
      %mul3A_541 = arith.constant 5 : i32
      %mul3A_542 = arith.muli %scan3A_341, %mul3A_541 : i32
      %add3A_543 = arith.constant 4 : i32
      %add3A_544 = arith.addi %mul3A_542, %add3A_543 : i32
      %dma_wait3A_545 = arith.constant 4 : i32
      %dma_wait3A_546 = arith.constant 0 : i32
      %dma_wait3A_547 = arith.constant 0 : i32
      %dma_wait3A_548 = tpu.memref_slice %arg9[%dma_wait3A_545, %dma_wait3A_546, %dma_wait3A_547] : memref<5x128x128xf32, #tpu.memory_space<vmem>> -> memref<1x128x128xf32, #tpu.memory_space<vmem>>
      %dma_wait3A_549 = tpu.memref_squeeze %dma_wait3A_548 : memref<1x128x128xf32, #tpu.memory_space<vmem>> -> memref<128x128xf32, #tpu.memory_space<vmem>>
      %dma_wait3A_550 = arith.constant 0 : i32
      %dma_wait3A_551 = tpu.memref_slice %arg8[%add3A_544, %dma_wait3A_550] : memref<50x128xi32, #tpu.memory_space<vmem>> -> memref<1x128xi32, #tpu.memory_space<vmem>>
      %dma_wait3A_552 = tpu.memref_squeeze %dma_wait3A_551 : memref<1x128xi32, #tpu.memory_space<vmem>> -> memref<128xi32, #tpu.memory_space<vmem>>
      %dma_wait3A_553 = arith.constant 0 : i32
      %dma_wait3A_554 = arith.constant 0 : i32
      %dma_wait3A_555 = tpu.memref_slice %arg2[%dma_wait3A_553, %dma_wait3A_554] : memref<100000x128xf32, #tpu.memory_space<hbm>> -> memref<100000x128xf32, #tpu.memory_space<hbm>>
      tpu.wait_indirect_dma semaphore(%arg14 : memref<!tpu.dma_semaphore, #tpu.memory_space<semaphore_mem>>) src(%dma_wait3A_555 : memref<100000x128xf32, #tpu.memory_space<hbm>>) dst(%dma_wait3A_549 : memref<128x128xf32, #tpu.memory_space<vmem>>)
      %mul3A_556 = arith.constant 128 : i32
      %mul3A_557 = arith.muli %add3A_544, %mul3A_556 : i32
      %add3A_558 = arith.addi %mul3A_2, %mul3A_557 : i32
      %dma_start3A_559 = arith.constant 4 : i32
      %dma_start3A_560 = arith.constant 0 : i32
      %dma_start3A_561 = arith.constant 0 : i32
      %dma_start3A_562 = tpu.memref_slice %arg9[%dma_start3A_559, %dma_start3A_560, %dma_start3A_561] : memref<5x128x128xf32, #tpu.memory_space<vmem>> -> memref<1x128x128xf32, #tpu.memory_space<vmem>>
      %dma_start3A_563 = tpu.memref_squeeze %dma_start3A_562 : memref<1x128x128xf32, #tpu.memory_space<vmem>> -> memref<128x128xf32, #tpu.memory_space<vmem>>
      %dma_start3A_564 = arith.constant 0 : i32
      %dma_start3A_565 = tpu.memref_slice %arg6[%add3A_558, %dma_start3A_564] : memref<204800x128xf32, #tpu.memory_space<hbm>> -> memref<128x128xf32, #tpu.memory_space<hbm>>
      %dma_start3A_566 = arith.constant 0 : i32
      %dma_start3A_567 = tpu.memref_slice %arg6[%add3A_558, %dma_start3A_566] : memref<204800x128xf32, #tpu.memory_space<hbm>> -> memref<128x128xf32, #tpu.memory_space<hbm>>
      %dma_start3A_568 = arith.constant 0 : i32
      %dma_start3A_569 = arith.constant 0 : i32
      %dma_start3A_570 = tpu.memref_slice %arg9[%dma_start3A_559, %dma_start3A_568, %dma_start3A_569] : memref<5x128x128xf32, #tpu.memory_space<vmem>> -> memref<1x128x128xf32, #tpu.memory_space<vmem>>
      %dma_start3A_571 = tpu.memref_squeeze %dma_start3A_570 : memref<1x128x128xf32, #tpu.memory_space<vmem>> -> memref<128x128xf32, #tpu.memory_space<vmem>>
      tpu.enqueue_dma source(%dma_start3A_571 : memref<128x128xf32, #tpu.memory_space<vmem>>) target(%dma_start3A_567 : memref<128x128xf32, #tpu.memory_space<hbm>>) target_semaphore(%arg19 : memref<!tpu.dma_semaphore, #tpu.memory_space<semaphore_mem>>)
      %mul3A_572 = arith.constant 5 : i32
      %mul3A_573 = arith.muli %scan3A_341, %mul3A_572 : i32
      %add3A_574 = arith.constant 0 : i32
      %add3A_575 = arith.addi %mul3A_573, %add3A_574 : i32
      %mul3A_576 = arith.constant 128 : i32
      %mul3A_577 = arith.muli %add3A_575, %mul3A_576 : i32
      %add3A_578 = arith.addi %mul3A_2, %mul3A_577 : i32
      %dma_wait3A_579 = arith.constant 0 : i32
      %dma_wait3A_580 = arith.constant 0 : i32
      %dma_wait3A_581 = arith.constant 0 : i32
      %dma_wait3A_582 = tpu.memref_slice %arg9[%dma_wait3A_579, %dma_wait3A_580, %dma_wait3A_581] : memref<5x128x128xf32, #tpu.memory_space<vmem>> -> memref<1x128x128xf32, #tpu.memory_space<vmem>>
      %dma_wait3A_583 = tpu.memref_squeeze %dma_wait3A_582 : memref<1x128x128xf32, #tpu.memory_space<vmem>> -> memref<128x128xf32, #tpu.memory_space<vmem>>
      %dma_wait3A_584 = arith.constant 0 : i32
      %dma_wait3A_585 = tpu.memref_slice %arg6[%add3A_578, %dma_wait3A_584] : memref<204800x128xf32, #tpu.memory_space<hbm>> -> memref<128x128xf32, #tpu.memory_space<hbm>>
      %dma_wait3A_586 = arith.constant 0 : i32
      %dma_wait3A_587 = tpu.memref_slice %arg6[%add3A_578, %dma_wait3A_586] : memref<204800x128xf32, #tpu.memory_space<hbm>> -> memref<128x128xf32, #tpu.memory_space<hbm>>
      %dma_wait3A_588 = arith.constant 0 : i32
      %dma_wait3A_589 = arith.constant 0 : i32
      %dma_wait3A_590 = tpu.memref_slice %arg9[%dma_wait3A_579, %dma_wait3A_588, %dma_wait3A_589] : memref<5x128x128xf32, #tpu.memory_space<vmem>> -> memref<1x128x128xf32, #tpu.memory_space<vmem>>
      %dma_wait3A_591 = tpu.memref_squeeze %dma_wait3A_590 : memref<1x128x128xf32, #tpu.memory_space<vmem>> -> memref<128x128xf32, #tpu.memory_space<vmem>>
      tpu.wait_dma2 semaphore(%arg15 : memref<!tpu.dma_semaphore, #tpu.memory_space<semaphore_mem>>) src(%dma_wait3A_591 : memref<128x128xf32, #tpu.memory_space<vmem>>) dst(%dma_wait3A_587 : memref<128x128xf32, #tpu.memory_space<hbm>>)
      %mul3A_592 = arith.constant 5 : i32
      %mul3A_593 = arith.muli %scan3A_341, %mul3A_592 : i32
      %add3A_594 = arith.constant 1 : i32
      %add3A_595 = arith.addi %mul3A_593, %add3A_594 : i32
      %mul3A_596 = arith.constant 128 : i32
      %mul3A_597 = arith.muli %add3A_595, %mul3A_596 : i32
      %add3A_598 = arith.addi %mul3A_2, %mul3A_597 : i32
      %dma_wait3A_599 = arith.constant 1 : i32
      %dma_wait3A_600 = arith.constant 0 : i32
      %dma_wait3A_601 = arith.constant 0 : i32
      %dma_wait3A_602 = tpu.memref_slice %arg9[%dma_wait3A_599, %dma_wait3A_600, %dma_wait3A_601] : memref<5x128x128xf32, #tpu.memory_space<vmem>> -> memref<1x128x128xf32, #tpu.memory_space<vmem>>
      %dma_wait3A_603 = tpu.memref_squeeze %dma_wait3A_602 : memref<1x128x128xf32, #tpu.memory_space<vmem>> -> memref<128x128xf32, #tpu.memory_space<vmem>>
      %dma_wait3A_604 = arith.constant 0 : i32
      %dma_wait3A_605 = tpu.memref_slice %arg6[%add3A_598, %dma_wait3A_604] : memref<204800x128xf32, #tpu.memory_space<hbm>> -> memref<128x128xf32, #tpu.memory_space<hbm>>
      %dma_wait3A_606 = arith.constant 0 : i32
      %dma_wait3A_607 = tpu.memref_slice %arg6[%add3A_598, %dma_wait3A_606] : memref<204800x128xf32, #tpu.memory_space<hbm>> -> memref<128x128xf32, #tpu.memory_space<hbm>>
      %dma_wait3A_608 = arith.constant 0 : i32
      %dma_wait3A_609 = arith.constant 0 : i32
      %dma_wait3A_610 = tpu.memref_slice %arg9[%dma_wait3A_599, %dma_wait3A_608, %dma_wait3A_609] : memref<5x128x128xf32, #tpu.memory_space<vmem>> -> memref<1x128x128xf32, #tpu.memory_space<vmem>>
      %dma_wait3A_611 = tpu.memref_squeeze %dma_wait3A_610 : memref<1x128x128xf32, #tpu.memory_space<vmem>> -> memref<128x128xf32, #tpu.memory_space<vmem>>
      tpu.wait_dma2 semaphore(%arg16 : memref<!tpu.dma_semaphore, #tpu.memory_space<semaphore_mem>>) src(%dma_wait3A_611 : memref<128x128xf32, #tpu.memory_space<vmem>>) dst(%dma_wait3A_607 : memref<128x128xf32, #tpu.memory_space<hbm>>)
      %mul3A_612 = arith.constant 5 : i32
      %mul3A_613 = arith.muli %scan3A_341, %mul3A_612 : i32
      %add3A_614 = arith.constant 2 : i32
      %add3A_615 = arith.addi %mul3A_613, %add3A_614 : i32
      %mul3A_616 = arith.constant 128 : i32
      %mul3A_617 = arith.muli %add3A_615, %mul3A_616 : i32
      %add3A_618 = arith.addi %mul3A_2, %mul3A_617 : i32
      %dma_wait3A_619 = arith.constant 2 : i32
      %dma_wait3A_620 = arith.constant 0 : i32
      %dma_wait3A_621 = arith.constant 0 : i32
      %dma_wait3A_622 = tpu.memref_slice %arg9[%dma_wait3A_619, %dma_wait3A_620, %dma_wait3A_621] : memref<5x128x128xf32, #tpu.memory_space<vmem>> -> memref<1x128x128xf32, #tpu.memory_space<vmem>>
      %dma_wait3A_623 = tpu.memref_squeeze %dma_wait3A_622 : memref<1x128x128xf32, #tpu.memory_space<vmem>> -> memref<128x128xf32, #tpu.memory_space<vmem>>
      %dma_wait3A_624 = arith.constant 0 : i32
      %dma_wait3A_625 = tpu.memref_slice %arg6[%add3A_618, %dma_wait3A_624] : memref<204800x128xf32, #tpu.memory_space<hbm>> -> memref<128x128xf32, #tpu.memory_space<hbm>>
      %dma_wait3A_626 = arith.constant 0 : i32
      %dma_wait3A_627 = tpu.memref_slice %arg6[%add3A_618, %dma_wait3A_626] : memref<204800x128xf32, #tpu.memory_space<hbm>> -> memref<128x128xf32, #tpu.memory_space<hbm>>
      %dma_wait3A_628 = arith.constant 0 : i32
      %dma_wait3A_629 = arith.constant 0 : i32
      %dma_wait3A_630 = tpu.memref_slice %arg9[%dma_wait3A_619, %dma_wait3A_628, %dma_wait3A_629] : memref<5x128x128xf32, #tpu.memory_space<vmem>> -> memref<1x128x128xf32, #tpu.memory_space<vmem>>
      %dma_wait3A_631 = tpu.memref_squeeze %dma_wait3A_630 : memref<1x128x128xf32, #tpu.memory_space<vmem>> -> memref<128x128xf32, #tpu.memory_space<vmem>>
      tpu.wait_dma2 semaphore(%arg17 : memref<!tpu.dma_semaphore, #tpu.memory_space<semaphore_mem>>) src(%dma_wait3A_631 : memref<128x128xf32, #tpu.memory_space<vmem>>) dst(%dma_wait3A_627 : memref<128x128xf32, #tpu.memory_space<hbm>>)
      %mul3A_632 = arith.constant 5 : i32
      %mul3A_633 = arith.muli %scan3A_341, %mul3A_632 : i32
      %add3A_634 = arith.constant 3 : i32
      %add3A_635 = arith.addi %mul3A_633, %add3A_634 : i32
      %mul3A_636 = arith.constant 128 : i32
      %mul3A_637 = arith.muli %add3A_635, %mul3A_636 : i32
      %add3A_638 = arith.addi %mul3A_2, %mul3A_637 : i32
      %dma_wait3A_639 = arith.constant 3 : i32
      %dma_wait3A_640 = arith.constant 0 : i32
      %dma_wait3A_641 = arith.constant 0 : i32
      %dma_wait3A_642 = tpu.memref_slice %arg9[%dma_wait3A_639, %dma_wait3A_640, %dma_wait3A_641] : memref<5x128x128xf32, #tpu.memory_space<vmem>> -> memref<1x128x128xf32, #tpu.memory_space<vmem>>
      %dma_wait3A_643 = tpu.memref_squeeze %dma_wait3A_642 : memref<1x128x128xf32, #tpu.memory_space<vmem>> -> memref<128x128xf32, #tpu.memory_space<vmem>>
      %dma_wait3A_644 = arith.constant 0 : i32
      %dma_wait3A_645 = tpu.memref_slice %arg6[%add3A_638, %dma_wait3A_644] : memref<204800x128xf32, #tpu.memory_space<hbm>> -> memref<128x128xf32, #tpu.memory_space<hbm>>
      %dma_wait3A_646 = arith.constant 0 : i32
      %dma_wait3A_647 = tpu.memref_slice %arg6[%add3A_638, %dma_wait3A_646] : memref<204800x128xf32, #tpu.memory_space<hbm>> -> memref<128x128xf32, #tpu.memory_space<hbm>>
      %dma_wait3A_648 = arith.constant 0 : i32
      %dma_wait3A_649 = arith.constant 0 : i32
      %dma_wait3A_650 = tpu.memref_slice %arg9[%dma_wait3A_639, %dma_wait3A_648, %dma_wait3A_649] : memref<5x128x128xf32, #tpu.memory_space<vmem>> -> memref<1x128x128xf32, #tpu.memory_space<vmem>>
      %dma_wait3A_651 = tpu.memref_squeeze %dma_wait3A_650 : memref<1x128x128xf32, #tpu.memory_space<vmem>> -> memref<128x128xf32, #tpu.memory_space<vmem>>
      tpu.wait_dma2 semaphore(%arg18 : memref<!tpu.dma_semaphore, #tpu.memory_space<semaphore_mem>>) src(%dma_wait3A_651 : memref<128x128xf32, #tpu.memory_space<vmem>>) dst(%dma_wait3A_647 : memref<128x128xf32, #tpu.memory_space<hbm>>)
      %mul3A_652 = arith.constant 5 : i32
      %mul3A_653 = arith.muli %scan3A_341, %mul3A_652 : i32
      %add3A_654 = arith.constant 4 : i32
      %add3A_655 = arith.addi %mul3A_653, %add3A_654 : i32
      %mul3A_656 = arith.constant 128 : i32
      %mul3A_657 = arith.muli %add3A_655, %mul3A_656 : i32
      %add3A_658 = arith.addi %mul3A_2, %mul3A_657 : i32
      %dma_wait3A_659 = arith.constant 4 : i32
      %dma_wait3A_660 = arith.constant 0 : i32
      %dma_wait3A_661 = arith.constant 0 : i32
      %dma_wait3A_662 = tpu.memref_slice %arg9[%dma_wait3A_659, %dma_wait3A_660, %dma_wait3A_661] : memref<5x128x128xf32, #tpu.memory_space<vmem>> -> memref<1x128x128xf32, #tpu.memory_space<vmem>>
      %dma_wait3A_663 = tpu.memref_squeeze %dma_wait3A_662 : memref<1x128x128xf32, #tpu.memory_space<vmem>> -> memref<128x128xf32, #tpu.memory_space<vmem>>
      %dma_wait3A_664 = arith.constant 0 : i32
      %dma_wait3A_665 = tpu.memref_slice %arg6[%add3A_658, %dma_wait3A_664] : memref<204800x128xf32, #tpu.memory_space<hbm>> -> memref<128x128xf32, #tpu.memory_space<hbm>>
      %dma_wait3A_666 = arith.constant 0 : i32
      %dma_wait3A_667 = tpu.memref_slice %arg6[%add3A_658, %dma_wait3A_666] : memref<204800x128xf32, #tpu.memory_space<hbm>> -> memref<128x128xf32, #tpu.memory_space<hbm>>
      %dma_wait3A_668 = arith.constant 0 : i32
      %dma_wait3A_669 = arith.constant 0 : i32
      %dma_wait3A_670 = tpu.memref_slice %arg9[%dma_wait3A_659, %dma_wait3A_668, %dma_wait3A_669] : memref<5x128x128xf32, #tpu.memory_space<vmem>> -> memref<1x128x128xf32, #tpu.memory_space<vmem>>
      %dma_wait3A_671 = tpu.memref_squeeze %dma_wait3A_670 : memref<1x128x128xf32, #tpu.memory_space<vmem>> -> memref<128x128xf32, #tpu.memory_space<vmem>>
      tpu.wait_dma2 semaphore(%arg19 : memref<!tpu.dma_semaphore, #tpu.memory_space<semaphore_mem>>) src(%dma_wait3A_671 : memref<128x128xf32, #tpu.memory_space<vmem>>) dst(%dma_wait3A_667 : memref<128x128xf32, #tpu.memory_space<hbm>>)
    }
    %scan3A_7 = arith.constant 10 : i32
    %mul3A_8 = arith.constant 640 : i32
    %mul3A_9 = arith.muli %add3A, %mul3A_8 : i32
    %scan3A_10 = arith.constant 0 : i32
    %scan3A_11 = arith.constant 0 : i32
    %mul3A_12 = arith.constant 5 : i32
    %mul3A_13 = arith.muli %scan3A_11, %mul3A_12 : i32
    %add3A_14 = arith.constant 0 : i32
    %add3A_15 = arith.addi %mul3A_13, %add3A_14 : i32
    %dma_start3A = arith.constant 0 : i32
    %dma_start3A_16 = arith.constant 0 : i32
    %dma_start3A_17 = arith.constant 0 : i32
    %dma_start3A_18 = tpu.memref_slice %arg9[%dma_start3A, %dma_start3A_16, %dma_start3A_17] : memref<5x128x128xf32, #tpu.memory_space<vmem>> -> memref<1x128x128xf32, #tpu.memory_space<vmem>>
    %dma_start3A_19 = tpu.memref_squeeze %dma_start3A_18 : memref<1x128x128xf32, #tpu.memory_space<vmem>> -> memref<128x128xf32, #tpu.memory_space<vmem>>
    %dma_start3A_20 = arith.constant 0 : i32
    %dma_start3A_21 = tpu.memref_slice %arg7[%add3A_15, %dma_start3A_20] : memref<5x128xi32, #tpu.memory_space<vmem>> -> memref<1x128xi32, #tpu.memory_space<vmem>>
    %dma_start3A_22 = tpu.memref_squeeze %dma_start3A_21 : memref<1x128xi32, #tpu.memory_space<vmem>> -> memref<128xi32, #tpu.memory_space<vmem>>
    %dma_start3A_23 = arith.constant 0 : i32
    %dma_start3A_24 = arith.constant 0 : i32
    %dma_start3A_25 = tpu.memref_slice %arg2[%dma_start3A_23, %dma_start3A_24] : memref<100000x128xf32, #tpu.memory_space<hbm>> -> memref<100000x128xf32, #tpu.memory_space<hbm>>
    tpu.enqueue_indirect_dma source(%dma_start3A_25 : memref<100000x128xf32, #tpu.memory_space<hbm>>) target(%dma_start3A_19 : memref<128x128xf32, #tpu.memory_space<vmem>>) offsets(%dma_start3A_22 : memref<128xi32, #tpu.memory_space<vmem>>) semaphore(%arg10 : memref<!tpu.dma_semaphore, #tpu.memory_space<semaphore_mem>>)
    %mul3A_26 = arith.constant 5 : i32
    %mul3A_27 = arith.muli %scan3A_11, %mul3A_26 : i32
    %add3A_28 = arith.constant 1 : i32
    %add3A_29 = arith.addi %mul3A_27, %add3A_28 : i32
    %dma_start3A_30 = arith.constant 1 : i32
    %dma_start3A_31 = arith.constant 0 : i32
    %dma_start3A_32 = arith.constant 0 : i32
    %dma_start3A_33 = tpu.memref_slice %arg9[%dma_start3A_30, %dma_start3A_31, %dma_start3A_32] : memref<5x128x128xf32, #tpu.memory_space<vmem>> -> memref<1x128x128xf32, #tpu.memory_space<vmem>>
    %dma_start3A_34 = tpu.memref_squeeze %dma_start3A_33 : memref<1x128x128xf32, #tpu.memory_space<vmem>> -> memref<128x128xf32, #tpu.memory_space<vmem>>
    %dma_start3A_35 = arith.constant 0 : i32
    %dma_start3A_36 = tpu.memref_slice %arg7[%add3A_29, %dma_start3A_35] : memref<5x128xi32, #tpu.memory_space<vmem>> -> memref<1x128xi32, #tpu.memory_space<vmem>>
    %dma_start3A_37 = tpu.memref_squeeze %dma_start3A_36 : memref<1x128xi32, #tpu.memory_space<vmem>> -> memref<128xi32, #tpu.memory_space<vmem>>
    %dma_start3A_38 = arith.constant 0 : i32
    %dma_start3A_39 = arith.constant 0 : i32
    %dma_start3A_40 = tpu.memref_slice %arg2[%dma_start3A_38, %dma_start3A_39] : memref<100000x128xf32, #tpu.memory_space<hbm>> -> memref<100000x128xf32, #tpu.memory_space<hbm>>
    tpu.enqueue_indirect_dma source(%dma_start3A_40 : memref<100000x128xf32, #tpu.memory_space<hbm>>) target(%dma_start3A_34 : memref<128x128xf32, #tpu.memory_space<vmem>>) offsets(%dma_start3A_37 : memref<128xi32, #tpu.memory_space<vmem>>) semaphore(%arg11 : memref<!tpu.dma_semaphore, #tpu.memory_space<semaphore_mem>>)
    %mul3A_41 = arith.constant 5 : i32
    %mul3A_42 = arith.muli %scan3A_11, %mul3A_41 : i32
    %add3A_43 = arith.constant 2 : i32
    %add3A_44 = arith.addi %mul3A_42, %add3A_43 : i32
    %dma_start3A_45 = arith.constant 2 : i32
    %dma_start3A_46 = arith.constant 0 : i32
    %dma_start3A_47 = arith.constant 0 : i32
    %dma_start3A_48 = tpu.memref_slice %arg9[%dma_start3A_45, %dma_start3A_46, %dma_start3A_47] : memref<5x128x128xf32, #tpu.memory_space<vmem>> -> memref<1x128x128xf32, #tpu.memory_space<vmem>>
    %dma_start3A_49 = tpu.memref_squeeze %dma_start3A_48 : memref<1x128x128xf32, #tpu.memory_space<vmem>> -> memref<128x128xf32, #tpu.memory_space<vmem>>
    %dma_start3A_50 = arith.constant 0 : i32
    %dma_start3A_51 = tpu.memref_slice %arg7[%add3A_44, %dma_start3A_50] : memref<5x128xi32, #tpu.memory_space<vmem>> -> memref<1x128xi32, #tpu.memory_space<vmem>>
    %dma_start3A_52 = tpu.memref_squeeze %dma_start3A_51 : memref<1x128xi32, #tpu.memory_space<vmem>> -> memref<128xi32, #tpu.memory_space<vmem>>
    %dma_start3A_53 = arith.constant 0 : i32
    %dma_start3A_54 = arith.constant 0 : i32
    %dma_start3A_55 = tpu.memref_slice %arg2[%dma_start3A_53, %dma_start3A_54] : memref<100000x128xf32, #tpu.memory_space<hbm>> -> memref<100000x128xf32, #tpu.memory_space<hbm>>
    tpu.enqueue_indirect_dma source(%dma_start3A_55 : memref<100000x128xf32, #tpu.memory_space<hbm>>) target(%dma_start3A_49 : memref<128x128xf32, #tpu.memory_space<vmem>>) offsets(%dma_start3A_52 : memref<128xi32, #tpu.memory_space<vmem>>) semaphore(%arg12 : memref<!tpu.dma_semaphore, #tpu.memory_space<semaphore_mem>>)
    %mul3A_56 = arith.constant 5 : i32
    %mul3A_57 = arith.muli %scan3A_11, %mul3A_56 : i32
    %add3A_58 = arith.constant 3 : i32
    %add3A_59 = arith.addi %mul3A_57, %add3A_58 : i32
    %dma_start3A_60 = arith.constant 3 : i32
    %dma_start3A_61 = arith.constant 0 : i32
    %dma_start3A_62 = arith.constant 0 : i32
    %dma_start3A_63 = tpu.memref_slice %arg9[%dma_start3A_60, %dma_start3A_61, %dma_start3A_62] : memref<5x128x128xf32, #tpu.memory_space<vmem>> -> memref<1x128x128xf32, #tpu.memory_space<vmem>>
    %dma_start3A_64 = tpu.memref_squeeze %dma_start3A_63 : memref<1x128x128xf32, #tpu.memory_space<vmem>> -> memref<128x128xf32, #tpu.memory_space<vmem>>
    %dma_start3A_65 = arith.constant 0 : i32
    %dma_start3A_66 = tpu.memref_slice %arg7[%add3A_59, %dma_start3A_65] : memref<5x128xi32, #tpu.memory_space<vmem>> -> memref<1x128xi32, #tpu.memory_space<vmem>>
    %dma_start3A_67 = tpu.memref_squeeze %dma_start3A_66 : memref<1x128xi32, #tpu.memory_space<vmem>> -> memref<128xi32, #tpu.memory_space<vmem>>
    %dma_start3A_68 = arith.constant 0 : i32
    %dma_start3A_69 = arith.constant 0 : i32
    %dma_start3A_70 = tpu.memref_slice %arg2[%dma_start3A_68, %dma_start3A_69] : memref<100000x128xf32, #tpu.memory_space<hbm>> -> memref<100000x128xf32, #tpu.memory_space<hbm>>
    tpu.enqueue_indirect_dma source(%dma_start3A_70 : memref<100000x128xf32, #tpu.memory_space<hbm>>) target(%dma_start3A_64 : memref<128x128xf32, #tpu.memory_space<vmem>>) offsets(%dma_start3A_67 : memref<128xi32, #tpu.memory_space<vmem>>) semaphore(%arg13 : memref<!tpu.dma_semaphore, #tpu.memory_space<semaphore_mem>>)
    %mul3A_71 = arith.constant 5 : i32
    %mul3A_72 = arith.muli %scan3A_11, %mul3A_71 : i32
    %add3A_73 = arith.constant 4 : i32
    %add3A_74 = arith.addi %mul3A_72, %add3A_73 : i32
    %dma_start3A_75 = arith.constant 4 : i32
    %dma_start3A_76 = arith.constant 0 : i32
    %dma_start3A_77 = arith.constant 0 : i32
    %dma_start3A_78 = tpu.memref_slice %arg9[%dma_start3A_75, %dma_start3A_76, %dma_start3A_77] : memref<5x128x128xf32, #tpu.memory_space<vmem>> -> memref<1x128x128xf32, #tpu.memory_space<vmem>>
    %dma_start3A_79 = tpu.memref_squeeze %dma_start3A_78 : memref<1x128x128xf32, #tpu.memory_space<vmem>> -> memref<128x128xf32, #tpu.memory_space<vmem>>
    %dma_start3A_80 = arith.constant 0 : i32
    %dma_start3A_81 = tpu.memref_slice %arg7[%add3A_74, %dma_start3A_80] : memref<5x128xi32, #tpu.memory_space<vmem>> -> memref<1x128xi32, #tpu.memory_space<vmem>>
    %dma_start3A_82 = tpu.memref_squeeze %dma_start3A_81 : memref<1x128xi32, #tpu.memory_space<vmem>> -> memref<128xi32, #tpu.memory_space<vmem>>
    %dma_start3A_83 = arith.constant 0 : i32
    %dma_start3A_84 = arith.constant 0 : i32
    %dma_start3A_85 = tpu.memref_slice %arg2[%dma_start3A_83, %dma_start3A_84] : memref<100000x128xf32, #tpu.memory_space<hbm>> -> memref<100000x128xf32, #tpu.memory_space<hbm>>
    tpu.enqueue_indirect_dma source(%dma_start3A_85 : memref<100000x128xf32, #tpu.memory_space<hbm>>) target(%dma_start3A_79 : memref<128x128xf32, #tpu.memory_space<vmem>>) offsets(%dma_start3A_82 : memref<128xi32, #tpu.memory_space<vmem>>) semaphore(%arg14 : memref<!tpu.dma_semaphore, #tpu.memory_space<semaphore_mem>>)
    %mul3A_86 = arith.constant 5 : i32
    %mul3A_87 = arith.muli %scan3A_11, %mul3A_86 : i32
    %add3A_88 = arith.constant 0 : i32
    %add3A_89 = arith.addi %mul3A_87, %add3A_88 : i32
    %dma_wait3A = arith.constant 0 : i32
    %dma_wait3A_90 = arith.constant 0 : i32
    %dma_wait3A_91 = arith.constant 0 : i32
    %dma_wait3A_92 = tpu.memref_slice %arg9[%dma_wait3A, %dma_wait3A_90, %dma_wait3A_91] : memref<5x128x128xf32, #tpu.memory_space<vmem>> -> memref<1x128x128xf32, #tpu.memory_space<vmem>>
    %dma_wait3A_93 = tpu.memref_squeeze %dma_wait3A_92 : memref<1x128x128xf32, #tpu.memory_space<vmem>> -> memref<128x128xf32, #tpu.memory_space<vmem>>
    %dma_wait3A_94 = arith.constant 0 : i32
    %dma_wait3A_95 = tpu.memref_slice %arg7[%add3A_89, %dma_wait3A_94] : memref<5x128xi32, #tpu.memory_space<vmem>> -> memref<1x128xi32, #tpu.memory_space<vmem>>
    %dma_wait3A_96 = tpu.memref_squeeze %dma_wait3A_95 : memref<1x128xi32, #tpu.memory_space<vmem>> -> memref<128xi32, #tpu.memory_space<vmem>>
    %dma_wait3A_97 = arith.constant 0 : i32
    %dma_wait3A_98 = arith.constant 0 : i32
    %dma_wait3A_99 = tpu.memref_slice %arg2[%dma_wait3A_97, %dma_wait3A_98] : memref<100000x128xf32, #tpu.memory_space<hbm>> -> memref<100000x128xf32, #tpu.memory_space<hbm>>
    tpu.wait_indirect_dma semaphore(%arg10 : memref<!tpu.dma_semaphore, #tpu.memory_space<semaphore_mem>>) src(%dma_wait3A_99 : memref<100000x128xf32, #tpu.memory_space<hbm>>) dst(%dma_wait3A_93 : memref<128x128xf32, #tpu.memory_space<vmem>>)
    %mul3A_100 = arith.constant 128 : i32
    %mul3A_101 = arith.muli %add3A_89, %mul3A_100 : i32
    %add3A_102 = arith.addi %mul3A_9, %mul3A_101 : i32
    %dma_start3A_103 = arith.constant 0 : i32
    %dma_start3A_104 = arith.constant 0 : i32
    %dma_start3A_105 = arith.constant 0 : i32
    %dma_start3A_106 = tpu.memref_slice %arg9[%dma_start3A_103, %dma_start3A_104, %dma_start3A_105] : memref<5x128x128xf32, #tpu.memory_space<vmem>> -> memref<1x128x128xf32, #tpu.memory_space<vmem>>
    %dma_start3A_107 = tpu.memref_squeeze %dma_start3A_106 : memref<1x128x128xf32, #tpu.memory_space<vmem>> -> memref<128x128xf32, #tpu.memory_space<vmem>>
    %dma_start3A_108 = arith.constant 0 : i32
    %dma_start3A_109 = tpu.memref_slice %arg5[%add3A_102, %dma_start3A_108] : memref<20480x128xf32, #tpu.memory_space<hbm>> -> memref<128x128xf32, #tpu.memory_space<hbm>>
    %dma_start3A_110 = arith.constant 0 : i32
    %dma_start3A_111 = tpu.memref_slice %arg5[%add3A_102, %dma_start3A_110] : memref<20480x128xf32, #tpu.memory_space<hbm>> -> memref<128x128xf32, #tpu.memory_space<hbm>>
    %dma_start3A_112 = arith.constant 0 : i32
    %dma_start3A_113 = arith.constant 0 : i32
    %dma_start3A_114 = tpu.memref_slice %arg9[%dma_start3A_103, %dma_start3A_112, %dma_start3A_113] : memref<5x128x128xf32, #tpu.memory_space<vmem>> -> memref<1x128x128xf32, #tpu.memory_space<vmem>>
    %dma_start3A_115 = tpu.memref_squeeze %dma_start3A_114 : memref<1x128x128xf32, #tpu.memory_space<vmem>> -> memref<128x128xf32, #tpu.memory_space<vmem>>
    tpu.enqueue_dma source(%dma_start3A_115 : memref<128x128xf32, #tpu.memory_space<vmem>>) target(%dma_start3A_111 : memref<128x128xf32, #tpu.memory_space<hbm>>) target_semaphore(%arg15 : memref<!tpu.dma_semaphore, #tpu.memory_space<semaphore_mem>>)
    %mul3A_116 = arith.constant 5 : i32
    %mul3A_117 = arith.muli %scan3A_11, %mul3A_116 : i32
    %add3A_118 = arith.constant 1 : i32
    %add3A_119 = arith.addi %mul3A_117, %add3A_118 : i32
    %dma_wait3A_120 = arith.constant 1 : i32
    %dma_wait3A_121 = arith.constant 0 : i32
    %dma_wait3A_122 = arith.constant 0 : i32
    %dma_wait3A_123 = tpu.memref_slice %arg9[%dma_wait3A_120, %dma_wait3A_121, %dma_wait3A_122] : memref<5x128x128xf32, #tpu.memory_space<vmem>> -> memref<1x128x128xf32, #tpu.memory_space<vmem>>
    %dma_wait3A_124 = tpu.memref_squeeze %dma_wait3A_123 : memref<1x128x128xf32, #tpu.memory_space<vmem>> -> memref<128x128xf32, #tpu.memory_space<vmem>>
    %dma_wait3A_125 = arith.constant 0 : i32
    %dma_wait3A_126 = tpu.memref_slice %arg7[%add3A_119, %dma_wait3A_125] : memref<5x128xi32, #tpu.memory_space<vmem>> -> memref<1x128xi32, #tpu.memory_space<vmem>>
    %dma_wait3A_127 = tpu.memref_squeeze %dma_wait3A_126 : memref<1x128xi32, #tpu.memory_space<vmem>> -> memref<128xi32, #tpu.memory_space<vmem>>
    %dma_wait3A_128 = arith.constant 0 : i32
    %dma_wait3A_129 = arith.constant 0 : i32
    %dma_wait3A_130 = tpu.memref_slice %arg2[%dma_wait3A_128, %dma_wait3A_129] : memref<100000x128xf32, #tpu.memory_space<hbm>> -> memref<100000x128xf32, #tpu.memory_space<hbm>>
    tpu.wait_indirect_dma semaphore(%arg11 : memref<!tpu.dma_semaphore, #tpu.memory_space<semaphore_mem>>) src(%dma_wait3A_130 : memref<100000x128xf32, #tpu.memory_space<hbm>>) dst(%dma_wait3A_124 : memref<128x128xf32, #tpu.memory_space<vmem>>)
    %mul3A_131 = arith.constant 128 : i32
    %mul3A_132 = arith.muli %add3A_119, %mul3A_131 : i32
    %add3A_133 = arith.addi %mul3A_9, %mul3A_132 : i32
    %dma_start3A_134 = arith.constant 1 : i32
    %dma_start3A_135 = arith.constant 0 : i32
    %dma_start3A_136 = arith.constant 0 : i32
    %dma_start3A_137 = tpu.memref_slice %arg9[%dma_start3A_134, %dma_start3A_135, %dma_start3A_136] : memref<5x128x128xf32, #tpu.memory_space<vmem>> -> memref<1x128x128xf32, #tpu.memory_space<vmem>>
    %dma_start3A_138 = tpu.memref_squeeze %dma_start3A_137 : memref<1x128x128xf32, #tpu.memory_space<vmem>> -> memref<128x128xf32, #tpu.memory_space<vmem>>
    %dma_start3A_139 = arith.constant 0 : i32
    %dma_start3A_140 = tpu.memref_slice %arg5[%add3A_133, %dma_start3A_139] : memref<20480x128xf32, #tpu.memory_space<hbm>> -> memref<128x128xf32, #tpu.memory_space<hbm>>
    %dma_start3A_141 = arith.constant 0 : i32
    %dma_start3A_142 = tpu.memref_slice %arg5[%add3A_133, %dma_start3A_141] : memref<20480x128xf32, #tpu.memory_space<hbm>> -> memref<128x128xf32, #tpu.memory_space<hbm>>
    %dma_start3A_143 = arith.constant 0 : i32
    %dma_start3A_144 = arith.constant 0 : i32
    %dma_start3A_145 = tpu.memref_slice %arg9[%dma_start3A_134, %dma_start3A_143, %dma_start3A_144] : memref<5x128x128xf32, #tpu.memory_space<vmem>> -> memref<1x128x128xf32, #tpu.memory_space<vmem>>
    %dma_start3A_146 = tpu.memref_squeeze %dma_start3A_145 : memref<1x128x128xf32, #tpu.memory_space<vmem>> -> memref<128x128xf32, #tpu.memory_space<vmem>>
    tpu.enqueue_dma source(%dma_start3A_146 : memref<128x128xf32, #tpu.memory_space<vmem>>) target(%dma_start3A_142 : memref<128x128xf32, #tpu.memory_space<hbm>>) target_semaphore(%arg16 : memref<!tpu.dma_semaphore, #tpu.memory_space<semaphore_mem>>)
    %mul3A_147 = arith.constant 5 : i32
    %mul3A_148 = arith.muli %scan3A_11, %mul3A_147 : i32
    %add3A_149 = arith.constant 2 : i32
    %add3A_150 = arith.addi %mul3A_148, %add3A_149 : i32
    %dma_wait3A_151 = arith.constant 2 : i32
    %dma_wait3A_152 = arith.constant 0 : i32
    %dma_wait3A_153 = arith.constant 0 : i32
    %dma_wait3A_154 = tpu.memref_slice %arg9[%dma_wait3A_151, %dma_wait3A_152, %dma_wait3A_153] : memref<5x128x128xf32, #tpu.memory_space<vmem>> -> memref<1x128x128xf32, #tpu.memory_space<vmem>>
    %dma_wait3A_155 = tpu.memref_squeeze %dma_wait3A_154 : memref<1x128x128xf32, #tpu.memory_space<vmem>> -> memref<128x128xf32, #tpu.memory_space<vmem>>
    %dma_wait3A_156 = arith.constant 0 : i32
    %dma_wait3A_157 = tpu.memref_slice %arg7[%add3A_150, %dma_wait3A_156] : memref<5x128xi32, #tpu.memory_space<vmem>> -> memref<1x128xi32, #tpu.memory_space<vmem>>
    %dma_wait3A_158 = tpu.memref_squeeze %dma_wait3A_157 : memref<1x128xi32, #tpu.memory_space<vmem>> -> memref<128xi32, #tpu.memory_space<vmem>>
    %dma_wait3A_159 = arith.constant 0 : i32
    %dma_wait3A_160 = arith.constant 0 : i32
    %dma_wait3A_161 = tpu.memref_slice %arg2[%dma_wait3A_159, %dma_wait3A_160] : memref<100000x128xf32, #tpu.memory_space<hbm>> -> memref<100000x128xf32, #tpu.memory_space<hbm>>
    tpu.wait_indirect_dma semaphore(%arg12 : memref<!tpu.dma_semaphore, #tpu.memory_space<semaphore_mem>>) src(%dma_wait3A_161 : memref<100000x128xf32, #tpu.memory_space<hbm>>) dst(%dma_wait3A_155 : memref<128x128xf32, #tpu.memory_space<vmem>>)
    %mul3A_162 = arith.constant 128 : i32
    %mul3A_163 = arith.muli %add3A_150, %mul3A_162 : i32
    %add3A_164 = arith.addi %mul3A_9, %mul3A_163 : i32
    %dma_start3A_165 = arith.constant 2 : i32
    %dma_start3A_166 = arith.constant 0 : i32
    %dma_start3A_167 = arith.constant 0 : i32
    %dma_start3A_168 = tpu.memref_slice %arg9[%dma_start3A_165, %dma_start3A_166, %dma_start3A_167] : memref<5x128x128xf32, #tpu.memory_space<vmem>> -> memref<1x128x128xf32, #tpu.memory_space<vmem>>
    %dma_start3A_169 = tpu.memref_squeeze %dma_start3A_168 : memref<1x128x128xf32, #tpu.memory_space<vmem>> -> memref<128x128xf32, #tpu.memory_space<vmem>>
    %dma_start3A_170 = arith.constant 0 : i32
    %dma_start3A_171 = tpu.memref_slice %arg5[%add3A_164, %dma_start3A_170] : memref<20480x128xf32, #tpu.memory_space<hbm>> -> memref<128x128xf32, #tpu.memory_space<hbm>>
    %dma_start3A_172 = arith.constant 0 : i32
    %dma_start3A_173 = tpu.memref_slice %arg5[%add3A_164, %dma_start3A_172] : memref<20480x128xf32, #tpu.memory_space<hbm>> -> memref<128x128xf32, #tpu.memory_space<hbm>>
    %dma_start3A_174 = arith.constant 0 : i32
    %dma_start3A_175 = arith.constant 0 : i32
    %dma_start3A_176 = tpu.memref_slice %arg9[%dma_start3A_165, %dma_start3A_174, %dma_start3A_175] : memref<5x128x128xf32, #tpu.memory_space<vmem>> -> memref<1x128x128xf32, #tpu.memory_space<vmem>>
    %dma_start3A_177 = tpu.memref_squeeze %dma_start3A_176 : memref<1x128x128xf32, #tpu.memory_space<vmem>> -> memref<128x128xf32, #tpu.memory_space<vmem>>
    tpu.enqueue_dma source(%dma_start3A_177 : memref<128x128xf32, #tpu.memory_space<vmem>>) target(%dma_start3A_173 : memref<128x128xf32, #tpu.memory_space<hbm>>) target_semaphore(%arg17 : memref<!tpu.dma_semaphore, #tpu.memory_space<semaphore_mem>>)
    %mul3A_178 = arith.constant 5 : i32
    %mul3A_179 = arith.muli %scan3A_11, %mul3A_178 : i32
    %add3A_180 = arith.constant 3 : i32
    %add3A_181 = arith.addi %mul3A_179, %add3A_180 : i32
    %dma_wait3A_182 = arith.constant 3 : i32
    %dma_wait3A_183 = arith.constant 0 : i32
    %dma_wait3A_184 = arith.constant 0 : i32
    %dma_wait3A_185 = tpu.memref_slice %arg9[%dma_wait3A_182, %dma_wait3A_183, %dma_wait3A_184] : memref<5x128x128xf32, #tpu.memory_space<vmem>> -> memref<1x128x128xf32, #tpu.memory_space<vmem>>
    %dma_wait3A_186 = tpu.memref_squeeze %dma_wait3A_185 : memref<1x128x128xf32, #tpu.memory_space<vmem>> -> memref<128x128xf32, #tpu.memory_space<vmem>>
    %dma_wait3A_187 = arith.constant 0 : i32
    %dma_wait3A_188 = tpu.memref_slice %arg7[%add3A_181, %dma_wait3A_187] : memref<5x128xi32, #tpu.memory_space<vmem>> -> memref<1x128xi32, #tpu.memory_space<vmem>>
    %dma_wait3A_189 = tpu.memref_squeeze %dma_wait3A_188 : memref<1x128xi32, #tpu.memory_space<vmem>> -> memref<128xi32, #tpu.memory_space<vmem>>
    %dma_wait3A_190 = arith.constant 0 : i32
    %dma_wait3A_191 = arith.constant 0 : i32
    %dma_wait3A_192 = tpu.memref_slice %arg2[%dma_wait3A_190, %dma_wait3A_191] : memref<100000x128xf32, #tpu.memory_space<hbm>> -> memref<100000x128xf32, #tpu.memory_space<hbm>>
    tpu.wait_indirect_dma semaphore(%arg13 : memref<!tpu.dma_semaphore, #tpu.memory_space<semaphore_mem>>) src(%dma_wait3A_192 : memref<100000x128xf32, #tpu.memory_space<hbm>>) dst(%dma_wait3A_186 : memref<128x128xf32, #tpu.memory_space<vmem>>)
    %mul3A_193 = arith.constant 128 : i32
    %mul3A_194 = arith.muli %add3A_181, %mul3A_193 : i32
    %add3A_195 = arith.addi %mul3A_9, %mul3A_194 : i32
    %dma_start3A_196 = arith.constant 3 : i32
    %dma_start3A_197 = arith.constant 0 : i32
    %dma_start3A_198 = arith.constant 0 : i32
    %dma_start3A_199 = tpu.memref_slice %arg9[%dma_start3A_196, %dma_start3A_197, %dma_start3A_198] : memref<5x128x128xf32, #tpu.memory_space<vmem>> -> memref<1x128x128xf32, #tpu.memory_space<vmem>>
    %dma_start3A_200 = tpu.memref_squeeze %dma_start3A_199 : memref<1x128x128xf32, #tpu.memory_space<vmem>> -> memref<128x128xf32, #tpu.memory_space<vmem>>
    %dma_start3A_201 = arith.constant 0 : i32
    %dma_start3A_202 = tpu.memref_slice %arg5[%add3A_195, %dma_start3A_201] : memref<20480x128xf32, #tpu.memory_space<hbm>> -> memref<128x128xf32, #tpu.memory_space<hbm>>
    %dma_start3A_203 = arith.constant 0 : i32
    %dma_start3A_204 = tpu.memref_slice %arg5[%add3A_195, %dma_start3A_203] : memref<20480x128xf32, #tpu.memory_space<hbm>> -> memref<128x128xf32, #tpu.memory_space<hbm>>
    %dma_start3A_205 = arith.constant 0 : i32
    %dma_start3A_206 = arith.constant 0 : i32
    %dma_start3A_207 = tpu.memref_slice %arg9[%dma_start3A_196, %dma_start3A_205, %dma_start3A_206] : memref<5x128x128xf32, #tpu.memory_space<vmem>> -> memref<1x128x128xf32, #tpu.memory_space<vmem>>
    %dma_start3A_208 = tpu.memref_squeeze %dma_start3A_207 : memref<1x128x128xf32, #tpu.memory_space<vmem>> -> memref<128x128xf32, #tpu.memory_space<vmem>>
    tpu.enqueue_dma source(%dma_start3A_208 : memref<128x128xf32, #tpu.memory_space<vmem>>) target(%dma_start3A_204 : memref<128x128xf32, #tpu.memory_space<hbm>>) target_semaphore(%arg18 : memref<!tpu.dma_semaphore, #tpu.memory_space<semaphore_mem>>)
    %mul3A_209 = arith.constant 5 : i32
    %mul3A_210 = arith.muli %scan3A_11, %mul3A_209 : i32
    %add3A_211 = arith.constant 4 : i32
    %add3A_212 = arith.addi %mul3A_210, %add3A_211 : i32
    %dma_wait3A_213 = arith.constant 4 : i32
    %dma_wait3A_214 = arith.constant 0 : i32
    %dma_wait3A_215 = arith.constant 0 : i32
    %dma_wait3A_216 = tpu.memref_slice %arg9[%dma_wait3A_213, %dma_wait3A_214, %dma_wait3A_215] : memref<5x128x128xf32, #tpu.memory_space<vmem>> -> memref<1x128x128xf32, #tpu.memory_space<vmem>>
    %dma_wait3A_217 = tpu.memref_squeeze %dma_wait3A_216 : memref<1x128x128xf32, #tpu.memory_space<vmem>> -> memref<128x128xf32, #tpu.memory_space<vmem>>
    %dma_wait3A_218 = arith.constant 0 : i32
    %dma_wait3A_219 = tpu.memref_slice %arg7[%add3A_212, %dma_wait3A_218] : memref<5x128xi32, #tpu.memory_space<vmem>> -> memref<1x128xi32, #tpu.memory_space<vmem>>
    %dma_wait3A_220 = tpu.memref_squeeze %dma_wait3A_219 : memref<1x128xi32, #tpu.memory_space<vmem>> -> memref<128xi32, #tpu.memory_space<vmem>>
    %dma_wait3A_221 = arith.constant 0 : i32
    %dma_wait3A_222 = arith.constant 0 : i32
    %dma_wait3A_223 = tpu.memref_slice %arg2[%dma_wait3A_221, %dma_wait3A_222] : memref<100000x128xf32, #tpu.memory_space<hbm>> -> memref<100000x128xf32, #tpu.memory_space<hbm>>
    tpu.wait_indirect_dma semaphore(%arg14 : memref<!tpu.dma_semaphore, #tpu.memory_space<semaphore_mem>>) src(%dma_wait3A_223 : memref<100000x128xf32, #tpu.memory_space<hbm>>) dst(%dma_wait3A_217 : memref<128x128xf32, #tpu.memory_space<vmem>>)
    %mul3A_224 = arith.constant 128 : i32
    %mul3A_225 = arith.muli %add3A_212, %mul3A_224 : i32
    %add3A_226 = arith.addi %mul3A_9, %mul3A_225 : i32
    %dma_start3A_227 = arith.constant 4 : i32
    %dma_start3A_228 = arith.constant 0 : i32
    %dma_start3A_229 = arith.constant 0 : i32
    %dma_start3A_230 = tpu.memref_slice %arg9[%dma_start3A_227, %dma_start3A_228, %dma_start3A_229] : memref<5x128x128xf32, #tpu.memory_space<vmem>> -> memref<1x128x128xf32, #tpu.memory_space<vmem>>
    %dma_start3A_231 = tpu.memref_squeeze %dma_start3A_230 : memref<1x128x128xf32, #tpu.memory_space<vmem>> -> memref<128x128xf32, #tpu.memory_space<vmem>>
    %dma_start3A_232 = arith.constant 0 : i32
    %dma_start3A_233 = tpu.memref_slice %arg5[%add3A_226, %dma_start3A_232] : memref<20480x128xf32, #tpu.memory_space<hbm>> -> memref<128x128xf32, #tpu.memory_space<hbm>>
    %dma_start3A_234 = arith.constant 0 : i32
    %dma_start3A_235 = tpu.memref_slice %arg5[%add3A_226, %dma_start3A_234] : memref<20480x128xf32, #tpu.memory_space<hbm>> -> memref<128x128xf32, #tpu.memory_space<hbm>>
    %dma_start3A_236 = arith.constant 0 : i32
    %dma_start3A_237 = arith.constant 0 : i32
    %dma_start3A_238 = tpu.memref_slice %arg9[%dma_start3A_227, %dma_start3A_236, %dma_start3A_237] : memref<5x128x128xf32, #tpu.memory_space<vmem>> -> memref<1x128x128xf32, #tpu.memory_space<vmem>>
    %dma_start3A_239 = tpu.memref_squeeze %dma_start3A_238 : memref<1x128x128xf32, #tpu.memory_space<vmem>> -> memref<128x128xf32, #tpu.memory_space<vmem>>
    tpu.enqueue_dma source(%dma_start3A_239 : memref<128x128xf32, #tpu.memory_space<vmem>>) target(%dma_start3A_235 : memref<128x128xf32, #tpu.memory_space<hbm>>) target_semaphore(%arg19 : memref<!tpu.dma_semaphore, #tpu.memory_space<semaphore_mem>>)
    %mul3A_240 = arith.constant 5 : i32
    %mul3A_241 = arith.muli %scan3A_11, %mul3A_240 : i32
    %add3A_242 = arith.constant 0 : i32
    %add3A_243 = arith.addi %mul3A_241, %add3A_242 : i32
    %mul3A_244 = arith.constant 128 : i32
    %mul3A_245 = arith.muli %add3A_243, %mul3A_244 : i32
    %add3A_246 = arith.addi %mul3A_9, %mul3A_245 : i32
    %dma_wait3A_247 = arith.constant 0 : i32
    %dma_wait3A_248 = arith.constant 0 : i32
    %dma_wait3A_249 = arith.constant 0 : i32
    %dma_wait3A_250 = tpu.memref_slice %arg9[%dma_wait3A_247, %dma_wait3A_248, %dma_wait3A_249] : memref<5x128x128xf32, #tpu.memory_space<vmem>> -> memref<1x128x128xf32, #tpu.memory_space<vmem>>
    %dma_wait3A_251 = tpu.memref_squeeze %dma_wait3A_250 : memref<1x128x128xf32, #tpu.memory_space<vmem>> -> memref<128x128xf32, #tpu.memory_space<vmem>>
    %dma_wait3A_252 = arith.constant 0 : i32
    %dma_wait3A_253 = tpu.memref_slice %arg5[%add3A_246, %dma_wait3A_252] : memref<20480x128xf32, #tpu.memory_space<hbm>> -> memref<128x128xf32, #tpu.memory_space<hbm>>
    %dma_wait3A_254 = arith.constant 0 : i32
    %dma_wait3A_255 = tpu.memref_slice %arg5[%add3A_246, %dma_wait3A_254] : memref<20480x128xf32, #tpu.memory_space<hbm>> -> memref<128x128xf32, #tpu.memory_space<hbm>>
    %dma_wait3A_256 = arith.constant 0 : i32
    %dma_wait3A_257 = arith.constant 0 : i32
    %dma_wait3A_258 = tpu.memref_slice %arg9[%dma_wait3A_247, %dma_wait3A_256, %dma_wait3A_257] : memref<5x128x128xf32, #tpu.memory_space<vmem>> -> memref<1x128x128xf32, #tpu.memory_space<vmem>>
    %dma_wait3A_259 = tpu.memref_squeeze %dma_wait3A_258 : memref<1x128x128xf32, #tpu.memory_space<vmem>> -> memref<128x128xf32, #tpu.memory_space<vmem>>
    tpu.wait_dma2 semaphore(%arg15 : memref<!tpu.dma_semaphore, #tpu.memory_space<semaphore_mem>>) src(%dma_wait3A_259 : memref<128x128xf32, #tpu.memory_space<vmem>>) dst(%dma_wait3A_255 : memref<128x128xf32, #tpu.memory_space<hbm>>)
    %mul3A_260 = arith.constant 5 : i32
    %mul3A_261 = arith.muli %scan3A_11, %mul3A_260 : i32
    %add3A_262 = arith.constant 1 : i32
    %add3A_263 = arith.addi %mul3A_261, %add3A_262 : i32
    %mul3A_264 = arith.constant 128 : i32
    %mul3A_265 = arith.muli %add3A_263, %mul3A_264 : i32
    %add3A_266 = arith.addi %mul3A_9, %mul3A_265 : i32
    %dma_wait3A_267 = arith.constant 1 : i32
    %dma_wait3A_268 = arith.constant 0 : i32
    %dma_wait3A_269 = arith.constant 0 : i32
    %dma_wait3A_270 = tpu.memref_slice %arg9[%dma_wait3A_267, %dma_wait3A_268, %dma_wait3A_269] : memref<5x128x128xf32, #tpu.memory_space<vmem>> -> memref<1x128x128xf32, #tpu.memory_space<vmem>>
    %dma_wait3A_271 = tpu.memref_squeeze %dma_wait3A_270 : memref<1x128x128xf32, #tpu.memory_space<vmem>> -> memref<128x128xf32, #tpu.memory_space<vmem>>
    %dma_wait3A_272 = arith.constant 0 : i32
    %dma_wait3A_273 = tpu.memref_slice %arg5[%add3A_266, %dma_wait3A_272] : memref<20480x128xf32, #tpu.memory_space<hbm>> -> memref<128x128xf32, #tpu.memory_space<hbm>>
    %dma_wait3A_274 = arith.constant 0 : i32
    %dma_wait3A_275 = tpu.memref_slice %arg5[%add3A_266, %dma_wait3A_274] : memref<20480x128xf32, #tpu.memory_space<hbm>> -> memref<128x128xf32, #tpu.memory_space<hbm>>
    %dma_wait3A_276 = arith.constant 0 : i32
    %dma_wait3A_277 = arith.constant 0 : i32
    %dma_wait3A_278 = tpu.memref_slice %arg9[%dma_wait3A_267, %dma_wait3A_276, %dma_wait3A_277] : memref<5x128x128xf32, #tpu.memory_space<vmem>> -> memref<1x128x128xf32, #tpu.memory_space<vmem>>
    %dma_wait3A_279 = tpu.memref_squeeze %dma_wait3A_278 : memref<1x128x128xf32, #tpu.memory_space<vmem>> -> memref<128x128xf32, #tpu.memory_space<vmem>>
    tpu.wait_dma2 semaphore(%arg16 : memref<!tpu.dma_semaphore, #tpu.memory_space<semaphore_mem>>) src(%dma_wait3A_279 : memref<128x128xf32, #tpu.memory_space<vmem>>) dst(%dma_wait3A_275 : memref<128x128xf32, #tpu.memory_space<hbm>>)
    %mul3A_280 = arith.constant 5 : i32
    %mul3A_281 = arith.muli %scan3A_11, %mul3A_280 : i32
    %add3A_282 = arith.constant 2 : i32
    %add3A_283 = arith.addi %mul3A_281, %add3A_282 : i32
    %mul3A_284 = arith.constant 128 : i32
    %mul3A_285 = arith.muli %add3A_283, %mul3A_284 : i32
    %add3A_286 = arith.addi %mul3A_9, %mul3A_285 : i32
    %dma_wait3A_287 = arith.constant 2 : i32
    %dma_wait3A_288 = arith.constant 0 : i32
    %dma_wait3A_289 = arith.constant 0 : i32
    %dma_wait3A_290 = tpu.memref_slice %arg9[%dma_wait3A_287, %dma_wait3A_288, %dma_wait3A_289] : memref<5x128x128xf32, #tpu.memory_space<vmem>> -> memref<1x128x128xf32, #tpu.memory_space<vmem>>
    %dma_wait3A_291 = tpu.memref_squeeze %dma_wait3A_290 : memref<1x128x128xf32, #tpu.memory_space<vmem>> -> memref<128x128xf32, #tpu.memory_space<vmem>>
    %dma_wait3A_292 = arith.constant 0 : i32
    %dma_wait3A_293 = tpu.memref_slice %arg5[%add3A_286, %dma_wait3A_292] : memref<20480x128xf32, #tpu.memory_space<hbm>> -> memref<128x128xf32, #tpu.memory_space<hbm>>
    %dma_wait3A_294 = arith.constant 0 : i32
    %dma_wait3A_295 = tpu.memref_slice %arg5[%add3A_286, %dma_wait3A_294] : memref<20480x128xf32, #tpu.memory_space<hbm>> -> memref<128x128xf32, #tpu.memory_space<hbm>>
    %dma_wait3A_296 = arith.constant 0 : i32
    %dma_wait3A_297 = arith.constant 0 : i32
    %dma_wait3A_298 = tpu.memref_slice %arg9[%dma_wait3A_287, %dma_wait3A_296, %dma_wait3A_297] : memref<5x128x128xf32, #tpu.memory_space<vmem>> -> memref<1x128x128xf32, #tpu.memory_space<vmem>>
    %dma_wait3A_299 = tpu.memref_squeeze %dma_wait3A_298 : memref<1x128x128xf32, #tpu.memory_space<vmem>> -> memref<128x128xf32, #tpu.memory_space<vmem>>
    tpu.wait_dma2 semaphore(%arg17 : memref<!tpu.dma_semaphore, #tpu.memory_space<semaphore_mem>>) src(%dma_wait3A_299 : memref<128x128xf32, #tpu.memory_space<vmem>>) dst(%dma_wait3A_295 : memref<128x128xf32, #tpu.memory_space<hbm>>)
    %mul3A_300 = arith.constant 5 : i32
    %mul3A_301 = arith.muli %scan3A_11, %mul3A_300 : i32
    %add3A_302 = arith.constant 3 : i32
    %add3A_303 = arith.addi %mul3A_301, %add3A_302 : i32
    %mul3A_304 = arith.constant 128 : i32
    %mul3A_305 = arith.muli %add3A_303, %mul3A_304 : i32
    %add3A_306 = arith.addi %mul3A_9, %mul3A_305 : i32
    %dma_wait3A_307 = arith.constant 3 : i32
    %dma_wait3A_308 = arith.constant 0 : i32
    %dma_wait3A_309 = arith.constant 0 : i32
    %dma_wait3A_310 = tpu.memref_slice %arg9[%dma_wait3A_307, %dma_wait3A_308, %dma_wait3A_309] : memref<5x128x128xf32, #tpu.memory_space<vmem>> -> memref<1x128x128xf32, #tpu.memory_space<vmem>>
    %dma_wait3A_311 = tpu.memref_squeeze %dma_wait3A_310 : memref<1x128x128xf32, #tpu.memory_space<vmem>> -> memref<128x128xf32, #tpu.memory_space<vmem>>
    %dma_wait3A_312 = arith.constant 0 : i32
    %dma_wait3A_313 = tpu.memref_slice %arg5[%add3A_306, %dma_wait3A_312] : memref<20480x128xf32, #tpu.memory_space<hbm>> -> memref<128x128xf32, #tpu.memory_space<hbm>>
    %dma_wait3A_314 = arith.constant 0 : i32
    %dma_wait3A_315 = tpu.memref_slice %arg5[%add3A_306, %dma_wait3A_314] : memref<20480x128xf32, #tpu.memory_space<hbm>> -> memref<128x128xf32, #tpu.memory_space<hbm>>
    %dma_wait3A_316 = arith.constant 0 : i32
    %dma_wait3A_317 = arith.constant 0 : i32
    %dma_wait3A_318 = tpu.memref_slice %arg9[%dma_wait3A_307, %dma_wait3A_316, %dma_wait3A_317] : memref<5x128x128xf32, #tpu.memory_space<vmem>> -> memref<1x128x128xf32, #tpu.memory_space<vmem>>
    %dma_wait3A_319 = tpu.memref_squeeze %dma_wait3A_318 : memref<1x128x128xf32, #tpu.memory_space<vmem>> -> memref<128x128xf32, #tpu.memory_space<vmem>>
    tpu.wait_dma2 semaphore(%arg18 : memref<!tpu.dma_semaphore, #tpu.memory_space<semaphore_mem>>) src(%dma_wait3A_319 : memref<128x128xf32, #tpu.memory_space<vmem>>) dst(%dma_wait3A_315 : memref<128x128xf32, #tpu.memory_space<hbm>>)
    %mul3A_320 = arith.constant 5 : i32
    %mul3A_321 = arith.muli %scan3A_11, %mul3A_320 : i32
    %add3A_322 = arith.constant 4 : i32
    %add3A_323 = arith.addi %mul3A_321, %add3A_322 : i32
    %mul3A_324 = arith.constant 128 : i32
    %mul3A_325 = arith.muli %add3A_323, %mul3A_324 : i32
    %add3A_326 = arith.addi %mul3A_9, %mul3A_325 : i32
    %dma_wait3A_327 = arith.constant 4 : i32
    %dma_wait3A_328 = arith.constant 0 : i32
    %dma_wait3A_329 = arith.constant 0 : i32
    %dma_wait3A_330 = tpu.memref_slice %arg9[%dma_wait3A_327, %dma_wait3A_328, %dma_wait3A_329] : memref<5x128x128xf32, #tpu.memory_space<vmem>> -> memref<1x128x128xf32, #tpu.memory_space<vmem>>
    %dma_wait3A_331 = tpu.memref_squeeze %dma_wait3A_330 : memref<1x128x128xf32, #tpu.memory_space<vmem>> -> memref<128x128xf32, #tpu.memory_space<vmem>>
    %dma_wait3A_332 = arith.constant 0 : i32
    %dma_wait3A_333 = tpu.memref_slice %arg5[%add3A_326, %dma_wait3A_332] : memref<20480x128xf32, #tpu.memory_space<hbm>> -> memref<128x128xf32, #tpu.memory_space<hbm>>
    %dma_wait3A_334 = arith.constant 0 : i32
    %dma_wait3A_335 = tpu.memref_slice %arg5[%add3A_326, %dma_wait3A_334] : memref<20480x128xf32, #tpu.memory_space<hbm>> -> memref<128x128xf32, #tpu.memory_space<hbm>>
    %dma_wait3A_336 = arith.constant 0 : i32
    %dma_wait3A_337 = arith.constant 0 : i32
    %dma_wait3A_338 = tpu.memref_slice %arg9[%dma_wait3A_327, %dma_wait3A_336, %dma_wait3A_337] : memref<5x128x128xf32, #tpu.memory_space<vmem>> -> memref<1x128x128xf32, #tpu.memory_space<vmem>>
    %dma_wait3A_339 = tpu.memref_squeeze %dma_wait3A_338 : memref<1x128x128xf32, #tpu.memory_space<vmem>> -> memref<128x128xf32, #tpu.memory_space<vmem>>
    tpu.wait_dma2 semaphore(%arg19 : memref<!tpu.dma_semaphore, #tpu.memory_space<semaphore_mem>>) src(%dma_wait3A_339 : memref<128x128xf32, #tpu.memory_space<vmem>>) dst(%dma_wait3A_335 : memref<128x128xf32, #tpu.memory_space<hbm>>)
    %scan3A_340 = arith.constant 1 : i32
    return
  }
}

module attributes {stable_mosaic.version = 14 : i64} {
  func.func @_tc_body(%arg0: i32, %arg1: memref<32x20x128xf32, #tpu.memory_space<vmem>>, %arg2: memref<32x200x128xf32, #tpu.memory_space<vmem>>, %arg3: memref<1x1x32xf32, #tpu.memory_space<vmem>>, %arg4: memref<8x32xf32, #tpu.memory_space<vmem>>, %arg5: memref<8x1xf32, #tpu.memory_space<vmem>>, %arg6: memref<8x1xf32, #tpu.memory_space<vmem>>, %arg7: memref<1x1xf32, #tpu.memory_space<vmem>>, %arg8: memref<1x1xf32, #tpu.memory_space<vmem>>, %arg9: memref<1x1xf32, #tpu.memory_space<vmem>>, %arg10: memref<1x128xf32, #tpu.memory_space<vmem>>, %arg11: memref<1x1xf32, #tpu.memory_space<vmem>>, %arg12: memref<1x1x32xf32, #tpu.memory_space<vmem>>, %arg13: memref<200x640xf32, #tpu.memory_space<vmem>>) attributes {dimension_semantics = [#tpu.dimension_semantics<arbitrary>], iteration_bounds = array<i64: 32>, scalar_prefetch = 0 : i64, scratch_operands = 1 : i64, tpu.core_type = #tpu.core_type<tc>, window_params = [{transform_indices = @transform_0, window_bounds = array<i64: 32, 20, 128>}, {transform_indices = @transform_1, window_bounds = array<i64: 32, 200, 128>}, {transform_indices = @transform_2, window_bounds = array<i64: 1, 1, 32>}, {pipeline_mode = #tpu.pipeline_mode<synchronous>, transform_indices = @transform_3, window_bounds = array<i64: 8, 32>}, {pipeline_mode = #tpu.pipeline_mode<synchronous>, transform_indices = @transform_4, window_bounds = array<i64: 8, 1>}, {pipeline_mode = #tpu.pipeline_mode<synchronous>, transform_indices = @transform_5, window_bounds = array<i64: 8, 1>}, {pipeline_mode = #tpu.pipeline_mode<synchronous>, transform_indices = @transform_6, window_bounds = array<i64: 1, 1>}, {pipeline_mode = #tpu.pipeline_mode<synchronous>, transform_indices = @transform_7, window_bounds = array<i64: 1, 1>}, {pipeline_mode = #tpu.pipeline_mode<synchronous>, transform_indices = @transform_8, window_bounds = array<i64: 1, 1>}, {pipeline_mode = #tpu.pipeline_mode<synchronous>, transform_indices = @transform_9, window_bounds = array<i64: 1, 128>}, {pipeline_mode = #tpu.pipeline_mode<synchronous>, transform_indices = @transform_10, window_bounds = array<i64: 1, 1>}, {transform_indices = @transform_11, window_bounds = array<i64: 1, 1, 32>}]} {
    %broadcast_in_dim3A = arith.constant 1.000000e+00 : f32
    %broadcast_in_dim3A_0 = vector.broadcast %broadcast_in_dim3A : f32 to vector<1x128xf32>
    %get3A = arith.constant 0 : index
    %get3A_1 = arith.constant 0 : index
    %get3A_2 = arith.constant 0 : index
    %get3A_3 = vector.load %arg1[%get3A, %get3A_1, %get3A_2] : memref<32x20x128xf32, #tpu.memory_space<vmem>>, vector<1x20x128xf32>
    %get3A_4 = vector.shape_cast %get3A_3 : vector<1x20x128xf32> to vector<20x128xf32>
    %get3A_5 = arith.constant 0 : index
    %get3A_6 = arith.constant 0 : index
    %get3A_7 = arith.constant 0 : index
    %get3A_8 = vector.load %arg2[%get3A_5, %get3A_6, %get3A_7] : memref<32x200x128xf32, #tpu.memory_space<vmem>>, vector<1x200x128xf32>
    %get3A_9 = vector.shape_cast %get3A_8 : vector<1x200x128xf32> to vector<200x128xf32>
    %convert_element_type3A = arith.truncf %get3A_9 : vector<200x128xf32> to vector<200x128xbf16>
    %convert_element_type3A_10 = arith.truncf %get3A_4 : vector<20x128xf32> to vector<20x128xbf16>
    %dot_general3A = arith.constant dense<0.000000e+00> : vector<200x20xf32>
    %dot_general3A_11 = tpu.matmul %convert_element_type3A, %convert_element_type3A_10, %dot_general3A {dimension_numbers = #tpu.dot_dimension_numbers<[1], [1], [0], [0], [0, 0, 1, 0], [], []>, transpose_lhs_hint = false} : vector<200x128xbf16>, vector<20x128xbf16>, vector<200x20xf32> -> vector<200x20xf32>
    %mul3A = arith.mulf %get3A_4, %get3A_4 : vector<20x128xf32>
    %convert_element_type3A_12 = arith.truncf %mul3A : vector<20x128xf32> to vector<20x128xbf16>
    %convert_element_type3A_13 = arith.extf %convert_element_type3A_12 : vector<20x128xbf16> to vector<20x128xf32>
    %sub3A = arith.subf %mul3A, %convert_element_type3A_13 : vector<20x128xf32>
    %dot_general3A_14 = arith.constant dense<0.000000e+00> : vector<1x20xf32>
    %dot_general3A_15 = tpu.matmul %broadcast_in_dim3A_0, %convert_element_type3A_13, %dot_general3A_14 {dimension_numbers = #tpu.dot_dimension_numbers<[1], [1], [0], [0], [0, 0, 1, 0], [], []>, transpose_lhs_hint = false} : vector<1x128xf32>, vector<20x128xf32>, vector<1x20xf32> -> vector<1x20xf32>
    %dot_general3A_16 = arith.constant dense<0.000000e+00> : vector<1x20xf32>
    %dot_general3A_17 = tpu.matmul %broadcast_in_dim3A_0, %sub3A, %dot_general3A_16 {dimension_numbers = #tpu.dot_dimension_numbers<[1], [1], [0], [0], [0, 0, 1, 0], [], []>, transpose_lhs_hint = false} : vector<1x128xf32>, vector<20x128xf32>, vector<1x20xf32> -> vector<1x20xf32>
    %add3A = arith.addf %dot_general3A_15, %dot_general3A_17 : vector<1x20xf32>
    %mul3A_18 = arith.mulf %get3A_9, %get3A_9 : vector<200x128xf32>
    %reduce_sum3A = arith.constant dense<0.000000e+00> : vector<200xf32>
    %reduce_sum3A_19 = vector.multi_reduction <add>, %mul3A_18, %reduce_sum3A [1] : vector<200x128xf32> to vector<200xf32>
    %broadcast_in_dim3A_20 = vector.shape_cast %reduce_sum3A_19 : vector<200xf32> to vector<200x1xf32>
    %max3A = arith.constant 1.000000e-16 : f32
    %max3A_21 = vector.broadcast %max3A : f32 to vector<200x1xf32>
    %max3A_22 = arith.maximumf %broadcast_in_dim3A_20, %max3A_21 : vector<200x1xf32>
    %rsqrt3A = math.rsqrt %max3A_22 : vector<200x1xf32>
    %mul3A_23 = arith.constant 5.000000e-01 : f32
    %mul3A_24 = vector.broadcast %mul3A_23 : f32 to vector<200x1xf32>
    %mul3A_25 = arith.mulf %mul3A_24, %max3A_22 : vector<200x1xf32>
    %mul3A_26 = arith.mulf %mul3A_25, %rsqrt3A : vector<200x1xf32>
    %mul3A_27 = arith.mulf %mul3A_26, %rsqrt3A : vector<200x1xf32>
    %sub3A_28 = arith.constant 1.500000e+00 : f32
    %sub3A_29 = vector.broadcast %sub3A_28 : f32 to vector<200x1xf32>
    %sub3A_30 = arith.subf %sub3A_29, %mul3A_27 : vector<200x1xf32>
    %mul3A_31 = arith.mulf %rsqrt3A, %sub3A_30 : vector<200x1xf32>
    %mul3A_32 = vector.broadcast %mul3A_31 : vector<200x1xf32> to vector<200x20xf32>
    %mul3A_33 = arith.mulf %dot_general3A_11, %mul3A_32 : vector<200x20xf32>
    %max3A_34 = arith.constant 1.000000e-16 : f32
    %max3A_35 = vector.broadcast %max3A_34 : f32 to vector<1x20xf32>
    %max3A_36 = arith.maximumf %add3A, %max3A_35 : vector<1x20xf32>
    %rsqrt3A_37 = math.rsqrt %max3A_36 : vector<1x20xf32>
    %mul3A_38 = arith.constant 5.000000e-01 : f32
    %mul3A_39 = vector.broadcast %mul3A_38 : f32 to vector<1x20xf32>
    %mul3A_40 = arith.mulf %mul3A_39, %max3A_36 : vector<1x20xf32>
    %mul3A_41 = arith.mulf %mul3A_40, %rsqrt3A_37 : vector<1x20xf32>
    %mul3A_42 = arith.mulf %mul3A_41, %rsqrt3A_37 : vector<1x20xf32>
    %sub3A_43 = arith.constant 1.500000e+00 : f32
    %sub3A_44 = vector.broadcast %sub3A_43 : f32 to vector<1x20xf32>
    %sub3A_45 = arith.subf %sub3A_44, %mul3A_42 : vector<1x20xf32>
    %mul3A_46 = arith.mulf %rsqrt3A_37, %sub3A_45 : vector<1x20xf32>
    %mul3A_47 = vector.broadcast %mul3A_46 : vector<1x20xf32> to vector<200x20xf32>
    %mul3A_48 = arith.mulf %mul3A_33, %mul3A_47 : vector<200x20xf32>
    %add3A_49 = arith.constant 1.000000e+00 : f32
    %add3A_50 = vector.broadcast %add3A_49 : f32 to vector<200x20xf32>
    %add3A_51 = arith.addf %mul3A_48, %add3A_50 : vector<200x20xf32>
    %swap3A = arith.constant 0 : index
    %swap3A_52 = arith.constant 0 : index
    %swap3A_53 = vector.load %arg13[%swap3A, %swap3A_52] : memref<200x640xf32, #tpu.memory_space<vmem>>, vector<200x20xf32>
    tpu.vector_store %arg13[%swap3A, %swap3A_52], %add3A_51 {strides = array<i32>} : memref<200x640xf32, #tpu.memory_space<vmem>>, vector<200x20xf32>,
    %get3A_54 = arith.constant 1 : index
    %get3A_55 = arith.constant 0 : index
    %get3A_56 = arith.constant 0 : index
    %get3A_57 = vector.load %arg1[%get3A_54, %get3A_55, %get3A_56] : memref<32x20x128xf32, #tpu.memory_space<vmem>>, vector<1x20x128xf32>
    %get3A_58 = vector.shape_cast %get3A_57 : vector<1x20x128xf32> to vector<20x128xf32>
    %get3A_59 = arith.constant 1 : index
    %get3A_60 = arith.constant 0 : index
    %get3A_61 = arith.constant 0 : index
    %get3A_62 = vector.load %arg2[%get3A_59, %get3A_60, %get3A_61] : memref<32x200x128xf32, #tpu.memory_space<vmem>>, vector<1x200x128xf32>
    %get3A_63 = vector.shape_cast %get3A_62 : vector<1x200x128xf32> to vector<200x128xf32>
    %convert_element_type3A_64 = arith.truncf %get3A_63 : vector<200x128xf32> to vector<200x128xbf16>
    %convert_element_type3A_65 = arith.truncf %get3A_58 : vector<20x128xf32> to vector<20x128xbf16>
    %dot_general3A_66 = arith.constant dense<0.000000e+00> : vector<200x20xf32>
    %dot_general3A_67 = tpu.matmul %convert_element_type3A_64, %convert_element_type3A_65, %dot_general3A_66 {dimension_numbers = #tpu.dot_dimension_numbers<[1], [1], [0], [0], [0, 0, 1, 0], [], []>, transpose_lhs_hint = false} : vector<200x128xbf16>, vector<20x128xbf16>, vector<200x20xf32> -> vector<200x20xf32>
    %mul3A_68 = arith.mulf %get3A_58, %get3A_58 : vector<20x128xf32>
    %convert_element_type3A_69 = arith.truncf %mul3A_68 : vector<20x128xf32> to vector<20x128xbf16>
    %convert_element_type3A_70 = arith.extf %convert_element_type3A_69 : vector<20x128xbf16> to vector<20x128xf32>
    %sub3A_71 = arith.subf %mul3A_68, %convert_element_type3A_70 : vector<20x128xf32>
    %dot_general3A_72 = arith.constant dense<0.000000e+00> : vector<1x20xf32>
    %dot_general3A_73 = tpu.matmul %broadcast_in_dim3A_0, %convert_element_type3A_70, %dot_general3A_72 {dimension_numbers = #tpu.dot_dimension_numbers<[1], [1], [0], [0], [0, 0, 1, 0], [], []>, transpose_lhs_hint = false} : vector<1x128xf32>, vector<20x128xf32>, vector<1x20xf32> -> vector<1x20xf32>
    %dot_general3A_74 = arith.constant dense<0.000000e+00> : vector<1x20xf32>
    %dot_general3A_75 = tpu.matmul %broadcast_in_dim3A_0, %sub3A_71, %dot_general3A_74 {dimension_numbers = #tpu.dot_dimension_numbers<[1], [1], [0], [0], [0, 0, 1, 0], [], []>, transpose_lhs_hint = false} : vector<1x128xf32>, vector<20x128xf32>, vector<1x20xf32> -> vector<1x20xf32>
    %add3A_76 = arith.addf %dot_general3A_73, %dot_general3A_75 : vector<1x20xf32>
    %mul3A_77 = arith.mulf %get3A_63, %get3A_63 : vector<200x128xf32>
    %reduce_sum3A_78 = arith.constant dense<0.000000e+00> : vector<200xf32>
    %reduce_sum3A_79 = vector.multi_reduction <add>, %mul3A_77, %reduce_sum3A_78 [1] : vector<200x128xf32> to vector<200xf32>
    %broadcast_in_dim3A_80 = vector.shape_cast %reduce_sum3A_79 : vector<200xf32> to vector<200x1xf32>
    %max3A_81 = arith.constant 1.000000e-16 : f32
    %max3A_82 = vector.broadcast %max3A_81 : f32 to vector<200x1xf32>
    %max3A_83 = arith.maximumf %broadcast_in_dim3A_80, %max3A_82 : vector<200x1xf32>
    %rsqrt3A_84 = math.rsqrt %max3A_83 : vector<200x1xf32>
    %mul3A_85 = arith.constant 5.000000e-01 : f32
    %mul3A_86 = vector.broadcast %mul3A_85 : f32 to vector<200x1xf32>
    %mul3A_87 = arith.mulf %mul3A_86, %max3A_83 : vector<200x1xf32>
    %mul3A_88 = arith.mulf %mul3A_87, %rsqrt3A_84 : vector<200x1xf32>
    %mul3A_89 = arith.mulf %mul3A_88, %rsqrt3A_84 : vector<200x1xf32>
    %sub3A_90 = arith.constant 1.500000e+00 : f32
    %sub3A_91 = vector.broadcast %sub3A_90 : f32 to vector<200x1xf32>
    %sub3A_92 = arith.subf %sub3A_91, %mul3A_89 : vector<200x1xf32>
    %mul3A_93 = arith.mulf %rsqrt3A_84, %sub3A_92 : vector<200x1xf32>
    %mul3A_94 = vector.broadcast %mul3A_93 : vector<200x1xf32> to vector<200x20xf32>
    %mul3A_95 = arith.mulf %dot_general3A_67, %mul3A_94 : vector<200x20xf32>
    %max3A_96 = arith.constant 1.000000e-16 : f32
    %max3A_97 = vector.broadcast %max3A_96 : f32 to vector<1x20xf32>
    %max3A_98 = arith.maximumf %add3A_76, %max3A_97 : vector<1x20xf32>
    %rsqrt3A_99 = math.rsqrt %max3A_98 : vector<1x20xf32>
    %mul3A_100 = arith.constant 5.000000e-01 : f32
    %mul3A_101 = vector.broadcast %mul3A_100 : f32 to vector<1x20xf32>
    %mul3A_102 = arith.mulf %mul3A_101, %max3A_98 : vector<1x20xf32>
    %mul3A_103 = arith.mulf %mul3A_102, %rsqrt3A_99 : vector<1x20xf32>
    %mul3A_104 = arith.mulf %mul3A_103, %rsqrt3A_99 : vector<1x20xf32>
    %sub3A_105 = arith.constant 1.500000e+00 : f32
    %sub3A_106 = vector.broadcast %sub3A_105 : f32 to vector<1x20xf32>
    %sub3A_107 = arith.subf %sub3A_106, %mul3A_104 : vector<1x20xf32>
    %mul3A_108 = arith.mulf %rsqrt3A_99, %sub3A_107 : vector<1x20xf32>
    %mul3A_109 = vector.broadcast %mul3A_108 : vector<1x20xf32> to vector<200x20xf32>
    %mul3A_110 = arith.mulf %mul3A_95, %mul3A_109 : vector<200x20xf32>
    %add3A_111 = arith.constant 1.000000e+00 : f32
    %add3A_112 = vector.broadcast %add3A_111 : f32 to vector<200x20xf32>
    %add3A_113 = arith.addf %mul3A_110, %add3A_112 : vector<200x20xf32>
    %swap3A_114 = arith.constant 0 : index
    %swap3A_115 = arith.constant 20 : index
    %swap3A_116 = vector.load %arg13[%swap3A_114, %swap3A_115] : memref<200x640xf32, #tpu.memory_space<vmem>>, vector<200x20xf32>
    tpu.vector_store %arg13[%swap3A_114, %swap3A_115], %add3A_113 {strides = array<i32>} : memref<200x640xf32, #tpu.memory_space<vmem>>, vector<200x20xf32>,
    %get3A_117 = arith.constant 2 : index
    %get3A_118 = arith.constant 0 : index
    %get3A_119 = arith.constant 0 : index
    %get3A_120 = vector.load %arg1[%get3A_117, %get3A_118, %get3A_119] : memref<32x20x128xf32, #tpu.memory_space<vmem>>, vector<1x20x128xf32>
    %get3A_121 = vector.shape_cast %get3A_120 : vector<1x20x128xf32> to vector<20x128xf32>
    %get3A_122 = arith.constant 2 : index
    %get3A_123 = arith.constant 0 : index
    %get3A_124 = arith.constant 0 : index
    %get3A_125 = vector.load %arg2[%get3A_122, %get3A_123, %get3A_124] : memref<32x200x128xf32, #tpu.memory_space<vmem>>, vector<1x200x128xf32>
    %get3A_126 = vector.shape_cast %get3A_125 : vector<1x200x128xf32> to vector<200x128xf32>
    %convert_element_type3A_127 = arith.truncf %get3A_126 : vector<200x128xf32> to vector<200x128xbf16>
    %convert_element_type3A_128 = arith.truncf %get3A_121 : vector<20x128xf32> to vector<20x128xbf16>
    %dot_general3A_129 = arith.constant dense<0.000000e+00> : vector<200x20xf32>
    %dot_general3A_130 = tpu.matmul %convert_element_type3A_127, %convert_element_type3A_128, %dot_general3A_129 {dimension_numbers = #tpu.dot_dimension_numbers<[1], [1], [0], [0], [0, 0, 1, 0], [], []>, transpose_lhs_hint = false} : vector<200x128xbf16>, vector<20x128xbf16>, vector<200x20xf32> -> vector<200x20xf32>
    %mul3A_131 = arith.mulf %get3A_121, %get3A_121 : vector<20x128xf32>
    %convert_element_type3A_132 = arith.truncf %mul3A_131 : vector<20x128xf32> to vector<20x128xbf16>
    %convert_element_type3A_133 = arith.extf %convert_element_type3A_132 : vector<20x128xbf16> to vector<20x128xf32>
    %sub3A_134 = arith.subf %mul3A_131, %convert_element_type3A_133 : vector<20x128xf32>
    %dot_general3A_135 = arith.constant dense<0.000000e+00> : vector<1x20xf32>
    %dot_general3A_136 = tpu.matmul %broadcast_in_dim3A_0, %convert_element_type3A_133, %dot_general3A_135 {dimension_numbers = #tpu.dot_dimension_numbers<[1], [1], [0], [0], [0, 0, 1, 0], [], []>, transpose_lhs_hint = false} : vector<1x128xf32>, vector<20x128xf32>, vector<1x20xf32> -> vector<1x20xf32>
    %dot_general3A_137 = arith.constant dense<0.000000e+00> : vector<1x20xf32>
    %dot_general3A_138 = tpu.matmul %broadcast_in_dim3A_0, %sub3A_134, %dot_general3A_137 {dimension_numbers = #tpu.dot_dimension_numbers<[1], [1], [0], [0], [0, 0, 1, 0], [], []>, transpose_lhs_hint = false} : vector<1x128xf32>, vector<20x128xf32>, vector<1x20xf32> -> vector<1x20xf32>
    %add3A_139 = arith.addf %dot_general3A_136, %dot_general3A_138 : vector<1x20xf32>
    %mul3A_140 = arith.mulf %get3A_126, %get3A_126 : vector<200x128xf32>
    %reduce_sum3A_141 = arith.constant dense<0.000000e+00> : vector<200xf32>
    %reduce_sum3A_142 = vector.multi_reduction <add>, %mul3A_140, %reduce_sum3A_141 [1] : vector<200x128xf32> to vector<200xf32>
    %broadcast_in_dim3A_143 = vector.shape_cast %reduce_sum3A_142 : vector<200xf32> to vector<200x1xf32>
    %max3A_144 = arith.constant 1.000000e-16 : f32
    %max3A_145 = vector.broadcast %max3A_144 : f32 to vector<200x1xf32>
    %max3A_146 = arith.maximumf %broadcast_in_dim3A_143, %max3A_145 : vector<200x1xf32>
    %rsqrt3A_147 = math.rsqrt %max3A_146 : vector<200x1xf32>
    %mul3A_148 = arith.constant 5.000000e-01 : f32
    %mul3A_149 = vector.broadcast %mul3A_148 : f32 to vector<200x1xf32>
    %mul3A_150 = arith.mulf %mul3A_149, %max3A_146 : vector<200x1xf32>
    %mul3A_151 = arith.mulf %mul3A_150, %rsqrt3A_147 : vector<200x1xf32>
    %mul3A_152 = arith.mulf %mul3A_151, %rsqrt3A_147 : vector<200x1xf32>
    %sub3A_153 = arith.constant 1.500000e+00 : f32
    %sub3A_154 = vector.broadcast %sub3A_153 : f32 to vector<200x1xf32>
    %sub3A_155 = arith.subf %sub3A_154, %mul3A_152 : vector<200x1xf32>
    %mul3A_156 = arith.mulf %rsqrt3A_147, %sub3A_155 : vector<200x1xf32>
    %mul3A_157 = vector.broadcast %mul3A_156 : vector<200x1xf32> to vector<200x20xf32>
    %mul3A_158 = arith.mulf %dot_general3A_130, %mul3A_157 : vector<200x20xf32>
    %max3A_159 = arith.constant 1.000000e-16 : f32
    %max3A_160 = vector.broadcast %max3A_159 : f32 to vector<1x20xf32>
    %max3A_161 = arith.maximumf %add3A_139, %max3A_160 : vector<1x20xf32>
    %rsqrt3A_162 = math.rsqrt %max3A_161 : vector<1x20xf32>
    %mul3A_163 = arith.constant 5.000000e-01 : f32
    %mul3A_164 = vector.broadcast %mul3A_163 : f32 to vector<1x20xf32>
    %mul3A_165 = arith.mulf %mul3A_164, %max3A_161 : vector<1x20xf32>
    %mul3A_166 = arith.mulf %mul3A_165, %rsqrt3A_162 : vector<1x20xf32>
    %mul3A_167 = arith.mulf %mul3A_166, %rsqrt3A_162 : vector<1x20xf32>
    %sub3A_168 = arith.constant 1.500000e+00 : f32
    %sub3A_169 = vector.broadcast %sub3A_168 : f32 to vector<1x20xf32>
    %sub3A_170 = arith.subf %sub3A_169, %mul3A_167 : vector<1x20xf32>
    %mul3A_171 = arith.mulf %rsqrt3A_162, %sub3A_170 : vector<1x20xf32>
    %mul3A_172 = vector.broadcast %mul3A_171 : vector<1x20xf32> to vector<200x20xf32>
    %mul3A_173 = arith.mulf %mul3A_158, %mul3A_172 : vector<200x20xf32>
    %add3A_174 = arith.constant 1.000000e+00 : f32
    %add3A_175 = vector.broadcast %add3A_174 : f32 to vector<200x20xf32>
    %add3A_176 = arith.addf %mul3A_173, %add3A_175 : vector<200x20xf32>
    %swap3A_177 = arith.constant 0 : index
    %swap3A_178 = arith.constant 40 : index
    %swap3A_179 = vector.load %arg13[%swap3A_177, %swap3A_178] : memref<200x640xf32, #tpu.memory_space<vmem>>, vector<200x20xf32>
    tpu.vector_store %arg13[%swap3A_177, %swap3A_178], %add3A_176 {strides = array<i32>} : memref<200x640xf32, #tpu.memory_space<vmem>>, vector<200x20xf32>,
    %get3A_180 = arith.constant 3 : index
    %get3A_181 = arith.constant 0 : index
    %get3A_182 = arith.constant 0 : index
    %get3A_183 = vector.load %arg1[%get3A_180, %get3A_181, %get3A_182] : memref<32x20x128xf32, #tpu.memory_space<vmem>>, vector<1x20x128xf32>
    %get3A_184 = vector.shape_cast %get3A_183 : vector<1x20x128xf32> to vector<20x128xf32>
    %get3A_185 = arith.constant 3 : index
    %get3A_186 = arith.constant 0 : index
    %get3A_187 = arith.constant 0 : index
    %get3A_188 = vector.load %arg2[%get3A_185, %get3A_186, %get3A_187] : memref<32x200x128xf32, #tpu.memory_space<vmem>>, vector<1x200x128xf32>
    %get3A_189 = vector.shape_cast %get3A_188 : vector<1x200x128xf32> to vector<200x128xf32>
    %convert_element_type3A_190 = arith.truncf %get3A_189 : vector<200x128xf32> to vector<200x128xbf16>
    %convert_element_type3A_191 = arith.truncf %get3A_184 : vector<20x128xf32> to vector<20x128xbf16>
    %dot_general3A_192 = arith.constant dense<0.000000e+00> : vector<200x20xf32>
    %dot_general3A_193 = tpu.matmul %convert_element_type3A_190, %convert_element_type3A_191, %dot_general3A_192 {dimension_numbers = #tpu.dot_dimension_numbers<[1], [1], [0], [0], [0, 0, 1, 0], [], []>, transpose_lhs_hint = false} : vector<200x128xbf16>, vector<20x128xbf16>, vector<200x20xf32> -> vector<200x20xf32>
    %mul3A_194 = arith.mulf %get3A_184, %get3A_184 : vector<20x128xf32>
    %convert_element_type3A_195 = arith.truncf %mul3A_194 : vector<20x128xf32> to vector<20x128xbf16>
    %convert_element_type3A_196 = arith.extf %convert_element_type3A_195 : vector<20x128xbf16> to vector<20x128xf32>
    %sub3A_197 = arith.subf %mul3A_194, %convert_element_type3A_196 : vector<20x128xf32>
    %dot_general3A_198 = arith.constant dense<0.000000e+00> : vector<1x20xf32>
    %dot_general3A_199 = tpu.matmul %broadcast_in_dim3A_0, %convert_element_type3A_196, %dot_general3A_198 {dimension_numbers = #tpu.dot_dimension_numbers<[1], [1], [0], [0], [0, 0, 1, 0], [], []>, transpose_lhs_hint = false} : vector<1x128xf32>, vector<20x128xf32>, vector<1x20xf32> -> vector<1x20xf32>
    %dot_general3A_200 = arith.constant dense<0.000000e+00> : vector<1x20xf32>
    %dot_general3A_201 = tpu.matmul %broadcast_in_dim3A_0, %sub3A_197, %dot_general3A_200 {dimension_numbers = #tpu.dot_dimension_numbers<[1], [1], [0], [0], [0, 0, 1, 0], [], []>, transpose_lhs_hint = false} : vector<1x128xf32>, vector<20x128xf32>, vector<1x20xf32> -> vector<1x20xf32>
    %add3A_202 = arith.addf %dot_general3A_199, %dot_general3A_201 : vector<1x20xf32>
    %mul3A_203 = arith.mulf %get3A_189, %get3A_189 : vector<200x128xf32>
    %reduce_sum3A_204 = arith.constant dense<0.000000e+00> : vector<200xf32>
    %reduce_sum3A_205 = vector.multi_reduction <add>, %mul3A_203, %reduce_sum3A_204 [1] : vector<200x128xf32> to vector<200xf32>
    %broadcast_in_dim3A_206 = vector.shape_cast %reduce_sum3A_205 : vector<200xf32> to vector<200x1xf32>
    %max3A_207 = arith.constant 1.000000e-16 : f32
    %max3A_208 = vector.broadcast %max3A_207 : f32 to vector<200x1xf32>
    %max3A_209 = arith.maximumf %broadcast_in_dim3A_206, %max3A_208 : vector<200x1xf32>
    %rsqrt3A_210 = math.rsqrt %max3A_209 : vector<200x1xf32>
    %mul3A_211 = arith.constant 5.000000e-01 : f32
    %mul3A_212 = vector.broadcast %mul3A_211 : f32 to vector<200x1xf32>
    %mul3A_213 = arith.mulf %mul3A_212, %max3A_209 : vector<200x1xf32>
    %mul3A_214 = arith.mulf %mul3A_213, %rsqrt3A_210 : vector<200x1xf32>
    %mul3A_215 = arith.mulf %mul3A_214, %rsqrt3A_210 : vector<200x1xf32>
    %sub3A_216 = arith.constant 1.500000e+00 : f32
    %sub3A_217 = vector.broadcast %sub3A_216 : f32 to vector<200x1xf32>
    %sub3A_218 = arith.subf %sub3A_217, %mul3A_215 : vector<200x1xf32>
    %mul3A_219 = arith.mulf %rsqrt3A_210, %sub3A_218 : vector<200x1xf32>
    %mul3A_220 = vector.broadcast %mul3A_219 : vector<200x1xf32> to vector<200x20xf32>
    %mul3A_221 = arith.mulf %dot_general3A_193, %mul3A_220 : vector<200x20xf32>
    %max3A_222 = arith.constant 1.000000e-16 : f32
    %max3A_223 = vector.broadcast %max3A_222 : f32 to vector<1x20xf32>
    %max3A_224 = arith.maximumf %add3A_202, %max3A_223 : vector<1x20xf32>
    %rsqrt3A_225 = math.rsqrt %max3A_224 : vector<1x20xf32>
    %mul3A_226 = arith.constant 5.000000e-01 : f32
    %mul3A_227 = vector.broadcast %mul3A_226 : f32 to vector<1x20xf32>
    %mul3A_228 = arith.mulf %mul3A_227, %max3A_224 : vector<1x20xf32>
    %mul3A_229 = arith.mulf %mul3A_228, %rsqrt3A_225 : vector<1x20xf32>
    %mul3A_230 = arith.mulf %mul3A_229, %rsqrt3A_225 : vector<1x20xf32>
    %sub3A_231 = arith.constant 1.500000e+00 : f32
    %sub3A_232 = vector.broadcast %sub3A_231 : f32 to vector<1x20xf32>
    %sub3A_233 = arith.subf %sub3A_232, %mul3A_230 : vector<1x20xf32>
    %mul3A_234 = arith.mulf %rsqrt3A_225, %sub3A_233 : vector<1x20xf32>
    %mul3A_235 = vector.broadcast %mul3A_234 : vector<1x20xf32> to vector<200x20xf32>
    %mul3A_236 = arith.mulf %mul3A_221, %mul3A_235 : vector<200x20xf32>
    %add3A_237 = arith.constant 1.000000e+00 : f32
    %add3A_238 = vector.broadcast %add3A_237 : f32 to vector<200x20xf32>
    %add3A_239 = arith.addf %mul3A_236, %add3A_238 : vector<200x20xf32>
    %swap3A_240 = arith.constant 0 : index
    %swap3A_241 = arith.constant 60 : index
    %swap3A_242 = vector.load %arg13[%swap3A_240, %swap3A_241] : memref<200x640xf32, #tpu.memory_space<vmem>>, vector<200x20xf32>
    tpu.vector_store %arg13[%swap3A_240, %swap3A_241], %add3A_239 {strides = array<i32>} : memref<200x640xf32, #tpu.memory_space<vmem>>, vector<200x20xf32>,
    %get3A_243 = arith.constant 4 : index
    %get3A_244 = arith.constant 0 : index
    %get3A_245 = arith.constant 0 : index
    %get3A_246 = vector.load %arg1[%get3A_243, %get3A_244, %get3A_245] : memref<32x20x128xf32, #tpu.memory_space<vmem>>, vector<1x20x128xf32>
    %get3A_247 = vector.shape_cast %get3A_246 : vector<1x20x128xf32> to vector<20x128xf32>
    %get3A_248 = arith.constant 4 : index
    %get3A_249 = arith.constant 0 : index
    %get3A_250 = arith.constant 0 : index
    %get3A_251 = vector.load %arg2[%get3A_248, %get3A_249, %get3A_250] : memref<32x200x128xf32, #tpu.memory_space<vmem>>, vector<1x200x128xf32>
    %get3A_252 = vector.shape_cast %get3A_251 : vector<1x200x128xf32> to vector<200x128xf32>
    %convert_element_type3A_253 = arith.truncf %get3A_252 : vector<200x128xf32> to vector<200x128xbf16>
    %convert_element_type3A_254 = arith.truncf %get3A_247 : vector<20x128xf32> to vector<20x128xbf16>
    %dot_general3A_255 = arith.constant dense<0.000000e+00> : vector<200x20xf32>
    %dot_general3A_256 = tpu.matmul %convert_element_type3A_253, %convert_element_type3A_254, %dot_general3A_255 {dimension_numbers = #tpu.dot_dimension_numbers<[1], [1], [0], [0], [0, 0, 1, 0], [], []>, transpose_lhs_hint = false} : vector<200x128xbf16>, vector<20x128xbf16>, vector<200x20xf32> -> vector<200x20xf32>
    %mul3A_257 = arith.mulf %get3A_247, %get3A_247 : vector<20x128xf32>
    %convert_element_type3A_258 = arith.truncf %mul3A_257 : vector<20x128xf32> to vector<20x128xbf16>
    %convert_element_type3A_259 = arith.extf %convert_element_type3A_258 : vector<20x128xbf16> to vector<20x128xf32>
    %sub3A_260 = arith.subf %mul3A_257, %convert_element_type3A_259 : vector<20x128xf32>
    %dot_general3A_261 = arith.constant dense<0.000000e+00> : vector<1x20xf32>
    %dot_general3A_262 = tpu.matmul %broadcast_in_dim3A_0, %convert_element_type3A_259, %dot_general3A_261 {dimension_numbers = #tpu.dot_dimension_numbers<[1], [1], [0], [0], [0, 0, 1, 0], [], []>, transpose_lhs_hint = false} : vector<1x128xf32>, vector<20x128xf32>, vector<1x20xf32> -> vector<1x20xf32>
    %dot_general3A_263 = arith.constant dense<0.000000e+00> : vector<1x20xf32>
    %dot_general3A_264 = tpu.matmul %broadcast_in_dim3A_0, %sub3A_260, %dot_general3A_263 {dimension_numbers = #tpu.dot_dimension_numbers<[1], [1], [0], [0], [0, 0, 1, 0], [], []>, transpose_lhs_hint = false} : vector<1x128xf32>, vector<20x128xf32>, vector<1x20xf32> -> vector<1x20xf32>
    %add3A_265 = arith.addf %dot_general3A_262, %dot_general3A_264 : vector<1x20xf32>
    %mul3A_266 = arith.mulf %get3A_252, %get3A_252 : vector<200x128xf32>
    %reduce_sum3A_267 = arith.constant dense<0.000000e+00> : vector<200xf32>
    %reduce_sum3A_268 = vector.multi_reduction <add>, %mul3A_266, %reduce_sum3A_267 [1] : vector<200x128xf32> to vector<200xf32>
    %broadcast_in_dim3A_269 = vector.shape_cast %reduce_sum3A_268 : vector<200xf32> to vector<200x1xf32>
    %max3A_270 = arith.constant 1.000000e-16 : f32
    %max3A_271 = vector.broadcast %max3A_270 : f32 to vector<200x1xf32>
    %max3A_272 = arith.maximumf %broadcast_in_dim3A_269, %max3A_271 : vector<200x1xf32>
    %rsqrt3A_273 = math.rsqrt %max3A_272 : vector<200x1xf32>
    %mul3A_274 = arith.constant 5.000000e-01 : f32
    %mul3A_275 = vector.broadcast %mul3A_274 : f32 to vector<200x1xf32>
    %mul3A_276 = arith.mulf %mul3A_275, %max3A_272 : vector<200x1xf32>
    %mul3A_277 = arith.mulf %mul3A_276, %rsqrt3A_273 : vector<200x1xf32>
    %mul3A_278 = arith.mulf %mul3A_277, %rsqrt3A_273 : vector<200x1xf32>
    %sub3A_279 = arith.constant 1.500000e+00 : f32
    %sub3A_280 = vector.broadcast %sub3A_279 : f32 to vector<200x1xf32>
    %sub3A_281 = arith.subf %sub3A_280, %mul3A_278 : vector<200x1xf32>
    %mul3A_282 = arith.mulf %rsqrt3A_273, %sub3A_281 : vector<200x1xf32>
    %mul3A_283 = vector.broadcast %mul3A_282 : vector<200x1xf32> to vector<200x20xf32>
    %mul3A_284 = arith.mulf %dot_general3A_256, %mul3A_283 : vector<200x20xf32>
    %max3A_285 = arith.constant 1.000000e-16 : f32
    %max3A_286 = vector.broadcast %max3A_285 : f32 to vector<1x20xf32>
    %max3A_287 = arith.maximumf %add3A_265, %max3A_286 : vector<1x20xf32>
    %rsqrt3A_288 = math.rsqrt %max3A_287 : vector<1x20xf32>
    %mul3A_289 = arith.constant 5.000000e-01 : f32
    %mul3A_290 = vector.broadcast %mul3A_289 : f32 to vector<1x20xf32>
    %mul3A_291 = arith.mulf %mul3A_290, %max3A_287 : vector<1x20xf32>
    %mul3A_292 = arith.mulf %mul3A_291, %rsqrt3A_288 : vector<1x20xf32>
    %mul3A_293 = arith.mulf %mul3A_292, %rsqrt3A_288 : vector<1x20xf32>
    %sub3A_294 = arith.constant 1.500000e+00 : f32
    %sub3A_295 = vector.broadcast %sub3A_294 : f32 to vector<1x20xf32>
    %sub3A_296 = arith.subf %sub3A_295, %mul3A_293 : vector<1x20xf32>
    %mul3A_297 = arith.mulf %rsqrt3A_288, %sub3A_296 : vector<1x20xf32>
    %mul3A_298 = vector.broadcast %mul3A_297 : vector<1x20xf32> to vector<200x20xf32>
    %mul3A_299 = arith.mulf %mul3A_284, %mul3A_298 : vector<200x20xf32>
    %add3A_300 = arith.constant 1.000000e+00 : f32
    %add3A_301 = vector.broadcast %add3A_300 : f32 to vector<200x20xf32>
    %add3A_302 = arith.addf %mul3A_299, %add3A_301 : vector<200x20xf32>
    %swap3A_303 = arith.constant 0 : index
    %swap3A_304 = arith.constant 80 : index
    %swap3A_305 = vector.load %arg13[%swap3A_303, %swap3A_304] : memref<200x640xf32, #tpu.memory_space<vmem>>, vector<200x20xf32>
    tpu.vector_store %arg13[%swap3A_303, %swap3A_304], %add3A_302 {strides = array<i32>} : memref<200x640xf32, #tpu.memory_space<vmem>>, vector<200x20xf32>,
    %get3A_306 = arith.constant 5 : index
    %get3A_307 = arith.constant 0 : index
    %get3A_308 = arith.constant 0 : index
    %get3A_309 = vector.load %arg1[%get3A_306, %get3A_307, %get3A_308] : memref<32x20x128xf32, #tpu.memory_space<vmem>>, vector<1x20x128xf32>
    %get3A_310 = vector.shape_cast %get3A_309 : vector<1x20x128xf32> to vector<20x128xf32>
    %get3A_311 = arith.constant 5 : index
    %get3A_312 = arith.constant 0 : index
    %get3A_313 = arith.constant 0 : index
    %get3A_314 = vector.load %arg2[%get3A_311, %get3A_312, %get3A_313] : memref<32x200x128xf32, #tpu.memory_space<vmem>>, vector<1x200x128xf32>
    %get3A_315 = vector.shape_cast %get3A_314 : vector<1x200x128xf32> to vector<200x128xf32>
    %convert_element_type3A_316 = arith.truncf %get3A_315 : vector<200x128xf32> to vector<200x128xbf16>
    %convert_element_type3A_317 = arith.truncf %get3A_310 : vector<20x128xf32> to vector<20x128xbf16>
    %dot_general3A_318 = arith.constant dense<0.000000e+00> : vector<200x20xf32>
    %dot_general3A_319 = tpu.matmul %convert_element_type3A_316, %convert_element_type3A_317, %dot_general3A_318 {dimension_numbers = #tpu.dot_dimension_numbers<[1], [1], [0], [0], [0, 0, 1, 0], [], []>, transpose_lhs_hint = false} : vector<200x128xbf16>, vector<20x128xbf16>, vector<200x20xf32> -> vector<200x20xf32>
    %mul3A_320 = arith.mulf %get3A_310, %get3A_310 : vector<20x128xf32>
    %convert_element_type3A_321 = arith.truncf %mul3A_320 : vector<20x128xf32> to vector<20x128xbf16>
    %convert_element_type3A_322 = arith.extf %convert_element_type3A_321 : vector<20x128xbf16> to vector<20x128xf32>
    %sub3A_323 = arith.subf %mul3A_320, %convert_element_type3A_322 : vector<20x128xf32>
    %dot_general3A_324 = arith.constant dense<0.000000e+00> : vector<1x20xf32>
    %dot_general3A_325 = tpu.matmul %broadcast_in_dim3A_0, %convert_element_type3A_322, %dot_general3A_324 {dimension_numbers = #tpu.dot_dimension_numbers<[1], [1], [0], [0], [0, 0, 1, 0], [], []>, transpose_lhs_hint = false} : vector<1x128xf32>, vector<20x128xf32>, vector<1x20xf32> -> vector<1x20xf32>
    %dot_general3A_326 = arith.constant dense<0.000000e+00> : vector<1x20xf32>
    %dot_general3A_327 = tpu.matmul %broadcast_in_dim3A_0, %sub3A_323, %dot_general3A_326 {dimension_numbers = #tpu.dot_dimension_numbers<[1], [1], [0], [0], [0, 0, 1, 0], [], []>, transpose_lhs_hint = false} : vector<1x128xf32>, vector<20x128xf32>, vector<1x20xf32> -> vector<1x20xf32>
    %add3A_328 = arith.addf %dot_general3A_325, %dot_general3A_327 : vector<1x20xf32>
    %mul3A_329 = arith.mulf %get3A_315, %get3A_315 : vector<200x128xf32>
    %reduce_sum3A_330 = arith.constant dense<0.000000e+00> : vector<200xf32>
    %reduce_sum3A_331 = vector.multi_reduction <add>, %mul3A_329, %reduce_sum3A_330 [1] : vector<200x128xf32> to vector<200xf32>
    %broadcast_in_dim3A_332 = vector.shape_cast %reduce_sum3A_331 : vector<200xf32> to vector<200x1xf32>
    %max3A_333 = arith.constant 1.000000e-16 : f32
    %max3A_334 = vector.broadcast %max3A_333 : f32 to vector<200x1xf32>
    %max3A_335 = arith.maximumf %broadcast_in_dim3A_332, %max3A_334 : vector<200x1xf32>
    %rsqrt3A_336 = math.rsqrt %max3A_335 : vector<200x1xf32>
    %mul3A_337 = arith.constant 5.000000e-01 : f32
    %mul3A_338 = vector.broadcast %mul3A_337 : f32 to vector<200x1xf32>
    %mul3A_339 = arith.mulf %mul3A_338, %max3A_335 : vector<200x1xf32>
    %mul3A_340 = arith.mulf %mul3A_339, %rsqrt3A_336 : vector<200x1xf32>
    %mul3A_341 = arith.mulf %mul3A_340, %rsqrt3A_336 : vector<200x1xf32>
    %sub3A_342 = arith.constant 1.500000e+00 : f32
    %sub3A_343 = vector.broadcast %sub3A_342 : f32 to vector<200x1xf32>
    %sub3A_344 = arith.subf %sub3A_343, %mul3A_341 : vector<200x1xf32>
    %mul3A_345 = arith.mulf %rsqrt3A_336, %sub3A_344 : vector<200x1xf32>
    %mul3A_346 = vector.broadcast %mul3A_345 : vector<200x1xf32> to vector<200x20xf32>
    %mul3A_347 = arith.mulf %dot_general3A_319, %mul3A_346 : vector<200x20xf32>
    %max3A_348 = arith.constant 1.000000e-16 : f32
    %max3A_349 = vector.broadcast %max3A_348 : f32 to vector<1x20xf32>
    %max3A_350 = arith.maximumf %add3A_328, %max3A_349 : vector<1x20xf32>
    %rsqrt3A_351 = math.rsqrt %max3A_350 : vector<1x20xf32>
    %mul3A_352 = arith.constant 5.000000e-01 : f32
    %mul3A_353 = vector.broadcast %mul3A_352 : f32 to vector<1x20xf32>
    %mul3A_354 = arith.mulf %mul3A_353, %max3A_350 : vector<1x20xf32>
    %mul3A_355 = arith.mulf %mul3A_354, %rsqrt3A_351 : vector<1x20xf32>
    %mul3A_356 = arith.mulf %mul3A_355, %rsqrt3A_351 : vector<1x20xf32>
    %sub3A_357 = arith.constant 1.500000e+00 : f32
    %sub3A_358 = vector.broadcast %sub3A_357 : f32 to vector<1x20xf32>
    %sub3A_359 = arith.subf %sub3A_358, %mul3A_356 : vector<1x20xf32>
    %mul3A_360 = arith.mulf %rsqrt3A_351, %sub3A_359 : vector<1x20xf32>
    %mul3A_361 = vector.broadcast %mul3A_360 : vector<1x20xf32> to vector<200x20xf32>
    %mul3A_362 = arith.mulf %mul3A_347, %mul3A_361 : vector<200x20xf32>
    %add3A_363 = arith.constant 1.000000e+00 : f32
    %add3A_364 = vector.broadcast %add3A_363 : f32 to vector<200x20xf32>
    %add3A_365 = arith.addf %mul3A_362, %add3A_364 : vector<200x20xf32>
    %swap3A_366 = arith.constant 0 : index
    %swap3A_367 = arith.constant 100 : index
    %swap3A_368 = vector.load %arg13[%swap3A_366, %swap3A_367] : memref<200x640xf32, #tpu.memory_space<vmem>>, vector<200x20xf32>
    tpu.vector_store %arg13[%swap3A_366, %swap3A_367], %add3A_365 {strides = array<i32>} : memref<200x640xf32, #tpu.memory_space<vmem>>, vector<200x20xf32>,
    %get3A_369 = arith.constant 6 : index
    %get3A_370 = arith.constant 0 : index
    %get3A_371 = arith.constant 0 : index
    %get3A_372 = vector.load %arg1[%get3A_369, %get3A_370, %get3A_371] : memref<32x20x128xf32, #tpu.memory_space<vmem>>, vector<1x20x128xf32>
    %get3A_373 = vector.shape_cast %get3A_372 : vector<1x20x128xf32> to vector<20x128xf32>
    %get3A_374 = arith.constant 6 : index
    %get3A_375 = arith.constant 0 : index
    %get3A_376 = arith.constant 0 : index
    %get3A_377 = vector.load %arg2[%get3A_374, %get3A_375, %get3A_376] : memref<32x200x128xf32, #tpu.memory_space<vmem>>, vector<1x200x128xf32>
    %get3A_378 = vector.shape_cast %get3A_377 : vector<1x200x128xf32> to vector<200x128xf32>
    %convert_element_type3A_379 = arith.truncf %get3A_378 : vector<200x128xf32> to vector<200x128xbf16>
    %convert_element_type3A_380 = arith.truncf %get3A_373 : vector<20x128xf32> to vector<20x128xbf16>
    %dot_general3A_381 = arith.constant dense<0.000000e+00> : vector<200x20xf32>
    %dot_general3A_382 = tpu.matmul %convert_element_type3A_379, %convert_element_type3A_380, %dot_general3A_381 {dimension_numbers = #tpu.dot_dimension_numbers<[1], [1], [0], [0], [0, 0, 1, 0], [], []>, transpose_lhs_hint = false} : vector<200x128xbf16>, vector<20x128xbf16>, vector<200x20xf32> -> vector<200x20xf32>
    %mul3A_383 = arith.mulf %get3A_373, %get3A_373 : vector<20x128xf32>
    %convert_element_type3A_384 = arith.truncf %mul3A_383 : vector<20x128xf32> to vector<20x128xbf16>
    %convert_element_type3A_385 = arith.extf %convert_element_type3A_384 : vector<20x128xbf16> to vector<20x128xf32>
    %sub3A_386 = arith.subf %mul3A_383, %convert_element_type3A_385 : vector<20x128xf32>
    %dot_general3A_387 = arith.constant dense<0.000000e+00> : vector<1x20xf32>
    %dot_general3A_388 = tpu.matmul %broadcast_in_dim3A_0, %convert_element_type3A_385, %dot_general3A_387 {dimension_numbers = #tpu.dot_dimension_numbers<[1], [1], [0], [0], [0, 0, 1, 0], [], []>, transpose_lhs_hint = false} : vector<1x128xf32>, vector<20x128xf32>, vector<1x20xf32> -> vector<1x20xf32>
    %dot_general3A_389 = arith.constant dense<0.000000e+00> : vector<1x20xf32>
    %dot_general3A_390 = tpu.matmul %broadcast_in_dim3A_0, %sub3A_386, %dot_general3A_389 {dimension_numbers = #tpu.dot_dimension_numbers<[1], [1], [0], [0], [0, 0, 1, 0], [], []>, transpose_lhs_hint = false} : vector<1x128xf32>, vector<20x128xf32>, vector<1x20xf32> -> vector<1x20xf32>
    %add3A_391 = arith.addf %dot_general3A_388, %dot_general3A_390 : vector<1x20xf32>
    %mul3A_392 = arith.mulf %get3A_378, %get3A_378 : vector<200x128xf32>
    %reduce_sum3A_393 = arith.constant dense<0.000000e+00> : vector<200xf32>
    %reduce_sum3A_394 = vector.multi_reduction <add>, %mul3A_392, %reduce_sum3A_393 [1] : vector<200x128xf32> to vector<200xf32>
    %broadcast_in_dim3A_395 = vector.shape_cast %reduce_sum3A_394 : vector<200xf32> to vector<200x1xf32>
    %max3A_396 = arith.constant 1.000000e-16 : f32
    %max3A_397 = vector.broadcast %max3A_396 : f32 to vector<200x1xf32>
    %max3A_398 = arith.maximumf %broadcast_in_dim3A_395, %max3A_397 : vector<200x1xf32>
    %rsqrt3A_399 = math.rsqrt %max3A_398 : vector<200x1xf32>
    %mul3A_400 = arith.constant 5.000000e-01 : f32
    %mul3A_401 = vector.broadcast %mul3A_400 : f32 to vector<200x1xf32>
    %mul3A_402 = arith.mulf %mul3A_401, %max3A_398 : vector<200x1xf32>
    %mul3A_403 = arith.mulf %mul3A_402, %rsqrt3A_399 : vector<200x1xf32>
    %mul3A_404 = arith.mulf %mul3A_403, %rsqrt3A_399 : vector<200x1xf32>
    %sub3A_405 = arith.constant 1.500000e+00 : f32
    %sub3A_406 = vector.broadcast %sub3A_405 : f32 to vector<200x1xf32>
    %sub3A_407 = arith.subf %sub3A_406, %mul3A_404 : vector<200x1xf32>
    %mul3A_408 = arith.mulf %rsqrt3A_399, %sub3A_407 : vector<200x1xf32>
    %mul3A_409 = vector.broadcast %mul3A_408 : vector<200x1xf32> to vector<200x20xf32>
    %mul3A_410 = arith.mulf %dot_general3A_382, %mul3A_409 : vector<200x20xf32>
    %max3A_411 = arith.constant 1.000000e-16 : f32
    %max3A_412 = vector.broadcast %max3A_411 : f32 to vector<1x20xf32>
    %max3A_413 = arith.maximumf %add3A_391, %max3A_412 : vector<1x20xf32>
    %rsqrt3A_414 = math.rsqrt %max3A_413 : vector<1x20xf32>
    %mul3A_415 = arith.constant 5.000000e-01 : f32
    %mul3A_416 = vector.broadcast %mul3A_415 : f32 to vector<1x20xf32>
    %mul3A_417 = arith.mulf %mul3A_416, %max3A_413 : vector<1x20xf32>
    %mul3A_418 = arith.mulf %mul3A_417, %rsqrt3A_414 : vector<1x20xf32>
    %mul3A_419 = arith.mulf %mul3A_418, %rsqrt3A_414 : vector<1x20xf32>
    %sub3A_420 = arith.constant 1.500000e+00 : f32
    %sub3A_421 = vector.broadcast %sub3A_420 : f32 to vector<1x20xf32>
    %sub3A_422 = arith.subf %sub3A_421, %mul3A_419 : vector<1x20xf32>
    %mul3A_423 = arith.mulf %rsqrt3A_414, %sub3A_422 : vector<1x20xf32>
    %mul3A_424 = vector.broadcast %mul3A_423 : vector<1x20xf32> to vector<200x20xf32>
    %mul3A_425 = arith.mulf %mul3A_410, %mul3A_424 : vector<200x20xf32>
    %add3A_426 = arith.constant 1.000000e+00 : f32
    %add3A_427 = vector.broadcast %add3A_426 : f32 to vector<200x20xf32>
    %add3A_428 = arith.addf %mul3A_425, %add3A_427 : vector<200x20xf32>
    %swap3A_429 = arith.constant 0 : index
    %swap3A_430 = arith.constant 120 : index
    %swap3A_431 = vector.load %arg13[%swap3A_429, %swap3A_430] : memref<200x640xf32, #tpu.memory_space<vmem>>, vector<200x20xf32>
    tpu.vector_store %arg13[%swap3A_429, %swap3A_430], %add3A_428 {strides = array<i32>} : memref<200x640xf32, #tpu.memory_space<vmem>>, vector<200x20xf32>,
    %get3A_432 = arith.constant 7 : index
    %get3A_433 = arith.constant 0 : index
    %get3A_434 = arith.constant 0 : index
    %get3A_435 = vector.load %arg1[%get3A_432, %get3A_433, %get3A_434] : memref<32x20x128xf32, #tpu.memory_space<vmem>>, vector<1x20x128xf32>
    %get3A_436 = vector.shape_cast %get3A_435 : vector<1x20x128xf32> to vector<20x128xf32>
    %get3A_437 = arith.constant 7 : index
    %get3A_438 = arith.constant 0 : index
    %get3A_439 = arith.constant 0 : index
    %get3A_440 = vector.load %arg2[%get3A_437, %get3A_438, %get3A_439] : memref<32x200x128xf32, #tpu.memory_space<vmem>>, vector<1x200x128xf32>
    %get3A_441 = vector.shape_cast %get3A_440 : vector<1x200x128xf32> to vector<200x128xf32>
    %convert_element_type3A_442 = arith.truncf %get3A_441 : vector<200x128xf32> to vector<200x128xbf16>
    %convert_element_type3A_443 = arith.truncf %get3A_436 : vector<20x128xf32> to vector<20x128xbf16>
    %dot_general3A_444 = arith.constant dense<0.000000e+00> : vector<200x20xf32>
    %dot_general3A_445 = tpu.matmul %convert_element_type3A_442, %convert_element_type3A_443, %dot_general3A_444 {dimension_numbers = #tpu.dot_dimension_numbers<[1], [1], [0], [0], [0, 0, 1, 0], [], []>, transpose_lhs_hint = false} : vector<200x128xbf16>, vector<20x128xbf16>, vector<200x20xf32> -> vector<200x20xf32>
    %mul3A_446 = arith.mulf %get3A_436, %get3A_436 : vector<20x128xf32>
    %convert_element_type3A_447 = arith.truncf %mul3A_446 : vector<20x128xf32> to vector<20x128xbf16>
    %convert_element_type3A_448 = arith.extf %convert_element_type3A_447 : vector<20x128xbf16> to vector<20x128xf32>
    %sub3A_449 = arith.subf %mul3A_446, %convert_element_type3A_448 : vector<20x128xf32>
    %dot_general3A_450 = arith.constant dense<0.000000e+00> : vector<1x20xf32>
    %dot_general3A_451 = tpu.matmul %broadcast_in_dim3A_0, %convert_element_type3A_448, %dot_general3A_450 {dimension_numbers = #tpu.dot_dimension_numbers<[1], [1], [0], [0], [0, 0, 1, 0], [], []>, transpose_lhs_hint = false} : vector<1x128xf32>, vector<20x128xf32>, vector<1x20xf32> -> vector<1x20xf32>
    %dot_general3A_452 = arith.constant dense<0.000000e+00> : vector<1x20xf32>
    %dot_general3A_453 = tpu.matmul %broadcast_in_dim3A_0, %sub3A_449, %dot_general3A_452 {dimension_numbers = #tpu.dot_dimension_numbers<[1], [1], [0], [0], [0, 0, 1, 0], [], []>, transpose_lhs_hint = false} : vector<1x128xf32>, vector<20x128xf32>, vector<1x20xf32> -> vector<1x20xf32>
    %add3A_454 = arith.addf %dot_general3A_451, %dot_general3A_453 : vector<1x20xf32>
    %mul3A_455 = arith.mulf %get3A_441, %get3A_441 : vector<200x128xf32>
    %reduce_sum3A_456 = arith.constant dense<0.000000e+00> : vector<200xf32>
    %reduce_sum3A_457 = vector.multi_reduction <add>, %mul3A_455, %reduce_sum3A_456 [1] : vector<200x128xf32> to vector<200xf32>
    %broadcast_in_dim3A_458 = vector.shape_cast %reduce_sum3A_457 : vector<200xf32> to vector<200x1xf32>
    %max3A_459 = arith.constant 1.000000e-16 : f32
    %max3A_460 = vector.broadcast %max3A_459 : f32 to vector<200x1xf32>
    %max3A_461 = arith.maximumf %broadcast_in_dim3A_458, %max3A_460 : vector<200x1xf32>
    %rsqrt3A_462 = math.rsqrt %max3A_461 : vector<200x1xf32>
    %mul3A_463 = arith.constant 5.000000e-01 : f32
    %mul3A_464 = vector.broadcast %mul3A_463 : f32 to vector<200x1xf32>
    %mul3A_465 = arith.mulf %mul3A_464, %max3A_461 : vector<200x1xf32>
    %mul3A_466 = arith.mulf %mul3A_465, %rsqrt3A_462 : vector<200x1xf32>
    %mul3A_467 = arith.mulf %mul3A_466, %rsqrt3A_462 : vector<200x1xf32>
    %sub3A_468 = arith.constant 1.500000e+00 : f32
    %sub3A_469 = vector.broadcast %sub3A_468 : f32 to vector<200x1xf32>
    %sub3A_470 = arith.subf %sub3A_469, %mul3A_467 : vector<200x1xf32>
    %mul3A_471 = arith.mulf %rsqrt3A_462, %sub3A_470 : vector<200x1xf32>
    %mul3A_472 = vector.broadcast %mul3A_471 : vector<200x1xf32> to vector<200x20xf32>
    %mul3A_473 = arith.mulf %dot_general3A_445, %mul3A_472 : vector<200x20xf32>
    %max3A_474 = arith.constant 1.000000e-16 : f32
    %max3A_475 = vector.broadcast %max3A_474 : f32 to vector<1x20xf32>
    %max3A_476 = arith.maximumf %add3A_454, %max3A_475 : vector<1x20xf32>
    %rsqrt3A_477 = math.rsqrt %max3A_476 : vector<1x20xf32>
    %mul3A_478 = arith.constant 5.000000e-01 : f32
    %mul3A_479 = vector.broadcast %mul3A_478 : f32 to vector<1x20xf32>
    %mul3A_480 = arith.mulf %mul3A_479, %max3A_476 : vector<1x20xf32>
    %mul3A_481 = arith.mulf %mul3A_480, %rsqrt3A_477 : vector<1x20xf32>
    %mul3A_482 = arith.mulf %mul3A_481, %rsqrt3A_477 : vector<1x20xf32>
    %sub3A_483 = arith.constant 1.500000e+00 : f32
    %sub3A_484 = vector.broadcast %sub3A_483 : f32 to vector<1x20xf32>
    %sub3A_485 = arith.subf %sub3A_484, %mul3A_482 : vector<1x20xf32>
    %mul3A_486 = arith.mulf %rsqrt3A_477, %sub3A_485 : vector<1x20xf32>
    %mul3A_487 = vector.broadcast %mul3A_486 : vector<1x20xf32> to vector<200x20xf32>
    %mul3A_488 = arith.mulf %mul3A_473, %mul3A_487 : vector<200x20xf32>
    %add3A_489 = arith.constant 1.000000e+00 : f32
    %add3A_490 = vector.broadcast %add3A_489 : f32 to vector<200x20xf32>
    %add3A_491 = arith.addf %mul3A_488, %add3A_490 : vector<200x20xf32>
    %swap3A_492 = arith.constant 0 : index
    %swap3A_493 = arith.constant 140 : index
    %swap3A_494 = vector.load %arg13[%swap3A_492, %swap3A_493] : memref<200x640xf32, #tpu.memory_space<vmem>>, vector<200x20xf32>
    tpu.vector_store %arg13[%swap3A_492, %swap3A_493], %add3A_491 {strides = array<i32>} : memref<200x640xf32, #tpu.memory_space<vmem>>, vector<200x20xf32>,
    %get3A_495 = arith.constant 8 : index
    %get3A_496 = arith.constant 0 : index
    %get3A_497 = arith.constant 0 : index
    %get3A_498 = vector.load %arg1[%get3A_495, %get3A_496, %get3A_497] : memref<32x20x128xf32, #tpu.memory_space<vmem>>, vector<1x20x128xf32>
    %get3A_499 = vector.shape_cast %get3A_498 : vector<1x20x128xf32> to vector<20x128xf32>
    %get3A_500 = arith.constant 8 : index
    %get3A_501 = arith.constant 0 : index
    %get3A_502 = arith.constant 0 : index
    %get3A_503 = vector.load %arg2[%get3A_500, %get3A_501, %get3A_502] : memref<32x200x128xf32, #tpu.memory_space<vmem>>, vector<1x200x128xf32>
    %get3A_504 = vector.shape_cast %get3A_503 : vector<1x200x128xf32> to vector<200x128xf32>
    %convert_element_type3A_505 = arith.truncf %get3A_504 : vector<200x128xf32> to vector<200x128xbf16>
    %convert_element_type3A_506 = arith.truncf %get3A_499 : vector<20x128xf32> to vector<20x128xbf16>
    %dot_general3A_507 = arith.constant dense<0.000000e+00> : vector<200x20xf32>
    %dot_general3A_508 = tpu.matmul %convert_element_type3A_505, %convert_element_type3A_506, %dot_general3A_507 {dimension_numbers = #tpu.dot_dimension_numbers<[1], [1], [0], [0], [0, 0, 1, 0], [], []>, transpose_lhs_hint = false} : vector<200x128xbf16>, vector<20x128xbf16>, vector<200x20xf32> -> vector<200x20xf32>
    %mul3A_509 = arith.mulf %get3A_499, %get3A_499 : vector<20x128xf32>
    %convert_element_type3A_510 = arith.truncf %mul3A_509 : vector<20x128xf32> to vector<20x128xbf16>
    %convert_element_type3A_511 = arith.extf %convert_element_type3A_510 : vector<20x128xbf16> to vector<20x128xf32>
    %sub3A_512 = arith.subf %mul3A_509, %convert_element_type3A_511 : vector<20x128xf32>
    %dot_general3A_513 = arith.constant dense<0.000000e+00> : vector<1x20xf32>
    %dot_general3A_514 = tpu.matmul %broadcast_in_dim3A_0, %convert_element_type3A_511, %dot_general3A_513 {dimension_numbers = #tpu.dot_dimension_numbers<[1], [1], [0], [0], [0, 0, 1, 0], [], []>, transpose_lhs_hint = false} : vector<1x128xf32>, vector<20x128xf32>, vector<1x20xf32> -> vector<1x20xf32>
    %dot_general3A_515 = arith.constant dense<0.000000e+00> : vector<1x20xf32>
    %dot_general3A_516 = tpu.matmul %broadcast_in_dim3A_0, %sub3A_512, %dot_general3A_515 {dimension_numbers = #tpu.dot_dimension_numbers<[1], [1], [0], [0], [0, 0, 1, 0], [], []>, transpose_lhs_hint = false} : vector<1x128xf32>, vector<20x128xf32>, vector<1x20xf32> -> vector<1x20xf32>
    %add3A_517 = arith.addf %dot_general3A_514, %dot_general3A_516 : vector<1x20xf32>
    %mul3A_518 = arith.mulf %get3A_504, %get3A_504 : vector<200x128xf32>
    %reduce_sum3A_519 = arith.constant dense<0.000000e+00> : vector<200xf32>
    %reduce_sum3A_520 = vector.multi_reduction <add>, %mul3A_518, %reduce_sum3A_519 [1] : vector<200x128xf32> to vector<200xf32>
    %broadcast_in_dim3A_521 = vector.shape_cast %reduce_sum3A_520 : vector<200xf32> to vector<200x1xf32>
    %max3A_522 = arith.constant 1.000000e-16 : f32
    %max3A_523 = vector.broadcast %max3A_522 : f32 to vector<200x1xf32>
    %max3A_524 = arith.maximumf %broadcast_in_dim3A_521, %max3A_523 : vector<200x1xf32>
    %rsqrt3A_525 = math.rsqrt %max3A_524 : vector<200x1xf32>
    %mul3A_526 = arith.constant 5.000000e-01 : f32
    %mul3A_527 = vector.broadcast %mul3A_526 : f32 to vector<200x1xf32>
    %mul3A_528 = arith.mulf %mul3A_527, %max3A_524 : vector<200x1xf32>
    %mul3A_529 = arith.mulf %mul3A_528, %rsqrt3A_525 : vector<200x1xf32>
    %mul3A_530 = arith.mulf %mul3A_529, %rsqrt3A_525 : vector<200x1xf32>
    %sub3A_531 = arith.constant 1.500000e+00 : f32
    %sub3A_532 = vector.broadcast %sub3A_531 : f32 to vector<200x1xf32>
    %sub3A_533 = arith.subf %sub3A_532, %mul3A_530 : vector<200x1xf32>
    %mul3A_534 = arith.mulf %rsqrt3A_525, %sub3A_533 : vector<200x1xf32>
    %mul3A_535 = vector.broadcast %mul3A_534 : vector<200x1xf32> to vector<200x20xf32>
    %mul3A_536 = arith.mulf %dot_general3A_508, %mul3A_535 : vector<200x20xf32>
    %max3A_537 = arith.constant 1.000000e-16 : f32
    %max3A_538 = vector.broadcast %max3A_537 : f32 to vector<1x20xf32>
    %max3A_539 = arith.maximumf %add3A_517, %max3A_538 : vector<1x20xf32>
    %rsqrt3A_540 = math.rsqrt %max3A_539 : vector<1x20xf32>
    %mul3A_541 = arith.constant 5.000000e-01 : f32
    %mul3A_542 = vector.broadcast %mul3A_541 : f32 to vector<1x20xf32>
    %mul3A_543 = arith.mulf %mul3A_542, %max3A_539 : vector<1x20xf32>
    %mul3A_544 = arith.mulf %mul3A_543, %rsqrt3A_540 : vector<1x20xf32>
    %mul3A_545 = arith.mulf %mul3A_544, %rsqrt3A_540 : vector<1x20xf32>
    %sub3A_546 = arith.constant 1.500000e+00 : f32
    %sub3A_547 = vector.broadcast %sub3A_546 : f32 to vector<1x20xf32>
    %sub3A_548 = arith.subf %sub3A_547, %mul3A_545 : vector<1x20xf32>
    %mul3A_549 = arith.mulf %rsqrt3A_540, %sub3A_548 : vector<1x20xf32>
    %mul3A_550 = vector.broadcast %mul3A_549 : vector<1x20xf32> to vector<200x20xf32>
    %mul3A_551 = arith.mulf %mul3A_536, %mul3A_550 : vector<200x20xf32>
    %add3A_552 = arith.constant 1.000000e+00 : f32
    %add3A_553 = vector.broadcast %add3A_552 : f32 to vector<200x20xf32>
    %add3A_554 = arith.addf %mul3A_551, %add3A_553 : vector<200x20xf32>
    %swap3A_555 = arith.constant 0 : index
    %swap3A_556 = arith.constant 160 : index
    %swap3A_557 = vector.load %arg13[%swap3A_555, %swap3A_556] : memref<200x640xf32, #tpu.memory_space<vmem>>, vector<200x20xf32>
    tpu.vector_store %arg13[%swap3A_555, %swap3A_556], %add3A_554 {strides = array<i32>} : memref<200x640xf32, #tpu.memory_space<vmem>>, vector<200x20xf32>,
    %get3A_558 = arith.constant 9 : index
    %get3A_559 = arith.constant 0 : index
    %get3A_560 = arith.constant 0 : index
    %get3A_561 = vector.load %arg1[%get3A_558, %get3A_559, %get3A_560] : memref<32x20x128xf32, #tpu.memory_space<vmem>>, vector<1x20x128xf32>
    %get3A_562 = vector.shape_cast %get3A_561 : vector<1x20x128xf32> to vector<20x128xf32>
    %get3A_563 = arith.constant 9 : index
    %get3A_564 = arith.constant 0 : index
    %get3A_565 = arith.constant 0 : index
    %get3A_566 = vector.load %arg2[%get3A_563, %get3A_564, %get3A_565] : memref<32x200x128xf32, #tpu.memory_space<vmem>>, vector<1x200x128xf32>
    %get3A_567 = vector.shape_cast %get3A_566 : vector<1x200x128xf32> to vector<200x128xf32>
    %convert_element_type3A_568 = arith.truncf %get3A_567 : vector<200x128xf32> to vector<200x128xbf16>
    %convert_element_type3A_569 = arith.truncf %get3A_562 : vector<20x128xf32> to vector<20x128xbf16>
    %dot_general3A_570 = arith.constant dense<0.000000e+00> : vector<200x20xf32>
    %dot_general3A_571 = tpu.matmul %convert_element_type3A_568, %convert_element_type3A_569, %dot_general3A_570 {dimension_numbers = #tpu.dot_dimension_numbers<[1], [1], [0], [0], [0, 0, 1, 0], [], []>, transpose_lhs_hint = false} : vector<200x128xbf16>, vector<20x128xbf16>, vector<200x20xf32> -> vector<200x20xf32>
    %mul3A_572 = arith.mulf %get3A_562, %get3A_562 : vector<20x128xf32>
    %convert_element_type3A_573 = arith.truncf %mul3A_572 : vector<20x128xf32> to vector<20x128xbf16>
    %convert_element_type3A_574 = arith.extf %convert_element_type3A_573 : vector<20x128xbf16> to vector<20x128xf32>
    %sub3A_575 = arith.subf %mul3A_572, %convert_element_type3A_574 : vector<20x128xf32>
    %dot_general3A_576 = arith.constant dense<0.000000e+00> : vector<1x20xf32>
    %dot_general3A_577 = tpu.matmul %broadcast_in_dim3A_0, %convert_element_type3A_574, %dot_general3A_576 {dimension_numbers = #tpu.dot_dimension_numbers<[1], [1], [0], [0], [0, 0, 1, 0], [], []>, transpose_lhs_hint = false} : vector<1x128xf32>, vector<20x128xf32>, vector<1x20xf32> -> vector<1x20xf32>
    %dot_general3A_578 = arith.constant dense<0.000000e+00> : vector<1x20xf32>
    %dot_general3A_579 = tpu.matmul %broadcast_in_dim3A_0, %sub3A_575, %dot_general3A_578 {dimension_numbers = #tpu.dot_dimension_numbers<[1], [1], [0], [0], [0, 0, 1, 0], [], []>, transpose_lhs_hint = false} : vector<1x128xf32>, vector<20x128xf32>, vector<1x20xf32> -> vector<1x20xf32>
    %add3A_580 = arith.addf %dot_general3A_577, %dot_general3A_579 : vector<1x20xf32>
    %mul3A_581 = arith.mulf %get3A_567, %get3A_567 : vector<200x128xf32>
    %reduce_sum3A_582 = arith.constant dense<0.000000e+00> : vector<200xf32>
    %reduce_sum3A_583 = vector.multi_reduction <add>, %mul3A_581, %reduce_sum3A_582 [1] : vector<200x128xf32> to vector<200xf32>
    %broadcast_in_dim3A_584 = vector.shape_cast %reduce_sum3A_583 : vector<200xf32> to vector<200x1xf32>
    %max3A_585 = arith.constant 1.000000e-16 : f32
    %max3A_586 = vector.broadcast %max3A_585 : f32 to vector<200x1xf32>
    %max3A_587 = arith.maximumf %broadcast_in_dim3A_584, %max3A_586 : vector<200x1xf32>
    %rsqrt3A_588 = math.rsqrt %max3A_587 : vector<200x1xf32>
    %mul3A_589 = arith.constant 5.000000e-01 : f32
    %mul3A_590 = vector.broadcast %mul3A_589 : f32 to vector<200x1xf32>
    %mul3A_591 = arith.mulf %mul3A_590, %max3A_587 : vector<200x1xf32>
    %mul3A_592 = arith.mulf %mul3A_591, %rsqrt3A_588 : vector<200x1xf32>
    %mul3A_593 = arith.mulf %mul3A_592, %rsqrt3A_588 : vector<200x1xf32>
    %sub3A_594 = arith.constant 1.500000e+00 : f32
    %sub3A_595 = vector.broadcast %sub3A_594 : f32 to vector<200x1xf32>
    %sub3A_596 = arith.subf %sub3A_595, %mul3A_593 : vector<200x1xf32>
    %mul3A_597 = arith.mulf %rsqrt3A_588, %sub3A_596 : vector<200x1xf32>
    %mul3A_598 = vector.broadcast %mul3A_597 : vector<200x1xf32> to vector<200x20xf32>
    %mul3A_599 = arith.mulf %dot_general3A_571, %mul3A_598 : vector<200x20xf32>
    %max3A_600 = arith.constant 1.000000e-16 : f32
    %max3A_601 = vector.broadcast %max3A_600 : f32 to vector<1x20xf32>
    %max3A_602 = arith.maximumf %add3A_580, %max3A_601 : vector<1x20xf32>
    %rsqrt3A_603 = math.rsqrt %max3A_602 : vector<1x20xf32>
    %mul3A_604 = arith.constant 5.000000e-01 : f32
    %mul3A_605 = vector.broadcast %mul3A_604 : f32 to vector<1x20xf32>
    %mul3A_606 = arith.mulf %mul3A_605, %max3A_602 : vector<1x20xf32>
    %mul3A_607 = arith.mulf %mul3A_606, %rsqrt3A_603 : vector<1x20xf32>
    %mul3A_608 = arith.mulf %mul3A_607, %rsqrt3A_603 : vector<1x20xf32>
    %sub3A_609 = arith.constant 1.500000e+00 : f32
    %sub3A_610 = vector.broadcast %sub3A_609 : f32 to vector<1x20xf32>
    %sub3A_611 = arith.subf %sub3A_610, %mul3A_608 : vector<1x20xf32>
    %mul3A_612 = arith.mulf %rsqrt3A_603, %sub3A_611 : vector<1x20xf32>
    %mul3A_613 = vector.broadcast %mul3A_612 : vector<1x20xf32> to vector<200x20xf32>
    %mul3A_614 = arith.mulf %mul3A_599, %mul3A_613 : vector<200x20xf32>
    %add3A_615 = arith.constant 1.000000e+00 : f32
    %add3A_616 = vector.broadcast %add3A_615 : f32 to vector<200x20xf32>
    %add3A_617 = arith.addf %mul3A_614, %add3A_616 : vector<200x20xf32>
    %swap3A_618 = arith.constant 0 : index
    %swap3A_619 = arith.constant 180 : index
    %swap3A_620 = vector.load %arg13[%swap3A_618, %swap3A_619] : memref<200x640xf32, #tpu.memory_space<vmem>>, vector<200x20xf32>
    tpu.vector_store %arg13[%swap3A_618, %swap3A_619], %add3A_617 {strides = array<i32>} : memref<200x640xf32, #tpu.memory_space<vmem>>, vector<200x20xf32>,
    %get3A_621 = arith.constant 10 : index
    %get3A_622 = arith.constant 0 : index
    %get3A_623 = arith.constant 0 : index
    %get3A_624 = vector.load %arg1[%get3A_621, %get3A_622, %get3A_623] : memref<32x20x128xf32, #tpu.memory_space<vmem>>, vector<1x20x128xf32>
    %get3A_625 = vector.shape_cast %get3A_624 : vector<1x20x128xf32> to vector<20x128xf32>
    %get3A_626 = arith.constant 10 : index
    %get3A_627 = arith.constant 0 : index
    %get3A_628 = arith.constant 0 : index
    %get3A_629 = vector.load %arg2[%get3A_626, %get3A_627, %get3A_628] : memref<32x200x128xf32, #tpu.memory_space<vmem>>, vector<1x200x128xf32>
    %get3A_630 = vector.shape_cast %get3A_629 : vector<1x200x128xf32> to vector<200x128xf32>
    %convert_element_type3A_631 = arith.truncf %get3A_630 : vector<200x128xf32> to vector<200x128xbf16>
    %convert_element_type3A_632 = arith.truncf %get3A_625 : vector<20x128xf32> to vector<20x128xbf16>
    %dot_general3A_633 = arith.constant dense<0.000000e+00> : vector<200x20xf32>
    %dot_general3A_634 = tpu.matmul %convert_element_type3A_631, %convert_element_type3A_632, %dot_general3A_633 {dimension_numbers = #tpu.dot_dimension_numbers<[1], [1], [0], [0], [0, 0, 1, 0], [], []>, transpose_lhs_hint = false} : vector<200x128xbf16>, vector<20x128xbf16>, vector<200x20xf32> -> vector<200x20xf32>
    %mul3A_635 = arith.mulf %get3A_625, %get3A_625 : vector<20x128xf32>
    %convert_element_type3A_636 = arith.truncf %mul3A_635 : vector<20x128xf32> to vector<20x128xbf16>
    %convert_element_type3A_637 = arith.extf %convert_element_type3A_636 : vector<20x128xbf16> to vector<20x128xf32>
    %sub3A_638 = arith.subf %mul3A_635, %convert_element_type3A_637 : vector<20x128xf32>
    %dot_general3A_639 = arith.constant dense<0.000000e+00> : vector<1x20xf32>
    %dot_general3A_640 = tpu.matmul %broadcast_in_dim3A_0, %convert_element_type3A_637, %dot_general3A_639 {dimension_numbers = #tpu.dot_dimension_numbers<[1], [1], [0], [0], [0, 0, 1, 0], [], []>, transpose_lhs_hint = false} : vector<1x128xf32>, vector<20x128xf32>, vector<1x20xf32> -> vector<1x20xf32>
    %dot_general3A_641 = arith.constant dense<0.000000e+00> : vector<1x20xf32>
    %dot_general3A_642 = tpu.matmul %broadcast_in_dim3A_0, %sub3A_638, %dot_general3A_641 {dimension_numbers = #tpu.dot_dimension_numbers<[1], [1], [0], [0], [0, 0, 1, 0], [], []>, transpose_lhs_hint = false} : vector<1x128xf32>, vector<20x128xf32>, vector<1x20xf32> -> vector<1x20xf32>
    %add3A_643 = arith.addf %dot_general3A_640, %dot_general3A_642 : vector<1x20xf32>
    %mul3A_644 = arith.mulf %get3A_630, %get3A_630 : vector<200x128xf32>
    %reduce_sum3A_645 = arith.constant dense<0.000000e+00> : vector<200xf32>
    %reduce_sum3A_646 = vector.multi_reduction <add>, %mul3A_644, %reduce_sum3A_645 [1] : vector<200x128xf32> to vector<200xf32>
    %broadcast_in_dim3A_647 = vector.shape_cast %reduce_sum3A_646 : vector<200xf32> to vector<200x1xf32>
    %max3A_648 = arith.constant 1.000000e-16 : f32
    %max3A_649 = vector.broadcast %max3A_648 : f32 to vector<200x1xf32>
    %max3A_650 = arith.maximumf %broadcast_in_dim3A_647, %max3A_649 : vector<200x1xf32>
    %rsqrt3A_651 = math.rsqrt %max3A_650 : vector<200x1xf32>
    %mul3A_652 = arith.constant 5.000000e-01 : f32
    %mul3A_653 = vector.broadcast %mul3A_652 : f32 to vector<200x1xf32>
    %mul3A_654 = arith.mulf %mul3A_653, %max3A_650 : vector<200x1xf32>
    %mul3A_655 = arith.mulf %mul3A_654, %rsqrt3A_651 : vector<200x1xf32>
    %mul3A_656 = arith.mulf %mul3A_655, %rsqrt3A_651 : vector<200x1xf32>
    %sub3A_657 = arith.constant 1.500000e+00 : f32
    %sub3A_658 = vector.broadcast %sub3A_657 : f32 to vector<200x1xf32>
    %sub3A_659 = arith.subf %sub3A_658, %mul3A_656 : vector<200x1xf32>
    %mul3A_660 = arith.mulf %rsqrt3A_651, %sub3A_659 : vector<200x1xf32>
    %mul3A_661 = vector.broadcast %mul3A_660 : vector<200x1xf32> to vector<200x20xf32>
    %mul3A_662 = arith.mulf %dot_general3A_634, %mul3A_661 : vector<200x20xf32>
    %max3A_663 = arith.constant 1.000000e-16 : f32
    %max3A_664 = vector.broadcast %max3A_663 : f32 to vector<1x20xf32>
    %max3A_665 = arith.maximumf %add3A_643, %max3A_664 : vector<1x20xf32>
    %rsqrt3A_666 = math.rsqrt %max3A_665 : vector<1x20xf32>
    %mul3A_667 = arith.constant 5.000000e-01 : f32
    %mul3A_668 = vector.broadcast %mul3A_667 : f32 to vector<1x20xf32>
    %mul3A_669 = arith.mulf %mul3A_668, %max3A_665 : vector<1x20xf32>
    %mul3A_670 = arith.mulf %mul3A_669, %rsqrt3A_666 : vector<1x20xf32>
    %mul3A_671 = arith.mulf %mul3A_670, %rsqrt3A_666 : vector<1x20xf32>
    %sub3A_672 = arith.constant 1.500000e+00 : f32
    %sub3A_673 = vector.broadcast %sub3A_672 : f32 to vector<1x20xf32>
    %sub3A_674 = arith.subf %sub3A_673, %mul3A_671 : vector<1x20xf32>
    %mul3A_675 = arith.mulf %rsqrt3A_666, %sub3A_674 : vector<1x20xf32>
    %mul3A_676 = vector.broadcast %mul3A_675 : vector<1x20xf32> to vector<200x20xf32>
    %mul3A_677 = arith.mulf %mul3A_662, %mul3A_676 : vector<200x20xf32>
    %add3A_678 = arith.constant 1.000000e+00 : f32
    %add3A_679 = vector.broadcast %add3A_678 : f32 to vector<200x20xf32>
    %add3A_680 = arith.addf %mul3A_677, %add3A_679 : vector<200x20xf32>
    %swap3A_681 = arith.constant 0 : index
    %swap3A_682 = arith.constant 200 : index
    %swap3A_683 = vector.load %arg13[%swap3A_681, %swap3A_682] : memref<200x640xf32, #tpu.memory_space<vmem>>, vector<200x20xf32>
    tpu.vector_store %arg13[%swap3A_681, %swap3A_682], %add3A_680 {strides = array<i32>} : memref<200x640xf32, #tpu.memory_space<vmem>>, vector<200x20xf32>,
    %get3A_684 = arith.constant 11 : index
    %get3A_685 = arith.constant 0 : index
    %get3A_686 = arith.constant 0 : index
    %get3A_687 = vector.load %arg1[%get3A_684, %get3A_685, %get3A_686] : memref<32x20x128xf32, #tpu.memory_space<vmem>>, vector<1x20x128xf32>
    %get3A_688 = vector.shape_cast %get3A_687 : vector<1x20x128xf32> to vector<20x128xf32>
    %get3A_689 = arith.constant 11 : index
    %get3A_690 = arith.constant 0 : index
    %get3A_691 = arith.constant 0 : index
    %get3A_692 = vector.load %arg2[%get3A_689, %get3A_690, %get3A_691] : memref<32x200x128xf32, #tpu.memory_space<vmem>>, vector<1x200x128xf32>
    %get3A_693 = vector.shape_cast %get3A_692 : vector<1x200x128xf32> to vector<200x128xf32>
    %convert_element_type3A_694 = arith.truncf %get3A_693 : vector<200x128xf32> to vector<200x128xbf16>
    %convert_element_type3A_695 = arith.truncf %get3A_688 : vector<20x128xf32> to vector<20x128xbf16>
    %dot_general3A_696 = arith.constant dense<0.000000e+00> : vector<200x20xf32>
    %dot_general3A_697 = tpu.matmul %convert_element_type3A_694, %convert_element_type3A_695, %dot_general3A_696 {dimension_numbers = #tpu.dot_dimension_numbers<[1], [1], [0], [0], [0, 0, 1, 0], [], []>, transpose_lhs_hint = false} : vector<200x128xbf16>, vector<20x128xbf16>, vector<200x20xf32> -> vector<200x20xf32>
    %mul3A_698 = arith.mulf %get3A_688, %get3A_688 : vector<20x128xf32>
    %convert_element_type3A_699 = arith.truncf %mul3A_698 : vector<20x128xf32> to vector<20x128xbf16>
    %convert_element_type3A_700 = arith.extf %convert_element_type3A_699 : vector<20x128xbf16> to vector<20x128xf32>
    %sub3A_701 = arith.subf %mul3A_698, %convert_element_type3A_700 : vector<20x128xf32>
    %dot_general3A_702 = arith.constant dense<0.000000e+00> : vector<1x20xf32>
    %dot_general3A_703 = tpu.matmul %broadcast_in_dim3A_0, %convert_element_type3A_700, %dot_general3A_702 {dimension_numbers = #tpu.dot_dimension_numbers<[1], [1], [0], [0], [0, 0, 1, 0], [], []>, transpose_lhs_hint = false} : vector<1x128xf32>, vector<20x128xf32>, vector<1x20xf32> -> vector<1x20xf32>
    %dot_general3A_704 = arith.constant dense<0.000000e+00> : vector<1x20xf32>
    %dot_general3A_705 = tpu.matmul %broadcast_in_dim3A_0, %sub3A_701, %dot_general3A_704 {dimension_numbers = #tpu.dot_dimension_numbers<[1], [1], [0], [0], [0, 0, 1, 0], [], []>, transpose_lhs_hint = false} : vector<1x128xf32>, vector<20x128xf32>, vector<1x20xf32> -> vector<1x20xf32>
    %add3A_706 = arith.addf %dot_general3A_703, %dot_general3A_705 : vector<1x20xf32>
    %mul3A_707 = arith.mulf %get3A_693, %get3A_693 : vector<200x128xf32>
    %reduce_sum3A_708 = arith.constant dense<0.000000e+00> : vector<200xf32>
    %reduce_sum3A_709 = vector.multi_reduction <add>, %mul3A_707, %reduce_sum3A_708 [1] : vector<200x128xf32> to vector<200xf32>
    %broadcast_in_dim3A_710 = vector.shape_cast %reduce_sum3A_709 : vector<200xf32> to vector<200x1xf32>
    %max3A_711 = arith.constant 1.000000e-16 : f32
    %max3A_712 = vector.broadcast %max3A_711 : f32 to vector<200x1xf32>
    %max3A_713 = arith.maximumf %broadcast_in_dim3A_710, %max3A_712 : vector<200x1xf32>
    %rsqrt3A_714 = math.rsqrt %max3A_713 : vector<200x1xf32>
    %mul3A_715 = arith.constant 5.000000e-01 : f32
    %mul3A_716 = vector.broadcast %mul3A_715 : f32 to vector<200x1xf32>
    %mul3A_717 = arith.mulf %mul3A_716, %max3A_713 : vector<200x1xf32>
    %mul3A_718 = arith.mulf %mul3A_717, %rsqrt3A_714 : vector<200x1xf32>
    %mul3A_719 = arith.mulf %mul3A_718, %rsqrt3A_714 : vector<200x1xf32>
    %sub3A_720 = arith.constant 1.500000e+00 : f32
    %sub3A_721 = vector.broadcast %sub3A_720 : f32 to vector<200x1xf32>
    %sub3A_722 = arith.subf %sub3A_721, %mul3A_719 : vector<200x1xf32>
    %mul3A_723 = arith.mulf %rsqrt3A_714, %sub3A_722 : vector<200x1xf32>
    %mul3A_724 = vector.broadcast %mul3A_723 : vector<200x1xf32> to vector<200x20xf32>
    %mul3A_725 = arith.mulf %dot_general3A_697, %mul3A_724 : vector<200x20xf32>
    %max3A_726 = arith.constant 1.000000e-16 : f32
    %max3A_727 = vector.broadcast %max3A_726 : f32 to vector<1x20xf32>
    %max3A_728 = arith.maximumf %add3A_706, %max3A_727 : vector<1x20xf32>
    %rsqrt3A_729 = math.rsqrt %max3A_728 : vector<1x20xf32>
    %mul3A_730 = arith.constant 5.000000e-01 : f32
    %mul3A_731 = vector.broadcast %mul3A_730 : f32 to vector<1x20xf32>
    %mul3A_732 = arith.mulf %mul3A_731, %max3A_728 : vector<1x20xf32>
    %mul3A_733 = arith.mulf %mul3A_732, %rsqrt3A_729 : vector<1x20xf32>
    %mul3A_734 = arith.mulf %mul3A_733, %rsqrt3A_729 : vector<1x20xf32>
    %sub3A_735 = arith.constant 1.500000e+00 : f32
    %sub3A_736 = vector.broadcast %sub3A_735 : f32 to vector<1x20xf32>
    %sub3A_737 = arith.subf %sub3A_736, %mul3A_734 : vector<1x20xf32>
    %mul3A_738 = arith.mulf %rsqrt3A_729, %sub3A_737 : vector<1x20xf32>
    %mul3A_739 = vector.broadcast %mul3A_738 : vector<1x20xf32> to vector<200x20xf32>
    %mul3A_740 = arith.mulf %mul3A_725, %mul3A_739 : vector<200x20xf32>
    %add3A_741 = arith.constant 1.000000e+00 : f32
    %add3A_742 = vector.broadcast %add3A_741 : f32 to vector<200x20xf32>
    %add3A_743 = arith.addf %mul3A_740, %add3A_742 : vector<200x20xf32>
    %swap3A_744 = arith.constant 0 : index
    %swap3A_745 = arith.constant 220 : index
    %swap3A_746 = vector.load %arg13[%swap3A_744, %swap3A_745] : memref<200x640xf32, #tpu.memory_space<vmem>>, vector<200x20xf32>
    tpu.vector_store %arg13[%swap3A_744, %swap3A_745], %add3A_743 {strides = array<i32>} : memref<200x640xf32, #tpu.memory_space<vmem>>, vector<200x20xf32>,
    %get3A_747 = arith.constant 12 : index
    %get3A_748 = arith.constant 0 : index
    %get3A_749 = arith.constant 0 : index
    %get3A_750 = vector.load %arg1[%get3A_747, %get3A_748, %get3A_749] : memref<32x20x128xf32, #tpu.memory_space<vmem>>, vector<1x20x128xf32>
    %get3A_751 = vector.shape_cast %get3A_750 : vector<1x20x128xf32> to vector<20x128xf32>
    %get3A_752 = arith.constant 12 : index
    %get3A_753 = arith.constant 0 : index
    %get3A_754 = arith.constant 0 : index
    %get3A_755 = vector.load %arg2[%get3A_752, %get3A_753, %get3A_754] : memref<32x200x128xf32, #tpu.memory_space<vmem>>, vector<1x200x128xf32>
    %get3A_756 = vector.shape_cast %get3A_755 : vector<1x200x128xf32> to vector<200x128xf32>
    %convert_element_type3A_757 = arith.truncf %get3A_756 : vector<200x128xf32> to vector<200x128xbf16>
    %convert_element_type3A_758 = arith.truncf %get3A_751 : vector<20x128xf32> to vector<20x128xbf16>
    %dot_general3A_759 = arith.constant dense<0.000000e+00> : vector<200x20xf32>
    %dot_general3A_760 = tpu.matmul %convert_element_type3A_757, %convert_element_type3A_758, %dot_general3A_759 {dimension_numbers = #tpu.dot_dimension_numbers<[1], [1], [0], [0], [0, 0, 1, 0], [], []>, transpose_lhs_hint = false} : vector<200x128xbf16>, vector<20x128xbf16>, vector<200x20xf32> -> vector<200x20xf32>
    %mul3A_761 = arith.mulf %get3A_751, %get3A_751 : vector<20x128xf32>
    %convert_element_type3A_762 = arith.truncf %mul3A_761 : vector<20x128xf32> to vector<20x128xbf16>
    %convert_element_type3A_763 = arith.extf %convert_element_type3A_762 : vector<20x128xbf16> to vector<20x128xf32>
    %sub3A_764 = arith.subf %mul3A_761, %convert_element_type3A_763 : vector<20x128xf32>
    %dot_general3A_765 = arith.constant dense<0.000000e+00> : vector<1x20xf32>
    %dot_general3A_766 = tpu.matmul %broadcast_in_dim3A_0, %convert_element_type3A_763, %dot_general3A_765 {dimension_numbers = #tpu.dot_dimension_numbers<[1], [1], [0], [0], [0, 0, 1, 0], [], []>, transpose_lhs_hint = false} : vector<1x128xf32>, vector<20x128xf32>, vector<1x20xf32> -> vector<1x20xf32>
    %dot_general3A_767 = arith.constant dense<0.000000e+00> : vector<1x20xf32>
    %dot_general3A_768 = tpu.matmul %broadcast_in_dim3A_0, %sub3A_764, %dot_general3A_767 {dimension_numbers = #tpu.dot_dimension_numbers<[1], [1], [0], [0], [0, 0, 1, 0], [], []>, transpose_lhs_hint = false} : vector<1x128xf32>, vector<20x128xf32>, vector<1x20xf32> -> vector<1x20xf32>
    %add3A_769 = arith.addf %dot_general3A_766, %dot_general3A_768 : vector<1x20xf32>
    %mul3A_770 = arith.mulf %get3A_756, %get3A_756 : vector<200x128xf32>
    %reduce_sum3A_771 = arith.constant dense<0.000000e+00> : vector<200xf32>
    %reduce_sum3A_772 = vector.multi_reduction <add>, %mul3A_770, %reduce_sum3A_771 [1] : vector<200x128xf32> to vector<200xf32>
    %broadcast_in_dim3A_773 = vector.shape_cast %reduce_sum3A_772 : vector<200xf32> to vector<200x1xf32>
    %max3A_774 = arith.constant 1.000000e-16 : f32
    %max3A_775 = vector.broadcast %max3A_774 : f32 to vector<200x1xf32>
    %max3A_776 = arith.maximumf %broadcast_in_dim3A_773, %max3A_775 : vector<200x1xf32>
    %rsqrt3A_777 = math.rsqrt %max3A_776 : vector<200x1xf32>
    %mul3A_778 = arith.constant 5.000000e-01 : f32
    %mul3A_779 = vector.broadcast %mul3A_778 : f32 to vector<200x1xf32>
    %mul3A_780 = arith.mulf %mul3A_779, %max3A_776 : vector<200x1xf32>
    %mul3A_781 = arith.mulf %mul3A_780, %rsqrt3A_777 : vector<200x1xf32>
    %mul3A_782 = arith.mulf %mul3A_781, %rsqrt3A_777 : vector<200x1xf32>
    %sub3A_783 = arith.constant 1.500000e+00 : f32
    %sub3A_784 = vector.broadcast %sub3A_783 : f32 to vector<200x1xf32>
    %sub3A_785 = arith.subf %sub3A_784, %mul3A_782 : vector<200x1xf32>
    %mul3A_786 = arith.mulf %rsqrt3A_777, %sub3A_785 : vector<200x1xf32>
    %mul3A_787 = vector.broadcast %mul3A_786 : vector<200x1xf32> to vector<200x20xf32>
    %mul3A_788 = arith.mulf %dot_general3A_760, %mul3A_787 : vector<200x20xf32>
    %max3A_789 = arith.constant 1.000000e-16 : f32
    %max3A_790 = vector.broadcast %max3A_789 : f32 to vector<1x20xf32>
    %max3A_791 = arith.maximumf %add3A_769, %max3A_790 : vector<1x20xf32>
    %rsqrt3A_792 = math.rsqrt %max3A_791 : vector<1x20xf32>
    %mul3A_793 = arith.constant 5.000000e-01 : f32
    %mul3A_794 = vector.broadcast %mul3A_793 : f32 to vector<1x20xf32>
    %mul3A_795 = arith.mulf %mul3A_794, %max3A_791 : vector<1x20xf32>
    %mul3A_796 = arith.mulf %mul3A_795, %rsqrt3A_792 : vector<1x20xf32>
    %mul3A_797 = arith.mulf %mul3A_796, %rsqrt3A_792 : vector<1x20xf32>
    %sub3A_798 = arith.constant 1.500000e+00 : f32
    %sub3A_799 = vector.broadcast %sub3A_798 : f32 to vector<1x20xf32>
    %sub3A_800 = arith.subf %sub3A_799, %mul3A_797 : vector<1x20xf32>
    %mul3A_801 = arith.mulf %rsqrt3A_792, %sub3A_800 : vector<1x20xf32>
    %mul3A_802 = vector.broadcast %mul3A_801 : vector<1x20xf32> to vector<200x20xf32>
    %mul3A_803 = arith.mulf %mul3A_788, %mul3A_802 : vector<200x20xf32>
    %add3A_804 = arith.constant 1.000000e+00 : f32
    %add3A_805 = vector.broadcast %add3A_804 : f32 to vector<200x20xf32>
    %add3A_806 = arith.addf %mul3A_803, %add3A_805 : vector<200x20xf32>
    %swap3A_807 = arith.constant 0 : index
    %swap3A_808 = arith.constant 240 : index
    %swap3A_809 = vector.load %arg13[%swap3A_807, %swap3A_808] : memref<200x640xf32, #tpu.memory_space<vmem>>, vector<200x20xf32>
    tpu.vector_store %arg13[%swap3A_807, %swap3A_808], %add3A_806 {strides = array<i32>} : memref<200x640xf32, #tpu.memory_space<vmem>>, vector<200x20xf32>,
    %get3A_810 = arith.constant 13 : index
    %get3A_811 = arith.constant 0 : index
    %get3A_812 = arith.constant 0 : index
    %get3A_813 = vector.load %arg1[%get3A_810, %get3A_811, %get3A_812] : memref<32x20x128xf32, #tpu.memory_space<vmem>>, vector<1x20x128xf32>
    %get3A_814 = vector.shape_cast %get3A_813 : vector<1x20x128xf32> to vector<20x128xf32>
    %get3A_815 = arith.constant 13 : index
    %get3A_816 = arith.constant 0 : index
    %get3A_817 = arith.constant 0 : index
    %get3A_818 = vector.load %arg2[%get3A_815, %get3A_816, %get3A_817] : memref<32x200x128xf32, #tpu.memory_space<vmem>>, vector<1x200x128xf32>
    %get3A_819 = vector.shape_cast %get3A_818 : vector<1x200x128xf32> to vector<200x128xf32>
    %convert_element_type3A_820 = arith.truncf %get3A_819 : vector<200x128xf32> to vector<200x128xbf16>
    %convert_element_type3A_821 = arith.truncf %get3A_814 : vector<20x128xf32> to vector<20x128xbf16>
    %dot_general3A_822 = arith.constant dense<0.000000e+00> : vector<200x20xf32>
    %dot_general3A_823 = tpu.matmul %convert_element_type3A_820, %convert_element_type3A_821, %dot_general3A_822 {dimension_numbers = #tpu.dot_dimension_numbers<[1], [1], [0], [0], [0, 0, 1, 0], [], []>, transpose_lhs_hint = false} : vector<200x128xbf16>, vector<20x128xbf16>, vector<200x20xf32> -> vector<200x20xf32>
    %mul3A_824 = arith.mulf %get3A_814, %get3A_814 : vector<20x128xf32>
    %convert_element_type3A_825 = arith.truncf %mul3A_824 : vector<20x128xf32> to vector<20x128xbf16>
    %convert_element_type3A_826 = arith.extf %convert_element_type3A_825 : vector<20x128xbf16> to vector<20x128xf32>
    %sub3A_827 = arith.subf %mul3A_824, %convert_element_type3A_826 : vector<20x128xf32>
    %dot_general3A_828 = arith.constant dense<0.000000e+00> : vector<1x20xf32>
    %dot_general3A_829 = tpu.matmul %broadcast_in_dim3A_0, %convert_element_type3A_826, %dot_general3A_828 {dimension_numbers = #tpu.dot_dimension_numbers<[1], [1], [0], [0], [0, 0, 1, 0], [], []>, transpose_lhs_hint = false} : vector<1x128xf32>, vector<20x128xf32>, vector<1x20xf32> -> vector<1x20xf32>
    %dot_general3A_830 = arith.constant dense<0.000000e+00> : vector<1x20xf32>
    %dot_general3A_831 = tpu.matmul %broadcast_in_dim3A_0, %sub3A_827, %dot_general3A_830 {dimension_numbers = #tpu.dot_dimension_numbers<[1], [1], [0], [0], [0, 0, 1, 0], [], []>, transpose_lhs_hint = false} : vector<1x128xf32>, vector<20x128xf32>, vector<1x20xf32> -> vector<1x20xf32>
    %add3A_832 = arith.addf %dot_general3A_829, %dot_general3A_831 : vector<1x20xf32>
    %mul3A_833 = arith.mulf %get3A_819, %get3A_819 : vector<200x128xf32>
    %reduce_sum3A_834 = arith.constant dense<0.000000e+00> : vector<200xf32>
    %reduce_sum3A_835 = vector.multi_reduction <add>, %mul3A_833, %reduce_sum3A_834 [1] : vector<200x128xf32> to vector<200xf32>
    %broadcast_in_dim3A_836 = vector.shape_cast %reduce_sum3A_835 : vector<200xf32> to vector<200x1xf32>
    %max3A_837 = arith.constant 1.000000e-16 : f32
    %max3A_838 = vector.broadcast %max3A_837 : f32 to vector<200x1xf32>
    %max3A_839 = arith.maximumf %broadcast_in_dim3A_836, %max3A_838 : vector<200x1xf32>
    %rsqrt3A_840 = math.rsqrt %max3A_839 : vector<200x1xf32>
    %mul3A_841 = arith.constant 5.000000e-01 : f32
    %mul3A_842 = vector.broadcast %mul3A_841 : f32 to vector<200x1xf32>
    %mul3A_843 = arith.mulf %mul3A_842, %max3A_839 : vector<200x1xf32>
    %mul3A_844 = arith.mulf %mul3A_843, %rsqrt3A_840 : vector<200x1xf32>
    %mul3A_845 = arith.mulf %mul3A_844, %rsqrt3A_840 : vector<200x1xf32>
    %sub3A_846 = arith.constant 1.500000e+00 : f32
    %sub3A_847 = vector.broadcast %sub3A_846 : f32 to vector<200x1xf32>
    %sub3A_848 = arith.subf %sub3A_847, %mul3A_845 : vector<200x1xf32>
    %mul3A_849 = arith.mulf %rsqrt3A_840, %sub3A_848 : vector<200x1xf32>
    %mul3A_850 = vector.broadcast %mul3A_849 : vector<200x1xf32> to vector<200x20xf32>
    %mul3A_851 = arith.mulf %dot_general3A_823, %mul3A_850 : vector<200x20xf32>
    %max3A_852 = arith.constant 1.000000e-16 : f32
    %max3A_853 = vector.broadcast %max3A_852 : f32 to vector<1x20xf32>
    %max3A_854 = arith.maximumf %add3A_832, %max3A_853 : vector<1x20xf32>
    %rsqrt3A_855 = math.rsqrt %max3A_854 : vector<1x20xf32>
    %mul3A_856 = arith.constant 5.000000e-01 : f32
    %mul3A_857 = vector.broadcast %mul3A_856 : f32 to vector<1x20xf32>
    %mul3A_858 = arith.mulf %mul3A_857, %max3A_854 : vector<1x20xf32>
    %mul3A_859 = arith.mulf %mul3A_858, %rsqrt3A_855 : vector<1x20xf32>
    %mul3A_860 = arith.mulf %mul3A_859, %rsqrt3A_855 : vector<1x20xf32>
    %sub3A_861 = arith.constant 1.500000e+00 : f32
    %sub3A_862 = vector.broadcast %sub3A_861 : f32 to vector<1x20xf32>
    %sub3A_863 = arith.subf %sub3A_862, %mul3A_860 : vector<1x20xf32>
    %mul3A_864 = arith.mulf %rsqrt3A_855, %sub3A_863 : vector<1x20xf32>
    %mul3A_865 = vector.broadcast %mul3A_864 : vector<1x20xf32> to vector<200x20xf32>
    %mul3A_866 = arith.mulf %mul3A_851, %mul3A_865 : vector<200x20xf32>
    %add3A_867 = arith.constant 1.000000e+00 : f32
    %add3A_868 = vector.broadcast %add3A_867 : f32 to vector<200x20xf32>
    %add3A_869 = arith.addf %mul3A_866, %add3A_868 : vector<200x20xf32>
    %swap3A_870 = arith.constant 0 : index
    %swap3A_871 = arith.constant 260 : index
    %swap3A_872 = vector.load %arg13[%swap3A_870, %swap3A_871] : memref<200x640xf32, #tpu.memory_space<vmem>>, vector<200x20xf32>
    tpu.vector_store %arg13[%swap3A_870, %swap3A_871], %add3A_869 {strides = array<i32>} : memref<200x640xf32, #tpu.memory_space<vmem>>, vector<200x20xf32>,
    %get3A_873 = arith.constant 14 : index
    %get3A_874 = arith.constant 0 : index
    %get3A_875 = arith.constant 0 : index
    %get3A_876 = vector.load %arg1[%get3A_873, %get3A_874, %get3A_875] : memref<32x20x128xf32, #tpu.memory_space<vmem>>, vector<1x20x128xf32>
    %get3A_877 = vector.shape_cast %get3A_876 : vector<1x20x128xf32> to vector<20x128xf32>
    %get3A_878 = arith.constant 14 : index
    %get3A_879 = arith.constant 0 : index
    %get3A_880 = arith.constant 0 : index
    %get3A_881 = vector.load %arg2[%get3A_878, %get3A_879, %get3A_880] : memref<32x200x128xf32, #tpu.memory_space<vmem>>, vector<1x200x128xf32>
    %get3A_882 = vector.shape_cast %get3A_881 : vector<1x200x128xf32> to vector<200x128xf32>
    %convert_element_type3A_883 = arith.truncf %get3A_882 : vector<200x128xf32> to vector<200x128xbf16>
    %convert_element_type3A_884 = arith.truncf %get3A_877 : vector<20x128xf32> to vector<20x128xbf16>
    %dot_general3A_885 = arith.constant dense<0.000000e+00> : vector<200x20xf32>
    %dot_general3A_886 = tpu.matmul %convert_element_type3A_883, %convert_element_type3A_884, %dot_general3A_885 {dimension_numbers = #tpu.dot_dimension_numbers<[1], [1], [0], [0], [0, 0, 1, 0], [], []>, transpose_lhs_hint = false} : vector<200x128xbf16>, vector<20x128xbf16>, vector<200x20xf32> -> vector<200x20xf32>
    %mul3A_887 = arith.mulf %get3A_877, %get3A_877 : vector<20x128xf32>
    %convert_element_type3A_888 = arith.truncf %mul3A_887 : vector<20x128xf32> to vector<20x128xbf16>
    %convert_element_type3A_889 = arith.extf %convert_element_type3A_888 : vector<20x128xbf16> to vector<20x128xf32>
    %sub3A_890 = arith.subf %mul3A_887, %convert_element_type3A_889 : vector<20x128xf32>
    %dot_general3A_891 = arith.constant dense<0.000000e+00> : vector<1x20xf32>
    %dot_general3A_892 = tpu.matmul %broadcast_in_dim3A_0, %convert_element_type3A_889, %dot_general3A_891 {dimension_numbers = #tpu.dot_dimension_numbers<[1], [1], [0], [0], [0, 0, 1, 0], [], []>, transpose_lhs_hint = false} : vector<1x128xf32>, vector<20x128xf32>, vector<1x20xf32> -> vector<1x20xf32>
    %dot_general3A_893 = arith.constant dense<0.000000e+00> : vector<1x20xf32>
    %dot_general3A_894 = tpu.matmul %broadcast_in_dim3A_0, %sub3A_890, %dot_general3A_893 {dimension_numbers = #tpu.dot_dimension_numbers<[1], [1], [0], [0], [0, 0, 1, 0], [], []>, transpose_lhs_hint = false} : vector<1x128xf32>, vector<20x128xf32>, vector<1x20xf32> -> vector<1x20xf32>
    %add3A_895 = arith.addf %dot_general3A_892, %dot_general3A_894 : vector<1x20xf32>
    %mul3A_896 = arith.mulf %get3A_882, %get3A_882 : vector<200x128xf32>
    %reduce_sum3A_897 = arith.constant dense<0.000000e+00> : vector<200xf32>
    %reduce_sum3A_898 = vector.multi_reduction <add>, %mul3A_896, %reduce_sum3A_897 [1] : vector<200x128xf32> to vector<200xf32>
    %broadcast_in_dim3A_899 = vector.shape_cast %reduce_sum3A_898 : vector<200xf32> to vector<200x1xf32>
    %max3A_900 = arith.constant 1.000000e-16 : f32
    %max3A_901 = vector.broadcast %max3A_900 : f32 to vector<200x1xf32>
    %max3A_902 = arith.maximumf %broadcast_in_dim3A_899, %max3A_901 : vector<200x1xf32>
    %rsqrt3A_903 = math.rsqrt %max3A_902 : vector<200x1xf32>
    %mul3A_904 = arith.constant 5.000000e-01 : f32
    %mul3A_905 = vector.broadcast %mul3A_904 : f32 to vector<200x1xf32>
    %mul3A_906 = arith.mulf %mul3A_905, %max3A_902 : vector<200x1xf32>
    %mul3A_907 = arith.mulf %mul3A_906, %rsqrt3A_903 : vector<200x1xf32>
    %mul3A_908 = arith.mulf %mul3A_907, %rsqrt3A_903 : vector<200x1xf32>
    %sub3A_909 = arith.constant 1.500000e+00 : f32
    %sub3A_910 = vector.broadcast %sub3A_909 : f32 to vector<200x1xf32>
    %sub3A_911 = arith.subf %sub3A_910, %mul3A_908 : vector<200x1xf32>
    %mul3A_912 = arith.mulf %rsqrt3A_903, %sub3A_911 : vector<200x1xf32>
    %mul3A_913 = vector.broadcast %mul3A_912 : vector<200x1xf32> to vector<200x20xf32>
    %mul3A_914 = arith.mulf %dot_general3A_886, %mul3A_913 : vector<200x20xf32>
    %max3A_915 = arith.constant 1.000000e-16 : f32
    %max3A_916 = vector.broadcast %max3A_915 : f32 to vector<1x20xf32>
    %max3A_917 = arith.maximumf %add3A_895, %max3A_916 : vector<1x20xf32>
    %rsqrt3A_918 = math.rsqrt %max3A_917 : vector<1x20xf32>
    %mul3A_919 = arith.constant 5.000000e-01 : f32
    %mul3A_920 = vector.broadcast %mul3A_919 : f32 to vector<1x20xf32>
    %mul3A_921 = arith.mulf %mul3A_920, %max3A_917 : vector<1x20xf32>
    %mul3A_922 = arith.mulf %mul3A_921, %rsqrt3A_918 : vector<1x20xf32>
    %mul3A_923 = arith.mulf %mul3A_922, %rsqrt3A_918 : vector<1x20xf32>
    %sub3A_924 = arith.constant 1.500000e+00 : f32
    %sub3A_925 = vector.broadcast %sub3A_924 : f32 to vector<1x20xf32>
    %sub3A_926 = arith.subf %sub3A_925, %mul3A_923 : vector<1x20xf32>
    %mul3A_927 = arith.mulf %rsqrt3A_918, %sub3A_926 : vector<1x20xf32>
    %mul3A_928 = vector.broadcast %mul3A_927 : vector<1x20xf32> to vector<200x20xf32>
    %mul3A_929 = arith.mulf %mul3A_914, %mul3A_928 : vector<200x20xf32>
    %add3A_930 = arith.constant 1.000000e+00 : f32
    %add3A_931 = vector.broadcast %add3A_930 : f32 to vector<200x20xf32>
    %add3A_932 = arith.addf %mul3A_929, %add3A_931 : vector<200x20xf32>
    %swap3A_933 = arith.constant 0 : index
    %swap3A_934 = arith.constant 280 : index
    %swap3A_935 = vector.load %arg13[%swap3A_933, %swap3A_934] : memref<200x640xf32, #tpu.memory_space<vmem>>, vector<200x20xf32>
    tpu.vector_store %arg13[%swap3A_933, %swap3A_934], %add3A_932 {strides = array<i32>} : memref<200x640xf32, #tpu.memory_space<vmem>>, vector<200x20xf32>,
    %get3A_936 = arith.constant 15 : index
    %get3A_937 = arith.constant 0 : index
    %get3A_938 = arith.constant 0 : index
    %get3A_939 = vector.load %arg1[%get3A_936, %get3A_937, %get3A_938] : memref<32x20x128xf32, #tpu.memory_space<vmem>>, vector<1x20x128xf32>
    %get3A_940 = vector.shape_cast %get3A_939 : vector<1x20x128xf32> to vector<20x128xf32>
    %get3A_941 = arith.constant 15 : index
    %get3A_942 = arith.constant 0 : index
    %get3A_943 = arith.constant 0 : index
    %get3A_944 = vector.load %arg2[%get3A_941, %get3A_942, %get3A_943] : memref<32x200x128xf32, #tpu.memory_space<vmem>>, vector<1x200x128xf32>
    %get3A_945 = vector.shape_cast %get3A_944 : vector<1x200x128xf32> to vector<200x128xf32>
    %convert_element_type3A_946 = arith.truncf %get3A_945 : vector<200x128xf32> to vector<200x128xbf16>
    %convert_element_type3A_947 = arith.truncf %get3A_940 : vector<20x128xf32> to vector<20x128xbf16>
    %dot_general3A_948 = arith.constant dense<0.000000e+00> : vector<200x20xf32>
    %dot_general3A_949 = tpu.matmul %convert_element_type3A_946, %convert_element_type3A_947, %dot_general3A_948 {dimension_numbers = #tpu.dot_dimension_numbers<[1], [1], [0], [0], [0, 0, 1, 0], [], []>, transpose_lhs_hint = false} : vector<200x128xbf16>, vector<20x128xbf16>, vector<200x20xf32> -> vector<200x20xf32>
    %mul3A_950 = arith.mulf %get3A_940, %get3A_940 : vector<20x128xf32>
    %convert_element_type3A_951 = arith.truncf %mul3A_950 : vector<20x128xf32> to vector<20x128xbf16>
    %convert_element_type3A_952 = arith.extf %convert_element_type3A_951 : vector<20x128xbf16> to vector<20x128xf32>
    %sub3A_953 = arith.subf %mul3A_950, %convert_element_type3A_952 : vector<20x128xf32>
    %dot_general3A_954 = arith.constant dense<0.000000e+00> : vector<1x20xf32>
    %dot_general3A_955 = tpu.matmul %broadcast_in_dim3A_0, %convert_element_type3A_952, %dot_general3A_954 {dimension_numbers = #tpu.dot_dimension_numbers<[1], [1], [0], [0], [0, 0, 1, 0], [], []>, transpose_lhs_hint = false} : vector<1x128xf32>, vector<20x128xf32>, vector<1x20xf32> -> vector<1x20xf32>
    %dot_general3A_956 = arith.constant dense<0.000000e+00> : vector<1x20xf32>
    %dot_general3A_957 = tpu.matmul %broadcast_in_dim3A_0, %sub3A_953, %dot_general3A_956 {dimension_numbers = #tpu.dot_dimension_numbers<[1], [1], [0], [0], [0, 0, 1, 0], [], []>, transpose_lhs_hint = false} : vector<1x128xf32>, vector<20x128xf32>, vector<1x20xf32> -> vector<1x20xf32>
    %add3A_958 = arith.addf %dot_general3A_955, %dot_general3A_957 : vector<1x20xf32>
    %mul3A_959 = arith.mulf %get3A_945, %get3A_945 : vector<200x128xf32>
    %reduce_sum3A_960 = arith.constant dense<0.000000e+00> : vector<200xf32>
    %reduce_sum3A_961 = vector.multi_reduction <add>, %mul3A_959, %reduce_sum3A_960 [1] : vector<200x128xf32> to vector<200xf32>
    %broadcast_in_dim3A_962 = vector.shape_cast %reduce_sum3A_961 : vector<200xf32> to vector<200x1xf32>
    %max3A_963 = arith.constant 1.000000e-16 : f32
    %max3A_964 = vector.broadcast %max3A_963 : f32 to vector<200x1xf32>
    %max3A_965 = arith.maximumf %broadcast_in_dim3A_962, %max3A_964 : vector<200x1xf32>
    %rsqrt3A_966 = math.rsqrt %max3A_965 : vector<200x1xf32>
    %mul3A_967 = arith.constant 5.000000e-01 : f32
    %mul3A_968 = vector.broadcast %mul3A_967 : f32 to vector<200x1xf32>
    %mul3A_969 = arith.mulf %mul3A_968, %max3A_965 : vector<200x1xf32>
    %mul3A_970 = arith.mulf %mul3A_969, %rsqrt3A_966 : vector<200x1xf32>
    %mul3A_971 = arith.mulf %mul3A_970, %rsqrt3A_966 : vector<200x1xf32>
    %sub3A_972 = arith.constant 1.500000e+00 : f32
    %sub3A_973 = vector.broadcast %sub3A_972 : f32 to vector<200x1xf32>
    %sub3A_974 = arith.subf %sub3A_973, %mul3A_971 : vector<200x1xf32>
    %mul3A_975 = arith.mulf %rsqrt3A_966, %sub3A_974 : vector<200x1xf32>
    %mul3A_976 = vector.broadcast %mul3A_975 : vector<200x1xf32> to vector<200x20xf32>
    %mul3A_977 = arith.mulf %dot_general3A_949, %mul3A_976 : vector<200x20xf32>
    %max3A_978 = arith.constant 1.000000e-16 : f32
    %max3A_979 = vector.broadcast %max3A_978 : f32 to vector<1x20xf32>
    %max3A_980 = arith.maximumf %add3A_958, %max3A_979 : vector<1x20xf32>
    %rsqrt3A_981 = math.rsqrt %max3A_980 : vector<1x20xf32>
    %mul3A_982 = arith.constant 5.000000e-01 : f32
    %mul3A_983 = vector.broadcast %mul3A_982 : f32 to vector<1x20xf32>
    %mul3A_984 = arith.mulf %mul3A_983, %max3A_980 : vector<1x20xf32>
    %mul3A_985 = arith.mulf %mul3A_984, %rsqrt3A_981 : vector<1x20xf32>
    %mul3A_986 = arith.mulf %mul3A_985, %rsqrt3A_981 : vector<1x20xf32>
    %sub3A_987 = arith.constant 1.500000e+00 : f32
    %sub3A_988 = vector.broadcast %sub3A_987 : f32 to vector<1x20xf32>
    %sub3A_989 = arith.subf %sub3A_988, %mul3A_986 : vector<1x20xf32>
    %mul3A_990 = arith.mulf %rsqrt3A_981, %sub3A_989 : vector<1x20xf32>
    %mul3A_991 = vector.broadcast %mul3A_990 : vector<1x20xf32> to vector<200x20xf32>
    %mul3A_992 = arith.mulf %mul3A_977, %mul3A_991 : vector<200x20xf32>
    %add3A_993 = arith.constant 1.000000e+00 : f32
    %add3A_994 = vector.broadcast %add3A_993 : f32 to vector<200x20xf32>
    %add3A_995 = arith.addf %mul3A_992, %add3A_994 : vector<200x20xf32>
    %swap3A_996 = arith.constant 0 : index
    %swap3A_997 = arith.constant 300 : index
    %swap3A_998 = vector.load %arg13[%swap3A_996, %swap3A_997] : memref<200x640xf32, #tpu.memory_space<vmem>>, vector<200x20xf32>
    tpu.vector_store %arg13[%swap3A_996, %swap3A_997], %add3A_995 {strides = array<i32>} : memref<200x640xf32, #tpu.memory_space<vmem>>, vector<200x20xf32>,
    %get3A_999 = arith.constant 16 : index
    %get3A_1000 = arith.constant 0 : index
    %get3A_1001 = arith.constant 0 : index
    %get3A_1002 = vector.load %arg1[%get3A_999, %get3A_1000, %get3A_1001] : memref<32x20x128xf32, #tpu.memory_space<vmem>>, vector<1x20x128xf32>
    %get3A_1003 = vector.shape_cast %get3A_1002 : vector<1x20x128xf32> to vector<20x128xf32>
    %get3A_1004 = arith.constant 16 : index
    %get3A_1005 = arith.constant 0 : index
    %get3A_1006 = arith.constant 0 : index
    %get3A_1007 = vector.load %arg2[%get3A_1004, %get3A_1005, %get3A_1006] : memref<32x200x128xf32, #tpu.memory_space<vmem>>, vector<1x200x128xf32>
    %get3A_1008 = vector.shape_cast %get3A_1007 : vector<1x200x128xf32> to vector<200x128xf32>
    %convert_element_type3A_1009 = arith.truncf %get3A_1008 : vector<200x128xf32> to vector<200x128xbf16>
    %convert_element_type3A_1010 = arith.truncf %get3A_1003 : vector<20x128xf32> to vector<20x128xbf16>
    %dot_general3A_1011 = arith.constant dense<0.000000e+00> : vector<200x20xf32>
    %dot_general3A_1012 = tpu.matmul %convert_element_type3A_1009, %convert_element_type3A_1010, %dot_general3A_1011 {dimension_numbers = #tpu.dot_dimension_numbers<[1], [1], [0], [0], [0, 0, 1, 0], [], []>, transpose_lhs_hint = false} : vector<200x128xbf16>, vector<20x128xbf16>, vector<200x20xf32> -> vector<200x20xf32>
    %mul3A_1013 = arith.mulf %get3A_1003, %get3A_1003 : vector<20x128xf32>
    %convert_element_type3A_1014 = arith.truncf %mul3A_1013 : vector<20x128xf32> to vector<20x128xbf16>
    %convert_element_type3A_1015 = arith.extf %convert_element_type3A_1014 : vector<20x128xbf16> to vector<20x128xf32>
    %sub3A_1016 = arith.subf %mul3A_1013, %convert_element_type3A_1015 : vector<20x128xf32>
    %dot_general3A_1017 = arith.constant dense<0.000000e+00> : vector<1x20xf32>
    %dot_general3A_1018 = tpu.matmul %broadcast_in_dim3A_0, %convert_element_type3A_1015, %dot_general3A_1017 {dimension_numbers = #tpu.dot_dimension_numbers<[1], [1], [0], [0], [0, 0, 1, 0], [], []>, transpose_lhs_hint = false} : vector<1x128xf32>, vector<20x128xf32>, vector<1x20xf32> -> vector<1x20xf32>
    %dot_general3A_1019 = arith.constant dense<0.000000e+00> : vector<1x20xf32>
    %dot_general3A_1020 = tpu.matmul %broadcast_in_dim3A_0, %sub3A_1016, %dot_general3A_1019 {dimension_numbers = #tpu.dot_dimension_numbers<[1], [1], [0], [0], [0, 0, 1, 0], [], []>, transpose_lhs_hint = false} : vector<1x128xf32>, vector<20x128xf32>, vector<1x20xf32> -> vector<1x20xf32>
    %add3A_1021 = arith.addf %dot_general3A_1018, %dot_general3A_1020 : vector<1x20xf32>
    %mul3A_1022 = arith.mulf %get3A_1008, %get3A_1008 : vector<200x128xf32>
    %reduce_sum3A_1023 = arith.constant dense<0.000000e+00> : vector<200xf32>
    %reduce_sum3A_1024 = vector.multi_reduction <add>, %mul3A_1022, %reduce_sum3A_1023 [1] : vector<200x128xf32> to vector<200xf32>
    %broadcast_in_dim3A_1025 = vector.shape_cast %reduce_sum3A_1024 : vector<200xf32> to vector<200x1xf32>
    %max3A_1026 = arith.constant 1.000000e-16 : f32
    %max3A_1027 = vector.broadcast %max3A_1026 : f32 to vector<200x1xf32>
    %max3A_1028 = arith.maximumf %broadcast_in_dim3A_1025, %max3A_1027 : vector<200x1xf32>
    %rsqrt3A_1029 = math.rsqrt %max3A_1028 : vector<200x1xf32>
    %mul3A_1030 = arith.constant 5.000000e-01 : f32
    %mul3A_1031 = vector.broadcast %mul3A_1030 : f32 to vector<200x1xf32>
    %mul3A_1032 = arith.mulf %mul3A_1031, %max3A_1028 : vector<200x1xf32>
    %mul3A_1033 = arith.mulf %mul3A_1032, %rsqrt3A_1029 : vector<200x1xf32>
    %mul3A_1034 = arith.mulf %mul3A_1033, %rsqrt3A_1029 : vector<200x1xf32>
    %sub3A_1035 = arith.constant 1.500000e+00 : f32
    %sub3A_1036 = vector.broadcast %sub3A_1035 : f32 to vector<200x1xf32>
    %sub3A_1037 = arith.subf %sub3A_1036, %mul3A_1034 : vector<200x1xf32>
    %mul3A_1038 = arith.mulf %rsqrt3A_1029, %sub3A_1037 : vector<200x1xf32>
    %mul3A_1039 = vector.broadcast %mul3A_1038 : vector<200x1xf32> to vector<200x20xf32>
    %mul3A_1040 = arith.mulf %dot_general3A_1012, %mul3A_1039 : vector<200x20xf32>
    %max3A_1041 = arith.constant 1.000000e-16 : f32
    %max3A_1042 = vector.broadcast %max3A_1041 : f32 to vector<1x20xf32>
    %max3A_1043 = arith.maximumf %add3A_1021, %max3A_1042 : vector<1x20xf32>
    %rsqrt3A_1044 = math.rsqrt %max3A_1043 : vector<1x20xf32>
    %mul3A_1045 = arith.constant 5.000000e-01 : f32
    %mul3A_1046 = vector.broadcast %mul3A_1045 : f32 to vector<1x20xf32>
    %mul3A_1047 = arith.mulf %mul3A_1046, %max3A_1043 : vector<1x20xf32>
    %mul3A_1048 = arith.mulf %mul3A_1047, %rsqrt3A_1044 : vector<1x20xf32>
    %mul3A_1049 = arith.mulf %mul3A_1048, %rsqrt3A_1044 : vector<1x20xf32>
    %sub3A_1050 = arith.constant 1.500000e+00 : f32
    %sub3A_1051 = vector.broadcast %sub3A_1050 : f32 to vector<1x20xf32>
    %sub3A_1052 = arith.subf %sub3A_1051, %mul3A_1049 : vector<1x20xf32>
    %mul3A_1053 = arith.mulf %rsqrt3A_1044, %sub3A_1052 : vector<1x20xf32>
    %mul3A_1054 = vector.broadcast %mul3A_1053 : vector<1x20xf32> to vector<200x20xf32>
    %mul3A_1055 = arith.mulf %mul3A_1040, %mul3A_1054 : vector<200x20xf32>
    %add3A_1056 = arith.constant 1.000000e+00 : f32
    %add3A_1057 = vector.broadcast %add3A_1056 : f32 to vector<200x20xf32>
    %add3A_1058 = arith.addf %mul3A_1055, %add3A_1057 : vector<200x20xf32>
    %swap3A_1059 = arith.constant 0 : index
    %swap3A_1060 = arith.constant 320 : index
    %swap3A_1061 = vector.load %arg13[%swap3A_1059, %swap3A_1060] : memref<200x640xf32, #tpu.memory_space<vmem>>, vector<200x20xf32>
    tpu.vector_store %arg13[%swap3A_1059, %swap3A_1060], %add3A_1058 {strides = array<i32>} : memref<200x640xf32, #tpu.memory_space<vmem>>, vector<200x20xf32>,
    %get3A_1062 = arith.constant 17 : index
    %get3A_1063 = arith.constant 0 : index
    %get3A_1064 = arith.constant 0 : index
    %get3A_1065 = vector.load %arg1[%get3A_1062, %get3A_1063, %get3A_1064] : memref<32x20x128xf32, #tpu.memory_space<vmem>>, vector<1x20x128xf32>
    %get3A_1066 = vector.shape_cast %get3A_1065 : vector<1x20x128xf32> to vector<20x128xf32>
    %get3A_1067 = arith.constant 17 : index
    %get3A_1068 = arith.constant 0 : index
    %get3A_1069 = arith.constant 0 : index
    %get3A_1070 = vector.load %arg2[%get3A_1067, %get3A_1068, %get3A_1069] : memref<32x200x128xf32, #tpu.memory_space<vmem>>, vector<1x200x128xf32>
    %get3A_1071 = vector.shape_cast %get3A_1070 : vector<1x200x128xf32> to vector<200x128xf32>
    %convert_element_type3A_1072 = arith.truncf %get3A_1071 : vector<200x128xf32> to vector<200x128xbf16>
    %convert_element_type3A_1073 = arith.truncf %get3A_1066 : vector<20x128xf32> to vector<20x128xbf16>
    %dot_general3A_1074 = arith.constant dense<0.000000e+00> : vector<200x20xf32>
    %dot_general3A_1075 = tpu.matmul %convert_element_type3A_1072, %convert_element_type3A_1073, %dot_general3A_1074 {dimension_numbers = #tpu.dot_dimension_numbers<[1], [1], [0], [0], [0, 0, 1, 0], [], []>, transpose_lhs_hint = false} : vector<200x128xbf16>, vector<20x128xbf16>, vector<200x20xf32> -> vector<200x20xf32>
    %mul3A_1076 = arith.mulf %get3A_1066, %get3A_1066 : vector<20x128xf32>
    %convert_element_type3A_1077 = arith.truncf %mul3A_1076 : vector<20x128xf32> to vector<20x128xbf16>
    %convert_element_type3A_1078 = arith.extf %convert_element_type3A_1077 : vector<20x128xbf16> to vector<20x128xf32>
    %sub3A_1079 = arith.subf %mul3A_1076, %convert_element_type3A_1078 : vector<20x128xf32>
    %dot_general3A_1080 = arith.constant dense<0.000000e+00> : vector<1x20xf32>
    %dot_general3A_1081 = tpu.matmul %broadcast_in_dim3A_0, %convert_element_type3A_1078, %dot_general3A_1080 {dimension_numbers = #tpu.dot_dimension_numbers<[1], [1], [0], [0], [0, 0, 1, 0], [], []>, transpose_lhs_hint = false} : vector<1x128xf32>, vector<20x128xf32>, vector<1x20xf32> -> vector<1x20xf32>
    %dot_general3A_1082 = arith.constant dense<0.000000e+00> : vector<1x20xf32>
    %dot_general3A_1083 = tpu.matmul %broadcast_in_dim3A_0, %sub3A_1079, %dot_general3A_1082 {dimension_numbers = #tpu.dot_dimension_numbers<[1], [1], [0], [0], [0, 0, 1, 0], [], []>, transpose_lhs_hint = false} : vector<1x128xf32>, vector<20x128xf32>, vector<1x20xf32> -> vector<1x20xf32>
    %add3A_1084 = arith.addf %dot_general3A_1081, %dot_general3A_1083 : vector<1x20xf32>
    %mul3A_1085 = arith.mulf %get3A_1071, %get3A_1071 : vector<200x128xf32>
    %reduce_sum3A_1086 = arith.constant dense<0.000000e+00> : vector<200xf32>
    %reduce_sum3A_1087 = vector.multi_reduction <add>, %mul3A_1085, %reduce_sum3A_1086 [1] : vector<200x128xf32> to vector<200xf32>
    %broadcast_in_dim3A_1088 = vector.shape_cast %reduce_sum3A_1087 : vector<200xf32> to vector<200x1xf32>
    %max3A_1089 = arith.constant 1.000000e-16 : f32
    %max3A_1090 = vector.broadcast %max3A_1089 : f32 to vector<200x1xf32>
    %max3A_1091 = arith.maximumf %broadcast_in_dim3A_1088, %max3A_1090 : vector<200x1xf32>
    %rsqrt3A_1092 = math.rsqrt %max3A_1091 : vector<200x1xf32>
    %mul3A_1093 = arith.constant 5.000000e-01 : f32
    %mul3A_1094 = vector.broadcast %mul3A_1093 : f32 to vector<200x1xf32>
    %mul3A_1095 = arith.mulf %mul3A_1094, %max3A_1091 : vector<200x1xf32>
    %mul3A_1096 = arith.mulf %mul3A_1095, %rsqrt3A_1092 : vector<200x1xf32>
    %mul3A_1097 = arith.mulf %mul3A_1096, %rsqrt3A_1092 : vector<200x1xf32>
    %sub3A_1098 = arith.constant 1.500000e+00 : f32
    %sub3A_1099 = vector.broadcast %sub3A_1098 : f32 to vector<200x1xf32>
    %sub3A_1100 = arith.subf %sub3A_1099, %mul3A_1097 : vector<200x1xf32>
    %mul3A_1101 = arith.mulf %rsqrt3A_1092, %sub3A_1100 : vector<200x1xf32>
    %mul3A_1102 = vector.broadcast %mul3A_1101 : vector<200x1xf32> to vector<200x20xf32>
    %mul3A_1103 = arith.mulf %dot_general3A_1075, %mul3A_1102 : vector<200x20xf32>
    %max3A_1104 = arith.constant 1.000000e-16 : f32
    %max3A_1105 = vector.broadcast %max3A_1104 : f32 to vector<1x20xf32>
    %max3A_1106 = arith.maximumf %add3A_1084, %max3A_1105 : vector<1x20xf32>
    %rsqrt3A_1107 = math.rsqrt %max3A_1106 : vector<1x20xf32>
    %mul3A_1108 = arith.constant 5.000000e-01 : f32
    %mul3A_1109 = vector.broadcast %mul3A_1108 : f32 to vector<1x20xf32>
    %mul3A_1110 = arith.mulf %mul3A_1109, %max3A_1106 : vector<1x20xf32>
    %mul3A_1111 = arith.mulf %mul3A_1110, %rsqrt3A_1107 : vector<1x20xf32>
    %mul3A_1112 = arith.mulf %mul3A_1111, %rsqrt3A_1107 : vector<1x20xf32>
    %sub3A_1113 = arith.constant 1.500000e+00 : f32
    %sub3A_1114 = vector.broadcast %sub3A_1113 : f32 to vector<1x20xf32>
    %sub3A_1115 = arith.subf %sub3A_1114, %mul3A_1112 : vector<1x20xf32>
    %mul3A_1116 = arith.mulf %rsqrt3A_1107, %sub3A_1115 : vector<1x20xf32>
    %mul3A_1117 = vector.broadcast %mul3A_1116 : vector<1x20xf32> to vector<200x20xf32>
    %mul3A_1118 = arith.mulf %mul3A_1103, %mul3A_1117 : vector<200x20xf32>
    %add3A_1119 = arith.constant 1.000000e+00 : f32
    %add3A_1120 = vector.broadcast %add3A_1119 : f32 to vector<200x20xf32>
    %add3A_1121 = arith.addf %mul3A_1118, %add3A_1120 : vector<200x20xf32>
    %swap3A_1122 = arith.constant 0 : index
    %swap3A_1123 = arith.constant 340 : index
    %swap3A_1124 = vector.load %arg13[%swap3A_1122, %swap3A_1123] : memref<200x640xf32, #tpu.memory_space<vmem>>, vector<200x20xf32>
    tpu.vector_store %arg13[%swap3A_1122, %swap3A_1123], %add3A_1121 {strides = array<i32>} : memref<200x640xf32, #tpu.memory_space<vmem>>, vector<200x20xf32>,
    %get3A_1125 = arith.constant 18 : index
    %get3A_1126 = arith.constant 0 : index
    %get3A_1127 = arith.constant 0 : index
    %get3A_1128 = vector.load %arg1[%get3A_1125, %get3A_1126, %get3A_1127] : memref<32x20x128xf32, #tpu.memory_space<vmem>>, vector<1x20x128xf32>
    %get3A_1129 = vector.shape_cast %get3A_1128 : vector<1x20x128xf32> to vector<20x128xf32>
    %get3A_1130 = arith.constant 18 : index
    %get3A_1131 = arith.constant 0 : index
    %get3A_1132 = arith.constant 0 : index
    %get3A_1133 = vector.load %arg2[%get3A_1130, %get3A_1131, %get3A_1132] : memref<32x200x128xf32, #tpu.memory_space<vmem>>, vector<1x200x128xf32>
    %get3A_1134 = vector.shape_cast %get3A_1133 : vector<1x200x128xf32> to vector<200x128xf32>
    %convert_element_type3A_1135 = arith.truncf %get3A_1134 : vector<200x128xf32> to vector<200x128xbf16>
    %convert_element_type3A_1136 = arith.truncf %get3A_1129 : vector<20x128xf32> to vector<20x128xbf16>
    %dot_general3A_1137 = arith.constant dense<0.000000e+00> : vector<200x20xf32>
    %dot_general3A_1138 = tpu.matmul %convert_element_type3A_1135, %convert_element_type3A_1136, %dot_general3A_1137 {dimension_numbers = #tpu.dot_dimension_numbers<[1], [1], [0], [0], [0, 0, 1, 0], [], []>, transpose_lhs_hint = false} : vector<200x128xbf16>, vector<20x128xbf16>, vector<200x20xf32> -> vector<200x20xf32>
    %mul3A_1139 = arith.mulf %get3A_1129, %get3A_1129 : vector<20x128xf32>
    %convert_element_type3A_1140 = arith.truncf %mul3A_1139 : vector<20x128xf32> to vector<20x128xbf16>
    %convert_element_type3A_1141 = arith.extf %convert_element_type3A_1140 : vector<20x128xbf16> to vector<20x128xf32>
    %sub3A_1142 = arith.subf %mul3A_1139, %convert_element_type3A_1141 : vector<20x128xf32>
    %dot_general3A_1143 = arith.constant dense<0.000000e+00> : vector<1x20xf32>
    %dot_general3A_1144 = tpu.matmul %broadcast_in_dim3A_0, %convert_element_type3A_1141, %dot_general3A_1143 {dimension_numbers = #tpu.dot_dimension_numbers<[1], [1], [0], [0], [0, 0, 1, 0], [], []>, transpose_lhs_hint = false} : vector<1x128xf32>, vector<20x128xf32>, vector<1x20xf32> -> vector<1x20xf32>
    %dot_general3A_1145 = arith.constant dense<0.000000e+00> : vector<1x20xf32>
    %dot_general3A_1146 = tpu.matmul %broadcast_in_dim3A_0, %sub3A_1142, %dot_general3A_1145 {dimension_numbers = #tpu.dot_dimension_numbers<[1], [1], [0], [0], [0, 0, 1, 0], [], []>, transpose_lhs_hint = false} : vector<1x128xf32>, vector<20x128xf32>, vector<1x20xf32> -> vector<1x20xf32>
    %add3A_1147 = arith.addf %dot_general3A_1144, %dot_general3A_1146 : vector<1x20xf32>
    %mul3A_1148 = arith.mulf %get3A_1134, %get3A_1134 : vector<200x128xf32>
    %reduce_sum3A_1149 = arith.constant dense<0.000000e+00> : vector<200xf32>
    %reduce_sum3A_1150 = vector.multi_reduction <add>, %mul3A_1148, %reduce_sum3A_1149 [1] : vector<200x128xf32> to vector<200xf32>
    %broadcast_in_dim3A_1151 = vector.shape_cast %reduce_sum3A_1150 : vector<200xf32> to vector<200x1xf32>
    %max3A_1152 = arith.constant 1.000000e-16 : f32
    %max3A_1153 = vector.broadcast %max3A_1152 : f32 to vector<200x1xf32>
    %max3A_1154 = arith.maximumf %broadcast_in_dim3A_1151, %max3A_1153 : vector<200x1xf32>
    %rsqrt3A_1155 = math.rsqrt %max3A_1154 : vector<200x1xf32>
    %mul3A_1156 = arith.constant 5.000000e-01 : f32
    %mul3A_1157 = vector.broadcast %mul3A_1156 : f32 to vector<200x1xf32>
    %mul3A_1158 = arith.mulf %mul3A_1157, %max3A_1154 : vector<200x1xf32>
    %mul3A_1159 = arith.mulf %mul3A_1158, %rsqrt3A_1155 : vector<200x1xf32>
    %mul3A_1160 = arith.mulf %mul3A_1159, %rsqrt3A_1155 : vector<200x1xf32>
    %sub3A_1161 = arith.constant 1.500000e+00 : f32
    %sub3A_1162 = vector.broadcast %sub3A_1161 : f32 to vector<200x1xf32>
    %sub3A_1163 = arith.subf %sub3A_1162, %mul3A_1160 : vector<200x1xf32>
    %mul3A_1164 = arith.mulf %rsqrt3A_1155, %sub3A_1163 : vector<200x1xf32>
    %mul3A_1165 = vector.broadcast %mul3A_1164 : vector<200x1xf32> to vector<200x20xf32>
    %mul3A_1166 = arith.mulf %dot_general3A_1138, %mul3A_1165 : vector<200x20xf32>
    %max3A_1167 = arith.constant 1.000000e-16 : f32
    %max3A_1168 = vector.broadcast %max3A_1167 : f32 to vector<1x20xf32>
    %max3A_1169 = arith.maximumf %add3A_1147, %max3A_1168 : vector<1x20xf32>
    %rsqrt3A_1170 = math.rsqrt %max3A_1169 : vector<1x20xf32>
    %mul3A_1171 = arith.constant 5.000000e-01 : f32
    %mul3A_1172 = vector.broadcast %mul3A_1171 : f32 to vector<1x20xf32>
    %mul3A_1173 = arith.mulf %mul3A_1172, %max3A_1169 : vector<1x20xf32>
    %mul3A_1174 = arith.mulf %mul3A_1173, %rsqrt3A_1170 : vector<1x20xf32>
    %mul3A_1175 = arith.mulf %mul3A_1174, %rsqrt3A_1170 : vector<1x20xf32>
    %sub3A_1176 = arith.constant 1.500000e+00 : f32
    %sub3A_1177 = vector.broadcast %sub3A_1176 : f32 to vector<1x20xf32>
    %sub3A_1178 = arith.subf %sub3A_1177, %mul3A_1175 : vector<1x20xf32>
    %mul3A_1179 = arith.mulf %rsqrt3A_1170, %sub3A_1178 : vector<1x20xf32>
    %mul3A_1180 = vector.broadcast %mul3A_1179 : vector<1x20xf32> to vector<200x20xf32>
    %mul3A_1181 = arith.mulf %mul3A_1166, %mul3A_1180 : vector<200x20xf32>
    %add3A_1182 = arith.constant 1.000000e+00 : f32
    %add3A_1183 = vector.broadcast %add3A_1182 : f32 to vector<200x20xf32>
    %add3A_1184 = arith.addf %mul3A_1181, %add3A_1183 : vector<200x20xf32>
    %swap3A_1185 = arith.constant 0 : index
    %swap3A_1186 = arith.constant 360 : index
    %swap3A_1187 = vector.load %arg13[%swap3A_1185, %swap3A_1186] : memref<200x640xf32, #tpu.memory_space<vmem>>, vector<200x20xf32>
    tpu.vector_store %arg13[%swap3A_1185, %swap3A_1186], %add3A_1184 {strides = array<i32>} : memref<200x640xf32, #tpu.memory_space<vmem>>, vector<200x20xf32>,
    %get3A_1188 = arith.constant 19 : index
    %get3A_1189 = arith.constant 0 : index
    %get3A_1190 = arith.constant 0 : index
    %get3A_1191 = vector.load %arg1[%get3A_1188, %get3A_1189, %get3A_1190] : memref<32x20x128xf32, #tpu.memory_space<vmem>>, vector<1x20x128xf32>
    %get3A_1192 = vector.shape_cast %get3A_1191 : vector<1x20x128xf32> to vector<20x128xf32>
    %get3A_1193 = arith.constant 19 : index
    %get3A_1194 = arith.constant 0 : index
    %get3A_1195 = arith.constant 0 : index
    %get3A_1196 = vector.load %arg2[%get3A_1193, %get3A_1194, %get3A_1195] : memref<32x200x128xf32, #tpu.memory_space<vmem>>, vector<1x200x128xf32>
    %get3A_1197 = vector.shape_cast %get3A_1196 : vector<1x200x128xf32> to vector<200x128xf32>
    %convert_element_type3A_1198 = arith.truncf %get3A_1197 : vector<200x128xf32> to vector<200x128xbf16>
    %convert_element_type3A_1199 = arith.truncf %get3A_1192 : vector<20x128xf32> to vector<20x128xbf16>
    %dot_general3A_1200 = arith.constant dense<0.000000e+00> : vector<200x20xf32>
    %dot_general3A_1201 = tpu.matmul %convert_element_type3A_1198, %convert_element_type3A_1199, %dot_general3A_1200 {dimension_numbers = #tpu.dot_dimension_numbers<[1], [1], [0], [0], [0, 0, 1, 0], [], []>, transpose_lhs_hint = false} : vector<200x128xbf16>, vector<20x128xbf16>, vector<200x20xf32> -> vector<200x20xf32>
    %mul3A_1202 = arith.mulf %get3A_1192, %get3A_1192 : vector<20x128xf32>
    %convert_element_type3A_1203 = arith.truncf %mul3A_1202 : vector<20x128xf32> to vector<20x128xbf16>
    %convert_element_type3A_1204 = arith.extf %convert_element_type3A_1203 : vector<20x128xbf16> to vector<20x128xf32>
    %sub3A_1205 = arith.subf %mul3A_1202, %convert_element_type3A_1204 : vector<20x128xf32>
    %dot_general3A_1206 = arith.constant dense<0.000000e+00> : vector<1x20xf32>
    %dot_general3A_1207 = tpu.matmul %broadcast_in_dim3A_0, %convert_element_type3A_1204, %dot_general3A_1206 {dimension_numbers = #tpu.dot_dimension_numbers<[1], [1], [0], [0], [0, 0, 1, 0], [], []>, transpose_lhs_hint = false} : vector<1x128xf32>, vector<20x128xf32>, vector<1x20xf32> -> vector<1x20xf32>
    %dot_general3A_1208 = arith.constant dense<0.000000e+00> : vector<1x20xf32>
    %dot_general3A_1209 = tpu.matmul %broadcast_in_dim3A_0, %sub3A_1205, %dot_general3A_1208 {dimension_numbers = #tpu.dot_dimension_numbers<[1], [1], [0], [0], [0, 0, 1, 0], [], []>, transpose_lhs_hint = false} : vector<1x128xf32>, vector<20x128xf32>, vector<1x20xf32> -> vector<1x20xf32>
    %add3A_1210 = arith.addf %dot_general3A_1207, %dot_general3A_1209 : vector<1x20xf32>
    %mul3A_1211 = arith.mulf %get3A_1197, %get3A_1197 : vector<200x128xf32>
    %reduce_sum3A_1212 = arith.constant dense<0.000000e+00> : vector<200xf32>
    %reduce_sum3A_1213 = vector.multi_reduction <add>, %mul3A_1211, %reduce_sum3A_1212 [1] : vector<200x128xf32> to vector<200xf32>
    %broadcast_in_dim3A_1214 = vector.shape_cast %reduce_sum3A_1213 : vector<200xf32> to vector<200x1xf32>
    %max3A_1215 = arith.constant 1.000000e-16 : f32
    %max3A_1216 = vector.broadcast %max3A_1215 : f32 to vector<200x1xf32>
    %max3A_1217 = arith.maximumf %broadcast_in_dim3A_1214, %max3A_1216 : vector<200x1xf32>
    %rsqrt3A_1218 = math.rsqrt %max3A_1217 : vector<200x1xf32>
    %mul3A_1219 = arith.constant 5.000000e-01 : f32
    %mul3A_1220 = vector.broadcast %mul3A_1219 : f32 to vector<200x1xf32>
    %mul3A_1221 = arith.mulf %mul3A_1220, %max3A_1217 : vector<200x1xf32>
    %mul3A_1222 = arith.mulf %mul3A_1221, %rsqrt3A_1218 : vector<200x1xf32>
    %mul3A_1223 = arith.mulf %mul3A_1222, %rsqrt3A_1218 : vector<200x1xf32>
    %sub3A_1224 = arith.constant 1.500000e+00 : f32
    %sub3A_1225 = vector.broadcast %sub3A_1224 : f32 to vector<200x1xf32>
    %sub3A_1226 = arith.subf %sub3A_1225, %mul3A_1223 : vector<200x1xf32>
    %mul3A_1227 = arith.mulf %rsqrt3A_1218, %sub3A_1226 : vector<200x1xf32>
    %mul3A_1228 = vector.broadcast %mul3A_1227 : vector<200x1xf32> to vector<200x20xf32>
    %mul3A_1229 = arith.mulf %dot_general3A_1201, %mul3A_1228 : vector<200x20xf32>
    %max3A_1230 = arith.constant 1.000000e-16 : f32
    %max3A_1231 = vector.broadcast %max3A_1230 : f32 to vector<1x20xf32>
    %max3A_1232 = arith.maximumf %add3A_1210, %max3A_1231 : vector<1x20xf32>
    %rsqrt3A_1233 = math.rsqrt %max3A_1232 : vector<1x20xf32>
    %mul3A_1234 = arith.constant 5.000000e-01 : f32
    %mul3A_1235 = vector.broadcast %mul3A_1234 : f32 to vector<1x20xf32>
    %mul3A_1236 = arith.mulf %mul3A_1235, %max3A_1232 : vector<1x20xf32>
    %mul3A_1237 = arith.mulf %mul3A_1236, %rsqrt3A_1233 : vector<1x20xf32>
    %mul3A_1238 = arith.mulf %mul3A_1237, %rsqrt3A_1233 : vector<1x20xf32>
    %sub3A_1239 = arith.constant 1.500000e+00 : f32
    %sub3A_1240 = vector.broadcast %sub3A_1239 : f32 to vector<1x20xf32>
    %sub3A_1241 = arith.subf %sub3A_1240, %mul3A_1238 : vector<1x20xf32>
    %mul3A_1242 = arith.mulf %rsqrt3A_1233, %sub3A_1241 : vector<1x20xf32>
    %mul3A_1243 = vector.broadcast %mul3A_1242 : vector<1x20xf32> to vector<200x20xf32>
    %mul3A_1244 = arith.mulf %mul3A_1229, %mul3A_1243 : vector<200x20xf32>
    %add3A_1245 = arith.constant 1.000000e+00 : f32
    %add3A_1246 = vector.broadcast %add3A_1245 : f32 to vector<200x20xf32>
    %add3A_1247 = arith.addf %mul3A_1244, %add3A_1246 : vector<200x20xf32>
    %swap3A_1248 = arith.constant 0 : index
    %swap3A_1249 = arith.constant 380 : index
    %swap3A_1250 = vector.load %arg13[%swap3A_1248, %swap3A_1249] : memref<200x640xf32, #tpu.memory_space<vmem>>, vector<200x20xf32>
    tpu.vector_store %arg13[%swap3A_1248, %swap3A_1249], %add3A_1247 {strides = array<i32>} : memref<200x640xf32, #tpu.memory_space<vmem>>, vector<200x20xf32>,
    %get3A_1251 = arith.constant 20 : index
    %get3A_1252 = arith.constant 0 : index
    %get3A_1253 = arith.constant 0 : index
    %get3A_1254 = vector.load %arg1[%get3A_1251, %get3A_1252, %get3A_1253] : memref<32x20x128xf32, #tpu.memory_space<vmem>>, vector<1x20x128xf32>
    %get3A_1255 = vector.shape_cast %get3A_1254 : vector<1x20x128xf32> to vector<20x128xf32>
    %get3A_1256 = arith.constant 20 : index
    %get3A_1257 = arith.constant 0 : index
    %get3A_1258 = arith.constant 0 : index
    %get3A_1259 = vector.load %arg2[%get3A_1256, %get3A_1257, %get3A_1258] : memref<32x200x128xf32, #tpu.memory_space<vmem>>, vector<1x200x128xf32>
    %get3A_1260 = vector.shape_cast %get3A_1259 : vector<1x200x128xf32> to vector<200x128xf32>
    %convert_element_type3A_1261 = arith.truncf %get3A_1260 : vector<200x128xf32> to vector<200x128xbf16>
    %convert_element_type3A_1262 = arith.truncf %get3A_1255 : vector<20x128xf32> to vector<20x128xbf16>
    %dot_general3A_1263 = arith.constant dense<0.000000e+00> : vector<200x20xf32>
    %dot_general3A_1264 = tpu.matmul %convert_element_type3A_1261, %convert_element_type3A_1262, %dot_general3A_1263 {dimension_numbers = #tpu.dot_dimension_numbers<[1], [1], [0], [0], [0, 0, 1, 0], [], []>, transpose_lhs_hint = false} : vector<200x128xbf16>, vector<20x128xbf16>, vector<200x20xf32> -> vector<200x20xf32>
    %mul3A_1265 = arith.mulf %get3A_1255, %get3A_1255 : vector<20x128xf32>
    %convert_element_type3A_1266 = arith.truncf %mul3A_1265 : vector<20x128xf32> to vector<20x128xbf16>
    %convert_element_type3A_1267 = arith.extf %convert_element_type3A_1266 : vector<20x128xbf16> to vector<20x128xf32>
    %sub3A_1268 = arith.subf %mul3A_1265, %convert_element_type3A_1267 : vector<20x128xf32>
    %dot_general3A_1269 = arith.constant dense<0.000000e+00> : vector<1x20xf32>
    %dot_general3A_1270 = tpu.matmul %broadcast_in_dim3A_0, %convert_element_type3A_1267, %dot_general3A_1269 {dimension_numbers = #tpu.dot_dimension_numbers<[1], [1], [0], [0], [0, 0, 1, 0], [], []>, transpose_lhs_hint = false} : vector<1x128xf32>, vector<20x128xf32>, vector<1x20xf32> -> vector<1x20xf32>
    %dot_general3A_1271 = arith.constant dense<0.000000e+00> : vector<1x20xf32>
    %dot_general3A_1272 = tpu.matmul %broadcast_in_dim3A_0, %sub3A_1268, %dot_general3A_1271 {dimension_numbers = #tpu.dot_dimension_numbers<[1], [1], [0], [0], [0, 0, 1, 0], [], []>, transpose_lhs_hint = false} : vector<1x128xf32>, vector<20x128xf32>, vector<1x20xf32> -> vector<1x20xf32>
    %add3A_1273 = arith.addf %dot_general3A_1270, %dot_general3A_1272 : vector<1x20xf32>
    %mul3A_1274 = arith.mulf %get3A_1260, %get3A_1260 : vector<200x128xf32>
    %reduce_sum3A_1275 = arith.constant dense<0.000000e+00> : vector<200xf32>
    %reduce_sum3A_1276 = vector.multi_reduction <add>, %mul3A_1274, %reduce_sum3A_1275 [1] : vector<200x128xf32> to vector<200xf32>
    %broadcast_in_dim3A_1277 = vector.shape_cast %reduce_sum3A_1276 : vector<200xf32> to vector<200x1xf32>
    %max3A_1278 = arith.constant 1.000000e-16 : f32
    %max3A_1279 = vector.broadcast %max3A_1278 : f32 to vector<200x1xf32>
    %max3A_1280 = arith.maximumf %broadcast_in_dim3A_1277, %max3A_1279 : vector<200x1xf32>
    %rsqrt3A_1281 = math.rsqrt %max3A_1280 : vector<200x1xf32>
    %mul3A_1282 = arith.constant 5.000000e-01 : f32
    %mul3A_1283 = vector.broadcast %mul3A_1282 : f32 to vector<200x1xf32>
    %mul3A_1284 = arith.mulf %mul3A_1283, %max3A_1280 : vector<200x1xf32>
    %mul3A_1285 = arith.mulf %mul3A_1284, %rsqrt3A_1281 : vector<200x1xf32>
    %mul3A_1286 = arith.mulf %mul3A_1285, %rsqrt3A_1281 : vector<200x1xf32>
    %sub3A_1287 = arith.constant 1.500000e+00 : f32
    %sub3A_1288 = vector.broadcast %sub3A_1287 : f32 to vector<200x1xf32>
    %sub3A_1289 = arith.subf %sub3A_1288, %mul3A_1286 : vector<200x1xf32>
    %mul3A_1290 = arith.mulf %rsqrt3A_1281, %sub3A_1289 : vector<200x1xf32>
    %mul3A_1291 = vector.broadcast %mul3A_1290 : vector<200x1xf32> to vector<200x20xf32>
    %mul3A_1292 = arith.mulf %dot_general3A_1264, %mul3A_1291 : vector<200x20xf32>
    %max3A_1293 = arith.constant 1.000000e-16 : f32
    %max3A_1294 = vector.broadcast %max3A_1293 : f32 to vector<1x20xf32>
    %max3A_1295 = arith.maximumf %add3A_1273, %max3A_1294 : vector<1x20xf32>
    %rsqrt3A_1296 = math.rsqrt %max3A_1295 : vector<1x20xf32>
    %mul3A_1297 = arith.constant 5.000000e-01 : f32
    %mul3A_1298 = vector.broadcast %mul3A_1297 : f32 to vector<1x20xf32>
    %mul3A_1299 = arith.mulf %mul3A_1298, %max3A_1295 : vector<1x20xf32>
    %mul3A_1300 = arith.mulf %mul3A_1299, %rsqrt3A_1296 : vector<1x20xf32>
    %mul3A_1301 = arith.mulf %mul3A_1300, %rsqrt3A_1296 : vector<1x20xf32>
    %sub3A_1302 = arith.constant 1.500000e+00 : f32
    %sub3A_1303 = vector.broadcast %sub3A_1302 : f32 to vector<1x20xf32>
    %sub3A_1304 = arith.subf %sub3A_1303, %mul3A_1301 : vector<1x20xf32>
    %mul3A_1305 = arith.mulf %rsqrt3A_1296, %sub3A_1304 : vector<1x20xf32>
    %mul3A_1306 = vector.broadcast %mul3A_1305 : vector<1x20xf32> to vector<200x20xf32>
    %mul3A_1307 = arith.mulf %mul3A_1292, %mul3A_1306 : vector<200x20xf32>
    %add3A_1308 = arith.constant 1.000000e+00 : f32
    %add3A_1309 = vector.broadcast %add3A_1308 : f32 to vector<200x20xf32>
    %add3A_1310 = arith.addf %mul3A_1307, %add3A_1309 : vector<200x20xf32>
    %swap3A_1311 = arith.constant 0 : index
    %swap3A_1312 = arith.constant 400 : index
    %swap3A_1313 = vector.load %arg13[%swap3A_1311, %swap3A_1312] : memref<200x640xf32, #tpu.memory_space<vmem>>, vector<200x20xf32>
    tpu.vector_store %arg13[%swap3A_1311, %swap3A_1312], %add3A_1310 {strides = array<i32>} : memref<200x640xf32, #tpu.memory_space<vmem>>, vector<200x20xf32>,
    %get3A_1314 = arith.constant 21 : index
    %get3A_1315 = arith.constant 0 : index
    %get3A_1316 = arith.constant 0 : index
    %get3A_1317 = vector.load %arg1[%get3A_1314, %get3A_1315, %get3A_1316] : memref<32x20x128xf32, #tpu.memory_space<vmem>>, vector<1x20x128xf32>
    %get3A_1318 = vector.shape_cast %get3A_1317 : vector<1x20x128xf32> to vector<20x128xf32>
    %get3A_1319 = arith.constant 21 : index
    %get3A_1320 = arith.constant 0 : index
    %get3A_1321 = arith.constant 0 : index
    %get3A_1322 = vector.load %arg2[%get3A_1319, %get3A_1320, %get3A_1321] : memref<32x200x128xf32, #tpu.memory_space<vmem>>, vector<1x200x128xf32>
    %get3A_1323 = vector.shape_cast %get3A_1322 : vector<1x200x128xf32> to vector<200x128xf32>
    %convert_element_type3A_1324 = arith.truncf %get3A_1323 : vector<200x128xf32> to vector<200x128xbf16>
    %convert_element_type3A_1325 = arith.truncf %get3A_1318 : vector<20x128xf32> to vector<20x128xbf16>
    %dot_general3A_1326 = arith.constant dense<0.000000e+00> : vector<200x20xf32>
    %dot_general3A_1327 = tpu.matmul %convert_element_type3A_1324, %convert_element_type3A_1325, %dot_general3A_1326 {dimension_numbers = #tpu.dot_dimension_numbers<[1], [1], [0], [0], [0, 0, 1, 0], [], []>, transpose_lhs_hint = false} : vector<200x128xbf16>, vector<20x128xbf16>, vector<200x20xf32> -> vector<200x20xf32>
    %mul3A_1328 = arith.mulf %get3A_1318, %get3A_1318 : vector<20x128xf32>
    %convert_element_type3A_1329 = arith.truncf %mul3A_1328 : vector<20x128xf32> to vector<20x128xbf16>
    %convert_element_type3A_1330 = arith.extf %convert_element_type3A_1329 : vector<20x128xbf16> to vector<20x128xf32>
    %sub3A_1331 = arith.subf %mul3A_1328, %convert_element_type3A_1330 : vector<20x128xf32>
    %dot_general3A_1332 = arith.constant dense<0.000000e+00> : vector<1x20xf32>
    %dot_general3A_1333 = tpu.matmul %broadcast_in_dim3A_0, %convert_element_type3A_1330, %dot_general3A_1332 {dimension_numbers = #tpu.dot_dimension_numbers<[1], [1], [0], [0], [0, 0, 1, 0], [], []>, transpose_lhs_hint = false} : vector<1x128xf32>, vector<20x128xf32>, vector<1x20xf32> -> vector<1x20xf32>
    %dot_general3A_1334 = arith.constant dense<0.000000e+00> : vector<1x20xf32>
    %dot_general3A_1335 = tpu.matmul %broadcast_in_dim3A_0, %sub3A_1331, %dot_general3A_1334 {dimension_numbers = #tpu.dot_dimension_numbers<[1], [1], [0], [0], [0, 0, 1, 0], [], []>, transpose_lhs_hint = false} : vector<1x128xf32>, vector<20x128xf32>, vector<1x20xf32> -> vector<1x20xf32>
    %add3A_1336 = arith.addf %dot_general3A_1333, %dot_general3A_1335 : vector<1x20xf32>
    %mul3A_1337 = arith.mulf %get3A_1323, %get3A_1323 : vector<200x128xf32>
    %reduce_sum3A_1338 = arith.constant dense<0.000000e+00> : vector<200xf32>
    %reduce_sum3A_1339 = vector.multi_reduction <add>, %mul3A_1337, %reduce_sum3A_1338 [1] : vector<200x128xf32> to vector<200xf32>
    %broadcast_in_dim3A_1340 = vector.shape_cast %reduce_sum3A_1339 : vector<200xf32> to vector<200x1xf32>
    %max3A_1341 = arith.constant 1.000000e-16 : f32
    %max3A_1342 = vector.broadcast %max3A_1341 : f32 to vector<200x1xf32>
    %max3A_1343 = arith.maximumf %broadcast_in_dim3A_1340, %max3A_1342 : vector<200x1xf32>
    %rsqrt3A_1344 = math.rsqrt %max3A_1343 : vector<200x1xf32>
    %mul3A_1345 = arith.constant 5.000000e-01 : f32
    %mul3A_1346 = vector.broadcast %mul3A_1345 : f32 to vector<200x1xf32>
    %mul3A_1347 = arith.mulf %mul3A_1346, %max3A_1343 : vector<200x1xf32>
    %mul3A_1348 = arith.mulf %mul3A_1347, %rsqrt3A_1344 : vector<200x1xf32>
    %mul3A_1349 = arith.mulf %mul3A_1348, %rsqrt3A_1344 : vector<200x1xf32>
    %sub3A_1350 = arith.constant 1.500000e+00 : f32
    %sub3A_1351 = vector.broadcast %sub3A_1350 : f32 to vector<200x1xf32>
    %sub3A_1352 = arith.subf %sub3A_1351, %mul3A_1349 : vector<200x1xf32>
    %mul3A_1353 = arith.mulf %rsqrt3A_1344, %sub3A_1352 : vector<200x1xf32>
    %mul3A_1354 = vector.broadcast %mul3A_1353 : vector<200x1xf32> to vector<200x20xf32>
    %mul3A_1355 = arith.mulf %dot_general3A_1327, %mul3A_1354 : vector<200x20xf32>
    %max3A_1356 = arith.constant 1.000000e-16 : f32
    %max3A_1357 = vector.broadcast %max3A_1356 : f32 to vector<1x20xf32>
    %max3A_1358 = arith.maximumf %add3A_1336, %max3A_1357 : vector<1x20xf32>
    %rsqrt3A_1359 = math.rsqrt %max3A_1358 : vector<1x20xf32>
    %mul3A_1360 = arith.constant 5.000000e-01 : f32
    %mul3A_1361 = vector.broadcast %mul3A_1360 : f32 to vector<1x20xf32>
    %mul3A_1362 = arith.mulf %mul3A_1361, %max3A_1358 : vector<1x20xf32>
    %mul3A_1363 = arith.mulf %mul3A_1362, %rsqrt3A_1359 : vector<1x20xf32>
    %mul3A_1364 = arith.mulf %mul3A_1363, %rsqrt3A_1359 : vector<1x20xf32>
    %sub3A_1365 = arith.constant 1.500000e+00 : f32
    %sub3A_1366 = vector.broadcast %sub3A_1365 : f32 to vector<1x20xf32>
    %sub3A_1367 = arith.subf %sub3A_1366, %mul3A_1364 : vector<1x20xf32>
    %mul3A_1368 = arith.mulf %rsqrt3A_1359, %sub3A_1367 : vector<1x20xf32>
    %mul3A_1369 = vector.broadcast %mul3A_1368 : vector<1x20xf32> to vector<200x20xf32>
    %mul3A_1370 = arith.mulf %mul3A_1355, %mul3A_1369 : vector<200x20xf32>
    %add3A_1371 = arith.constant 1.000000e+00 : f32
    %add3A_1372 = vector.broadcast %add3A_1371 : f32 to vector<200x20xf32>
    %add3A_1373 = arith.addf %mul3A_1370, %add3A_1372 : vector<200x20xf32>
    %swap3A_1374 = arith.constant 0 : index
    %swap3A_1375 = arith.constant 420 : index
    %swap3A_1376 = vector.load %arg13[%swap3A_1374, %swap3A_1375] : memref<200x640xf32, #tpu.memory_space<vmem>>, vector<200x20xf32>
    tpu.vector_store %arg13[%swap3A_1374, %swap3A_1375], %add3A_1373 {strides = array<i32>} : memref<200x640xf32, #tpu.memory_space<vmem>>, vector<200x20xf32>,
    %get3A_1377 = arith.constant 22 : index
    %get3A_1378 = arith.constant 0 : index
    %get3A_1379 = arith.constant 0 : index
    %get3A_1380 = vector.load %arg1[%get3A_1377, %get3A_1378, %get3A_1379] : memref<32x20x128xf32, #tpu.memory_space<vmem>>, vector<1x20x128xf32>
    %get3A_1381 = vector.shape_cast %get3A_1380 : vector<1x20x128xf32> to vector<20x128xf32>
    %get3A_1382 = arith.constant 22 : index
    %get3A_1383 = arith.constant 0 : index
    %get3A_1384 = arith.constant 0 : index
    %get3A_1385 = vector.load %arg2[%get3A_1382, %get3A_1383, %get3A_1384] : memref<32x200x128xf32, #tpu.memory_space<vmem>>, vector<1x200x128xf32>
    %get3A_1386 = vector.shape_cast %get3A_1385 : vector<1x200x128xf32> to vector<200x128xf32>
    %convert_element_type3A_1387 = arith.truncf %get3A_1386 : vector<200x128xf32> to vector<200x128xbf16>
    %convert_element_type3A_1388 = arith.truncf %get3A_1381 : vector<20x128xf32> to vector<20x128xbf16>
    %dot_general3A_1389 = arith.constant dense<0.000000e+00> : vector<200x20xf32>
    %dot_general3A_1390 = tpu.matmul %convert_element_type3A_1387, %convert_element_type3A_1388, %dot_general3A_1389 {dimension_numbers = #tpu.dot_dimension_numbers<[1], [1], [0], [0], [0, 0, 1, 0], [], []>, transpose_lhs_hint = false} : vector<200x128xbf16>, vector<20x128xbf16>, vector<200x20xf32> -> vector<200x20xf32>
    %mul3A_1391 = arith.mulf %get3A_1381, %get3A_1381 : vector<20x128xf32>
    %convert_element_type3A_1392 = arith.truncf %mul3A_1391 : vector<20x128xf32> to vector<20x128xbf16>
    %convert_element_type3A_1393 = arith.extf %convert_element_type3A_1392 : vector<20x128xbf16> to vector<20x128xf32>
    %sub3A_1394 = arith.subf %mul3A_1391, %convert_element_type3A_1393 : vector<20x128xf32>
    %dot_general3A_1395 = arith.constant dense<0.000000e+00> : vector<1x20xf32>
    %dot_general3A_1396 = tpu.matmul %broadcast_in_dim3A_0, %convert_element_type3A_1393, %dot_general3A_1395 {dimension_numbers = #tpu.dot_dimension_numbers<[1], [1], [0], [0], [0, 0, 1, 0], [], []>, transpose_lhs_hint = false} : vector<1x128xf32>, vector<20x128xf32>, vector<1x20xf32> -> vector<1x20xf32>
    %dot_general3A_1397 = arith.constant dense<0.000000e+00> : vector<1x20xf32>
    %dot_general3A_1398 = tpu.matmul %broadcast_in_dim3A_0, %sub3A_1394, %dot_general3A_1397 {dimension_numbers = #tpu.dot_dimension_numbers<[1], [1], [0], [0], [0, 0, 1, 0], [], []>, transpose_lhs_hint = false} : vector<1x128xf32>, vector<20x128xf32>, vector<1x20xf32> -> vector<1x20xf32>
    %add3A_1399 = arith.addf %dot_general3A_1396, %dot_general3A_1398 : vector<1x20xf32>
    %mul3A_1400 = arith.mulf %get3A_1386, %get3A_1386 : vector<200x128xf32>
    %reduce_sum3A_1401 = arith.constant dense<0.000000e+00> : vector<200xf32>
    %reduce_sum3A_1402 = vector.multi_reduction <add>, %mul3A_1400, %reduce_sum3A_1401 [1] : vector<200x128xf32> to vector<200xf32>
    %broadcast_in_dim3A_1403 = vector.shape_cast %reduce_sum3A_1402 : vector<200xf32> to vector<200x1xf32>
    %max3A_1404 = arith.constant 1.000000e-16 : f32
    %max3A_1405 = vector.broadcast %max3A_1404 : f32 to vector<200x1xf32>
    %max3A_1406 = arith.maximumf %broadcast_in_dim3A_1403, %max3A_1405 : vector<200x1xf32>
    %rsqrt3A_1407 = math.rsqrt %max3A_1406 : vector<200x1xf32>
    %mul3A_1408 = arith.constant 5.000000e-01 : f32
    %mul3A_1409 = vector.broadcast %mul3A_1408 : f32 to vector<200x1xf32>
    %mul3A_1410 = arith.mulf %mul3A_1409, %max3A_1406 : vector<200x1xf32>
    %mul3A_1411 = arith.mulf %mul3A_1410, %rsqrt3A_1407 : vector<200x1xf32>
    %mul3A_1412 = arith.mulf %mul3A_1411, %rsqrt3A_1407 : vector<200x1xf32>
    %sub3A_1413 = arith.constant 1.500000e+00 : f32
    %sub3A_1414 = vector.broadcast %sub3A_1413 : f32 to vector<200x1xf32>
    %sub3A_1415 = arith.subf %sub3A_1414, %mul3A_1412 : vector<200x1xf32>
    %mul3A_1416 = arith.mulf %rsqrt3A_1407, %sub3A_1415 : vector<200x1xf32>
    %mul3A_1417 = vector.broadcast %mul3A_1416 : vector<200x1xf32> to vector<200x20xf32>
    %mul3A_1418 = arith.mulf %dot_general3A_1390, %mul3A_1417 : vector<200x20xf32>
    %max3A_1419 = arith.constant 1.000000e-16 : f32
    %max3A_1420 = vector.broadcast %max3A_1419 : f32 to vector<1x20xf32>
    %max3A_1421 = arith.maximumf %add3A_1399, %max3A_1420 : vector<1x20xf32>
    %rsqrt3A_1422 = math.rsqrt %max3A_1421 : vector<1x20xf32>
    %mul3A_1423 = arith.constant 5.000000e-01 : f32
    %mul3A_1424 = vector.broadcast %mul3A_1423 : f32 to vector<1x20xf32>
    %mul3A_1425 = arith.mulf %mul3A_1424, %max3A_1421 : vector<1x20xf32>
    %mul3A_1426 = arith.mulf %mul3A_1425, %rsqrt3A_1422 : vector<1x20xf32>
    %mul3A_1427 = arith.mulf %mul3A_1426, %rsqrt3A_1422 : vector<1x20xf32>
    %sub3A_1428 = arith.constant 1.500000e+00 : f32
    %sub3A_1429 = vector.broadcast %sub3A_1428 : f32 to vector<1x20xf32>
    %sub3A_1430 = arith.subf %sub3A_1429, %mul3A_1427 : vector<1x20xf32>
    %mul3A_1431 = arith.mulf %rsqrt3A_1422, %sub3A_1430 : vector<1x20xf32>
    %mul3A_1432 = vector.broadcast %mul3A_1431 : vector<1x20xf32> to vector<200x20xf32>
    %mul3A_1433 = arith.mulf %mul3A_1418, %mul3A_1432 : vector<200x20xf32>
    %add3A_1434 = arith.constant 1.000000e+00 : f32
    %add3A_1435 = vector.broadcast %add3A_1434 : f32 to vector<200x20xf32>
    %add3A_1436 = arith.addf %mul3A_1433, %add3A_1435 : vector<200x20xf32>
    %swap3A_1437 = arith.constant 0 : index
    %swap3A_1438 = arith.constant 440 : index
    %swap3A_1439 = vector.load %arg13[%swap3A_1437, %swap3A_1438] : memref<200x640xf32, #tpu.memory_space<vmem>>, vector<200x20xf32>
    tpu.vector_store %arg13[%swap3A_1437, %swap3A_1438], %add3A_1436 {strides = array<i32>} : memref<200x640xf32, #tpu.memory_space<vmem>>, vector<200x20xf32>,
    %get3A_1440 = arith.constant 23 : index
    %get3A_1441 = arith.constant 0 : index
    %get3A_1442 = arith.constant 0 : index
    %get3A_1443 = vector.load %arg1[%get3A_1440, %get3A_1441, %get3A_1442] : memref<32x20x128xf32, #tpu.memory_space<vmem>>, vector<1x20x128xf32>
    %get3A_1444 = vector.shape_cast %get3A_1443 : vector<1x20x128xf32> to vector<20x128xf32>
    %get3A_1445 = arith.constant 23 : index
    %get3A_1446 = arith.constant 0 : index
    %get3A_1447 = arith.constant 0 : index
    %get3A_1448 = vector.load %arg2[%get3A_1445, %get3A_1446, %get3A_1447] : memref<32x200x128xf32, #tpu.memory_space<vmem>>, vector<1x200x128xf32>
    %get3A_1449 = vector.shape_cast %get3A_1448 : vector<1x200x128xf32> to vector<200x128xf32>
    %convert_element_type3A_1450 = arith.truncf %get3A_1449 : vector<200x128xf32> to vector<200x128xbf16>
    %convert_element_type3A_1451 = arith.truncf %get3A_1444 : vector<20x128xf32> to vector<20x128xbf16>
    %dot_general3A_1452 = arith.constant dense<0.000000e+00> : vector<200x20xf32>
    %dot_general3A_1453 = tpu.matmul %convert_element_type3A_1450, %convert_element_type3A_1451, %dot_general3A_1452 {dimension_numbers = #tpu.dot_dimension_numbers<[1], [1], [0], [0], [0, 0, 1, 0], [], []>, transpose_lhs_hint = false} : vector<200x128xbf16>, vector<20x128xbf16>, vector<200x20xf32> -> vector<200x20xf32>
    %mul3A_1454 = arith.mulf %get3A_1444, %get3A_1444 : vector<20x128xf32>
    %convert_element_type3A_1455 = arith.truncf %mul3A_1454 : vector<20x128xf32> to vector<20x128xbf16>
    %convert_element_type3A_1456 = arith.extf %convert_element_type3A_1455 : vector<20x128xbf16> to vector<20x128xf32>
    %sub3A_1457 = arith.subf %mul3A_1454, %convert_element_type3A_1456 : vector<20x128xf32>
    %dot_general3A_1458 = arith.constant dense<0.000000e+00> : vector<1x20xf32>
    %dot_general3A_1459 = tpu.matmul %broadcast_in_dim3A_0, %convert_element_type3A_1456, %dot_general3A_1458 {dimension_numbers = #tpu.dot_dimension_numbers<[1], [1], [0], [0], [0, 0, 1, 0], [], []>, transpose_lhs_hint = false} : vector<1x128xf32>, vector<20x128xf32>, vector<1x20xf32> -> vector<1x20xf32>
    %dot_general3A_1460 = arith.constant dense<0.000000e+00> : vector<1x20xf32>
    %dot_general3A_1461 = tpu.matmul %broadcast_in_dim3A_0, %sub3A_1457, %dot_general3A_1460 {dimension_numbers = #tpu.dot_dimension_numbers<[1], [1], [0], [0], [0, 0, 1, 0], [], []>, transpose_lhs_hint = false} : vector<1x128xf32>, vector<20x128xf32>, vector<1x20xf32> -> vector<1x20xf32>
    %add3A_1462 = arith.addf %dot_general3A_1459, %dot_general3A_1461 : vector<1x20xf32>
    %mul3A_1463 = arith.mulf %get3A_1449, %get3A_1449 : vector<200x128xf32>
    %reduce_sum3A_1464 = arith.constant dense<0.000000e+00> : vector<200xf32>
    %reduce_sum3A_1465 = vector.multi_reduction <add>, %mul3A_1463, %reduce_sum3A_1464 [1] : vector<200x128xf32> to vector<200xf32>
    %broadcast_in_dim3A_1466 = vector.shape_cast %reduce_sum3A_1465 : vector<200xf32> to vector<200x1xf32>
    %max3A_1467 = arith.constant 1.000000e-16 : f32
    %max3A_1468 = vector.broadcast %max3A_1467 : f32 to vector<200x1xf32>
    %max3A_1469 = arith.maximumf %broadcast_in_dim3A_1466, %max3A_1468 : vector<200x1xf32>
    %rsqrt3A_1470 = math.rsqrt %max3A_1469 : vector<200x1xf32>
    %mul3A_1471 = arith.constant 5.000000e-01 : f32
    %mul3A_1472 = vector.broadcast %mul3A_1471 : f32 to vector<200x1xf32>
    %mul3A_1473 = arith.mulf %mul3A_1472, %max3A_1469 : vector<200x1xf32>
    %mul3A_1474 = arith.mulf %mul3A_1473, %rsqrt3A_1470 : vector<200x1xf32>
    %mul3A_1475 = arith.mulf %mul3A_1474, %rsqrt3A_1470 : vector<200x1xf32>
    %sub3A_1476 = arith.constant 1.500000e+00 : f32
    %sub3A_1477 = vector.broadcast %sub3A_1476 : f32 to vector<200x1xf32>
    %sub3A_1478 = arith.subf %sub3A_1477, %mul3A_1475 : vector<200x1xf32>
    %mul3A_1479 = arith.mulf %rsqrt3A_1470, %sub3A_1478 : vector<200x1xf32>
    %mul3A_1480 = vector.broadcast %mul3A_1479 : vector<200x1xf32> to vector<200x20xf32>
    %mul3A_1481 = arith.mulf %dot_general3A_1453, %mul3A_1480 : vector<200x20xf32>
    %max3A_1482 = arith.constant 1.000000e-16 : f32
    %max3A_1483 = vector.broadcast %max3A_1482 : f32 to vector<1x20xf32>
    %max3A_1484 = arith.maximumf %add3A_1462, %max3A_1483 : vector<1x20xf32>
    %rsqrt3A_1485 = math.rsqrt %max3A_1484 : vector<1x20xf32>
    %mul3A_1486 = arith.constant 5.000000e-01 : f32
    %mul3A_1487 = vector.broadcast %mul3A_1486 : f32 to vector<1x20xf32>
    %mul3A_1488 = arith.mulf %mul3A_1487, %max3A_1484 : vector<1x20xf32>
    %mul3A_1489 = arith.mulf %mul3A_1488, %rsqrt3A_1485 : vector<1x20xf32>
    %mul3A_1490 = arith.mulf %mul3A_1489, %rsqrt3A_1485 : vector<1x20xf32>
    %sub3A_1491 = arith.constant 1.500000e+00 : f32
    %sub3A_1492 = vector.broadcast %sub3A_1491 : f32 to vector<1x20xf32>
    %sub3A_1493 = arith.subf %sub3A_1492, %mul3A_1490 : vector<1x20xf32>
    %mul3A_1494 = arith.mulf %rsqrt3A_1485, %sub3A_1493 : vector<1x20xf32>
    %mul3A_1495 = vector.broadcast %mul3A_1494 : vector<1x20xf32> to vector<200x20xf32>
    %mul3A_1496 = arith.mulf %mul3A_1481, %mul3A_1495 : vector<200x20xf32>
    %add3A_1497 = arith.constant 1.000000e+00 : f32
    %add3A_1498 = vector.broadcast %add3A_1497 : f32 to vector<200x20xf32>
    %add3A_1499 = arith.addf %mul3A_1496, %add3A_1498 : vector<200x20xf32>
    %swap3A_1500 = arith.constant 0 : index
    %swap3A_1501 = arith.constant 460 : index
    %swap3A_1502 = vector.load %arg13[%swap3A_1500, %swap3A_1501] : memref<200x640xf32, #tpu.memory_space<vmem>>, vector<200x20xf32>
    tpu.vector_store %arg13[%swap3A_1500, %swap3A_1501], %add3A_1499 {strides = array<i32>} : memref<200x640xf32, #tpu.memory_space<vmem>>, vector<200x20xf32>,
    %get3A_1503 = arith.constant 24 : index
    %get3A_1504 = arith.constant 0 : index
    %get3A_1505 = arith.constant 0 : index
    %get3A_1506 = vector.load %arg1[%get3A_1503, %get3A_1504, %get3A_1505] : memref<32x20x128xf32, #tpu.memory_space<vmem>>, vector<1x20x128xf32>
    %get3A_1507 = vector.shape_cast %get3A_1506 : vector<1x20x128xf32> to vector<20x128xf32>
    %get3A_1508 = arith.constant 24 : index
    %get3A_1509 = arith.constant 0 : index
    %get3A_1510 = arith.constant 0 : index
    %get3A_1511 = vector.load %arg2[%get3A_1508, %get3A_1509, %get3A_1510] : memref<32x200x128xf32, #tpu.memory_space<vmem>>, vector<1x200x128xf32>
    %get3A_1512 = vector.shape_cast %get3A_1511 : vector<1x200x128xf32> to vector<200x128xf32>
    %convert_element_type3A_1513 = arith.truncf %get3A_1512 : vector<200x128xf32> to vector<200x128xbf16>
    %convert_element_type3A_1514 = arith.truncf %get3A_1507 : vector<20x128xf32> to vector<20x128xbf16>
    %dot_general3A_1515 = arith.constant dense<0.000000e+00> : vector<200x20xf32>
    %dot_general3A_1516 = tpu.matmul %convert_element_type3A_1513, %convert_element_type3A_1514, %dot_general3A_1515 {dimension_numbers = #tpu.dot_dimension_numbers<[1], [1], [0], [0], [0, 0, 1, 0], [], []>, transpose_lhs_hint = false} : vector<200x128xbf16>, vector<20x128xbf16>, vector<200x20xf32> -> vector<200x20xf32>
    %mul3A_1517 = arith.mulf %get3A_1507, %get3A_1507 : vector<20x128xf32>
    %convert_element_type3A_1518 = arith.truncf %mul3A_1517 : vector<20x128xf32> to vector<20x128xbf16>
    %convert_element_type3A_1519 = arith.extf %convert_element_type3A_1518 : vector<20x128xbf16> to vector<20x128xf32>
    %sub3A_1520 = arith.subf %mul3A_1517, %convert_element_type3A_1519 : vector<20x128xf32>
    %dot_general3A_1521 = arith.constant dense<0.000000e+00> : vector<1x20xf32>
    %dot_general3A_1522 = tpu.matmul %broadcast_in_dim3A_0, %convert_element_type3A_1519, %dot_general3A_1521 {dimension_numbers = #tpu.dot_dimension_numbers<[1], [1], [0], [0], [0, 0, 1, 0], [], []>, transpose_lhs_hint = false} : vector<1x128xf32>, vector<20x128xf32>, vector<1x20xf32> -> vector<1x20xf32>
    %dot_general3A_1523 = arith.constant dense<0.000000e+00> : vector<1x20xf32>
    %dot_general3A_1524 = tpu.matmul %broadcast_in_dim3A_0, %sub3A_1520, %dot_general3A_1523 {dimension_numbers = #tpu.dot_dimension_numbers<[1], [1], [0], [0], [0, 0, 1, 0], [], []>, transpose_lhs_hint = false} : vector<1x128xf32>, vector<20x128xf32>, vector<1x20xf32> -> vector<1x20xf32>
    %add3A_1525 = arith.addf %dot_general3A_1522, %dot_general3A_1524 : vector<1x20xf32>
    %mul3A_1526 = arith.mulf %get3A_1512, %get3A_1512 : vector<200x128xf32>
    %reduce_sum3A_1527 = arith.constant dense<0.000000e+00> : vector<200xf32>
    %reduce_sum3A_1528 = vector.multi_reduction <add>, %mul3A_1526, %reduce_sum3A_1527 [1] : vector<200x128xf32> to vector<200xf32>
    %broadcast_in_dim3A_1529 = vector.shape_cast %reduce_sum3A_1528 : vector<200xf32> to vector<200x1xf32>
    %max3A_1530 = arith.constant 1.000000e-16 : f32
    %max3A_1531 = vector.broadcast %max3A_1530 : f32 to vector<200x1xf32>
    %max3A_1532 = arith.maximumf %broadcast_in_dim3A_1529, %max3A_1531 : vector<200x1xf32>
    %rsqrt3A_1533 = math.rsqrt %max3A_1532 : vector<200x1xf32>
    %mul3A_1534 = arith.constant 5.000000e-01 : f32
    %mul3A_1535 = vector.broadcast %mul3A_1534 : f32 to vector<200x1xf32>
    %mul3A_1536 = arith.mulf %mul3A_1535, %max3A_1532 : vector<200x1xf32>
    %mul3A_1537 = arith.mulf %mul3A_1536, %rsqrt3A_1533 : vector<200x1xf32>
    %mul3A_1538 = arith.mulf %mul3A_1537, %rsqrt3A_1533 : vector<200x1xf32>
    %sub3A_1539 = arith.constant 1.500000e+00 : f32
    %sub3A_1540 = vector.broadcast %sub3A_1539 : f32 to vector<200x1xf32>
    %sub3A_1541 = arith.subf %sub3A_1540, %mul3A_1538 : vector<200x1xf32>
    %mul3A_1542 = arith.mulf %rsqrt3A_1533, %sub3A_1541 : vector<200x1xf32>
    %mul3A_1543 = vector.broadcast %mul3A_1542 : vector<200x1xf32> to vector<200x20xf32>
    %mul3A_1544 = arith.mulf %dot_general3A_1516, %mul3A_1543 : vector<200x20xf32>
    %max3A_1545 = arith.constant 1.000000e-16 : f32
    %max3A_1546 = vector.broadcast %max3A_1545 : f32 to vector<1x20xf32>
    %max3A_1547 = arith.maximumf %add3A_1525, %max3A_1546 : vector<1x20xf32>
    %rsqrt3A_1548 = math.rsqrt %max3A_1547 : vector<1x20xf32>
    %mul3A_1549 = arith.constant 5.000000e-01 : f32
    %mul3A_1550 = vector.broadcast %mul3A_1549 : f32 to vector<1x20xf32>
    %mul3A_1551 = arith.mulf %mul3A_1550, %max3A_1547 : vector<1x20xf32>
    %mul3A_1552 = arith.mulf %mul3A_1551, %rsqrt3A_1548 : vector<1x20xf32>
    %mul3A_1553 = arith.mulf %mul3A_1552, %rsqrt3A_1548 : vector<1x20xf32>
    %sub3A_1554 = arith.constant 1.500000e+00 : f32
    %sub3A_1555 = vector.broadcast %sub3A_1554 : f32 to vector<1x20xf32>
    %sub3A_1556 = arith.subf %sub3A_1555, %mul3A_1553 : vector<1x20xf32>
    %mul3A_1557 = arith.mulf %rsqrt3A_1548, %sub3A_1556 : vector<1x20xf32>
    %mul3A_1558 = vector.broadcast %mul3A_1557 : vector<1x20xf32> to vector<200x20xf32>
    %mul3A_1559 = arith.mulf %mul3A_1544, %mul3A_1558 : vector<200x20xf32>
    %add3A_1560 = arith.constant 1.000000e+00 : f32
    %add3A_1561 = vector.broadcast %add3A_1560 : f32 to vector<200x20xf32>
    %add3A_1562 = arith.addf %mul3A_1559, %add3A_1561 : vector<200x20xf32>
    %swap3A_1563 = arith.constant 0 : index
    %swap3A_1564 = arith.constant 480 : index
    %swap3A_1565 = vector.load %arg13[%swap3A_1563, %swap3A_1564] : memref<200x640xf32, #tpu.memory_space<vmem>>, vector<200x20xf32>
    tpu.vector_store %arg13[%swap3A_1563, %swap3A_1564], %add3A_1562 {strides = array<i32>} : memref<200x640xf32, #tpu.memory_space<vmem>>, vector<200x20xf32>,
    %get3A_1566 = arith.constant 25 : index
    %get3A_1567 = arith.constant 0 : index
    %get3A_1568 = arith.constant 0 : index
    %get3A_1569 = vector.load %arg1[%get3A_1566, %get3A_1567, %get3A_1568] : memref<32x20x128xf32, #tpu.memory_space<vmem>>, vector<1x20x128xf32>
    %get3A_1570 = vector.shape_cast %get3A_1569 : vector<1x20x128xf32> to vector<20x128xf32>
    %get3A_1571 = arith.constant 25 : index
    %get3A_1572 = arith.constant 0 : index
    %get3A_1573 = arith.constant 0 : index
    %get3A_1574 = vector.load %arg2[%get3A_1571, %get3A_1572, %get3A_1573] : memref<32x200x128xf32, #tpu.memory_space<vmem>>, vector<1x200x128xf32>
    %get3A_1575 = vector.shape_cast %get3A_1574 : vector<1x200x128xf32> to vector<200x128xf32>
    %convert_element_type3A_1576 = arith.truncf %get3A_1575 : vector<200x128xf32> to vector<200x128xbf16>
    %convert_element_type3A_1577 = arith.truncf %get3A_1570 : vector<20x128xf32> to vector<20x128xbf16>
    %dot_general3A_1578 = arith.constant dense<0.000000e+00> : vector<200x20xf32>
    %dot_general3A_1579 = tpu.matmul %convert_element_type3A_1576, %convert_element_type3A_1577, %dot_general3A_1578 {dimension_numbers = #tpu.dot_dimension_numbers<[1], [1], [0], [0], [0, 0, 1, 0], [], []>, transpose_lhs_hint = false} : vector<200x128xbf16>, vector<20x128xbf16>, vector<200x20xf32> -> vector<200x20xf32>
    %mul3A_1580 = arith.mulf %get3A_1570, %get3A_1570 : vector<20x128xf32>
    %convert_element_type3A_1581 = arith.truncf %mul3A_1580 : vector<20x128xf32> to vector<20x128xbf16>
    %convert_element_type3A_1582 = arith.extf %convert_element_type3A_1581 : vector<20x128xbf16> to vector<20x128xf32>
    %sub3A_1583 = arith.subf %mul3A_1580, %convert_element_type3A_1582 : vector<20x128xf32>
    %dot_general3A_1584 = arith.constant dense<0.000000e+00> : vector<1x20xf32>
    %dot_general3A_1585 = tpu.matmul %broadcast_in_dim3A_0, %convert_element_type3A_1582, %dot_general3A_1584 {dimension_numbers = #tpu.dot_dimension_numbers<[1], [1], [0], [0], [0, 0, 1, 0], [], []>, transpose_lhs_hint = false} : vector<1x128xf32>, vector<20x128xf32>, vector<1x20xf32> -> vector<1x20xf32>
    %dot_general3A_1586 = arith.constant dense<0.000000e+00> : vector<1x20xf32>
    %dot_general3A_1587 = tpu.matmul %broadcast_in_dim3A_0, %sub3A_1583, %dot_general3A_1586 {dimension_numbers = #tpu.dot_dimension_numbers<[1], [1], [0], [0], [0, 0, 1, 0], [], []>, transpose_lhs_hint = false} : vector<1x128xf32>, vector<20x128xf32>, vector<1x20xf32> -> vector<1x20xf32>
    %add3A_1588 = arith.addf %dot_general3A_1585, %dot_general3A_1587 : vector<1x20xf32>
    %mul3A_1589 = arith.mulf %get3A_1575, %get3A_1575 : vector<200x128xf32>
    %reduce_sum3A_1590 = arith.constant dense<0.000000e+00> : vector<200xf32>
    %reduce_sum3A_1591 = vector.multi_reduction <add>, %mul3A_1589, %reduce_sum3A_1590 [1] : vector<200x128xf32> to vector<200xf32>
    %broadcast_in_dim3A_1592 = vector.shape_cast %reduce_sum3A_1591 : vector<200xf32> to vector<200x1xf32>
    %max3A_1593 = arith.constant 1.000000e-16 : f32
    %max3A_1594 = vector.broadcast %max3A_1593 : f32 to vector<200x1xf32>
    %max3A_1595 = arith.maximumf %broadcast_in_dim3A_1592, %max3A_1594 : vector<200x1xf32>
    %rsqrt3A_1596 = math.rsqrt %max3A_1595 : vector<200x1xf32>
    %mul3A_1597 = arith.constant 5.000000e-01 : f32
    %mul3A_1598 = vector.broadcast %mul3A_1597 : f32 to vector<200x1xf32>
    %mul3A_1599 = arith.mulf %mul3A_1598, %max3A_1595 : vector<200x1xf32>
    %mul3A_1600 = arith.mulf %mul3A_1599, %rsqrt3A_1596 : vector<200x1xf32>
    %mul3A_1601 = arith.mulf %mul3A_1600, %rsqrt3A_1596 : vector<200x1xf32>
    %sub3A_1602 = arith.constant 1.500000e+00 : f32
    %sub3A_1603 = vector.broadcast %sub3A_1602 : f32 to vector<200x1xf32>
    %sub3A_1604 = arith.subf %sub3A_1603, %mul3A_1601 : vector<200x1xf32>
    %mul3A_1605 = arith.mulf %rsqrt3A_1596, %sub3A_1604 : vector<200x1xf32>
    %mul3A_1606 = vector.broadcast %mul3A_1605 : vector<200x1xf32> to vector<200x20xf32>
    %mul3A_1607 = arith.mulf %dot_general3A_1579, %mul3A_1606 : vector<200x20xf32>
    %max3A_1608 = arith.constant 1.000000e-16 : f32
    %max3A_1609 = vector.broadcast %max3A_1608 : f32 to vector<1x20xf32>
    %max3A_1610 = arith.maximumf %add3A_1588, %max3A_1609 : vector<1x20xf32>
    %rsqrt3A_1611 = math.rsqrt %max3A_1610 : vector<1x20xf32>
    %mul3A_1612 = arith.constant 5.000000e-01 : f32
    %mul3A_1613 = vector.broadcast %mul3A_1612 : f32 to vector<1x20xf32>
    %mul3A_1614 = arith.mulf %mul3A_1613, %max3A_1610 : vector<1x20xf32>
    %mul3A_1615 = arith.mulf %mul3A_1614, %rsqrt3A_1611 : vector<1x20xf32>
    %mul3A_1616 = arith.mulf %mul3A_1615, %rsqrt3A_1611 : vector<1x20xf32>
    %sub3A_1617 = arith.constant 1.500000e+00 : f32
    %sub3A_1618 = vector.broadcast %sub3A_1617 : f32 to vector<1x20xf32>
    %sub3A_1619 = arith.subf %sub3A_1618, %mul3A_1616 : vector<1x20xf32>
    %mul3A_1620 = arith.mulf %rsqrt3A_1611, %sub3A_1619 : vector<1x20xf32>
    %mul3A_1621 = vector.broadcast %mul3A_1620 : vector<1x20xf32> to vector<200x20xf32>
    %mul3A_1622 = arith.mulf %mul3A_1607, %mul3A_1621 : vector<200x20xf32>
    %add3A_1623 = arith.constant 1.000000e+00 : f32
    %add3A_1624 = vector.broadcast %add3A_1623 : f32 to vector<200x20xf32>
    %add3A_1625 = arith.addf %mul3A_1622, %add3A_1624 : vector<200x20xf32>
    %swap3A_1626 = arith.constant 0 : index
    %swap3A_1627 = arith.constant 500 : index
    %swap3A_1628 = vector.load %arg13[%swap3A_1626, %swap3A_1627] : memref<200x640xf32, #tpu.memory_space<vmem>>, vector<200x20xf32>
    tpu.vector_store %arg13[%swap3A_1626, %swap3A_1627], %add3A_1625 {strides = array<i32>} : memref<200x640xf32, #tpu.memory_space<vmem>>, vector<200x20xf32>,
    %get3A_1629 = arith.constant 26 : index
    %get3A_1630 = arith.constant 0 : index
    %get3A_1631 = arith.constant 0 : index
    %get3A_1632 = vector.load %arg1[%get3A_1629, %get3A_1630, %get3A_1631] : memref<32x20x128xf32, #tpu.memory_space<vmem>>, vector<1x20x128xf32>
    %get3A_1633 = vector.shape_cast %get3A_1632 : vector<1x20x128xf32> to vector<20x128xf32>
    %get3A_1634 = arith.constant 26 : index
    %get3A_1635 = arith.constant 0 : index
    %get3A_1636 = arith.constant 0 : index
    %get3A_1637 = vector.load %arg2[%get3A_1634, %get3A_1635, %get3A_1636] : memref<32x200x128xf32, #tpu.memory_space<vmem>>, vector<1x200x128xf32>
    %get3A_1638 = vector.shape_cast %get3A_1637 : vector<1x200x128xf32> to vector<200x128xf32>
    %convert_element_type3A_1639 = arith.truncf %get3A_1638 : vector<200x128xf32> to vector<200x128xbf16>
    %convert_element_type3A_1640 = arith.truncf %get3A_1633 : vector<20x128xf32> to vector<20x128xbf16>
    %dot_general3A_1641 = arith.constant dense<0.000000e+00> : vector<200x20xf32>
    %dot_general3A_1642 = tpu.matmul %convert_element_type3A_1639, %convert_element_type3A_1640, %dot_general3A_1641 {dimension_numbers = #tpu.dot_dimension_numbers<[1], [1], [0], [0], [0, 0, 1, 0], [], []>, transpose_lhs_hint = false} : vector<200x128xbf16>, vector<20x128xbf16>, vector<200x20xf32> -> vector<200x20xf32>
    %mul3A_1643 = arith.mulf %get3A_1633, %get3A_1633 : vector<20x128xf32>
    %convert_element_type3A_1644 = arith.truncf %mul3A_1643 : vector<20x128xf32> to vector<20x128xbf16>
    %convert_element_type3A_1645 = arith.extf %convert_element_type3A_1644 : vector<20x128xbf16> to vector<20x128xf32>
    %sub3A_1646 = arith.subf %mul3A_1643, %convert_element_type3A_1645 : vector<20x128xf32>
    %dot_general3A_1647 = arith.constant dense<0.000000e+00> : vector<1x20xf32>
    %dot_general3A_1648 = tpu.matmul %broadcast_in_dim3A_0, %convert_element_type3A_1645, %dot_general3A_1647 {dimension_numbers = #tpu.dot_dimension_numbers<[1], [1], [0], [0], [0, 0, 1, 0], [], []>, transpose_lhs_hint = false} : vector<1x128xf32>, vector<20x128xf32>, vector<1x20xf32> -> vector<1x20xf32>
    %dot_general3A_1649 = arith.constant dense<0.000000e+00> : vector<1x20xf32>
    %dot_general3A_1650 = tpu.matmul %broadcast_in_dim3A_0, %sub3A_1646, %dot_general3A_1649 {dimension_numbers = #tpu.dot_dimension_numbers<[1], [1], [0], [0], [0, 0, 1, 0], [], []>, transpose_lhs_hint = false} : vector<1x128xf32>, vector<20x128xf32>, vector<1x20xf32> -> vector<1x20xf32>
    %add3A_1651 = arith.addf %dot_general3A_1648, %dot_general3A_1650 : vector<1x20xf32>
    %mul3A_1652 = arith.mulf %get3A_1638, %get3A_1638 : vector<200x128xf32>
    %reduce_sum3A_1653 = arith.constant dense<0.000000e+00> : vector<200xf32>
    %reduce_sum3A_1654 = vector.multi_reduction <add>, %mul3A_1652, %reduce_sum3A_1653 [1] : vector<200x128xf32> to vector<200xf32>
    %broadcast_in_dim3A_1655 = vector.shape_cast %reduce_sum3A_1654 : vector<200xf32> to vector<200x1xf32>
    %max3A_1656 = arith.constant 1.000000e-16 : f32
    %max3A_1657 = vector.broadcast %max3A_1656 : f32 to vector<200x1xf32>
    %max3A_1658 = arith.maximumf %broadcast_in_dim3A_1655, %max3A_1657 : vector<200x1xf32>
    %rsqrt3A_1659 = math.rsqrt %max3A_1658 : vector<200x1xf32>
    %mul3A_1660 = arith.constant 5.000000e-01 : f32
    %mul3A_1661 = vector.broadcast %mul3A_1660 : f32 to vector<200x1xf32>
    %mul3A_1662 = arith.mulf %mul3A_1661, %max3A_1658 : vector<200x1xf32>
    %mul3A_1663 = arith.mulf %mul3A_1662, %rsqrt3A_1659 : vector<200x1xf32>
    %mul3A_1664 = arith.mulf %mul3A_1663, %rsqrt3A_1659 : vector<200x1xf32>
    %sub3A_1665 = arith.constant 1.500000e+00 : f32
    %sub3A_1666 = vector.broadcast %sub3A_1665 : f32 to vector<200x1xf32>
    %sub3A_1667 = arith.subf %sub3A_1666, %mul3A_1664 : vector<200x1xf32>
    %mul3A_1668 = arith.mulf %rsqrt3A_1659, %sub3A_1667 : vector<200x1xf32>
    %mul3A_1669 = vector.broadcast %mul3A_1668 : vector<200x1xf32> to vector<200x20xf32>
    %mul3A_1670 = arith.mulf %dot_general3A_1642, %mul3A_1669 : vector<200x20xf32>
    %max3A_1671 = arith.constant 1.000000e-16 : f32
    %max3A_1672 = vector.broadcast %max3A_1671 : f32 to vector<1x20xf32>
    %max3A_1673 = arith.maximumf %add3A_1651, %max3A_1672 : vector<1x20xf32>
    %rsqrt3A_1674 = math.rsqrt %max3A_1673 : vector<1x20xf32>
    %mul3A_1675 = arith.constant 5.000000e-01 : f32
    %mul3A_1676 = vector.broadcast %mul3A_1675 : f32 to vector<1x20xf32>
    %mul3A_1677 = arith.mulf %mul3A_1676, %max3A_1673 : vector<1x20xf32>
    %mul3A_1678 = arith.mulf %mul3A_1677, %rsqrt3A_1674 : vector<1x20xf32>
    %mul3A_1679 = arith.mulf %mul3A_1678, %rsqrt3A_1674 : vector<1x20xf32>
    %sub3A_1680 = arith.constant 1.500000e+00 : f32
    %sub3A_1681 = vector.broadcast %sub3A_1680 : f32 to vector<1x20xf32>
    %sub3A_1682 = arith.subf %sub3A_1681, %mul3A_1679 : vector<1x20xf32>
    %mul3A_1683 = arith.mulf %rsqrt3A_1674, %sub3A_1682 : vector<1x20xf32>
    %mul3A_1684 = vector.broadcast %mul3A_1683 : vector<1x20xf32> to vector<200x20xf32>
    %mul3A_1685 = arith.mulf %mul3A_1670, %mul3A_1684 : vector<200x20xf32>
    %add3A_1686 = arith.constant 1.000000e+00 : f32
    %add3A_1687 = vector.broadcast %add3A_1686 : f32 to vector<200x20xf32>
    %add3A_1688 = arith.addf %mul3A_1685, %add3A_1687 : vector<200x20xf32>
    %swap3A_1689 = arith.constant 0 : index
    %swap3A_1690 = arith.constant 520 : index
    %swap3A_1691 = vector.load %arg13[%swap3A_1689, %swap3A_1690] : memref<200x640xf32, #tpu.memory_space<vmem>>, vector<200x20xf32>
    tpu.vector_store %arg13[%swap3A_1689, %swap3A_1690], %add3A_1688 {strides = array<i32>} : memref<200x640xf32, #tpu.memory_space<vmem>>, vector<200x20xf32>,
    %get3A_1692 = arith.constant 27 : index
    %get3A_1693 = arith.constant 0 : index
    %get3A_1694 = arith.constant 0 : index
    %get3A_1695 = vector.load %arg1[%get3A_1692, %get3A_1693, %get3A_1694] : memref<32x20x128xf32, #tpu.memory_space<vmem>>, vector<1x20x128xf32>
    %get3A_1696 = vector.shape_cast %get3A_1695 : vector<1x20x128xf32> to vector<20x128xf32>
    %get3A_1697 = arith.constant 27 : index
    %get3A_1698 = arith.constant 0 : index
    %get3A_1699 = arith.constant 0 : index
    %get3A_1700 = vector.load %arg2[%get3A_1697, %get3A_1698, %get3A_1699] : memref<32x200x128xf32, #tpu.memory_space<vmem>>, vector<1x200x128xf32>
    %get3A_1701 = vector.shape_cast %get3A_1700 : vector<1x200x128xf32> to vector<200x128xf32>
    %convert_element_type3A_1702 = arith.truncf %get3A_1701 : vector<200x128xf32> to vector<200x128xbf16>
    %convert_element_type3A_1703 = arith.truncf %get3A_1696 : vector<20x128xf32> to vector<20x128xbf16>
    %dot_general3A_1704 = arith.constant dense<0.000000e+00> : vector<200x20xf32>
    %dot_general3A_1705 = tpu.matmul %convert_element_type3A_1702, %convert_element_type3A_1703, %dot_general3A_1704 {dimension_numbers = #tpu.dot_dimension_numbers<[1], [1], [0], [0], [0, 0, 1, 0], [], []>, transpose_lhs_hint = false} : vector<200x128xbf16>, vector<20x128xbf16>, vector<200x20xf32> -> vector<200x20xf32>
    %mul3A_1706 = arith.mulf %get3A_1696, %get3A_1696 : vector<20x128xf32>
    %convert_element_type3A_1707 = arith.truncf %mul3A_1706 : vector<20x128xf32> to vector<20x128xbf16>
    %convert_element_type3A_1708 = arith.extf %convert_element_type3A_1707 : vector<20x128xbf16> to vector<20x128xf32>
    %sub3A_1709 = arith.subf %mul3A_1706, %convert_element_type3A_1708 : vector<20x128xf32>
    %dot_general3A_1710 = arith.constant dense<0.000000e+00> : vector<1x20xf32>
    %dot_general3A_1711 = tpu.matmul %broadcast_in_dim3A_0, %convert_element_type3A_1708, %dot_general3A_1710 {dimension_numbers = #tpu.dot_dimension_numbers<[1], [1], [0], [0], [0, 0, 1, 0], [], []>, transpose_lhs_hint = false} : vector<1x128xf32>, vector<20x128xf32>, vector<1x20xf32> -> vector<1x20xf32>
    %dot_general3A_1712 = arith.constant dense<0.000000e+00> : vector<1x20xf32>
    %dot_general3A_1713 = tpu.matmul %broadcast_in_dim3A_0, %sub3A_1709, %dot_general3A_1712 {dimension_numbers = #tpu.dot_dimension_numbers<[1], [1], [0], [0], [0, 0, 1, 0], [], []>, transpose_lhs_hint = false} : vector<1x128xf32>, vector<20x128xf32>, vector<1x20xf32> -> vector<1x20xf32>
    %add3A_1714 = arith.addf %dot_general3A_1711, %dot_general3A_1713 : vector<1x20xf32>
    %mul3A_1715 = arith.mulf %get3A_1701, %get3A_1701 : vector<200x128xf32>
    %reduce_sum3A_1716 = arith.constant dense<0.000000e+00> : vector<200xf32>
    %reduce_sum3A_1717 = vector.multi_reduction <add>, %mul3A_1715, %reduce_sum3A_1716 [1] : vector<200x128xf32> to vector<200xf32>
    %broadcast_in_dim3A_1718 = vector.shape_cast %reduce_sum3A_1717 : vector<200xf32> to vector<200x1xf32>
    %max3A_1719 = arith.constant 1.000000e-16 : f32
    %max3A_1720 = vector.broadcast %max3A_1719 : f32 to vector<200x1xf32>
    %max3A_1721 = arith.maximumf %broadcast_in_dim3A_1718, %max3A_1720 : vector<200x1xf32>
    %rsqrt3A_1722 = math.rsqrt %max3A_1721 : vector<200x1xf32>
    %mul3A_1723 = arith.constant 5.000000e-01 : f32
    %mul3A_1724 = vector.broadcast %mul3A_1723 : f32 to vector<200x1xf32>
    %mul3A_1725 = arith.mulf %mul3A_1724, %max3A_1721 : vector<200x1xf32>
    %mul3A_1726 = arith.mulf %mul3A_1725, %rsqrt3A_1722 : vector<200x1xf32>
    %mul3A_1727 = arith.mulf %mul3A_1726, %rsqrt3A_1722 : vector<200x1xf32>
    %sub3A_1728 = arith.constant 1.500000e+00 : f32
    %sub3A_1729 = vector.broadcast %sub3A_1728 : f32 to vector<200x1xf32>
    %sub3A_1730 = arith.subf %sub3A_1729, %mul3A_1727 : vector<200x1xf32>
    %mul3A_1731 = arith.mulf %rsqrt3A_1722, %sub3A_1730 : vector<200x1xf32>
    %mul3A_1732 = vector.broadcast %mul3A_1731 : vector<200x1xf32> to vector<200x20xf32>
    %mul3A_1733 = arith.mulf %dot_general3A_1705, %mul3A_1732 : vector<200x20xf32>
    %max3A_1734 = arith.constant 1.000000e-16 : f32
    %max3A_1735 = vector.broadcast %max3A_1734 : f32 to vector<1x20xf32>
    %max3A_1736 = arith.maximumf %add3A_1714, %max3A_1735 : vector<1x20xf32>
    %rsqrt3A_1737 = math.rsqrt %max3A_1736 : vector<1x20xf32>
    %mul3A_1738 = arith.constant 5.000000e-01 : f32
    %mul3A_1739 = vector.broadcast %mul3A_1738 : f32 to vector<1x20xf32>
    %mul3A_1740 = arith.mulf %mul3A_1739, %max3A_1736 : vector<1x20xf32>
    %mul3A_1741 = arith.mulf %mul3A_1740, %rsqrt3A_1737 : vector<1x20xf32>
    %mul3A_1742 = arith.mulf %mul3A_1741, %rsqrt3A_1737 : vector<1x20xf32>
    %sub3A_1743 = arith.constant 1.500000e+00 : f32
    %sub3A_1744 = vector.broadcast %sub3A_1743 : f32 to vector<1x20xf32>
    %sub3A_1745 = arith.subf %sub3A_1744, %mul3A_1742 : vector<1x20xf32>
    %mul3A_1746 = arith.mulf %rsqrt3A_1737, %sub3A_1745 : vector<1x20xf32>
    %mul3A_1747 = vector.broadcast %mul3A_1746 : vector<1x20xf32> to vector<200x20xf32>
    %mul3A_1748 = arith.mulf %mul3A_1733, %mul3A_1747 : vector<200x20xf32>
    %add3A_1749 = arith.constant 1.000000e+00 : f32
    %add3A_1750 = vector.broadcast %add3A_1749 : f32 to vector<200x20xf32>
    %add3A_1751 = arith.addf %mul3A_1748, %add3A_1750 : vector<200x20xf32>
    %swap3A_1752 = arith.constant 0 : index
    %swap3A_1753 = arith.constant 540 : index
    %swap3A_1754 = vector.load %arg13[%swap3A_1752, %swap3A_1753] : memref<200x640xf32, #tpu.memory_space<vmem>>, vector<200x20xf32>
    tpu.vector_store %arg13[%swap3A_1752, %swap3A_1753], %add3A_1751 {strides = array<i32>} : memref<200x640xf32, #tpu.memory_space<vmem>>, vector<200x20xf32>,
    %get3A_1755 = arith.constant 28 : index
    %get3A_1756 = arith.constant 0 : index
    %get3A_1757 = arith.constant 0 : index
    %get3A_1758 = vector.load %arg1[%get3A_1755, %get3A_1756, %get3A_1757] : memref<32x20x128xf32, #tpu.memory_space<vmem>>, vector<1x20x128xf32>
    %get3A_1759 = vector.shape_cast %get3A_1758 : vector<1x20x128xf32> to vector<20x128xf32>
    %get3A_1760 = arith.constant 28 : index
    %get3A_1761 = arith.constant 0 : index
    %get3A_1762 = arith.constant 0 : index
    %get3A_1763 = vector.load %arg2[%get3A_1760, %get3A_1761, %get3A_1762] : memref<32x200x128xf32, #tpu.memory_space<vmem>>, vector<1x200x128xf32>
    %get3A_1764 = vector.shape_cast %get3A_1763 : vector<1x200x128xf32> to vector<200x128xf32>
    %convert_element_type3A_1765 = arith.truncf %get3A_1764 : vector<200x128xf32> to vector<200x128xbf16>
    %convert_element_type3A_1766 = arith.truncf %get3A_1759 : vector<20x128xf32> to vector<20x128xbf16>
    %dot_general3A_1767 = arith.constant dense<0.000000e+00> : vector<200x20xf32>
    %dot_general3A_1768 = tpu.matmul %convert_element_type3A_1765, %convert_element_type3A_1766, %dot_general3A_1767 {dimension_numbers = #tpu.dot_dimension_numbers<[1], [1], [0], [0], [0, 0, 1, 0], [], []>, transpose_lhs_hint = false} : vector<200x128xbf16>, vector<20x128xbf16>, vector<200x20xf32> -> vector<200x20xf32>
    %mul3A_1769 = arith.mulf %get3A_1759, %get3A_1759 : vector<20x128xf32>
    %convert_element_type3A_1770 = arith.truncf %mul3A_1769 : vector<20x128xf32> to vector<20x128xbf16>
    %convert_element_type3A_1771 = arith.extf %convert_element_type3A_1770 : vector<20x128xbf16> to vector<20x128xf32>
    %sub3A_1772 = arith.subf %mul3A_1769, %convert_element_type3A_1771 : vector<20x128xf32>
    %dot_general3A_1773 = arith.constant dense<0.000000e+00> : vector<1x20xf32>
    %dot_general3A_1774 = tpu.matmul %broadcast_in_dim3A_0, %convert_element_type3A_1771, %dot_general3A_1773 {dimension_numbers = #tpu.dot_dimension_numbers<[1], [1], [0], [0], [0, 0, 1, 0], [], []>, transpose_lhs_hint = false} : vector<1x128xf32>, vector<20x128xf32>, vector<1x20xf32> -> vector<1x20xf32>
    %dot_general3A_1775 = arith.constant dense<0.000000e+00> : vector<1x20xf32>
    %dot_general3A_1776 = tpu.matmul %broadcast_in_dim3A_0, %sub3A_1772, %dot_general3A_1775 {dimension_numbers = #tpu.dot_dimension_numbers<[1], [1], [0], [0], [0, 0, 1, 0], [], []>, transpose_lhs_hint = false} : vector<1x128xf32>, vector<20x128xf32>, vector<1x20xf32> -> vector<1x20xf32>
    %add3A_1777 = arith.addf %dot_general3A_1774, %dot_general3A_1776 : vector<1x20xf32>
    %mul3A_1778 = arith.mulf %get3A_1764, %get3A_1764 : vector<200x128xf32>
    %reduce_sum3A_1779 = arith.constant dense<0.000000e+00> : vector<200xf32>
    %reduce_sum3A_1780 = vector.multi_reduction <add>, %mul3A_1778, %reduce_sum3A_1779 [1] : vector<200x128xf32> to vector<200xf32>
    %broadcast_in_dim3A_1781 = vector.shape_cast %reduce_sum3A_1780 : vector<200xf32> to vector<200x1xf32>
    %max3A_1782 = arith.constant 1.000000e-16 : f32
    %max3A_1783 = vector.broadcast %max3A_1782 : f32 to vector<200x1xf32>
    %max3A_1784 = arith.maximumf %broadcast_in_dim3A_1781, %max3A_1783 : vector<200x1xf32>
    %rsqrt3A_1785 = math.rsqrt %max3A_1784 : vector<200x1xf32>
    %mul3A_1786 = arith.constant 5.000000e-01 : f32
    %mul3A_1787 = vector.broadcast %mul3A_1786 : f32 to vector<200x1xf32>
    %mul3A_1788 = arith.mulf %mul3A_1787, %max3A_1784 : vector<200x1xf32>
    %mul3A_1789 = arith.mulf %mul3A_1788, %rsqrt3A_1785 : vector<200x1xf32>
    %mul3A_1790 = arith.mulf %mul3A_1789, %rsqrt3A_1785 : vector<200x1xf32>
    %sub3A_1791 = arith.constant 1.500000e+00 : f32
    %sub3A_1792 = vector.broadcast %sub3A_1791 : f32 to vector<200x1xf32>
    %sub3A_1793 = arith.subf %sub3A_1792, %mul3A_1790 : vector<200x1xf32>
    %mul3A_1794 = arith.mulf %rsqrt3A_1785, %sub3A_1793 : vector<200x1xf32>
    %mul3A_1795 = vector.broadcast %mul3A_1794 : vector<200x1xf32> to vector<200x20xf32>
    %mul3A_1796 = arith.mulf %dot_general3A_1768, %mul3A_1795 : vector<200x20xf32>
    %max3A_1797 = arith.constant 1.000000e-16 : f32
    %max3A_1798 = vector.broadcast %max3A_1797 : f32 to vector<1x20xf32>
    %max3A_1799 = arith.maximumf %add3A_1777, %max3A_1798 : vector<1x20xf32>
    %rsqrt3A_1800 = math.rsqrt %max3A_1799 : vector<1x20xf32>
    %mul3A_1801 = arith.constant 5.000000e-01 : f32
    %mul3A_1802 = vector.broadcast %mul3A_1801 : f32 to vector<1x20xf32>
    %mul3A_1803 = arith.mulf %mul3A_1802, %max3A_1799 : vector<1x20xf32>
    %mul3A_1804 = arith.mulf %mul3A_1803, %rsqrt3A_1800 : vector<1x20xf32>
    %mul3A_1805 = arith.mulf %mul3A_1804, %rsqrt3A_1800 : vector<1x20xf32>
    %sub3A_1806 = arith.constant 1.500000e+00 : f32
    %sub3A_1807 = vector.broadcast %sub3A_1806 : f32 to vector<1x20xf32>
    %sub3A_1808 = arith.subf %sub3A_1807, %mul3A_1805 : vector<1x20xf32>
    %mul3A_1809 = arith.mulf %rsqrt3A_1800, %sub3A_1808 : vector<1x20xf32>
    %mul3A_1810 = vector.broadcast %mul3A_1809 : vector<1x20xf32> to vector<200x20xf32>
    %mul3A_1811 = arith.mulf %mul3A_1796, %mul3A_1810 : vector<200x20xf32>
    %add3A_1812 = arith.constant 1.000000e+00 : f32
    %add3A_1813 = vector.broadcast %add3A_1812 : f32 to vector<200x20xf32>
    %add3A_1814 = arith.addf %mul3A_1811, %add3A_1813 : vector<200x20xf32>
    %swap3A_1815 = arith.constant 0 : index
    %swap3A_1816 = arith.constant 560 : index
    %swap3A_1817 = vector.load %arg13[%swap3A_1815, %swap3A_1816] : memref<200x640xf32, #tpu.memory_space<vmem>>, vector<200x20xf32>
    tpu.vector_store %arg13[%swap3A_1815, %swap3A_1816], %add3A_1814 {strides = array<i32>} : memref<200x640xf32, #tpu.memory_space<vmem>>, vector<200x20xf32>,
    %get3A_1818 = arith.constant 29 : index
    %get3A_1819 = arith.constant 0 : index
    %get3A_1820 = arith.constant 0 : index
    %get3A_1821 = vector.load %arg1[%get3A_1818, %get3A_1819, %get3A_1820] : memref<32x20x128xf32, #tpu.memory_space<vmem>>, vector<1x20x128xf32>
    %get3A_1822 = vector.shape_cast %get3A_1821 : vector<1x20x128xf32> to vector<20x128xf32>
    %get3A_1823 = arith.constant 29 : index
    %get3A_1824 = arith.constant 0 : index
    %get3A_1825 = arith.constant 0 : index
    %get3A_1826 = vector.load %arg2[%get3A_1823, %get3A_1824, %get3A_1825] : memref<32x200x128xf32, #tpu.memory_space<vmem>>, vector<1x200x128xf32>
    %get3A_1827 = vector.shape_cast %get3A_1826 : vector<1x200x128xf32> to vector<200x128xf32>
    %convert_element_type3A_1828 = arith.truncf %get3A_1827 : vector<200x128xf32> to vector<200x128xbf16>
    %convert_element_type3A_1829 = arith.truncf %get3A_1822 : vector<20x128xf32> to vector<20x128xbf16>
    %dot_general3A_1830 = arith.constant dense<0.000000e+00> : vector<200x20xf32>
    %dot_general3A_1831 = tpu.matmul %convert_element_type3A_1828, %convert_element_type3A_1829, %dot_general3A_1830 {dimension_numbers = #tpu.dot_dimension_numbers<[1], [1], [0], [0], [0, 0, 1, 0], [], []>, transpose_lhs_hint = false} : vector<200x128xbf16>, vector<20x128xbf16>, vector<200x20xf32> -> vector<200x20xf32>
    %mul3A_1832 = arith.mulf %get3A_1822, %get3A_1822 : vector<20x128xf32>
    %convert_element_type3A_1833 = arith.truncf %mul3A_1832 : vector<20x128xf32> to vector<20x128xbf16>
    %convert_element_type3A_1834 = arith.extf %convert_element_type3A_1833 : vector<20x128xbf16> to vector<20x128xf32>
    %sub3A_1835 = arith.subf %mul3A_1832, %convert_element_type3A_1834 : vector<20x128xf32>
    %dot_general3A_1836 = arith.constant dense<0.000000e+00> : vector<1x20xf32>
    %dot_general3A_1837 = tpu.matmul %broadcast_in_dim3A_0, %convert_element_type3A_1834, %dot_general3A_1836 {dimension_numbers = #tpu.dot_dimension_numbers<[1], [1], [0], [0], [0, 0, 1, 0], [], []>, transpose_lhs_hint = false} : vector<1x128xf32>, vector<20x128xf32>, vector<1x20xf32> -> vector<1x20xf32>
    %dot_general3A_1838 = arith.constant dense<0.000000e+00> : vector<1x20xf32>
    %dot_general3A_1839 = tpu.matmul %broadcast_in_dim3A_0, %sub3A_1835, %dot_general3A_1838 {dimension_numbers = #tpu.dot_dimension_numbers<[1], [1], [0], [0], [0, 0, 1, 0], [], []>, transpose_lhs_hint = false} : vector<1x128xf32>, vector<20x128xf32>, vector<1x20xf32> -> vector<1x20xf32>
    %add3A_1840 = arith.addf %dot_general3A_1837, %dot_general3A_1839 : vector<1x20xf32>
    %mul3A_1841 = arith.mulf %get3A_1827, %get3A_1827 : vector<200x128xf32>
    %reduce_sum3A_1842 = arith.constant dense<0.000000e+00> : vector<200xf32>
    %reduce_sum3A_1843 = vector.multi_reduction <add>, %mul3A_1841, %reduce_sum3A_1842 [1] : vector<200x128xf32> to vector<200xf32>
    %broadcast_in_dim3A_1844 = vector.shape_cast %reduce_sum3A_1843 : vector<200xf32> to vector<200x1xf32>
    %max3A_1845 = arith.constant 1.000000e-16 : f32
    %max3A_1846 = vector.broadcast %max3A_1845 : f32 to vector<200x1xf32>
    %max3A_1847 = arith.maximumf %broadcast_in_dim3A_1844, %max3A_1846 : vector<200x1xf32>
    %rsqrt3A_1848 = math.rsqrt %max3A_1847 : vector<200x1xf32>
    %mul3A_1849 = arith.constant 5.000000e-01 : f32
    %mul3A_1850 = vector.broadcast %mul3A_1849 : f32 to vector<200x1xf32>
    %mul3A_1851 = arith.mulf %mul3A_1850, %max3A_1847 : vector<200x1xf32>
    %mul3A_1852 = arith.mulf %mul3A_1851, %rsqrt3A_1848 : vector<200x1xf32>
    %mul3A_1853 = arith.mulf %mul3A_1852, %rsqrt3A_1848 : vector<200x1xf32>
    %sub3A_1854 = arith.constant 1.500000e+00 : f32
    %sub3A_1855 = vector.broadcast %sub3A_1854 : f32 to vector<200x1xf32>
    %sub3A_1856 = arith.subf %sub3A_1855, %mul3A_1853 : vector<200x1xf32>
    %mul3A_1857 = arith.mulf %rsqrt3A_1848, %sub3A_1856 : vector<200x1xf32>
    %mul3A_1858 = vector.broadcast %mul3A_1857 : vector<200x1xf32> to vector<200x20xf32>
    %mul3A_1859 = arith.mulf %dot_general3A_1831, %mul3A_1858 : vector<200x20xf32>
    %max3A_1860 = arith.constant 1.000000e-16 : f32
    %max3A_1861 = vector.broadcast %max3A_1860 : f32 to vector<1x20xf32>
    %max3A_1862 = arith.maximumf %add3A_1840, %max3A_1861 : vector<1x20xf32>
    %rsqrt3A_1863 = math.rsqrt %max3A_1862 : vector<1x20xf32>
    %mul3A_1864 = arith.constant 5.000000e-01 : f32
    %mul3A_1865 = vector.broadcast %mul3A_1864 : f32 to vector<1x20xf32>
    %mul3A_1866 = arith.mulf %mul3A_1865, %max3A_1862 : vector<1x20xf32>
    %mul3A_1867 = arith.mulf %mul3A_1866, %rsqrt3A_1863 : vector<1x20xf32>
    %mul3A_1868 = arith.mulf %mul3A_1867, %rsqrt3A_1863 : vector<1x20xf32>
    %sub3A_1869 = arith.constant 1.500000e+00 : f32
    %sub3A_1870 = vector.broadcast %sub3A_1869 : f32 to vector<1x20xf32>
    %sub3A_1871 = arith.subf %sub3A_1870, %mul3A_1868 : vector<1x20xf32>
    %mul3A_1872 = arith.mulf %rsqrt3A_1863, %sub3A_1871 : vector<1x20xf32>
    %mul3A_1873 = vector.broadcast %mul3A_1872 : vector<1x20xf32> to vector<200x20xf32>
    %mul3A_1874 = arith.mulf %mul3A_1859, %mul3A_1873 : vector<200x20xf32>
    %add3A_1875 = arith.constant 1.000000e+00 : f32
    %add3A_1876 = vector.broadcast %add3A_1875 : f32 to vector<200x20xf32>
    %add3A_1877 = arith.addf %mul3A_1874, %add3A_1876 : vector<200x20xf32>
    %swap3A_1878 = arith.constant 0 : index
    %swap3A_1879 = arith.constant 580 : index
    %swap3A_1880 = vector.load %arg13[%swap3A_1878, %swap3A_1879] : memref<200x640xf32, #tpu.memory_space<vmem>>, vector<200x20xf32>
    tpu.vector_store %arg13[%swap3A_1878, %swap3A_1879], %add3A_1877 {strides = array<i32>} : memref<200x640xf32, #tpu.memory_space<vmem>>, vector<200x20xf32>,
    %get3A_1881 = arith.constant 30 : index
    %get3A_1882 = arith.constant 0 : index
    %get3A_1883 = arith.constant 0 : index
    %get3A_1884 = vector.load %arg1[%get3A_1881, %get3A_1882, %get3A_1883] : memref<32x20x128xf32, #tpu.memory_space<vmem>>, vector<1x20x128xf32>
    %get3A_1885 = vector.shape_cast %get3A_1884 : vector<1x20x128xf32> to vector<20x128xf32>
    %get3A_1886 = arith.constant 30 : index
    %get3A_1887 = arith.constant 0 : index
    %get3A_1888 = arith.constant 0 : index
    %get3A_1889 = vector.load %arg2[%get3A_1886, %get3A_1887, %get3A_1888] : memref<32x200x128xf32, #tpu.memory_space<vmem>>, vector<1x200x128xf32>
    %get3A_1890 = vector.shape_cast %get3A_1889 : vector<1x200x128xf32> to vector<200x128xf32>
    %convert_element_type3A_1891 = arith.truncf %get3A_1890 : vector<200x128xf32> to vector<200x128xbf16>
    %convert_element_type3A_1892 = arith.truncf %get3A_1885 : vector<20x128xf32> to vector<20x128xbf16>
    %dot_general3A_1893 = arith.constant dense<0.000000e+00> : vector<200x20xf32>
    %dot_general3A_1894 = tpu.matmul %convert_element_type3A_1891, %convert_element_type3A_1892, %dot_general3A_1893 {dimension_numbers = #tpu.dot_dimension_numbers<[1], [1], [0], [0], [0, 0, 1, 0], [], []>, transpose_lhs_hint = false} : vector<200x128xbf16>, vector<20x128xbf16>, vector<200x20xf32> -> vector<200x20xf32>
    %mul3A_1895 = arith.mulf %get3A_1885, %get3A_1885 : vector<20x128xf32>
    %convert_element_type3A_1896 = arith.truncf %mul3A_1895 : vector<20x128xf32> to vector<20x128xbf16>
    %convert_element_type3A_1897 = arith.extf %convert_element_type3A_1896 : vector<20x128xbf16> to vector<20x128xf32>
    %sub3A_1898 = arith.subf %mul3A_1895, %convert_element_type3A_1897 : vector<20x128xf32>
    %dot_general3A_1899 = arith.constant dense<0.000000e+00> : vector<1x20xf32>
    %dot_general3A_1900 = tpu.matmul %broadcast_in_dim3A_0, %convert_element_type3A_1897, %dot_general3A_1899 {dimension_numbers = #tpu.dot_dimension_numbers<[1], [1], [0], [0], [0, 0, 1, 0], [], []>, transpose_lhs_hint = false} : vector<1x128xf32>, vector<20x128xf32>, vector<1x20xf32> -> vector<1x20xf32>
    %dot_general3A_1901 = arith.constant dense<0.000000e+00> : vector<1x20xf32>
    %dot_general3A_1902 = tpu.matmul %broadcast_in_dim3A_0, %sub3A_1898, %dot_general3A_1901 {dimension_numbers = #tpu.dot_dimension_numbers<[1], [1], [0], [0], [0, 0, 1, 0], [], []>, transpose_lhs_hint = false} : vector<1x128xf32>, vector<20x128xf32>, vector<1x20xf32> -> vector<1x20xf32>
    %add3A_1903 = arith.addf %dot_general3A_1900, %dot_general3A_1902 : vector<1x20xf32>
    %mul3A_1904 = arith.mulf %get3A_1890, %get3A_1890 : vector<200x128xf32>
    %reduce_sum3A_1905 = arith.constant dense<0.000000e+00> : vector<200xf32>
    %reduce_sum3A_1906 = vector.multi_reduction <add>, %mul3A_1904, %reduce_sum3A_1905 [1] : vector<200x128xf32> to vector<200xf32>
    %broadcast_in_dim3A_1907 = vector.shape_cast %reduce_sum3A_1906 : vector<200xf32> to vector<200x1xf32>
    %max3A_1908 = arith.constant 1.000000e-16 : f32
    %max3A_1909 = vector.broadcast %max3A_1908 : f32 to vector<200x1xf32>
    %max3A_1910 = arith.maximumf %broadcast_in_dim3A_1907, %max3A_1909 : vector<200x1xf32>
    %rsqrt3A_1911 = math.rsqrt %max3A_1910 : vector<200x1xf32>
    %mul3A_1912 = arith.constant 5.000000e-01 : f32
    %mul3A_1913 = vector.broadcast %mul3A_1912 : f32 to vector<200x1xf32>
    %mul3A_1914 = arith.mulf %mul3A_1913, %max3A_1910 : vector<200x1xf32>
    %mul3A_1915 = arith.mulf %mul3A_1914, %rsqrt3A_1911 : vector<200x1xf32>
    %mul3A_1916 = arith.mulf %mul3A_1915, %rsqrt3A_1911 : vector<200x1xf32>
    %sub3A_1917 = arith.constant 1.500000e+00 : f32
    %sub3A_1918 = vector.broadcast %sub3A_1917 : f32 to vector<200x1xf32>
    %sub3A_1919 = arith.subf %sub3A_1918, %mul3A_1916 : vector<200x1xf32>
    %mul3A_1920 = arith.mulf %rsqrt3A_1911, %sub3A_1919 : vector<200x1xf32>
    %mul3A_1921 = vector.broadcast %mul3A_1920 : vector<200x1xf32> to vector<200x20xf32>
    %mul3A_1922 = arith.mulf %dot_general3A_1894, %mul3A_1921 : vector<200x20xf32>
    %max3A_1923 = arith.constant 1.000000e-16 : f32
    %max3A_1924 = vector.broadcast %max3A_1923 : f32 to vector<1x20xf32>
    %max3A_1925 = arith.maximumf %add3A_1903, %max3A_1924 : vector<1x20xf32>
    %rsqrt3A_1926 = math.rsqrt %max3A_1925 : vector<1x20xf32>
    %mul3A_1927 = arith.constant 5.000000e-01 : f32
    %mul3A_1928 = vector.broadcast %mul3A_1927 : f32 to vector<1x20xf32>
    %mul3A_1929 = arith.mulf %mul3A_1928, %max3A_1925 : vector<1x20xf32>
    %mul3A_1930 = arith.mulf %mul3A_1929, %rsqrt3A_1926 : vector<1x20xf32>
    %mul3A_1931 = arith.mulf %mul3A_1930, %rsqrt3A_1926 : vector<1x20xf32>
    %sub3A_1932 = arith.constant 1.500000e+00 : f32
    %sub3A_1933 = vector.broadcast %sub3A_1932 : f32 to vector<1x20xf32>
    %sub3A_1934 = arith.subf %sub3A_1933, %mul3A_1931 : vector<1x20xf32>
    %mul3A_1935 = arith.mulf %rsqrt3A_1926, %sub3A_1934 : vector<1x20xf32>
    %mul3A_1936 = vector.broadcast %mul3A_1935 : vector<1x20xf32> to vector<200x20xf32>
    %mul3A_1937 = arith.mulf %mul3A_1922, %mul3A_1936 : vector<200x20xf32>
    %add3A_1938 = arith.constant 1.000000e+00 : f32
    %add3A_1939 = vector.broadcast %add3A_1938 : f32 to vector<200x20xf32>
    %add3A_1940 = arith.addf %mul3A_1937, %add3A_1939 : vector<200x20xf32>
    %swap3A_1941 = arith.constant 0 : index
    %swap3A_1942 = arith.constant 600 : index
    %swap3A_1943 = vector.load %arg13[%swap3A_1941, %swap3A_1942] : memref<200x640xf32, #tpu.memory_space<vmem>>, vector<200x20xf32>
    tpu.vector_store %arg13[%swap3A_1941, %swap3A_1942], %add3A_1940 {strides = array<i32>} : memref<200x640xf32, #tpu.memory_space<vmem>>, vector<200x20xf32>,
    %get3A_1944 = arith.constant 31 : index
    %get3A_1945 = arith.constant 0 : index
    %get3A_1946 = arith.constant 0 : index
    %get3A_1947 = vector.load %arg1[%get3A_1944, %get3A_1945, %get3A_1946] : memref<32x20x128xf32, #tpu.memory_space<vmem>>, vector<1x20x128xf32>
    %get3A_1948 = vector.shape_cast %get3A_1947 : vector<1x20x128xf32> to vector<20x128xf32>
    %get3A_1949 = arith.constant 31 : index
    %get3A_1950 = arith.constant 0 : index
    %get3A_1951 = arith.constant 0 : index
    %get3A_1952 = vector.load %arg2[%get3A_1949, %get3A_1950, %get3A_1951] : memref<32x200x128xf32, #tpu.memory_space<vmem>>, vector<1x200x128xf32>
    %get3A_1953 = vector.shape_cast %get3A_1952 : vector<1x200x128xf32> to vector<200x128xf32>
    %convert_element_type3A_1954 = arith.truncf %get3A_1953 : vector<200x128xf32> to vector<200x128xbf16>
    %convert_element_type3A_1955 = arith.truncf %get3A_1948 : vector<20x128xf32> to vector<20x128xbf16>
    %dot_general3A_1956 = arith.constant dense<0.000000e+00> : vector<200x20xf32>
    %dot_general3A_1957 = tpu.matmul %convert_element_type3A_1954, %convert_element_type3A_1955, %dot_general3A_1956 {dimension_numbers = #tpu.dot_dimension_numbers<[1], [1], [0], [0], [0, 0, 1, 0], [], []>, transpose_lhs_hint = false} : vector<200x128xbf16>, vector<20x128xbf16>, vector<200x20xf32> -> vector<200x20xf32>
    %mul3A_1958 = arith.mulf %get3A_1948, %get3A_1948 : vector<20x128xf32>
    %convert_element_type3A_1959 = arith.truncf %mul3A_1958 : vector<20x128xf32> to vector<20x128xbf16>
    %convert_element_type3A_1960 = arith.extf %convert_element_type3A_1959 : vector<20x128xbf16> to vector<20x128xf32>
    %sub3A_1961 = arith.subf %mul3A_1958, %convert_element_type3A_1960 : vector<20x128xf32>
    %dot_general3A_1962 = arith.constant dense<0.000000e+00> : vector<1x20xf32>
    %dot_general3A_1963 = tpu.matmul %broadcast_in_dim3A_0, %convert_element_type3A_1960, %dot_general3A_1962 {dimension_numbers = #tpu.dot_dimension_numbers<[1], [1], [0], [0], [0, 0, 1, 0], [], []>, transpose_lhs_hint = false} : vector<1x128xf32>, vector<20x128xf32>, vector<1x20xf32> -> vector<1x20xf32>
    %dot_general3A_1964 = arith.constant dense<0.000000e+00> : vector<1x20xf32>
    %dot_general3A_1965 = tpu.matmul %broadcast_in_dim3A_0, %sub3A_1961, %dot_general3A_1964 {dimension_numbers = #tpu.dot_dimension_numbers<[1], [1], [0], [0], [0, 0, 1, 0], [], []>, transpose_lhs_hint = false} : vector<1x128xf32>, vector<20x128xf32>, vector<1x20xf32> -> vector<1x20xf32>
    %add3A_1966 = arith.addf %dot_general3A_1963, %dot_general3A_1965 : vector<1x20xf32>
    %mul3A_1967 = arith.mulf %get3A_1953, %get3A_1953 : vector<200x128xf32>
    %reduce_sum3A_1968 = arith.constant dense<0.000000e+00> : vector<200xf32>
    %reduce_sum3A_1969 = vector.multi_reduction <add>, %mul3A_1967, %reduce_sum3A_1968 [1] : vector<200x128xf32> to vector<200xf32>
    %broadcast_in_dim3A_1970 = vector.shape_cast %reduce_sum3A_1969 : vector<200xf32> to vector<200x1xf32>
    %max3A_1971 = arith.constant 1.000000e-16 : f32
    %max3A_1972 = vector.broadcast %max3A_1971 : f32 to vector<200x1xf32>
    %max3A_1973 = arith.maximumf %broadcast_in_dim3A_1970, %max3A_1972 : vector<200x1xf32>
    %rsqrt3A_1974 = math.rsqrt %max3A_1973 : vector<200x1xf32>
    %mul3A_1975 = arith.constant 5.000000e-01 : f32
    %mul3A_1976 = vector.broadcast %mul3A_1975 : f32 to vector<200x1xf32>
    %mul3A_1977 = arith.mulf %mul3A_1976, %max3A_1973 : vector<200x1xf32>
    %mul3A_1978 = arith.mulf %mul3A_1977, %rsqrt3A_1974 : vector<200x1xf32>
    %mul3A_1979 = arith.mulf %mul3A_1978, %rsqrt3A_1974 : vector<200x1xf32>
    %sub3A_1980 = arith.constant 1.500000e+00 : f32
    %sub3A_1981 = vector.broadcast %sub3A_1980 : f32 to vector<200x1xf32>
    %sub3A_1982 = arith.subf %sub3A_1981, %mul3A_1979 : vector<200x1xf32>
    %mul3A_1983 = arith.mulf %rsqrt3A_1974, %sub3A_1982 : vector<200x1xf32>
    %mul3A_1984 = vector.broadcast %mul3A_1983 : vector<200x1xf32> to vector<200x20xf32>
    %mul3A_1985 = arith.mulf %dot_general3A_1957, %mul3A_1984 : vector<200x20xf32>
    %max3A_1986 = arith.constant 1.000000e-16 : f32
    %max3A_1987 = vector.broadcast %max3A_1986 : f32 to vector<1x20xf32>
    %max3A_1988 = arith.maximumf %add3A_1966, %max3A_1987 : vector<1x20xf32>
    %rsqrt3A_1989 = math.rsqrt %max3A_1988 : vector<1x20xf32>
    %mul3A_1990 = arith.constant 5.000000e-01 : f32
    %mul3A_1991 = vector.broadcast %mul3A_1990 : f32 to vector<1x20xf32>
    %mul3A_1992 = arith.mulf %mul3A_1991, %max3A_1988 : vector<1x20xf32>
    %mul3A_1993 = arith.mulf %mul3A_1992, %rsqrt3A_1989 : vector<1x20xf32>
    %mul3A_1994 = arith.mulf %mul3A_1993, %rsqrt3A_1989 : vector<1x20xf32>
    %sub3A_1995 = arith.constant 1.500000e+00 : f32
    %sub3A_1996 = vector.broadcast %sub3A_1995 : f32 to vector<1x20xf32>
    %sub3A_1997 = arith.subf %sub3A_1996, %mul3A_1994 : vector<1x20xf32>
    %mul3A_1998 = arith.mulf %rsqrt3A_1989, %sub3A_1997 : vector<1x20xf32>
    %mul3A_1999 = vector.broadcast %mul3A_1998 : vector<1x20xf32> to vector<200x20xf32>
    %mul3A_2000 = arith.mulf %mul3A_1985, %mul3A_1999 : vector<200x20xf32>
    %add3A_2001 = arith.constant 1.000000e+00 : f32
    %add3A_2002 = vector.broadcast %add3A_2001 : f32 to vector<200x20xf32>
    %add3A_2003 = arith.addf %mul3A_2000, %add3A_2002 : vector<200x20xf32>
    %swap3A_2004 = arith.constant 0 : index
    %swap3A_2005 = arith.constant 620 : index
    %swap3A_2006 = vector.load %arg13[%swap3A_2004, %swap3A_2005] : memref<200x640xf32, #tpu.memory_space<vmem>>, vector<200x20xf32>
    tpu.vector_store %arg13[%swap3A_2004, %swap3A_2005], %add3A_2003 {strides = array<i32>} : memref<200x640xf32, #tpu.memory_space<vmem>>, vector<200x20xf32>,
    %get3A_2007 = arith.constant 0 : index
    %get3A_2008 = arith.constant 0 : index
    %get3A_2009 = vector.load %arg13[%get3A_2007, %get3A_2008] : memref<200x640xf32, #tpu.memory_space<vmem>>, vector<200x640xf32>
    %ge3A = arith.constant 0.0666666701 : f32
    %ge3A_2010 = vector.broadcast %ge3A : f32 to vector<200x640xf32>
    %ge3A_2011 = arith.cmpf oge, %get3A_2009, %ge3A_2010 : vector<200x640xf32>
    %jit3A = arith.constant 1.000000e+00 : f32
    %jit3A_2012 = arith.constant 0.000000e+00 : f32
    %broadcast_in_dim3A_2013 = vector.broadcast %jit3A : f32 to vector<200x640xf32>
    %broadcast_in_dim3A_2014 = vector.broadcast %jit3A_2012 : f32 to vector<200x640xf32>
    %select_n3A = arith.select %ge3A_2011, %broadcast_in_dim3A_2013, %broadcast_in_dim3A_2014 : vector<200x640xi1>, vector<200x640xf32>
    %ge3A_2015 = arith.constant 0.13333334 : f32
    %ge3A_2016 = vector.broadcast %ge3A_2015 : f32 to vector<200x640xf32>
    %ge3A_2017 = arith.cmpf oge, %get3A_2009, %ge3A_2016 : vector<200x640xf32>
    %jit3A_2018 = arith.constant 2.560000e+02 : f32
    %jit3A_2019 = arith.constant 0.000000e+00 : f32
    %broadcast_in_dim3A_2020 = vector.broadcast %jit3A_2018 : f32 to vector<200x640xf32>
    %broadcast_in_dim3A_2021 = vector.broadcast %jit3A_2019 : f32 to vector<200x640xf32>
    %select_n3A_2022 = arith.select %ge3A_2017, %broadcast_in_dim3A_2020, %broadcast_in_dim3A_2021 : vector<200x640xi1>, vector<200x640xf32>
    %add3A_2023 = arith.addf %select_n3A, %select_n3A_2022 : vector<200x640xf32>
    %ge3A_2024 = arith.constant 2.000000e-01 : f32
    %ge3A_2025 = vector.broadcast %ge3A_2024 : f32 to vector<200x640xf32>
    %ge3A_2026 = arith.cmpf oge, %get3A_2009, %ge3A_2025 : vector<200x640xf32>
    %jit3A_2027 = arith.constant 6.553600e+04 : f32
    %jit3A_2028 = arith.constant 0.000000e+00 : f32
    %broadcast_in_dim3A_2029 = vector.broadcast %jit3A_2027 : f32 to vector<200x640xf32>
    %broadcast_in_dim3A_2030 = vector.broadcast %jit3A_2028 : f32 to vector<200x640xf32>
    %select_n3A_2031 = arith.select %ge3A_2026, %broadcast_in_dim3A_2029, %broadcast_in_dim3A_2030 : vector<200x640xi1>, vector<200x640xf32>
    %add3A_2032 = arith.addf %add3A_2023, %select_n3A_2031 : vector<200x640xf32>
    %reduce_sum3A_2033 = arith.constant dense<0.000000e+00> : vector<640xf32>
    %reduce_sum3A_2034 = vector.multi_reduction <add>, %add3A_2032, %reduce_sum3A_2033 [0] : vector<200x640xf32> to vector<640xf32>
    %broadcast_in_dim3A_2035 = vector.shape_cast %reduce_sum3A_2034 : vector<640xf32> to vector<1x640xf32>
    %mul3A_2036 = arith.constant 1.52587891E-5 : f32
    %mul3A_2037 = vector.broadcast %mul3A_2036 : f32 to vector<1x640xf32>
    %mul3A_2038 = arith.mulf %broadcast_in_dim3A_2035, %mul3A_2037 : vector<1x640xf32>
    %floor3A = math.floor %mul3A_2038 : vector<1x640xf32>
    %mul3A_2039 = arith.constant 6.553600e+04 : f32
    %mul3A_2040 = vector.broadcast %mul3A_2039 : f32 to vector<1x640xf32>
    %mul3A_2041 = arith.mulf %floor3A, %mul3A_2040 : vector<1x640xf32>
    %sub3A_2042 = arith.subf %broadcast_in_dim3A_2035, %mul3A_2041 : vector<1x640xf32>
    %mul3A_2043 = arith.constant 3.906250e-03 : f32
    %mul3A_2044 = vector.broadcast %mul3A_2043 : f32 to vector<1x640xf32>
    %mul3A_2045 = arith.mulf %sub3A_2042, %mul3A_2044 : vector<1x640xf32>
    %floor3A_2046 = math.floor %mul3A_2045 : vector<1x640xf32>
    %mul3A_2047 = arith.constant 2.560000e+02 : f32
    %mul3A_2048 = vector.broadcast %mul3A_2047 : f32 to vector<1x640xf32>
    %mul3A_2049 = arith.mulf %floor3A_2046, %mul3A_2048 : vector<1x640xf32>
    %sub3A_2050 = arith.subf %sub3A_2042, %mul3A_2049 : vector<1x640xf32>
    %ge3A_2051 = arith.constant 0.266666681 : f32
    %ge3A_2052 = vector.broadcast %ge3A_2051 : f32 to vector<200x640xf32>
    %ge3A_2053 = arith.cmpf oge, %get3A_2009, %ge3A_2052 : vector<200x640xf32>
    %jit3A_2054 = arith.constant 1.000000e+00 : f32
    %jit3A_2055 = arith.constant 0.000000e+00 : f32
    %broadcast_in_dim3A_2056 = vector.broadcast %jit3A_2054 : f32 to vector<200x640xf32>
    %broadcast_in_dim3A_2057 = vector.broadcast %jit3A_2055 : f32 to vector<200x640xf32>
    %select_n3A_2058 = arith.select %ge3A_2053, %broadcast_in_dim3A_2056, %broadcast_in_dim3A_2057 : vector<200x640xi1>, vector<200x640xf32>
    %ge3A_2059 = arith.constant 0.333333343 : f32
    %ge3A_2060 = vector.broadcast %ge3A_2059 : f32 to vector<200x640xf32>
    %ge3A_2061 = arith.cmpf oge, %get3A_2009, %ge3A_2060 : vector<200x640xf32>
    %jit3A_2062 = arith.constant 2.560000e+02 : f32
    %jit3A_2063 = arith.constant 0.000000e+00 : f32
    %broadcast_in_dim3A_2064 = vector.broadcast %jit3A_2062 : f32 to vector<200x640xf32>
    %broadcast_in_dim3A_2065 = vector.broadcast %jit3A_2063 : f32 to vector<200x640xf32>
    %select_n3A_2066 = arith.select %ge3A_2061, %broadcast_in_dim3A_2064, %broadcast_in_dim3A_2065 : vector<200x640xi1>, vector<200x640xf32>
    %add3A_2067 = arith.addf %select_n3A_2058, %select_n3A_2066 : vector<200x640xf32>
    %ge3A_2068 = arith.constant 4.000000e-01 : f32
    %ge3A_2069 = vector.broadcast %ge3A_2068 : f32 to vector<200x640xf32>
    %ge3A_2070 = arith.cmpf oge, %get3A_2009, %ge3A_2069 : vector<200x640xf32>
    %jit3A_2071 = arith.constant 6.553600e+04 : f32
    %jit3A_2072 = arith.constant 0.000000e+00 : f32
    %broadcast_in_dim3A_2073 = vector.broadcast %jit3A_2071 : f32 to vector<200x640xf32>
    %broadcast_in_dim3A_2074 = vector.broadcast %jit3A_2072 : f32 to vector<200x640xf32>
    %select_n3A_2075 = arith.select %ge3A_2070, %broadcast_in_dim3A_2073, %broadcast_in_dim3A_2074 : vector<200x640xi1>, vector<200x640xf32>
    %add3A_2076 = arith.addf %add3A_2067, %select_n3A_2075 : vector<200x640xf32>
    %reduce_sum3A_2077 = arith.constant dense<0.000000e+00> : vector<640xf32>
    %reduce_sum3A_2078 = vector.multi_reduction <add>, %add3A_2076, %reduce_sum3A_2077 [0] : vector<200x640xf32> to vector<640xf32>
    %broadcast_in_dim3A_2079 = vector.shape_cast %reduce_sum3A_2078 : vector<640xf32> to vector<1x640xf32>
    %mul3A_2080 = arith.constant 1.52587891E-5 : f32
    %mul3A_2081 = vector.broadcast %mul3A_2080 : f32 to vector<1x640xf32>
    %mul3A_2082 = arith.mulf %broadcast_in_dim3A_2079, %mul3A_2081 : vector<1x640xf32>
    %floor3A_2083 = math.floor %mul3A_2082 : vector<1x640xf32>
    %mul3A_2084 = arith.constant 6.553600e+04 : f32
    %mul3A_2085 = vector.broadcast %mul3A_2084 : f32 to vector<1x640xf32>
    %mul3A_2086 = arith.mulf %floor3A_2083, %mul3A_2085 : vector<1x640xf32>
    %sub3A_2087 = arith.subf %broadcast_in_dim3A_2079, %mul3A_2086 : vector<1x640xf32>
    %mul3A_2088 = arith.constant 3.906250e-03 : f32
    %mul3A_2089 = vector.broadcast %mul3A_2088 : f32 to vector<1x640xf32>
    %mul3A_2090 = arith.mulf %sub3A_2087, %mul3A_2089 : vector<1x640xf32>
    %floor3A_2091 = math.floor %mul3A_2090 : vector<1x640xf32>
    %mul3A_2092 = arith.constant 2.560000e+02 : f32
    %mul3A_2093 = vector.broadcast %mul3A_2092 : f32 to vector<1x640xf32>
    %mul3A_2094 = arith.mulf %floor3A_2091, %mul3A_2093 : vector<1x640xf32>
    %sub3A_2095 = arith.subf %sub3A_2087, %mul3A_2094 : vector<1x640xf32>
    %ge3A_2096 = arith.constant 0.466666698 : f32
    %ge3A_2097 = vector.broadcast %ge3A_2096 : f32 to vector<200x640xf32>
    %ge3A_2098 = arith.cmpf oge, %get3A_2009, %ge3A_2097 : vector<200x640xf32>
    %jit3A_2099 = arith.constant 1.000000e+00 : f32
    %jit3A_2100 = arith.constant 0.000000e+00 : f32
    %broadcast_in_dim3A_2101 = vector.broadcast %jit3A_2099 : f32 to vector<200x640xf32>
    %broadcast_in_dim3A_2102 = vector.broadcast %jit3A_2100 : f32 to vector<200x640xf32>
    %select_n3A_2103 = arith.select %ge3A_2098, %broadcast_in_dim3A_2101, %broadcast_in_dim3A_2102 : vector<200x640xi1>, vector<200x640xf32>
    %ge3A_2104 = arith.constant 0.533333361 : f32
    %ge3A_2105 = vector.broadcast %ge3A_2104 : f32 to vector<200x640xf32>
    %ge3A_2106 = arith.cmpf oge, %get3A_2009, %ge3A_2105 : vector<200x640xf32>
    %jit3A_2107 = arith.constant 2.560000e+02 : f32
    %jit3A_2108 = arith.constant 0.000000e+00 : f32
    %broadcast_in_dim3A_2109 = vector.broadcast %jit3A_2107 : f32 to vector<200x640xf32>
    %broadcast_in_dim3A_2110 = vector.broadcast %jit3A_2108 : f32 to vector<200x640xf32>
    %select_n3A_2111 = arith.select %ge3A_2106, %broadcast_in_dim3A_2109, %broadcast_in_dim3A_2110 : vector<200x640xi1>, vector<200x640xf32>
    %add3A_2112 = arith.addf %select_n3A_2103, %select_n3A_2111 : vector<200x640xf32>
    %ge3A_2113 = arith.constant 6.000000e-01 : f32
    %ge3A_2114 = vector.broadcast %ge3A_2113 : f32 to vector<200x640xf32>
    %ge3A_2115 = arith.cmpf oge, %get3A_2009, %ge3A_2114 : vector<200x640xf32>
    %jit3A_2116 = arith.constant 6.553600e+04 : f32
    %jit3A_2117 = arith.constant 0.000000e+00 : f32
    %broadcast_in_dim3A_2118 = vector.broadcast %jit3A_2116 : f32 to vector<200x640xf32>
    %broadcast_in_dim3A_2119 = vector.broadcast %jit3A_2117 : f32 to vector<200x640xf32>
    %select_n3A_2120 = arith.select %ge3A_2115, %broadcast_in_dim3A_2118, %broadcast_in_dim3A_2119 : vector<200x640xi1>, vector<200x640xf32>
    %add3A_2121 = arith.addf %add3A_2112, %select_n3A_2120 : vector<200x640xf32>
    %reduce_sum3A_2122 = arith.constant dense<0.000000e+00> : vector<640xf32>
    %reduce_sum3A_2123 = vector.multi_reduction <add>, %add3A_2121, %reduce_sum3A_2122 [0] : vector<200x640xf32> to vector<640xf32>
    %broadcast_in_dim3A_2124 = vector.shape_cast %reduce_sum3A_2123 : vector<640xf32> to vector<1x640xf32>
    %mul3A_2125 = arith.constant 1.52587891E-5 : f32
    %mul3A_2126 = vector.broadcast %mul3A_2125 : f32 to vector<1x640xf32>
    %mul3A_2127 = arith.mulf %broadcast_in_dim3A_2124, %mul3A_2126 : vector<1x640xf32>
    %floor3A_2128 = math.floor %mul3A_2127 : vector<1x640xf32>
    %mul3A_2129 = arith.constant 6.553600e+04 : f32
    %mul3A_2130 = vector.broadcast %mul3A_2129 : f32 to vector<1x640xf32>
    %mul3A_2131 = arith.mulf %floor3A_2128, %mul3A_2130 : vector<1x640xf32>
    %sub3A_2132 = arith.subf %broadcast_in_dim3A_2124, %mul3A_2131 : vector<1x640xf32>
    %mul3A_2133 = arith.constant 3.906250e-03 : f32
    %mul3A_2134 = vector.broadcast %mul3A_2133 : f32 to vector<1x640xf32>
    %mul3A_2135 = arith.mulf %sub3A_2132, %mul3A_2134 : vector<1x640xf32>
    %floor3A_2136 = math.floor %mul3A_2135 : vector<1x640xf32>
    %mul3A_2137 = arith.constant 2.560000e+02 : f32
    %mul3A_2138 = vector.broadcast %mul3A_2137 : f32 to vector<1x640xf32>
    %mul3A_2139 = arith.mulf %floor3A_2136, %mul3A_2138 : vector<1x640xf32>
    %sub3A_2140 = arith.subf %sub3A_2132, %mul3A_2139 : vector<1x640xf32>
    %ge3A_2141 = arith.constant 0.666666686 : f32
    %ge3A_2142 = vector.broadcast %ge3A_2141 : f32 to vector<200x640xf32>
    %ge3A_2143 = arith.cmpf oge, %get3A_2009, %ge3A_2142 : vector<200x640xf32>
    %jit3A_2144 = arith.constant 1.000000e+00 : f32
    %jit3A_2145 = arith.constant 0.000000e+00 : f32
    %broadcast_in_dim3A_2146 = vector.broadcast %jit3A_2144 : f32 to vector<200x640xf32>
    %broadcast_in_dim3A_2147 = vector.broadcast %jit3A_2145 : f32 to vector<200x640xf32>
    %select_n3A_2148 = arith.select %ge3A_2143, %broadcast_in_dim3A_2146, %broadcast_in_dim3A_2147 : vector<200x640xi1>, vector<200x640xf32>
    %ge3A_2149 = arith.constant 0.733333349 : f32
    %ge3A_2150 = vector.broadcast %ge3A_2149 : f32 to vector<200x640xf32>
    %ge3A_2151 = arith.cmpf oge, %get3A_2009, %ge3A_2150 : vector<200x640xf32>
    %jit3A_2152 = arith.constant 2.560000e+02 : f32
    %jit3A_2153 = arith.constant 0.000000e+00 : f32
    %broadcast_in_dim3A_2154 = vector.broadcast %jit3A_2152 : f32 to vector<200x640xf32>
    %broadcast_in_dim3A_2155 = vector.broadcast %jit3A_2153 : f32 to vector<200x640xf32>
    %select_n3A_2156 = arith.select %ge3A_2151, %broadcast_in_dim3A_2154, %broadcast_in_dim3A_2155 : vector<200x640xi1>, vector<200x640xf32>
    %add3A_2157 = arith.addf %select_n3A_2148, %select_n3A_2156 : vector<200x640xf32>
    %ge3A_2158 = arith.constant 8.000000e-01 : f32
    %ge3A_2159 = vector.broadcast %ge3A_2158 : f32 to vector<200x640xf32>
    %ge3A_2160 = arith.cmpf oge, %get3A_2009, %ge3A_2159 : vector<200x640xf32>
    %jit3A_2161 = arith.constant 6.553600e+04 : f32
    %jit3A_2162 = arith.constant 0.000000e+00 : f32
    %broadcast_in_dim3A_2163 = vector.broadcast %jit3A_2161 : f32 to vector<200x640xf32>
    %broadcast_in_dim3A_2164 = vector.broadcast %jit3A_2162 : f32 to vector<200x640xf32>
    %select_n3A_2165 = arith.select %ge3A_2160, %broadcast_in_dim3A_2163, %broadcast_in_dim3A_2164 : vector<200x640xi1>, vector<200x640xf32>
    %add3A_2166 = arith.addf %add3A_2157, %select_n3A_2165 : vector<200x640xf32>
    %reduce_sum3A_2167 = arith.constant dense<0.000000e+00> : vector<640xf32>
    %reduce_sum3A_2168 = vector.multi_reduction <add>, %add3A_2166, %reduce_sum3A_2167 [0] : vector<200x640xf32> to vector<640xf32>
    %broadcast_in_dim3A_2169 = vector.shape_cast %reduce_sum3A_2168 : vector<640xf32> to vector<1x640xf32>
    %mul3A_2170 = arith.constant 1.52587891E-5 : f32
    %mul3A_2171 = vector.broadcast %mul3A_2170 : f32 to vector<1x640xf32>
    %mul3A_2172 = arith.mulf %broadcast_in_dim3A_2169, %mul3A_2171 : vector<1x640xf32>
    %floor3A_2173 = math.floor %mul3A_2172 : vector<1x640xf32>
    %mul3A_2174 = arith.constant 6.553600e+04 : f32
    %mul3A_2175 = vector.broadcast %mul3A_2174 : f32 to vector<1x640xf32>
    %mul3A_2176 = arith.mulf %floor3A_2173, %mul3A_2175 : vector<1x640xf32>
    %sub3A_2177 = arith.subf %broadcast_in_dim3A_2169, %mul3A_2176 : vector<1x640xf32>
    %mul3A_2178 = arith.constant 3.906250e-03 : f32
    %mul3A_2179 = vector.broadcast %mul3A_2178 : f32 to vector<1x640xf32>
    %mul3A_2180 = arith.mulf %sub3A_2177, %mul3A_2179 : vector<1x640xf32>
    %floor3A_2181 = math.floor %mul3A_2180 : vector<1x640xf32>
    %mul3A_2182 = arith.constant 2.560000e+02 : f32
    %mul3A_2183 = vector.broadcast %mul3A_2182 : f32 to vector<1x640xf32>
    %mul3A_2184 = arith.mulf %floor3A_2181, %mul3A_2183 : vector<1x640xf32>
    %sub3A_2185 = arith.subf %sub3A_2177, %mul3A_2184 : vector<1x640xf32>
    %ge3A_2186 = arith.constant 0.866666734 : f32
    %ge3A_2187 = vector.broadcast %ge3A_2186 : f32 to vector<200x640xf32>
    %ge3A_2188 = arith.cmpf oge, %get3A_2009, %ge3A_2187 : vector<200x640xf32>
    %jit3A_2189 = arith.constant 1.000000e+00 : f32
    %jit3A_2190 = arith.constant 0.000000e+00 : f32
    %broadcast_in_dim3A_2191 = vector.broadcast %jit3A_2189 : f32 to vector<200x640xf32>
    %broadcast_in_dim3A_2192 = vector.broadcast %jit3A_2190 : f32 to vector<200x640xf32>
    %select_n3A_2193 = arith.select %ge3A_2188, %broadcast_in_dim3A_2191, %broadcast_in_dim3A_2192 : vector<200x640xi1>, vector<200x640xf32>
    %ge3A_2194 = arith.constant 0.933333396 : f32
    %ge3A_2195 = vector.broadcast %ge3A_2194 : f32 to vector<200x640xf32>
    %ge3A_2196 = arith.cmpf oge, %get3A_2009, %ge3A_2195 : vector<200x640xf32>
    %jit3A_2197 = arith.constant 2.560000e+02 : f32
    %jit3A_2198 = arith.constant 0.000000e+00 : f32
    %broadcast_in_dim3A_2199 = vector.broadcast %jit3A_2197 : f32 to vector<200x640xf32>
    %broadcast_in_dim3A_2200 = vector.broadcast %jit3A_2198 : f32 to vector<200x640xf32>
    %select_n3A_2201 = arith.select %ge3A_2196, %broadcast_in_dim3A_2199, %broadcast_in_dim3A_2200 : vector<200x640xi1>, vector<200x640xf32>
    %add3A_2202 = arith.addf %select_n3A_2193, %select_n3A_2201 : vector<200x640xf32>
    %ge3A_2203 = arith.constant 1.00000012 : f32
    %ge3A_2204 = vector.broadcast %ge3A_2203 : f32 to vector<200x640xf32>
    %ge3A_2205 = arith.cmpf oge, %get3A_2009, %ge3A_2204 : vector<200x640xf32>
    %jit3A_2206 = arith.constant 6.553600e+04 : f32
    %jit3A_2207 = arith.constant 0.000000e+00 : f32
    %broadcast_in_dim3A_2208 = vector.broadcast %jit3A_2206 : f32 to vector<200x640xf32>
    %broadcast_in_dim3A_2209 = vector.broadcast %jit3A_2207 : f32 to vector<200x640xf32>
    %select_n3A_2210 = arith.select %ge3A_2205, %broadcast_in_dim3A_2208, %broadcast_in_dim3A_2209 : vector<200x640xi1>, vector<200x640xf32>
    %add3A_2211 = arith.addf %add3A_2202, %select_n3A_2210 : vector<200x640xf32>
    %reduce_sum3A_2212 = arith.constant dense<0.000000e+00> : vector<640xf32>
    %reduce_sum3A_2213 = vector.multi_reduction <add>, %add3A_2211, %reduce_sum3A_2212 [0] : vector<200x640xf32> to vector<640xf32>
    %broadcast_in_dim3A_2214 = vector.shape_cast %reduce_sum3A_2213 : vector<640xf32> to vector<1x640xf32>
    %mul3A_2215 = arith.constant 1.52587891E-5 : f32
    %mul3A_2216 = vector.broadcast %mul3A_2215 : f32 to vector<1x640xf32>
    %mul3A_2217 = arith.mulf %broadcast_in_dim3A_2214, %mul3A_2216 : vector<1x640xf32>
    %floor3A_2218 = math.floor %mul3A_2217 : vector<1x640xf32>
    %mul3A_2219 = arith.constant 6.553600e+04 : f32
    %mul3A_2220 = vector.broadcast %mul3A_2219 : f32 to vector<1x640xf32>
    %mul3A_2221 = arith.mulf %floor3A_2218, %mul3A_2220 : vector<1x640xf32>
    %sub3A_2222 = arith.subf %broadcast_in_dim3A_2214, %mul3A_2221 : vector<1x640xf32>
    %mul3A_2223 = arith.constant 3.906250e-03 : f32
    %mul3A_2224 = vector.broadcast %mul3A_2223 : f32 to vector<1x640xf32>
    %mul3A_2225 = arith.mulf %sub3A_2222, %mul3A_2224 : vector<1x640xf32>
    %floor3A_2226 = math.floor %mul3A_2225 : vector<1x640xf32>
    %mul3A_2227 = arith.constant 2.560000e+02 : f32
    %mul3A_2228 = vector.broadcast %mul3A_2227 : f32 to vector<1x640xf32>
    %mul3A_2229 = arith.mulf %floor3A_2226, %mul3A_2228 : vector<1x640xf32>
    %sub3A_2230 = arith.subf %sub3A_2222, %mul3A_2229 : vector<1x640xf32>
    %ge3A_2231 = arith.constant 1.06666672 : f32
    %ge3A_2232 = vector.broadcast %ge3A_2231 : f32 to vector<200x640xf32>
    %ge3A_2233 = arith.cmpf oge, %get3A_2009, %ge3A_2232 : vector<200x640xf32>
    %jit3A_2234 = arith.constant 1.000000e+00 : f32
    %jit3A_2235 = arith.constant 0.000000e+00 : f32
    %broadcast_in_dim3A_2236 = vector.broadcast %jit3A_2234 : f32 to vector<200x640xf32>
    %broadcast_in_dim3A_2237 = vector.broadcast %jit3A_2235 : f32 to vector<200x640xf32>
    %select_n3A_2238 = arith.select %ge3A_2233, %broadcast_in_dim3A_2236, %broadcast_in_dim3A_2237 : vector<200x640xi1>, vector<200x640xf32>
    %ge3A_2239 = arith.constant 1.13333344 : f32
    %ge3A_2240 = vector.broadcast %ge3A_2239 : f32 to vector<200x640xf32>
    %ge3A_2241 = arith.cmpf oge, %get3A_2009, %ge3A_2240 : vector<200x640xf32>
    %jit3A_2242 = arith.constant 2.560000e+02 : f32
    %jit3A_2243 = arith.constant 0.000000e+00 : f32
    %broadcast_in_dim3A_2244 = vector.broadcast %jit3A_2242 : f32 to vector<200x640xf32>
    %broadcast_in_dim3A_2245 = vector.broadcast %jit3A_2243 : f32 to vector<200x640xf32>
    %select_n3A_2246 = arith.select %ge3A_2241, %broadcast_in_dim3A_2244, %broadcast_in_dim3A_2245 : vector<200x640xi1>, vector<200x640xf32>
    %add3A_2247 = arith.addf %select_n3A_2238, %select_n3A_2246 : vector<200x640xf32>
    %ge3A_2248 = arith.constant 1.200000e+00 : f32
    %ge3A_2249 = vector.broadcast %ge3A_2248 : f32 to vector<200x640xf32>
    %ge3A_2250 = arith.cmpf oge, %get3A_2009, %ge3A_2249 : vector<200x640xf32>
    %jit3A_2251 = arith.constant 6.553600e+04 : f32
    %jit3A_2252 = arith.constant 0.000000e+00 : f32
    %broadcast_in_dim3A_2253 = vector.broadcast %jit3A_2251 : f32 to vector<200x640xf32>
    %broadcast_in_dim3A_2254 = vector.broadcast %jit3A_2252 : f32 to vector<200x640xf32>
    %select_n3A_2255 = arith.select %ge3A_2250, %broadcast_in_dim3A_2253, %broadcast_in_dim3A_2254 : vector<200x640xi1>, vector<200x640xf32>
    %add3A_2256 = arith.addf %add3A_2247, %select_n3A_2255 : vector<200x640xf32>
    %reduce_sum3A_2257 = arith.constant dense<0.000000e+00> : vector<640xf32>
    %reduce_sum3A_2258 = vector.multi_reduction <add>, %add3A_2256, %reduce_sum3A_2257 [0] : vector<200x640xf32> to vector<640xf32>
    %broadcast_in_dim3A_2259 = vector.shape_cast %reduce_sum3A_2258 : vector<640xf32> to vector<1x640xf32>
    %mul3A_2260 = arith.constant 1.52587891E-5 : f32
    %mul3A_2261 = vector.broadcast %mul3A_2260 : f32 to vector<1x640xf32>
    %mul3A_2262 = arith.mulf %broadcast_in_dim3A_2259, %mul3A_2261 : vector<1x640xf32>
    %floor3A_2263 = math.floor %mul3A_2262 : vector<1x640xf32>
    %mul3A_2264 = arith.constant 6.553600e+04 : f32
    %mul3A_2265 = vector.broadcast %mul3A_2264 : f32 to vector<1x640xf32>
    %mul3A_2266 = arith.mulf %floor3A_2263, %mul3A_2265 : vector<1x640xf32>
    %sub3A_2267 = arith.subf %broadcast_in_dim3A_2259, %mul3A_2266 : vector<1x640xf32>
    %mul3A_2268 = arith.constant 3.906250e-03 : f32
    %mul3A_2269 = vector.broadcast %mul3A_2268 : f32 to vector<1x640xf32>
    %mul3A_2270 = arith.mulf %sub3A_2267, %mul3A_2269 : vector<1x640xf32>
    %floor3A_2271 = math.floor %mul3A_2270 : vector<1x640xf32>
    %mul3A_2272 = arith.constant 2.560000e+02 : f32
    %mul3A_2273 = vector.broadcast %mul3A_2272 : f32 to vector<1x640xf32>
    %mul3A_2274 = arith.mulf %floor3A_2271, %mul3A_2273 : vector<1x640xf32>
    %sub3A_2275 = arith.subf %sub3A_2267, %mul3A_2274 : vector<1x640xf32>
    %ge3A_2276 = arith.constant 1.26666677 : f32
    %ge3A_2277 = vector.broadcast %ge3A_2276 : f32 to vector<200x640xf32>
    %ge3A_2278 = arith.cmpf oge, %get3A_2009, %ge3A_2277 : vector<200x640xf32>
    %jit3A_2279 = arith.constant 1.000000e+00 : f32
    %jit3A_2280 = arith.constant 0.000000e+00 : f32
    %broadcast_in_dim3A_2281 = vector.broadcast %jit3A_2279 : f32 to vector<200x640xf32>
    %broadcast_in_dim3A_2282 = vector.broadcast %jit3A_2280 : f32 to vector<200x640xf32>
    %select_n3A_2283 = arith.select %ge3A_2278, %broadcast_in_dim3A_2281, %broadcast_in_dim3A_2282 : vector<200x640xi1>, vector<200x640xf32>
    %ge3A_2284 = arith.constant 1.33333337 : f32
    %ge3A_2285 = vector.broadcast %ge3A_2284 : f32 to vector<200x640xf32>
    %ge3A_2286 = arith.cmpf oge, %get3A_2009, %ge3A_2285 : vector<200x640xf32>
    %jit3A_2287 = arith.constant 2.560000e+02 : f32
    %jit3A_2288 = arith.constant 0.000000e+00 : f32
    %broadcast_in_dim3A_2289 = vector.broadcast %jit3A_2287 : f32 to vector<200x640xf32>
    %broadcast_in_dim3A_2290 = vector.broadcast %jit3A_2288 : f32 to vector<200x640xf32>
    %select_n3A_2291 = arith.select %ge3A_2286, %broadcast_in_dim3A_2289, %broadcast_in_dim3A_2290 : vector<200x640xi1>, vector<200x640xf32>
    %add3A_2292 = arith.addf %select_n3A_2283, %select_n3A_2291 : vector<200x640xf32>
    %ge3A_2293 = arith.constant 1.4000001 : f32
    %ge3A_2294 = vector.broadcast %ge3A_2293 : f32 to vector<200x640xf32>
    %ge3A_2295 = arith.cmpf oge, %get3A_2009, %ge3A_2294 : vector<200x640xf32>
    %jit3A_2296 = arith.constant 6.553600e+04 : f32
    %jit3A_2297 = arith.constant 0.000000e+00 : f32
    %broadcast_in_dim3A_2298 = vector.broadcast %jit3A_2296 : f32 to vector<200x640xf32>
    %broadcast_in_dim3A_2299 = vector.broadcast %jit3A_2297 : f32 to vector<200x640xf32>
    %select_n3A_2300 = arith.select %ge3A_2295, %broadcast_in_dim3A_2298, %broadcast_in_dim3A_2299 : vector<200x640xi1>, vector<200x640xf32>
    %add3A_2301 = arith.addf %add3A_2292, %select_n3A_2300 : vector<200x640xf32>
    %reduce_sum3A_2302 = arith.constant dense<0.000000e+00> : vector<640xf32>
    %reduce_sum3A_2303 = vector.multi_reduction <add>, %add3A_2301, %reduce_sum3A_2302 [0] : vector<200x640xf32> to vector<640xf32>
    %broadcast_in_dim3A_2304 = vector.shape_cast %reduce_sum3A_2303 : vector<640xf32> to vector<1x640xf32>
    %mul3A_2305 = arith.constant 1.52587891E-5 : f32
    %mul3A_2306 = vector.broadcast %mul3A_2305 : f32 to vector<1x640xf32>
    %mul3A_2307 = arith.mulf %broadcast_in_dim3A_2304, %mul3A_2306 : vector<1x640xf32>
    %floor3A_2308 = math.floor %mul3A_2307 : vector<1x640xf32>
    %mul3A_2309 = arith.constant 6.553600e+04 : f32
    %mul3A_2310 = vector.broadcast %mul3A_2309 : f32 to vector<1x640xf32>
    %mul3A_2311 = arith.mulf %floor3A_2308, %mul3A_2310 : vector<1x640xf32>
    %sub3A_2312 = arith.subf %broadcast_in_dim3A_2304, %mul3A_2311 : vector<1x640xf32>
    %mul3A_2313 = arith.constant 3.906250e-03 : f32
    %mul3A_2314 = vector.broadcast %mul3A_2313 : f32 to vector<1x640xf32>
    %mul3A_2315 = arith.mulf %sub3A_2312, %mul3A_2314 : vector<1x640xf32>
    %floor3A_2316 = math.floor %mul3A_2315 : vector<1x640xf32>
    %mul3A_2317 = arith.constant 2.560000e+02 : f32
    %mul3A_2318 = vector.broadcast %mul3A_2317 : f32 to vector<1x640xf32>
    %mul3A_2319 = arith.mulf %floor3A_2316, %mul3A_2318 : vector<1x640xf32>
    %sub3A_2320 = arith.subf %sub3A_2312, %mul3A_2319 : vector<1x640xf32>
    %ge3A_2321 = arith.constant 1.4666667 : f32
    %ge3A_2322 = vector.broadcast %ge3A_2321 : f32 to vector<200x640xf32>
    %ge3A_2323 = arith.cmpf oge, %get3A_2009, %ge3A_2322 : vector<200x640xf32>
    %jit3A_2324 = arith.constant 1.000000e+00 : f32
    %jit3A_2325 = arith.constant 0.000000e+00 : f32
    %broadcast_in_dim3A_2326 = vector.broadcast %jit3A_2324 : f32 to vector<200x640xf32>
    %broadcast_in_dim3A_2327 = vector.broadcast %jit3A_2325 : f32 to vector<200x640xf32>
    %select_n3A_2328 = arith.select %ge3A_2323, %broadcast_in_dim3A_2326, %broadcast_in_dim3A_2327 : vector<200x640xi1>, vector<200x640xf32>
    %ge3A_2329 = arith.constant 1.53333342 : f32
    %ge3A_2330 = vector.broadcast %ge3A_2329 : f32 to vector<200x640xf32>
    %ge3A_2331 = arith.cmpf oge, %get3A_2009, %ge3A_2330 : vector<200x640xf32>
    %jit3A_2332 = arith.constant 2.560000e+02 : f32
    %jit3A_2333 = arith.constant 0.000000e+00 : f32
    %broadcast_in_dim3A_2334 = vector.broadcast %jit3A_2332 : f32 to vector<200x640xf32>
    %broadcast_in_dim3A_2335 = vector.broadcast %jit3A_2333 : f32 to vector<200x640xf32>
    %select_n3A_2336 = arith.select %ge3A_2331, %broadcast_in_dim3A_2334, %broadcast_in_dim3A_2335 : vector<200x640xi1>, vector<200x640xf32>
    %add3A_2337 = arith.addf %select_n3A_2328, %select_n3A_2336 : vector<200x640xf32>
    %ge3A_2338 = arith.constant 1.600000e+00 : f32
    %ge3A_2339 = vector.broadcast %ge3A_2338 : f32 to vector<200x640xf32>
    %ge3A_2340 = arith.cmpf oge, %get3A_2009, %ge3A_2339 : vector<200x640xf32>
    %jit3A_2341 = arith.constant 6.553600e+04 : f32
    %jit3A_2342 = arith.constant 0.000000e+00 : f32
    %broadcast_in_dim3A_2343 = vector.broadcast %jit3A_2341 : f32 to vector<200x640xf32>
    %broadcast_in_dim3A_2344 = vector.broadcast %jit3A_2342 : f32 to vector<200x640xf32>
    %select_n3A_2345 = arith.select %ge3A_2340, %broadcast_in_dim3A_2343, %broadcast_in_dim3A_2344 : vector<200x640xi1>, vector<200x640xf32>
    %add3A_2346 = arith.addf %add3A_2337, %select_n3A_2345 : vector<200x640xf32>
    %reduce_sum3A_2347 = arith.constant dense<0.000000e+00> : vector<640xf32>
    %reduce_sum3A_2348 = vector.multi_reduction <add>, %add3A_2346, %reduce_sum3A_2347 [0] : vector<200x640xf32> to vector<640xf32>
    %broadcast_in_dim3A_2349 = vector.shape_cast %reduce_sum3A_2348 : vector<640xf32> to vector<1x640xf32>
    %mul3A_2350 = arith.constant 1.52587891E-5 : f32
    %mul3A_2351 = vector.broadcast %mul3A_2350 : f32 to vector<1x640xf32>
    %mul3A_2352 = arith.mulf %broadcast_in_dim3A_2349, %mul3A_2351 : vector<1x640xf32>
    %floor3A_2353 = math.floor %mul3A_2352 : vector<1x640xf32>
    %mul3A_2354 = arith.constant 6.553600e+04 : f32
    %mul3A_2355 = vector.broadcast %mul3A_2354 : f32 to vector<1x640xf32>
    %mul3A_2356 = arith.mulf %floor3A_2353, %mul3A_2355 : vector<1x640xf32>
    %sub3A_2357 = arith.subf %broadcast_in_dim3A_2349, %mul3A_2356 : vector<1x640xf32>
    %mul3A_2358 = arith.constant 3.906250e-03 : f32
    %mul3A_2359 = vector.broadcast %mul3A_2358 : f32 to vector<1x640xf32>
    %mul3A_2360 = arith.mulf %sub3A_2357, %mul3A_2359 : vector<1x640xf32>
    %floor3A_2361 = math.floor %mul3A_2360 : vector<1x640xf32>
    %mul3A_2362 = arith.constant 2.560000e+02 : f32
    %mul3A_2363 = vector.broadcast %mul3A_2362 : f32 to vector<1x640xf32>
    %mul3A_2364 = arith.mulf %floor3A_2361, %mul3A_2363 : vector<1x640xf32>
    %sub3A_2365 = arith.subf %sub3A_2357, %mul3A_2364 : vector<1x640xf32>
    %ge3A_2366 = arith.constant 1.66666675 : f32
    %ge3A_2367 = vector.broadcast %ge3A_2366 : f32 to vector<200x640xf32>
    %ge3A_2368 = arith.cmpf oge, %get3A_2009, %ge3A_2367 : vector<200x640xf32>
    %jit3A_2369 = arith.constant 1.000000e+00 : f32
    %jit3A_2370 = arith.constant 0.000000e+00 : f32
    %broadcast_in_dim3A_2371 = vector.broadcast %jit3A_2369 : f32 to vector<200x640xf32>
    %broadcast_in_dim3A_2372 = vector.broadcast %jit3A_2370 : f32 to vector<200x640xf32>
    %select_n3A_2373 = arith.select %ge3A_2368, %broadcast_in_dim3A_2371, %broadcast_in_dim3A_2372 : vector<200x640xi1>, vector<200x640xf32>
    %ge3A_2374 = arith.constant 1.73333347 : f32
    %ge3A_2375 = vector.broadcast %ge3A_2374 : f32 to vector<200x640xf32>
    %ge3A_2376 = arith.cmpf oge, %get3A_2009, %ge3A_2375 : vector<200x640xf32>
    %jit3A_2377 = arith.constant 2.560000e+02 : f32
    %jit3A_2378 = arith.constant 0.000000e+00 : f32
    %broadcast_in_dim3A_2379 = vector.broadcast %jit3A_2377 : f32 to vector<200x640xf32>
    %broadcast_in_dim3A_2380 = vector.broadcast %jit3A_2378 : f32 to vector<200x640xf32>
    %select_n3A_2381 = arith.select %ge3A_2376, %broadcast_in_dim3A_2379, %broadcast_in_dim3A_2380 : vector<200x640xi1>, vector<200x640xf32>
    %add3A_2382 = arith.addf %select_n3A_2373, %select_n3A_2381 : vector<200x640xf32>
    %ge3A_2383 = arith.constant 1.80000007 : f32
    %ge3A_2384 = vector.broadcast %ge3A_2383 : f32 to vector<200x640xf32>
    %ge3A_2385 = arith.cmpf oge, %get3A_2009, %ge3A_2384 : vector<200x640xf32>
    %jit3A_2386 = arith.constant 6.553600e+04 : f32
    %jit3A_2387 = arith.constant 0.000000e+00 : f32
    %broadcast_in_dim3A_2388 = vector.broadcast %jit3A_2386 : f32 to vector<200x640xf32>
    %broadcast_in_dim3A_2389 = vector.broadcast %jit3A_2387 : f32 to vector<200x640xf32>
    %select_n3A_2390 = arith.select %ge3A_2385, %broadcast_in_dim3A_2388, %broadcast_in_dim3A_2389 : vector<200x640xi1>, vector<200x640xf32>
    %add3A_2391 = arith.addf %add3A_2382, %select_n3A_2390 : vector<200x640xf32>
    %reduce_sum3A_2392 = arith.constant dense<0.000000e+00> : vector<640xf32>
    %reduce_sum3A_2393 = vector.multi_reduction <add>, %add3A_2391, %reduce_sum3A_2392 [0] : vector<200x640xf32> to vector<640xf32>
    %broadcast_in_dim3A_2394 = vector.shape_cast %reduce_sum3A_2393 : vector<640xf32> to vector<1x640xf32>
    %mul3A_2395 = arith.constant 1.52587891E-5 : f32
    %mul3A_2396 = vector.broadcast %mul3A_2395 : f32 to vector<1x640xf32>
    %mul3A_2397 = arith.mulf %broadcast_in_dim3A_2394, %mul3A_2396 : vector<1x640xf32>
    %floor3A_2398 = math.floor %mul3A_2397 : vector<1x640xf32>
    %mul3A_2399 = arith.constant 6.553600e+04 : f32
    %mul3A_2400 = vector.broadcast %mul3A_2399 : f32 to vector<1x640xf32>
    %mul3A_2401 = arith.mulf %floor3A_2398, %mul3A_2400 : vector<1x640xf32>
    %sub3A_2402 = arith.subf %broadcast_in_dim3A_2394, %mul3A_2401 : vector<1x640xf32>
    %mul3A_2403 = arith.constant 3.906250e-03 : f32
    %mul3A_2404 = vector.broadcast %mul3A_2403 : f32 to vector<1x640xf32>
    %mul3A_2405 = arith.mulf %sub3A_2402, %mul3A_2404 : vector<1x640xf32>
    %floor3A_2406 = math.floor %mul3A_2405 : vector<1x640xf32>
    %mul3A_2407 = arith.constant 2.560000e+02 : f32
    %mul3A_2408 = vector.broadcast %mul3A_2407 : f32 to vector<1x640xf32>
    %mul3A_2409 = arith.mulf %floor3A_2406, %mul3A_2408 : vector<1x640xf32>
    %sub3A_2410 = arith.subf %sub3A_2402, %mul3A_2409 : vector<1x640xf32>
    %ge3A_2411 = arith.constant 1.86666679 : f32
    %ge3A_2412 = vector.broadcast %ge3A_2411 : f32 to vector<200x640xf32>
    %ge3A_2413 = arith.cmpf oge, %get3A_2009, %ge3A_2412 : vector<200x640xf32>
    %jit3A_2414 = arith.constant 1.000000e+00 : f32
    %jit3A_2415 = arith.constant 0.000000e+00 : f32
    %broadcast_in_dim3A_2416 = vector.broadcast %jit3A_2414 : f32 to vector<200x640xf32>
    %broadcast_in_dim3A_2417 = vector.broadcast %jit3A_2415 : f32 to vector<200x640xf32>
    %select_n3A_2418 = arith.select %ge3A_2413, %broadcast_in_dim3A_2416, %broadcast_in_dim3A_2417 : vector<200x640xi1>, vector<200x640xf32>
    %ge3A_2419 = arith.constant 1.9333334 : f32
    %ge3A_2420 = vector.broadcast %ge3A_2419 : f32 to vector<200x640xf32>
    %ge3A_2421 = arith.cmpf oge, %get3A_2009, %ge3A_2420 : vector<200x640xf32>
    %jit3A_2422 = arith.constant 2.560000e+02 : f32
    %jit3A_2423 = arith.constant 0.000000e+00 : f32
    %broadcast_in_dim3A_2424 = vector.broadcast %jit3A_2422 : f32 to vector<200x640xf32>
    %broadcast_in_dim3A_2425 = vector.broadcast %jit3A_2423 : f32 to vector<200x640xf32>
    %select_n3A_2426 = arith.select %ge3A_2421, %broadcast_in_dim3A_2424, %broadcast_in_dim3A_2425 : vector<200x640xi1>, vector<200x640xf32>
    %add3A_2427 = arith.addf %select_n3A_2418, %select_n3A_2426 : vector<200x640xf32>
    %reduce_sum3A_2428 = arith.constant dense<0.000000e+00> : vector<640xf32>
    %reduce_sum3A_2429 = vector.multi_reduction <add>, %add3A_2427, %reduce_sum3A_2428 [0] : vector<200x640xf32> to vector<640xf32>
    %broadcast_in_dim3A_2430 = vector.shape_cast %reduce_sum3A_2429 : vector<640xf32> to vector<1x640xf32>
    %mul3A_2431 = arith.constant 1.52587891E-5 : f32
    %mul3A_2432 = vector.broadcast %mul3A_2431 : f32 to vector<1x640xf32>
    %mul3A_2433 = arith.mulf %broadcast_in_dim3A_2430, %mul3A_2432 : vector<1x640xf32>
    %floor3A_2434 = math.floor %mul3A_2433 : vector<1x640xf32>
    %mul3A_2435 = arith.constant 6.553600e+04 : f32
    %mul3A_2436 = vector.broadcast %mul3A_2435 : f32 to vector<1x640xf32>
    %mul3A_2437 = arith.mulf %floor3A_2434, %mul3A_2436 : vector<1x640xf32>
    %sub3A_2438 = arith.subf %broadcast_in_dim3A_2430, %mul3A_2437 : vector<1x640xf32>
    %mul3A_2439 = arith.constant 3.906250e-03 : f32
    %mul3A_2440 = vector.broadcast %mul3A_2439 : f32 to vector<1x640xf32>
    %mul3A_2441 = arith.mulf %sub3A_2438, %mul3A_2440 : vector<1x640xf32>
    %floor3A_2442 = math.floor %mul3A_2441 : vector<1x640xf32>
    %mul3A_2443 = arith.constant 2.560000e+02 : f32
    %mul3A_2444 = vector.broadcast %mul3A_2443 : f32 to vector<1x640xf32>
    %mul3A_2445 = arith.mulf %floor3A_2442, %mul3A_2444 : vector<1x640xf32>
    %sub3A_2446 = arith.subf %sub3A_2438, %mul3A_2445 : vector<1x640xf32>
    %iota3A = tpu.iota {dimensions = array<i32: 1>} : vector<1x640xi32>
    %convert_element_type3A_2447 = arith.sitofp %iota3A : vector<1x640xi32> to vector<1x640xf32>
    %mul3A_2448 = arith.constant 5.000000e-02 : f32
    %mul3A_2449 = vector.broadcast %mul3A_2448 : f32 to vector<1x640xf32>
    %mul3A_2450 = arith.mulf %convert_element_type3A_2447, %mul3A_2449 : vector<1x640xf32>
    %floor3A_2451 = math.floor %mul3A_2450 : vector<1x640xf32>
    %mul3A_2452 = arith.constant 2.000000e+01 : f32
    %mul3A_2453 = vector.broadcast %mul3A_2452 : f32 to vector<1x640xf32>
    %mul3A_2454 = arith.mulf %mul3A_2453, %floor3A_2451 : vector<1x640xf32>
    %sub3A_2455 = arith.subf %convert_element_type3A_2447, %mul3A_2454 : vector<1x640xf32>
    %iota3A_2456 = tpu.iota {dimensions = array<i32: 0>} : vector<32x640xi32>
    %convert_element_type3A_2457 = arith.sitofp %iota3A_2456 : vector<32x640xi32> to vector<32x640xf32>
    %eq3A = vector.broadcast %floor3A_2451 : vector<1x640xf32> to vector<32x640xf32>
    %eq3A_2458 = arith.cmpf oeq, %eq3A, %convert_element_type3A_2457 : vector<32x640xf32>
    %convert_element_type3A_2459 = arith.extui %eq3A_2458 : vector<32x640xi1> to vector<32x640xi32>
    %convert_element_type3A_2460 = arith.sitofp %convert_element_type3A_2459 : vector<32x640xi32> to vector<32x640xf32>
    %get3A_2461 = arith.constant 0 : index
    %get3A_2462 = arith.constant 0 : index
    %get3A_2463 = arith.constant 0 : index
    %get3A_2464 = vector.load %arg3[%get3A_2461, %get3A_2462, %get3A_2463] : memref<1x1x32xf32, #tpu.memory_space<vmem>>, vector<1x1x32xf32>
    %reshape3A = vector.shape_cast %get3A_2464 : vector<1x1x32xf32> to vector<1x32xf32>
    %dot_general3A_2465 = arith.constant dense<0.000000e+00> : vector<1x640xf32>
    %dot_general3A_2466 = tpu.matmul %reshape3A, %convert_element_type3A_2460, %dot_general3A_2465 {dimension_numbers = #tpu.dot_dimension_numbers<[1], [0], [0], [1], [0, 0, 1, 1], [], []>, transpose_lhs_hint = false} : vector<1x32xf32>, vector<32x640xf32>, vector<1x640xf32> -> vector<1x640xf32>
    %lt3A = arith.cmpf olt, %sub3A_2455, %dot_general3A_2466 : vector<1x640xf32>
    %convert_element_type3A_2467 = arith.extui %lt3A : vector<1x640xi1> to vector<1x640xi32>
    %convert_element_type3A_2468 = arith.sitofp %convert_element_type3A_2467 : vector<1x640xi32> to vector<1x640xf32>
    %broadcast_in_dim3A_2469 = arith.constant 0.000000e+00 : f32
    %broadcast_in_dim3A_2470 = vector.broadcast %broadcast_in_dim3A_2469 : f32 to vector<8x640xf32>
    %sub3A_2471 = arith.constant 2.000000e+02 : f32
    %sub3A_2472 = vector.broadcast %sub3A_2471 : f32 to vector<1x640xf32>
    %sub3A_2473 = arith.subf %sub3A_2472, %sub3A_2050 : vector<1x640xf32>
    %mul3A_2474 = arith.mulf %sub3A_2473, %convert_element_type3A_2468 : vector<1x640xf32>
    %log1p3A = math.log1p %mul3A_2474 : vector<1x640xf32>
    %convert_element_type3A_2475 = arith.truncf %log1p3A : vector<1x640xf32> to vector<1x640xbf16>
    %convert_element_type3A_2476 = arith.extf %convert_element_type3A_2475 : vector<1x640xbf16> to vector<1x640xf32>
    %get3A_2477 = arith.constant 0 : index
    %get3A_2478 = arith.constant 0 : index
    %get3A_2479 = vector.load %arg4[%get3A_2477, %get3A_2478] : memref<8x32xf32, #tpu.memory_space<vmem>>, vector<8x1xf32>
    %mul3A_2480 = vector.broadcast %convert_element_type3A_2476 : vector<1x640xf32> to vector<8x640xf32>
    %mul3A_2481 = vector.broadcast %get3A_2479 : vector<8x1xf32> to vector<8x640xf32>
    %mul3A_2482 = arith.mulf %mul3A_2480, %mul3A_2481 : vector<8x640xf32>
    %add3A_2483 = arith.addf %broadcast_in_dim3A_2470, %mul3A_2482 : vector<8x640xf32>
    %sub3A_2484 = arith.subf %sub3A_2050, %floor3A_2046 : vector<1x640xf32>
    %mul3A_2485 = arith.mulf %sub3A_2484, %convert_element_type3A_2468 : vector<1x640xf32>
    %log1p3A_2486 = math.log1p %mul3A_2485 : vector<1x640xf32>
    %convert_element_type3A_2487 = arith.truncf %log1p3A_2486 : vector<1x640xf32> to vector<1x640xbf16>
    %convert_element_type3A_2488 = arith.extf %convert_element_type3A_2487 : vector<1x640xbf16> to vector<1x640xf32>
    %get3A_2489 = arith.constant 0 : index
    %get3A_2490 = arith.constant 1 : index
    %get3A_2491 = vector.load %arg4[%get3A_2489, %get3A_2490] : memref<8x32xf32, #tpu.memory_space<vmem>>, vector<8x1xf32>
    %mul3A_2492 = vector.broadcast %convert_element_type3A_2488 : vector<1x640xf32> to vector<8x640xf32>
    %mul3A_2493 = vector.broadcast %get3A_2491 : vector<8x1xf32> to vector<8x640xf32>
    %mul3A_2494 = arith.mulf %mul3A_2492, %mul3A_2493 : vector<8x640xf32>
    %add3A_2495 = arith.addf %add3A_2483, %mul3A_2494 : vector<8x640xf32>
    %sub3A_2496 = arith.subf %floor3A_2046, %floor3A : vector<1x640xf32>
    %mul3A_2497 = arith.mulf %sub3A_2496, %convert_element_type3A_2468 : vector<1x640xf32>
    %log1p3A_2498 = math.log1p %mul3A_2497 : vector<1x640xf32>
    %convert_element_type3A_2499 = arith.truncf %log1p3A_2498 : vector<1x640xf32> to vector<1x640xbf16>
    %convert_element_type3A_2500 = arith.extf %convert_element_type3A_2499 : vector<1x640xbf16> to vector<1x640xf32>
    %get3A_2501 = arith.constant 0 : index
    %get3A_2502 = arith.constant 2 : index
    %get3A_2503 = vector.load %arg4[%get3A_2501, %get3A_2502] : memref<8x32xf32, #tpu.memory_space<vmem>>, vector<8x1xf32>
    %mul3A_2504 = vector.broadcast %convert_element_type3A_2500 : vector<1x640xf32> to vector<8x640xf32>
    %mul3A_2505 = vector.broadcast %get3A_2503 : vector<8x1xf32> to vector<8x640xf32>
    %mul3A_2506 = arith.mulf %mul3A_2504, %mul3A_2505 : vector<8x640xf32>
    %add3A_2507 = arith.addf %add3A_2495, %mul3A_2506 : vector<8x640xf32>
    %sub3A_2508 = arith.subf %floor3A, %sub3A_2095 : vector<1x640xf32>
    %mul3A_2509 = arith.mulf %sub3A_2508, %convert_element_type3A_2468 : vector<1x640xf32>
    %log1p3A_2510 = math.log1p %mul3A_2509 : vector<1x640xf32>
    %convert_element_type3A_2511 = arith.truncf %log1p3A_2510 : vector<1x640xf32> to vector<1x640xbf16>
    %convert_element_type3A_2512 = arith.extf %convert_element_type3A_2511 : vector<1x640xbf16> to vector<1x640xf32>
    %get3A_2513 = arith.constant 0 : index
    %get3A_2514 = arith.constant 3 : index
    %get3A_2515 = vector.load %arg4[%get3A_2513, %get3A_2514] : memref<8x32xf32, #tpu.memory_space<vmem>>, vector<8x1xf32>
    %mul3A_2516 = vector.broadcast %convert_element_type3A_2512 : vector<1x640xf32> to vector<8x640xf32>
    %mul3A_2517 = vector.broadcast %get3A_2515 : vector<8x1xf32> to vector<8x640xf32>
    %mul3A_2518 = arith.mulf %mul3A_2516, %mul3A_2517 : vector<8x640xf32>
    %add3A_2519 = arith.addf %add3A_2507, %mul3A_2518 : vector<8x640xf32>
    %sub3A_2520 = arith.subf %sub3A_2095, %floor3A_2091 : vector<1x640xf32>
    %mul3A_2521 = arith.mulf %sub3A_2520, %convert_element_type3A_2468 : vector<1x640xf32>
    %log1p3A_2522 = math.log1p %mul3A_2521 : vector<1x640xf32>
    %convert_element_type3A_2523 = arith.truncf %log1p3A_2522 : vector<1x640xf32> to vector<1x640xbf16>
    %convert_element_type3A_2524 = arith.extf %convert_element_type3A_2523 : vector<1x640xbf16> to vector<1x640xf32>
    %get3A_2525 = arith.constant 0 : index
    %get3A_2526 = arith.constant 4 : index
    %get3A_2527 = vector.load %arg4[%get3A_2525, %get3A_2526] : memref<8x32xf32, #tpu.memory_space<vmem>>, vector<8x1xf32>
    %mul3A_2528 = vector.broadcast %convert_element_type3A_2524 : vector<1x640xf32> to vector<8x640xf32>
    %mul3A_2529 = vector.broadcast %get3A_2527 : vector<8x1xf32> to vector<8x640xf32>
    %mul3A_2530 = arith.mulf %mul3A_2528, %mul3A_2529 : vector<8x640xf32>
    %add3A_2531 = arith.addf %add3A_2519, %mul3A_2530 : vector<8x640xf32>
    %sub3A_2532 = arith.subf %floor3A_2091, %floor3A_2083 : vector<1x640xf32>
    %mul3A_2533 = arith.mulf %sub3A_2532, %convert_element_type3A_2468 : vector<1x640xf32>
    %log1p3A_2534 = math.log1p %mul3A_2533 : vector<1x640xf32>
    %convert_element_type3A_2535 = arith.truncf %log1p3A_2534 : vector<1x640xf32> to vector<1x640xbf16>
    %convert_element_type3A_2536 = arith.extf %convert_element_type3A_2535 : vector<1x640xbf16> to vector<1x640xf32>
    %get3A_2537 = arith.constant 0 : index
    %get3A_2538 = arith.constant 5 : index
    %get3A_2539 = vector.load %arg4[%get3A_2537, %get3A_2538] : memref<8x32xf32, #tpu.memory_space<vmem>>, vector<8x1xf32>
    %mul3A_2540 = vector.broadcast %convert_element_type3A_2536 : vector<1x640xf32> to vector<8x640xf32>
    %mul3A_2541 = vector.broadcast %get3A_2539 : vector<8x1xf32> to vector<8x640xf32>
    %mul3A_2542 = arith.mulf %mul3A_2540, %mul3A_2541 : vector<8x640xf32>
    %add3A_2543 = arith.addf %add3A_2531, %mul3A_2542 : vector<8x640xf32>
    %sub3A_2544 = arith.subf %floor3A_2083, %sub3A_2140 : vector<1x640xf32>
    %mul3A_2545 = arith.mulf %sub3A_2544, %convert_element_type3A_2468 : vector<1x640xf32>
    %log1p3A_2546 = math.log1p %mul3A_2545 : vector<1x640xf32>
    %convert_element_type3A_2547 = arith.truncf %log1p3A_2546 : vector<1x640xf32> to vector<1x640xbf16>
    %convert_element_type3A_2548 = arith.extf %convert_element_type3A_2547 : vector<1x640xbf16> to vector<1x640xf32>
    %get3A_2549 = arith.constant 0 : index
    %get3A_2550 = arith.constant 6 : index
    %get3A_2551 = vector.load %arg4[%get3A_2549, %get3A_2550] : memref<8x32xf32, #tpu.memory_space<vmem>>, vector<8x1xf32>
    %mul3A_2552 = vector.broadcast %convert_element_type3A_2548 : vector<1x640xf32> to vector<8x640xf32>
    %mul3A_2553 = vector.broadcast %get3A_2551 : vector<8x1xf32> to vector<8x640xf32>
    %mul3A_2554 = arith.mulf %mul3A_2552, %mul3A_2553 : vector<8x640xf32>
    %add3A_2555 = arith.addf %add3A_2543, %mul3A_2554 : vector<8x640xf32>
    %sub3A_2556 = arith.subf %sub3A_2140, %floor3A_2136 : vector<1x640xf32>
    %mul3A_2557 = arith.mulf %sub3A_2556, %convert_element_type3A_2468 : vector<1x640xf32>
    %log1p3A_2558 = math.log1p %mul3A_2557 : vector<1x640xf32>
    %convert_element_type3A_2559 = arith.truncf %log1p3A_2558 : vector<1x640xf32> to vector<1x640xbf16>
    %convert_element_type3A_2560 = arith.extf %convert_element_type3A_2559 : vector<1x640xbf16> to vector<1x640xf32>
    %get3A_2561 = arith.constant 0 : index
    %get3A_2562 = arith.constant 7 : index
    %get3A_2563 = vector.load %arg4[%get3A_2561, %get3A_2562] : memref<8x32xf32, #tpu.memory_space<vmem>>, vector<8x1xf32>
    %mul3A_2564 = vector.broadcast %convert_element_type3A_2560 : vector<1x640xf32> to vector<8x640xf32>
    %mul3A_2565 = vector.broadcast %get3A_2563 : vector<8x1xf32> to vector<8x640xf32>
    %mul3A_2566 = arith.mulf %mul3A_2564, %mul3A_2565 : vector<8x640xf32>
    %add3A_2567 = arith.addf %add3A_2555, %mul3A_2566 : vector<8x640xf32>
    %sub3A_2568 = arith.subf %floor3A_2136, %floor3A_2128 : vector<1x640xf32>
    %mul3A_2569 = arith.mulf %sub3A_2568, %convert_element_type3A_2468 : vector<1x640xf32>
    %log1p3A_2570 = math.log1p %mul3A_2569 : vector<1x640xf32>
    %convert_element_type3A_2571 = arith.truncf %log1p3A_2570 : vector<1x640xf32> to vector<1x640xbf16>
    %convert_element_type3A_2572 = arith.extf %convert_element_type3A_2571 : vector<1x640xbf16> to vector<1x640xf32>
    %get3A_2573 = arith.constant 0 : index
    %get3A_2574 = arith.constant 8 : index
    %get3A_2575 = vector.load %arg4[%get3A_2573, %get3A_2574] : memref<8x32xf32, #tpu.memory_space<vmem>>, vector<8x1xf32>
    %mul3A_2576 = vector.broadcast %convert_element_type3A_2572 : vector<1x640xf32> to vector<8x640xf32>
    %mul3A_2577 = vector.broadcast %get3A_2575 : vector<8x1xf32> to vector<8x640xf32>
    %mul3A_2578 = arith.mulf %mul3A_2576, %mul3A_2577 : vector<8x640xf32>
    %add3A_2579 = arith.addf %add3A_2567, %mul3A_2578 : vector<8x640xf32>
    %sub3A_2580 = arith.subf %floor3A_2128, %sub3A_2185 : vector<1x640xf32>
    %mul3A_2581 = arith.mulf %sub3A_2580, %convert_element_type3A_2468 : vector<1x640xf32>
    %log1p3A_2582 = math.log1p %mul3A_2581 : vector<1x640xf32>
    %convert_element_type3A_2583 = arith.truncf %log1p3A_2582 : vector<1x640xf32> to vector<1x640xbf16>
    %convert_element_type3A_2584 = arith.extf %convert_element_type3A_2583 : vector<1x640xbf16> to vector<1x640xf32>
    %get3A_2585 = arith.constant 0 : index
    %get3A_2586 = arith.constant 9 : index
    %get3A_2587 = vector.load %arg4[%get3A_2585, %get3A_2586] : memref<8x32xf32, #tpu.memory_space<vmem>>, vector<8x1xf32>
    %mul3A_2588 = vector.broadcast %convert_element_type3A_2584 : vector<1x640xf32> to vector<8x640xf32>
    %mul3A_2589 = vector.broadcast %get3A_2587 : vector<8x1xf32> to vector<8x640xf32>
    %mul3A_2590 = arith.mulf %mul3A_2588, %mul3A_2589 : vector<8x640xf32>
    %add3A_2591 = arith.addf %add3A_2579, %mul3A_2590 : vector<8x640xf32>
    %sub3A_2592 = arith.subf %sub3A_2185, %floor3A_2181 : vector<1x640xf32>
    %mul3A_2593 = arith.mulf %sub3A_2592, %convert_element_type3A_2468 : vector<1x640xf32>
    %log1p3A_2594 = math.log1p %mul3A_2593 : vector<1x640xf32>
    %convert_element_type3A_2595 = arith.truncf %log1p3A_2594 : vector<1x640xf32> to vector<1x640xbf16>
    %convert_element_type3A_2596 = arith.extf %convert_element_type3A_2595 : vector<1x640xbf16> to vector<1x640xf32>
    %get3A_2597 = arith.constant 0 : index
    %get3A_2598 = arith.constant 10 : index
    %get3A_2599 = vector.load %arg4[%get3A_2597, %get3A_2598] : memref<8x32xf32, #tpu.memory_space<vmem>>, vector<8x1xf32>
    %mul3A_2600 = vector.broadcast %convert_element_type3A_2596 : vector<1x640xf32> to vector<8x640xf32>
    %mul3A_2601 = vector.broadcast %get3A_2599 : vector<8x1xf32> to vector<8x640xf32>
    %mul3A_2602 = arith.mulf %mul3A_2600, %mul3A_2601 : vector<8x640xf32>
    %add3A_2603 = arith.addf %add3A_2591, %mul3A_2602 : vector<8x640xf32>
    %sub3A_2604 = arith.subf %floor3A_2181, %floor3A_2173 : vector<1x640xf32>
    %mul3A_2605 = arith.mulf %sub3A_2604, %convert_element_type3A_2468 : vector<1x640xf32>
    %log1p3A_2606 = math.log1p %mul3A_2605 : vector<1x640xf32>
    %convert_element_type3A_2607 = arith.truncf %log1p3A_2606 : vector<1x640xf32> to vector<1x640xbf16>
    %convert_element_type3A_2608 = arith.extf %convert_element_type3A_2607 : vector<1x640xbf16> to vector<1x640xf32>
    %get3A_2609 = arith.constant 0 : index
    %get3A_2610 = arith.constant 11 : index
    %get3A_2611 = vector.load %arg4[%get3A_2609, %get3A_2610] : memref<8x32xf32, #tpu.memory_space<vmem>>, vector<8x1xf32>
    %mul3A_2612 = vector.broadcast %convert_element_type3A_2608 : vector<1x640xf32> to vector<8x640xf32>
    %mul3A_2613 = vector.broadcast %get3A_2611 : vector<8x1xf32> to vector<8x640xf32>
    %mul3A_2614 = arith.mulf %mul3A_2612, %mul3A_2613 : vector<8x640xf32>
    %add3A_2615 = arith.addf %add3A_2603, %mul3A_2614 : vector<8x640xf32>
    %sub3A_2616 = arith.subf %floor3A_2173, %sub3A_2230 : vector<1x640xf32>
    %mul3A_2617 = arith.mulf %sub3A_2616, %convert_element_type3A_2468 : vector<1x640xf32>
    %log1p3A_2618 = math.log1p %mul3A_2617 : vector<1x640xf32>
    %convert_element_type3A_2619 = arith.truncf %log1p3A_2618 : vector<1x640xf32> to vector<1x640xbf16>
    %convert_element_type3A_2620 = arith.extf %convert_element_type3A_2619 : vector<1x640xbf16> to vector<1x640xf32>
    %get3A_2621 = arith.constant 0 : index
    %get3A_2622 = arith.constant 12 : index
    %get3A_2623 = vector.load %arg4[%get3A_2621, %get3A_2622] : memref<8x32xf32, #tpu.memory_space<vmem>>, vector<8x1xf32>
    %mul3A_2624 = vector.broadcast %convert_element_type3A_2620 : vector<1x640xf32> to vector<8x640xf32>
    %mul3A_2625 = vector.broadcast %get3A_2623 : vector<8x1xf32> to vector<8x640xf32>
    %mul3A_2626 = arith.mulf %mul3A_2624, %mul3A_2625 : vector<8x640xf32>
    %add3A_2627 = arith.addf %add3A_2615, %mul3A_2626 : vector<8x640xf32>
    %sub3A_2628 = arith.subf %sub3A_2230, %floor3A_2226 : vector<1x640xf32>
    %mul3A_2629 = arith.mulf %sub3A_2628, %convert_element_type3A_2468 : vector<1x640xf32>
    %log1p3A_2630 = math.log1p %mul3A_2629 : vector<1x640xf32>
    %convert_element_type3A_2631 = arith.truncf %log1p3A_2630 : vector<1x640xf32> to vector<1x640xbf16>
    %convert_element_type3A_2632 = arith.extf %convert_element_type3A_2631 : vector<1x640xbf16> to vector<1x640xf32>
    %get3A_2633 = arith.constant 0 : index
    %get3A_2634 = arith.constant 13 : index
    %get3A_2635 = vector.load %arg4[%get3A_2633, %get3A_2634] : memref<8x32xf32, #tpu.memory_space<vmem>>, vector<8x1xf32>
    %mul3A_2636 = vector.broadcast %convert_element_type3A_2632 : vector<1x640xf32> to vector<8x640xf32>
    %mul3A_2637 = vector.broadcast %get3A_2635 : vector<8x1xf32> to vector<8x640xf32>
    %mul3A_2638 = arith.mulf %mul3A_2636, %mul3A_2637 : vector<8x640xf32>
    %add3A_2639 = arith.addf %add3A_2627, %mul3A_2638 : vector<8x640xf32>
    %sub3A_2640 = arith.subf %floor3A_2226, %floor3A_2218 : vector<1x640xf32>
    %mul3A_2641 = arith.mulf %sub3A_2640, %convert_element_type3A_2468 : vector<1x640xf32>
    %log1p3A_2642 = math.log1p %mul3A_2641 : vector<1x640xf32>
    %convert_element_type3A_2643 = arith.truncf %log1p3A_2642 : vector<1x640xf32> to vector<1x640xbf16>
    %convert_element_type3A_2644 = arith.extf %convert_element_type3A_2643 : vector<1x640xbf16> to vector<1x640xf32>
    %get3A_2645 = arith.constant 0 : index
    %get3A_2646 = arith.constant 14 : index
    %get3A_2647 = vector.load %arg4[%get3A_2645, %get3A_2646] : memref<8x32xf32, #tpu.memory_space<vmem>>, vector<8x1xf32>
    %mul3A_2648 = vector.broadcast %convert_element_type3A_2644 : vector<1x640xf32> to vector<8x640xf32>
    %mul3A_2649 = vector.broadcast %get3A_2647 : vector<8x1xf32> to vector<8x640xf32>
    %mul3A_2650 = arith.mulf %mul3A_2648, %mul3A_2649 : vector<8x640xf32>
    %add3A_2651 = arith.addf %add3A_2639, %mul3A_2650 : vector<8x640xf32>
    %sub3A_2652 = arith.subf %floor3A_2218, %sub3A_2275 : vector<1x640xf32>
    %mul3A_2653 = arith.mulf %sub3A_2652, %convert_element_type3A_2468 : vector<1x640xf32>
    %log1p3A_2654 = math.log1p %mul3A_2653 : vector<1x640xf32>
    %convert_element_type3A_2655 = arith.truncf %log1p3A_2654 : vector<1x640xf32> to vector<1x640xbf16>
    %convert_element_type3A_2656 = arith.extf %convert_element_type3A_2655 : vector<1x640xbf16> to vector<1x640xf32>
    %get3A_2657 = arith.constant 0 : index
    %get3A_2658 = arith.constant 15 : index
    %get3A_2659 = vector.load %arg4[%get3A_2657, %get3A_2658] : memref<8x32xf32, #tpu.memory_space<vmem>>, vector<8x1xf32>
    %mul3A_2660 = vector.broadcast %convert_element_type3A_2656 : vector<1x640xf32> to vector<8x640xf32>
    %mul3A_2661 = vector.broadcast %get3A_2659 : vector<8x1xf32> to vector<8x640xf32>
    %mul3A_2662 = arith.mulf %mul3A_2660, %mul3A_2661 : vector<8x640xf32>
    %add3A_2663 = arith.addf %add3A_2651, %mul3A_2662 : vector<8x640xf32>
    %sub3A_2664 = arith.subf %sub3A_2275, %floor3A_2271 : vector<1x640xf32>
    %mul3A_2665 = arith.mulf %sub3A_2664, %convert_element_type3A_2468 : vector<1x640xf32>
    %log1p3A_2666 = math.log1p %mul3A_2665 : vector<1x640xf32>
    %convert_element_type3A_2667 = arith.truncf %log1p3A_2666 : vector<1x640xf32> to vector<1x640xbf16>
    %convert_element_type3A_2668 = arith.extf %convert_element_type3A_2667 : vector<1x640xbf16> to vector<1x640xf32>
    %get3A_2669 = arith.constant 0 : index
    %get3A_2670 = arith.constant 16 : index
    %get3A_2671 = vector.load %arg4[%get3A_2669, %get3A_2670] : memref<8x32xf32, #tpu.memory_space<vmem>>, vector<8x1xf32>
    %mul3A_2672 = vector.broadcast %convert_element_type3A_2668 : vector<1x640xf32> to vector<8x640xf32>
    %mul3A_2673 = vector.broadcast %get3A_2671 : vector<8x1xf32> to vector<8x640xf32>
    %mul3A_2674 = arith.mulf %mul3A_2672, %mul3A_2673 : vector<8x640xf32>
    %add3A_2675 = arith.addf %add3A_2663, %mul3A_2674 : vector<8x640xf32>
    %sub3A_2676 = arith.subf %floor3A_2271, %floor3A_2263 : vector<1x640xf32>
    %mul3A_2677 = arith.mulf %sub3A_2676, %convert_element_type3A_2468 : vector<1x640xf32>
    %log1p3A_2678 = math.log1p %mul3A_2677 : vector<1x640xf32>
    %convert_element_type3A_2679 = arith.truncf %log1p3A_2678 : vector<1x640xf32> to vector<1x640xbf16>
    %convert_element_type3A_2680 = arith.extf %convert_element_type3A_2679 : vector<1x640xbf16> to vector<1x640xf32>
    %get3A_2681 = arith.constant 0 : index
    %get3A_2682 = arith.constant 17 : index
    %get3A_2683 = vector.load %arg4[%get3A_2681, %get3A_2682] : memref<8x32xf32, #tpu.memory_space<vmem>>, vector<8x1xf32>
    %mul3A_2684 = vector.broadcast %convert_element_type3A_2680 : vector<1x640xf32> to vector<8x640xf32>
    %mul3A_2685 = vector.broadcast %get3A_2683 : vector<8x1xf32> to vector<8x640xf32>
    %mul3A_2686 = arith.mulf %mul3A_2684, %mul3A_2685 : vector<8x640xf32>
    %add3A_2687 = arith.addf %add3A_2675, %mul3A_2686 : vector<8x640xf32>
    %sub3A_2688 = arith.subf %floor3A_2263, %sub3A_2320 : vector<1x640xf32>
    %mul3A_2689 = arith.mulf %sub3A_2688, %convert_element_type3A_2468 : vector<1x640xf32>
    %log1p3A_2690 = math.log1p %mul3A_2689 : vector<1x640xf32>
    %convert_element_type3A_2691 = arith.truncf %log1p3A_2690 : vector<1x640xf32> to vector<1x640xbf16>
    %convert_element_type3A_2692 = arith.extf %convert_element_type3A_2691 : vector<1x640xbf16> to vector<1x640xf32>
    %get3A_2693 = arith.constant 0 : index
    %get3A_2694 = arith.constant 18 : index
    %get3A_2695 = vector.load %arg4[%get3A_2693, %get3A_2694] : memref<8x32xf32, #tpu.memory_space<vmem>>, vector<8x1xf32>
    %mul3A_2696 = vector.broadcast %convert_element_type3A_2692 : vector<1x640xf32> to vector<8x640xf32>
    %mul3A_2697 = vector.broadcast %get3A_2695 : vector<8x1xf32> to vector<8x640xf32>
    %mul3A_2698 = arith.mulf %mul3A_2696, %mul3A_2697 : vector<8x640xf32>
    %add3A_2699 = arith.addf %add3A_2687, %mul3A_2698 : vector<8x640xf32>
    %sub3A_2700 = arith.subf %sub3A_2320, %floor3A_2316 : vector<1x640xf32>
    %mul3A_2701 = arith.mulf %sub3A_2700, %convert_element_type3A_2468 : vector<1x640xf32>
    %log1p3A_2702 = math.log1p %mul3A_2701 : vector<1x640xf32>
    %convert_element_type3A_2703 = arith.truncf %log1p3A_2702 : vector<1x640xf32> to vector<1x640xbf16>
    %convert_element_type3A_2704 = arith.extf %convert_element_type3A_2703 : vector<1x640xbf16> to vector<1x640xf32>
    %get3A_2705 = arith.constant 0 : index
    %get3A_2706 = arith.constant 19 : index
    %get3A_2707 = vector.load %arg4[%get3A_2705, %get3A_2706] : memref<8x32xf32, #tpu.memory_space<vmem>>, vector<8x1xf32>
    %mul3A_2708 = vector.broadcast %convert_element_type3A_2704 : vector<1x640xf32> to vector<8x640xf32>
    %mul3A_2709 = vector.broadcast %get3A_2707 : vector<8x1xf32> to vector<8x640xf32>
    %mul3A_2710 = arith.mulf %mul3A_2708, %mul3A_2709 : vector<8x640xf32>
    %add3A_2711 = arith.addf %add3A_2699, %mul3A_2710 : vector<8x640xf32>
    %sub3A_2712 = arith.subf %floor3A_2316, %floor3A_2308 : vector<1x640xf32>
    %mul3A_2713 = arith.mulf %sub3A_2712, %convert_element_type3A_2468 : vector<1x640xf32>
    %log1p3A_2714 = math.log1p %mul3A_2713 : vector<1x640xf32>
    %convert_element_type3A_2715 = arith.truncf %log1p3A_2714 : vector<1x640xf32> to vector<1x640xbf16>
    %convert_element_type3A_2716 = arith.extf %convert_element_type3A_2715 : vector<1x640xbf16> to vector<1x640xf32>
    %get3A_2717 = arith.constant 0 : index
    %get3A_2718 = arith.constant 20 : index
    %get3A_2719 = vector.load %arg4[%get3A_2717, %get3A_2718] : memref<8x32xf32, #tpu.memory_space<vmem>>, vector<8x1xf32>
    %mul3A_2720 = vector.broadcast %convert_element_type3A_2716 : vector<1x640xf32> to vector<8x640xf32>
    %mul3A_2721 = vector.broadcast %get3A_2719 : vector<8x1xf32> to vector<8x640xf32>
    %mul3A_2722 = arith.mulf %mul3A_2720, %mul3A_2721 : vector<8x640xf32>
    %add3A_2723 = arith.addf %add3A_2711, %mul3A_2722 : vector<8x640xf32>
    %sub3A_2724 = arith.subf %floor3A_2308, %sub3A_2365 : vector<1x640xf32>
    %mul3A_2725 = arith.mulf %sub3A_2724, %convert_element_type3A_2468 : vector<1x640xf32>
    %log1p3A_2726 = math.log1p %mul3A_2725 : vector<1x640xf32>
    %convert_element_type3A_2727 = arith.truncf %log1p3A_2726 : vector<1x640xf32> to vector<1x640xbf16>
    %convert_element_type3A_2728 = arith.extf %convert_element_type3A_2727 : vector<1x640xbf16> to vector<1x640xf32>
    %get3A_2729 = arith.constant 0 : index
    %get3A_2730 = arith.constant 21 : index
    %get3A_2731 = vector.load %arg4[%get3A_2729, %get3A_2730] : memref<8x32xf32, #tpu.memory_space<vmem>>, vector<8x1xf32>
    %mul3A_2732 = vector.broadcast %convert_element_type3A_2728 : vector<1x640xf32> to vector<8x640xf32>
    %mul3A_2733 = vector.broadcast %get3A_2731 : vector<8x1xf32> to vector<8x640xf32>
    %mul3A_2734 = arith.mulf %mul3A_2732, %mul3A_2733 : vector<8x640xf32>
    %add3A_2735 = arith.addf %add3A_2723, %mul3A_2734 : vector<8x640xf32>
    %sub3A_2736 = arith.subf %sub3A_2365, %floor3A_2361 : vector<1x640xf32>
    %mul3A_2737 = arith.mulf %sub3A_2736, %convert_element_type3A_2468 : vector<1x640xf32>
    %log1p3A_2738 = math.log1p %mul3A_2737 : vector<1x640xf32>
    %convert_element_type3A_2739 = arith.truncf %log1p3A_2738 : vector<1x640xf32> to vector<1x640xbf16>
    %convert_element_type3A_2740 = arith.extf %convert_element_type3A_2739 : vector<1x640xbf16> to vector<1x640xf32>
    %get3A_2741 = arith.constant 0 : index
    %get3A_2742 = arith.constant 22 : index
    %get3A_2743 = vector.load %arg4[%get3A_2741, %get3A_2742] : memref<8x32xf32, #tpu.memory_space<vmem>>, vector<8x1xf32>
    %mul3A_2744 = vector.broadcast %convert_element_type3A_2740 : vector<1x640xf32> to vector<8x640xf32>
    %mul3A_2745 = vector.broadcast %get3A_2743 : vector<8x1xf32> to vector<8x640xf32>
    %mul3A_2746 = arith.mulf %mul3A_2744, %mul3A_2745 : vector<8x640xf32>
    %add3A_2747 = arith.addf %add3A_2735, %mul3A_2746 : vector<8x640xf32>
    %sub3A_2748 = arith.subf %floor3A_2361, %floor3A_2353 : vector<1x640xf32>
    %mul3A_2749 = arith.mulf %sub3A_2748, %convert_element_type3A_2468 : vector<1x640xf32>
    %log1p3A_2750 = math.log1p %mul3A_2749 : vector<1x640xf32>
    %convert_element_type3A_2751 = arith.truncf %log1p3A_2750 : vector<1x640xf32> to vector<1x640xbf16>
    %convert_element_type3A_2752 = arith.extf %convert_element_type3A_2751 : vector<1x640xbf16> to vector<1x640xf32>
    %get3A_2753 = arith.constant 0 : index
    %get3A_2754 = arith.constant 23 : index
    %get3A_2755 = vector.load %arg4[%get3A_2753, %get3A_2754] : memref<8x32xf32, #tpu.memory_space<vmem>>, vector<8x1xf32>
    %mul3A_2756 = vector.broadcast %convert_element_type3A_2752 : vector<1x640xf32> to vector<8x640xf32>
    %mul3A_2757 = vector.broadcast %get3A_2755 : vector<8x1xf32> to vector<8x640xf32>
    %mul3A_2758 = arith.mulf %mul3A_2756, %mul3A_2757 : vector<8x640xf32>
    %add3A_2759 = arith.addf %add3A_2747, %mul3A_2758 : vector<8x640xf32>
    %sub3A_2760 = arith.subf %floor3A_2353, %sub3A_2410 : vector<1x640xf32>
    %mul3A_2761 = arith.mulf %sub3A_2760, %convert_element_type3A_2468 : vector<1x640xf32>
    %log1p3A_2762 = math.log1p %mul3A_2761 : vector<1x640xf32>
    %convert_element_type3A_2763 = arith.truncf %log1p3A_2762 : vector<1x640xf32> to vector<1x640xbf16>
    %convert_element_type3A_2764 = arith.extf %convert_element_type3A_2763 : vector<1x640xbf16> to vector<1x640xf32>
    %get3A_2765 = arith.constant 0 : index
    %get3A_2766 = arith.constant 24 : index
    %get3A_2767 = vector.load %arg4[%get3A_2765, %get3A_2766] : memref<8x32xf32, #tpu.memory_space<vmem>>, vector<8x1xf32>
    %mul3A_2768 = vector.broadcast %convert_element_type3A_2764 : vector<1x640xf32> to vector<8x640xf32>
    %mul3A_2769 = vector.broadcast %get3A_2767 : vector<8x1xf32> to vector<8x640xf32>
    %mul3A_2770 = arith.mulf %mul3A_2768, %mul3A_2769 : vector<8x640xf32>
    %add3A_2771 = arith.addf %add3A_2759, %mul3A_2770 : vector<8x640xf32>
    %sub3A_2772 = arith.subf %sub3A_2410, %floor3A_2406 : vector<1x640xf32>
    %mul3A_2773 = arith.mulf %sub3A_2772, %convert_element_type3A_2468 : vector<1x640xf32>
    %log1p3A_2774 = math.log1p %mul3A_2773 : vector<1x640xf32>
    %convert_element_type3A_2775 = arith.truncf %log1p3A_2774 : vector<1x640xf32> to vector<1x640xbf16>
    %convert_element_type3A_2776 = arith.extf %convert_element_type3A_2775 : vector<1x640xbf16> to vector<1x640xf32>
    %get3A_2777 = arith.constant 0 : index
    %get3A_2778 = arith.constant 25 : index
    %get3A_2779 = vector.load %arg4[%get3A_2777, %get3A_2778] : memref<8x32xf32, #tpu.memory_space<vmem>>, vector<8x1xf32>
    %mul3A_2780 = vector.broadcast %convert_element_type3A_2776 : vector<1x640xf32> to vector<8x640xf32>
    %mul3A_2781 = vector.broadcast %get3A_2779 : vector<8x1xf32> to vector<8x640xf32>
    %mul3A_2782 = arith.mulf %mul3A_2780, %mul3A_2781 : vector<8x640xf32>
    %add3A_2783 = arith.addf %add3A_2771, %mul3A_2782 : vector<8x640xf32>
    %sub3A_2784 = arith.subf %floor3A_2406, %floor3A_2398 : vector<1x640xf32>
    %mul3A_2785 = arith.mulf %sub3A_2784, %convert_element_type3A_2468 : vector<1x640xf32>
    %log1p3A_2786 = math.log1p %mul3A_2785 : vector<1x640xf32>
    %convert_element_type3A_2787 = arith.truncf %log1p3A_2786 : vector<1x640xf32> to vector<1x640xbf16>
    %convert_element_type3A_2788 = arith.extf %convert_element_type3A_2787 : vector<1x640xbf16> to vector<1x640xf32>
    %get3A_2789 = arith.constant 0 : index
    %get3A_2790 = arith.constant 26 : index
    %get3A_2791 = vector.load %arg4[%get3A_2789, %get3A_2790] : memref<8x32xf32, #tpu.memory_space<vmem>>, vector<8x1xf32>
    %mul3A_2792 = vector.broadcast %convert_element_type3A_2788 : vector<1x640xf32> to vector<8x640xf32>
    %mul3A_2793 = vector.broadcast %get3A_2791 : vector<8x1xf32> to vector<8x640xf32>
    %mul3A_2794 = arith.mulf %mul3A_2792, %mul3A_2793 : vector<8x640xf32>
    %add3A_2795 = arith.addf %add3A_2783, %mul3A_2794 : vector<8x640xf32>
    %sub3A_2796 = arith.subf %floor3A_2398, %sub3A_2446 : vector<1x640xf32>
    %mul3A_2797 = arith.mulf %sub3A_2796, %convert_element_type3A_2468 : vector<1x640xf32>
    %log1p3A_2798 = math.log1p %mul3A_2797 : vector<1x640xf32>
    %convert_element_type3A_2799 = arith.truncf %log1p3A_2798 : vector<1x640xf32> to vector<1x640xbf16>
    %convert_element_type3A_2800 = arith.extf %convert_element_type3A_2799 : vector<1x640xbf16> to vector<1x640xf32>
    %get3A_2801 = arith.constant 0 : index
    %get3A_2802 = arith.constant 27 : index
    %get3A_2803 = vector.load %arg4[%get3A_2801, %get3A_2802] : memref<8x32xf32, #tpu.memory_space<vmem>>, vector<8x1xf32>
    %mul3A_2804 = vector.broadcast %convert_element_type3A_2800 : vector<1x640xf32> to vector<8x640xf32>
    %mul3A_2805 = vector.broadcast %get3A_2803 : vector<8x1xf32> to vector<8x640xf32>
    %mul3A_2806 = arith.mulf %mul3A_2804, %mul3A_2805 : vector<8x640xf32>
    %add3A_2807 = arith.addf %add3A_2795, %mul3A_2806 : vector<8x640xf32>
    %sub3A_2808 = arith.subf %sub3A_2446, %floor3A_2442 : vector<1x640xf32>
    %mul3A_2809 = arith.mulf %sub3A_2808, %convert_element_type3A_2468 : vector<1x640xf32>
    %log1p3A_2810 = math.log1p %mul3A_2809 : vector<1x640xf32>
    %convert_element_type3A_2811 = arith.truncf %log1p3A_2810 : vector<1x640xf32> to vector<1x640xbf16>
    %convert_element_type3A_2812 = arith.extf %convert_element_type3A_2811 : vector<1x640xbf16> to vector<1x640xf32>
    %get3A_2813 = arith.constant 0 : index
    %get3A_2814 = arith.constant 28 : index
    %get3A_2815 = vector.load %arg4[%get3A_2813, %get3A_2814] : memref<8x32xf32, #tpu.memory_space<vmem>>, vector<8x1xf32>
    %mul3A_2816 = vector.broadcast %convert_element_type3A_2812 : vector<1x640xf32> to vector<8x640xf32>
    %mul3A_2817 = vector.broadcast %get3A_2815 : vector<8x1xf32> to vector<8x640xf32>
    %mul3A_2818 = arith.mulf %mul3A_2816, %mul3A_2817 : vector<8x640xf32>
    %add3A_2819 = arith.addf %add3A_2807, %mul3A_2818 : vector<8x640xf32>
    %mul3A_2820 = arith.mulf %floor3A_2442, %convert_element_type3A_2468 : vector<1x640xf32>
    %log1p3A_2821 = math.log1p %mul3A_2820 : vector<1x640xf32>
    %convert_element_type3A_2822 = arith.truncf %log1p3A_2821 : vector<1x640xf32> to vector<1x640xbf16>
    %convert_element_type3A_2823 = arith.extf %convert_element_type3A_2822 : vector<1x640xbf16> to vector<1x640xf32>
    %get3A_2824 = arith.constant 0 : index
    %get3A_2825 = arith.constant 29 : index
    %get3A_2826 = vector.load %arg4[%get3A_2824, %get3A_2825] : memref<8x32xf32, #tpu.memory_space<vmem>>, vector<8x1xf32>
    %mul3A_2827 = vector.broadcast %convert_element_type3A_2823 : vector<1x640xf32> to vector<8x640xf32>
    %mul3A_2828 = vector.broadcast %get3A_2826 : vector<8x1xf32> to vector<8x640xf32>
    %mul3A_2829 = arith.mulf %mul3A_2827, %mul3A_2828 : vector<8x640xf32>
    %add3A_2830 = arith.addf %add3A_2819, %mul3A_2829 : vector<8x640xf32>
    %get3A_2831 = arith.constant 0 : index
    %get3A_2832 = arith.constant 0 : index
    %get3A_2833 = vector.load %arg5[%get3A_2831, %get3A_2832] : memref<8x1xf32, #tpu.memory_space<vmem>>, vector<8x1xf32>
    %add3A_2834 = vector.broadcast %get3A_2833 : vector<8x1xf32> to vector<8x640xf32>
    %add3A_2835 = arith.addf %add3A_2830, %add3A_2834 : vector<8x640xf32>
    %tanh3A = math.tanh %add3A_2835 : vector<8x640xf32>
    %convert_element_type3A_2836 = arith.truncf %tanh3A : vector<8x640xf32> to vector<8x640xbf16>
    %convert_element_type3A_2837 = arith.extf %convert_element_type3A_2836 : vector<8x640xbf16> to vector<8x640xf32>
    %get3A_2838 = arith.constant 0 : index
    %get3A_2839 = arith.constant 0 : index
    %get3A_2840 = vector.load %arg6[%get3A_2838, %get3A_2839] : memref<8x1xf32, #tpu.memory_space<vmem>>, vector<8x1xf32>
    %mul3A_2841 = vector.broadcast %get3A_2840 : vector<8x1xf32> to vector<8x640xf32>
    %mul3A_2842 = arith.mulf %convert_element_type3A_2837, %mul3A_2841 : vector<8x640xf32>
    %reduce_sum3A_2843 = arith.constant dense<0.000000e+00> : vector<640xf32>
    %reduce_sum3A_2844 = vector.multi_reduction <add>, %mul3A_2842, %reduce_sum3A_2843 [0] : vector<8x640xf32> to vector<640xf32>
    %broadcast_in_dim3A_2845 = vector.shape_cast %reduce_sum3A_2844 : vector<640xf32> to vector<1x640xf32>
    %get3A_2846 = arith.constant 0 : index
    %get3A_2847 = arith.constant 0 : index
    %get3A_2848 = vector.load %arg7[%get3A_2846, %get3A_2847] : memref<1x1xf32, #tpu.memory_space<vmem>>, vector<1x1xf32>
    %add3A_2849 = vector.broadcast %get3A_2848 : vector<1x1xf32> to vector<1x640xf32>
    %add3A_2850 = arith.addf %broadcast_in_dim3A_2845, %add3A_2849 : vector<1x640xf32>
    %tanh3A_2851 = math.tanh %add3A_2850 : vector<1x640xf32>
    %get3A_2852 = arith.constant 0 : index
    %get3A_2853 = arith.constant 0 : index
    %get3A_2854 = vector.load %arg8[%get3A_2852, %get3A_2853] : memref<1x1xf32, #tpu.memory_space<vmem>>, vector<1x1xf32>
    %mul3A_2855 = vector.broadcast %get3A_2854 : vector<1x1xf32> to vector<1x640xf32>
    %mul3A_2856 = arith.mulf %tanh3A_2851, %mul3A_2855 : vector<1x640xf32>
    %get3A_2857 = arith.constant 0 : index
    %get3A_2858 = arith.constant 0 : index
    %get3A_2859 = vector.load %arg9[%get3A_2857, %get3A_2858] : memref<1x1xf32, #tpu.memory_space<vmem>>, vector<1x1xf32>
    %add3A_2860 = vector.broadcast %get3A_2859 : vector<1x1xf32> to vector<1x640xf32>
    %add3A_2861 = arith.addf %mul3A_2856, %add3A_2860 : vector<1x640xf32>
    %tanh3A_2862 = math.tanh %add3A_2861 : vector<1x640xf32>
    %get3A_2863 = arith.constant 0 : index
    %get3A_2864 = arith.constant 0 : index
    %get3A_2865 = arith.constant 0 : index
    %get3A_2866 = vector.load %arg1[%get3A_2863, %get3A_2864, %get3A_2865] : memref<32x20x128xf32, #tpu.memory_space<vmem>>, vector<32x20x128xf32>
    %reshape3A_2867 = vector.shape_cast %get3A_2866 : vector<32x20x128xf32> to vector<640x128xf32>
    %get3A_2868 = arith.constant 0 : index
    %get3A_2869 = arith.constant 0 : index
    %get3A_2870 = vector.load %arg10[%get3A_2868, %get3A_2869] : memref<1x128xf32, #tpu.memory_space<vmem>>, vector<1x128xf32>
    %dot_general3A_2871 = arith.constant dense<0.000000e+00> : vector<1x640xf32>
    %dot_general3A_2872 = tpu.matmul %get3A_2870, %reshape3A_2867, %dot_general3A_2871 {dimension_numbers = #tpu.dot_dimension_numbers<[1], [1], [0], [0], [0, 0, 1, 0], [], []>, transpose_lhs_hint = false} : vector<1x128xf32>, vector<640x128xf32>, vector<1x640xf32> -> vector<1x640xf32>
    %get3A_2873 = arith.constant 0 : index
    %get3A_2874 = arith.constant 0 : index
    %get3A_2875 = vector.load %arg11[%get3A_2873, %get3A_2874] : memref<1x1xf32, #tpu.memory_space<vmem>>, vector<1x1xf32>
    %add3A_2876 = vector.broadcast %get3A_2875 : vector<1x1xf32> to vector<1x640xf32>
    %add3A_2877 = arith.addf %dot_general3A_2872, %add3A_2876 : vector<1x640xf32>
    %exp3A = math.exp %add3A_2877 : vector<1x640xf32>
    %mul3A_2878 = arith.mulf %tanh3A_2862, %exp3A : vector<1x640xf32>
    %convert_element_type3A_2879 = arith.truncf %exp3A : vector<1x640xf32> to vector<1x640xbf16>
    %convert_element_type3A_2880 = arith.extf %convert_element_type3A_2879 : vector<1x640xbf16> to vector<1x640xf32>
    %convert_element_type3A_2881 = arith.truncf %mul3A_2878 : vector<1x640xf32> to vector<1x640xbf16>
    %convert_element_type3A_2882 = arith.extf %convert_element_type3A_2881 : vector<1x640xbf16> to vector<1x640xf32>
    %dot_general3A_2883 = arith.constant dense<0.000000e+00> : vector<1x32xf32>
    %dot_general3A_2884 = tpu.matmul %convert_element_type3A_2880, %convert_element_type3A_2460, %dot_general3A_2883 {dimension_numbers = #tpu.dot_dimension_numbers<[1], [1], [0], [0], [0, 0, 1, 0], [], []>, transpose_lhs_hint = false} : vector<1x640xf32>, vector<32x640xf32>, vector<1x32xf32> -> vector<1x32xf32>
    %sub3A_2885 = arith.subf %exp3A, %convert_element_type3A_2880 : vector<1x640xf32>
    %dot_general3A_2886 = arith.constant dense<0.000000e+00> : vector<1x32xf32>
    %dot_general3A_2887 = tpu.matmul %sub3A_2885, %convert_element_type3A_2460, %dot_general3A_2886 {dimension_numbers = #tpu.dot_dimension_numbers<[1], [1], [0], [0], [0, 0, 1, 0], [], []>, transpose_lhs_hint = false} : vector<1x640xf32>, vector<32x640xf32>, vector<1x32xf32> -> vector<1x32xf32>
    %add3A_2888 = arith.addf %dot_general3A_2884, %dot_general3A_2887 : vector<1x32xf32>
    %dot_general3A_2889 = arith.constant dense<0.000000e+00> : vector<1x32xf32>
    %dot_general3A_2890 = tpu.matmul %convert_element_type3A_2882, %convert_element_type3A_2460, %dot_general3A_2889 {dimension_numbers = #tpu.dot_dimension_numbers<[1], [1], [0], [0], [0, 0, 1, 0], [], []>, transpose_lhs_hint = false} : vector<1x640xf32>, vector<32x640xf32>, vector<1x32xf32> -> vector<1x32xf32>
    %sub3A_2891 = arith.subf %mul3A_2878, %convert_element_type3A_2882 : vector<1x640xf32>
    %dot_general3A_2892 = arith.constant dense<0.000000e+00> : vector<1x32xf32>
    %dot_general3A_2893 = tpu.matmul %sub3A_2891, %convert_element_type3A_2460, %dot_general3A_2892 {dimension_numbers = #tpu.dot_dimension_numbers<[1], [1], [0], [0], [0, 0, 1, 0], [], []>, transpose_lhs_hint = false} : vector<1x640xf32>, vector<32x640xf32>, vector<1x32xf32> -> vector<1x32xf32>
    %add3A_2894 = arith.addf %dot_general3A_2890, %dot_general3A_2893 : vector<1x32xf32>
    %div3A = arith.divf %add3A_2894, %add3A_2888 : vector<1x32xf32>
    %reshape3A_2895 = vector.shape_cast %div3A : vector<1x32xf32> to vector<1x1x32xf32>
    %swap3A_2896 = arith.constant 0 : index
    %swap3A_2897 = arith.constant 0 : index
    %swap3A_2898 = arith.constant 0 : index
    %swap3A_2899 = vector.load %arg12[%swap3A_2896, %swap3A_2897, %swap3A_2898] : memref<1x1x32xf32, #tpu.memory_space<vmem>>, vector<1x1x32xf32>
    tpu.vector_store %arg12[%swap3A_2896, %swap3A_2897, %swap3A_2898], %reshape3A_2895 {strides = array<i32>} : memref<1x1x32xf32, #tpu.memory_space<vmem>>, vector<1x1x32xf32>,
    return
  }
  func.func @transform_0(%arg0: i32) -> (i32, i32, i32) {
    %c0_i32 = arith.constant 0 : i32
    %c0_i32_0 = arith.constant 0 : i32
    %c0_i32_1 = arith.constant 0 : i32
    return %arg0, %c0_i32, %c0_i32_0 : i32, i32, i32
  }
  func.func @transform_1(%arg0: i32) -> (i32, i32, i32) {
    %c0_i32 = arith.constant 0 : i32
    %c0_i32_0 = arith.constant 0 : i32
    %c0_i32_1 = arith.constant 0 : i32
    return %arg0, %c0_i32, %c0_i32_0 : i32, i32, i32
  }
  func.func @transform_2(%arg0: i32) -> (i32, i32, i32) {
    %c0_i32 = arith.constant 0 : i32
    %c0_i32_0 = arith.constant 0 : i32
    %c0_i32_1 = arith.constant 0 : i32
    return %arg0, %c0_i32, %c0_i32_0 : i32, i32, i32
  }
  func.func @transform_3(%arg0: i32) -> (i32, i32) {
    %c0_i32 = arith.constant 0 : i32
    %c0_i32_0 = arith.constant 0 : i32
    %c0_i32_1 = arith.constant 0 : i32
    return %c0_i32, %c0_i32_0 : i32, i32
  }
  func.func @transform_4(%arg0: i32) -> (i32, i32) {
    %c0_i32 = arith.constant 0 : i32
    %c0_i32_0 = arith.constant 0 : i32
    %c0_i32_1 = arith.constant 0 : i32
    return %c0_i32, %c0_i32_0 : i32, i32
  }
  func.func @transform_5(%arg0: i32) -> (i32, i32) {
    %c0_i32 = arith.constant 0 : i32
    %c0_i32_0 = arith.constant 0 : i32
    %c0_i32_1 = arith.constant 0 : i32
    return %c0_i32, %c0_i32_0 : i32, i32
  }
  func.func @transform_6(%arg0: i32) -> (i32, i32) {
    %c0_i32 = arith.constant 0 : i32
    %c0_i32_0 = arith.constant 0 : i32
    %c0_i32_1 = arith.constant 0 : i32
    return %c0_i32, %c0_i32_0 : i32, i32
  }
  func.func @transform_7(%arg0: i32) -> (i32, i32) {
    %c0_i32 = arith.constant 0 : i32
    %c0_i32_0 = arith.constant 0 : i32
    %c0_i32_1 = arith.constant 0 : i32
    return %c0_i32, %c0_i32_0 : i32, i32
  }
  func.func @transform_8(%arg0: i32) -> (i32, i32) {
    %c0_i32 = arith.constant 0 : i32
    %c0_i32_0 = arith.constant 0 : i32
    %c0_i32_1 = arith.constant 0 : i32
    return %c0_i32, %c0_i32_0 : i32, i32
  }
  func.func @transform_9(%arg0: i32) -> (i32, i32) {
    %c0_i32 = arith.constant 0 : i32
    %c0_i32_0 = arith.constant 0 : i32
    %c0_i32_1 = arith.constant 0 : i32
    return %c0_i32, %c0_i32_0 : i32, i32
  }
  func.func @transform_10(%arg0: i32) -> (i32, i32) {
    %c0_i32 = arith.constant 0 : i32
    %c0_i32_0 = arith.constant 0 : i32
    %c0_i32_1 = arith.constant 0 : i32
    return %c0_i32, %c0_i32_0 : i32, i32
  }
  func.func @transform_11(%arg0: i32) -> (i32, i32, i32) {
    %c0_i32 = arith.constant 0 : i32
    %c0_i32_0 = arith.constant 0 : i32
    %c0_i32_1 = arith.constant 0 : i32
    return %arg0, %c0_i32, %c0_i32_0 : i32, i32, i32
  }
}

</mosaic_0001>

<sc_bundles>
// kernel: kernel.4.cloned.1.call-start
scs
__scs_entry_jumppad:
0x0: {  	(pc) =	sbr.rel $0x88, $3  }
0x1: {  	(tag) =	ssettag $0x0;
	lr =	simm.s32 $0x1  }
0x2: {  	[smem:$0x3F95] =	sst lr;
	_ =	strace $0xD0000000  }
0x3: {  	_ = 	snop  }
0x4: {  	_ = 	snop  }
0x5: {  	_ = 	snop  }
0x6: {  	_ = 	snop  }
0x7: {  	_ = 	snop  }
__scs_overlays_trampoline_lowered:
0x8: {  	[smem:$0x3FA4] =	sst s0  }
0x9: {  	[smem:$0x3FA5] =	sst s1  }
0xa: {  	[smem:$0x3FA6] =	sst s2  }
0xb: {  	[smem:$0x3FA7] =	sst s3  }
0xc: {  	[smem:$0x3FA8] =	sst s4  }
0xd: {  	[smem:$0x3FA9] =	sst s5  }
0xe: {  	[smem:$0x3FAA] =	sst s6  }
0xf: {  	[smem:$0x3FAB] =	sst s7  }
0x10: {  	[smem:$0x3FAC] =	sst s8  }
0x11: {  	[smem:$0x3FAD] =	sst s9;
	s0 =	simm.s32 @!p0 $0x0  }
0x12: {  	s1 =	sld [smem:$0x3F93];
	s0 =	simm.s32 @p0 $0x1  }
0x13: {  	[smem:$0x3FAE] =	sst s0;
	s0 =	simm.s32 @!p1 $0x0  }
0x14: {  	s2 =	sld [smem:$0x3F92];
	s0 =	simm.s32 @p1 $0x1  }
0x15: {  	[smem:$0x3FAF] =	sst s0;
	s0 =	simm.s32 @!p2 $0x0  }
0x16: {  	s3 =	sld [smem:$0x3FDB];
	s0 =	simm.s32 @p2 $0x1  }
0x17: {  	s4 =	simm.s32 $0x1BF5;
	[smem:$0x3FB1] =	sst s0  }
0x18: {  	s0 =	sld [smem:$0x3F94];
	_ =	swait.ge [sflag:s4], $0x0  }
0x19: {  	s7 =	sld [smem:$0x3F95]  }
0x1a: {  	s8 =	sadd.s32 $0xFFFFE003, lr  }
0x1b: {  	s9 =	sadd.s32 $0xFFFFFEF7, lr;
	s5 =	simm.s32 $0xFFFFFFFF;
	p2 =	slt.u32 s8, $0xFFFFF086  }
0x1c: {  	p1 =	slt.u32 s9, $0xF7A;
	s5 =	simm.s32 @!p2 $0x0  }
0x1d: {  	s5 =	simm.s32 @p1 $0x1;
	p0 =	seq.s32 s7, s2  }
0x1e: {  	s7 =	smul.u32 @!p0 $0xF7A, s2;
	p2 =	seq.s32 @!p0 s5, $0x0  }
0x1f: {  	s9 =	smul.u32 $0xF7A, s1;
	s8 =	simm.s32 @!p0 $0x1BF5;
	p2 =	por !p2, p0  }
0x20: {  	[sflag:s8] =	ssyncset.s32 @!p0 $0xFFFFF086;
	s6 =	sadd.s32 @!p0 s3, s7;
	s7 =	simm.s32 @!p0 $0x108  }
0x21: {  	s3 =	sadd.s32 s3, s9;
	s6 =	sadd.s32 @!p0 $0x88, s6;
	s7 =	simm.s32 @p2 $0x1082  }
0x22: {  	[simem:s7], [sflag:s8] =	dma.local @!p0 [hbm:s6], $0xF7A  }
0x23: {  	s9 =	sor.u32 $0xD0000000, s2;
	s6 =	simm.s32 $0x108;
	_ =	swait.ge @!p0 [sflag:s8], $0x0  }
0x24: {  	s3 =	sadd.s32 $0x88, s3;
	s6 =	simm.s32 @!p1 $0x1082;
	[sflag:s4] =	ssyncset.s32 $0xFFFFF086  }
0x25: {  	[simem:s6], [sflag:s4] =	dma.local [hbm:s3], $0xF7A  }
0x26: {  	[smem:$0x3F95] =	sst s1;
	(tag) =	ssettag s2;
	_ =	strace s9  }
0x27: {  	s1 =	sld [smem:$0x3FA5]  }
0x28: {  	s2 =	sld [smem:$0x3FA6]  }
0x29: {  	s4 =	sld [smem:$0x3FA8]  }
0x2a: {  	p0 =	seq.s32 s5, $0x0;
	s5 =	sld [smem:$0x3FA9]  }
0x2b: {  	s6 =	sld [smem:$0x3FAA]  }
0x2c: {  	s7 =	sld [smem:$0x3FAB]  }
0x2d: {  	s3 =	simm.s32 $0x108;
	s8 =	sld [smem:$0x3FAC]  }
0x2e: {  	s3 =	simm.s32 @!p0 $0x1082;
	s9 =	sld [smem:$0x3FAD]  }
0x2f: {  	lr =	sadd.s32 s0, s3;
	s0 =	sld [smem:$0x3FA4]  }
0x30: {  	s3 =	sld [smem:$0x3FA7]  }
0x31: {  	[smem:$0x3FB0] =	sst s10  }
0x32: {  	s10 =	sld [smem:$0x3FAE];
	_ =	sdelay $0x3  }
0x33: {  	p0 =	seq.s32 s10, $0x1;
	s10 =	sld [smem:$0x3FB0];
	_ =	sdelay $0x3  }
0x34: {  	[smem:$0x3FB0] =	sst s10  }
0x35: {  	s10 =	sld [smem:$0x3FAF];
	_ =	sdelay $0x3  }
0x36: {  	p1 =	seq.s32 s10, $0x1;
	s10 =	sld [smem:$0x3FB0];
	_ =	sdelay $0x3  }
0x37: {  	[smem:$0x3FB0] =	sst s10  }
0x38: {  	s10 =	sld [smem:$0x3FB1]  }
0x39: {  	_ = 	snop;
	(pc) =	sbr.ind lr, $3  }
0x3a: {  	_ = 	snop  }
0x3b: {  	_ = 	snop  }
0x3c: {  	p2 =	seq.s32 s10, $0x1;
	s10 =	sld [smem:$0x3FB0]  }
0x3d: {  	_ =	shalt  }
0x3e: {  	_ =	shalt  }
0x3f: {  	_ =	shalt  }
0x40: {  	_ =	shalt  }
0x41: {  	_ =	shalt  }
0x42: {  	_ =	shalt  }
0x43: {  	_ =	shalt  }
0x44: {  	_ =	shalt  }
0x45: {  	_ =	shalt  }
0x46: {  	_ =	shalt  }
0x47: {  	_ =	shalt  }
0x48: {  	_ =	shalt  }
0x49: {  	_ =	shalt  }
0x4a: {  	_ =	shalt  }
0x4b: {  	_ =	shalt  }
0x4c: {  	_ =	shalt  }
0x4d: {  	_ =	shalt  }
0x4e: {  	_ =	shalt  }
0x4f: {  	_ =	shalt  }
0x50: {  	_ =	shalt  }
0x51: {  	_ =	shalt  }
0x52: {  	_ =	shalt  }
0x53: {  	_ =	shalt  }
0x54: {  	_ =	shalt  }
0x55: {  	_ =	shalt  }
0x56: {  	_ =	shalt  }
0x57: {  	_ =	shalt  }
0x58: {  	_ =	shalt  }
0x59: {  	_ =	shalt  }
0x5a: {  	_ =	shalt  }
0x5b: {  	_ =	shalt  }
0x5c: {  	_ =	shalt  }
0x5d: {  	_ =	shalt  }
0x5e: {  	_ =	shalt  }
0x5f: {  	_ =	shalt  }
0x60: {  	_ =	shalt  }
0x61: {  	_ =	shalt  }
0x62: {  	_ =	shalt  }
0x63: {  	_ =	shalt  }
0x64: {  	_ =	shalt  }
0x65: {  	_ =	shalt  }
0x66: {  	_ =	shalt  }
0x67: {  	_ =	shalt  }
0x68: {  	_ =	shalt  }
0x69: {  	_ =	shalt  }
0x6a: {  	_ =	shalt  }
0x6b: {  	_ =	shalt  }
0x6c: {  	_ =	shalt  }
0x6d: {  	_ =	shalt  }
0x6e: {  	_ =	shalt  }
0x6f: {  	_ =	shalt  }
0x70: {  	_ =	shalt  }
0x71: {  	_ =	shalt  }
0x72: {  	_ =	shalt  }
0x73: {  	_ =	shalt  }
0x74: {  	_ =	shalt  }
0x75: {  	_ =	shalt  }
0x76: {  	_ =	shalt  }
0x77: {  	_ =	shalt  }
0x78: {  	_ =	shalt  }
0x79: {  	_ =	shalt  }
0x7a: {  	_ =	shalt  }
0x7b: {  	_ =	shalt  }
0x7c: {  	_ =	shalt  }
0x7d: {  	_ =	shalt  }
0x7e: {  	_ =	shalt  }
0x7f: {  	_ =	shalt  }
0x80: {  	_ =	shalt  }
0x81: {  	_ =	shalt  }
0x82: {  	_ =	shalt  }
0x83: {  	_ =	shalt  }
0x84: {  	_ =	shalt  }
0x85: {  	_ =	shalt  }
0x86: {  	_ =	shalt  }
0x87: {  	_ =	shalt  }
.Lfunc_end0:
.L_simem_size_0:
called_computation_lowered:
.L_overlay_start_0:
0x88: {  	s2 =	sld [smem:$0x3FD9]  }
0x89: {  	s3 =	sld [smem:$0x3FFE];
	_ =	sdelay $0x1  }
0x8a: {  	s1 =	srdreg.scid  }
0x8b: {  	s0 =	sand.u32 $0x1, s1  }
0x8c: {  	s17 =	sshll.u32 s0, $0xA;
	s2 =	sadd.s32 s3, s2  }
0x8d: {  	s2 =	sadd.s32 s2, s17  }
0x8e: {  	[smem:$0x3FBC] =	sst s2  }
0x8f: {  	_ = 	snop  }
0x90: {  	s2 =	sld [smem:$0x3FC6];
	(tm) =	ssettm $0x1  }
0x91: {  	s18 =	sld [smem:$0x3FFB];
	_ =	sdelay $0x3  }
0x92: {  	_ =	strace s18  }
0x93: {  	s3 =	sld [smem:$0x3FFC];
	_ =	sdelay $0x3  }
0x94: {  	_ =	strace s3  }
0x95: {  	s3 =	sld [smem:$0x3FFD];
	_ =	sdelay $0x3  }
0x96: {  	_ =	strace s3  }
0x97: {  	_ =	strace $0x8FFFFFFF  }
0x98: {  	s19 =	sld [smem:$0x3FDB];
	_ =	sdelay $0x1  }
0x99: {  	s4 =	simm.s32 $_scs_section_size  }
0x9a: {  	s5 =	simm.s32 $_size__tile_overlayer_lowered;
	s6 =	simm.s32 $_tile_overlayer_lowered  }
0x9b: {  	s22 =	simm.s32 $0x1BFF;
	s21 =	sshll.u32 s6, $0x1;
	s3 =	sadd.s32 s4, s19  }
0x9c: {  	s7 =	simm.s32 $0x0;
	s20 =	sshll.u32 s5, $0x1;
	s5 =	sadd.s32 s21, s3  }
0x9d: {  	[timem:s7], [sflag:s22] =	dma.local [hbm:s5], s20  }
0x9e: {  	_ =	swait.ge [sflag:s22], s20  }
0x9f: {  	s4 =	ssub.s32 $0x0, s20;
	[sflag:s22] =	ssyncset.done $0x0  }
0xa0: {  	[sflag:s22] =	ssyncadd.s32 s4;
	_ =	sdelay $0x1  }
0xa1: {  	s23 =	simm.s32 $0x1B8B  }
0xa2: {  	_ =	swait.ge [sflag:s23], $0x1  }
0xa3: {  	[sflag:s23] =	ssyncset.done $0x0  }
0xa4: {  	s25 =	simm.s32 $0x1B8E;
	s24 =	sld [smem:$0x3FFE];
	[sflag:s23] =	ssyncadd.s32 $0xFFFFFFFF  }
0xa5: {  	s26 =	simm.s32 $execute0_lowered;
	[smem:$0x3FD2] =	sst s25  }
0xa6: {  	s5 =	sshll.u32 s26, $0x1;
	_ =	strace $0x80000046;
	[dreg:$0x1] =	wrdreg $0xFFFFFFFF  }
0xa7: {  	s28 =	simm.s32 $_size_execute0_lowered;
	s3 =	sadd.s32 s3, s5;
	[dreg:$0x0] =	wrdreg $0x0  }
0xa8: {  	s5 =	sshll.u32 s28, $0x1;
	[dreg:$0x2] =	wrdreg s3  }
0xa9: {  	[dreg:$0x3] =	wrdreg s5  }
0xaa: {  	[dreg:$0x4] =	wrdreg $0xC0  }
0xab: {  	_ =	task [dreg:s7], $0x5FFFF  }
0xac: {  	[dreg:$0x1] =	wrdreg $0xFFFFFFFF  }
0xad: {  	[dreg:$0x0] =	wrdreg $0x60  }
0xae: {  	[dreg:$0x2] =	wrdreg s2  }
0xaf: {  	[dreg:$0x3] =	wrdreg s24  }
0xb0: {  	[dreg:$0x4] =	wrdreg $0x9  }
0xb1: {  	_ =	task.clear_ibuf [dreg:s7], $0x5FFFF;
	_ =	strace $0x90000046  }
0xb2: {  	s29 =	simm.s32 $0x9;
	_ =	strace $0x80000048  }
0xb3: {  	_ =	swait.ge [sflag:s29], $0x1  }
0xb4: {  	[sflag:s29] =	ssyncadd.s32 $0xFFFFFFFF  }
0xb5: {  	_ =	strace $0x90000048  }
0xb6: {  	_ =	sfence  }
0xb7: {  	s30 =	sld [smem:$0x0];
	_ =	sdelay $0x2  }
0xb8: {  	s31 =	sshll.u32 s1, $0xD;
	s1 =	sshrl.u32 s1, $0x2  }
0xb9: {  	s3 =	sand.u32 $0x4000, s31;
	s1 =	sadd.s32 s1, s30  }
0xba: {  	s0 =	sor.u32 s3, s0;
	s1 =	sshll.u32 s1, $0x11  }
0xbb: {  	s0 =	sor.u32 s1, s0  }
0xbc: {  	s0 =	sadd.s32 $0x8F2B, s0  }
0xbd: {  	[sflag:s0] =	ssyncadd.remote.s32 $0x1  }
0xbe: {  	_ =	sfence.sel $0xFFFF  }
0xbf: {  	[dreg:$0x0] =	wrdreg $0xFFFFFFFF;
	(pc) =	sbr.abs _section_cstart, $3  }
0xc0: {  	[dreg:$0x1] =	wrdreg $0xFFFFFFFF  }
0xc1: {  	_ =	task.clear_ibuf [dreg:s7], $0x2FFFF;
	_ =	strace $0x9FFFFFFF  }
0xc2: {  	(tm) =	ssettm $0x7FFFFFFF  }
0xc3: {  	_ =	shalt  }
tec
execute0_lowered:
.L_overlay_start_1:
0x0: {  	(tag) =	ssettag $0x1  }
0x1: {  	s2 =	rddreg [dreg:$0x0]  }
0x2: {  	s0 =	rddreg [dreg:$0x1]  }
0x3: {  	s1 =	srdreg.scid;
	s7 =	stileid.u32;
	s3 =	simm.s32 $0x0  }
0x4: {  	s14 =	simm.s32 $0xB;
	s15 =	simm.s32 $0x80;
	s16 =	simm.s32 $0x2000  }
0x5: {  	s17 =	simm.s32 $0x6000;
	s18 =	simm.s32 $0xA000;
	s19 =	simm.s32 $0xE000  }
0x6: {  	s20 =	simm.s32 $0x12000;
	s21 =	simm.s32 $0x1;
	s22 =	simm.s32 $0x2  }
0x7: {  	s23 =	simm.s32 $0x3;
	s24 =	simm.s32 $0x4;
	s25 =	simm.s32 $0x5  }
0x8: {  	s28 =	simm.s32 $0x7;
	s29 =	simm.s32 $0x8;
	s30 =	simm.s32 $0x9  }
0x9: {  	s1 =	sand.u32 $0x1, s1;
	s4 =	sshll.u32 s7, $0x1;
	s7 =	smul.u32 $0x32000, s7  }
0xa: {  	s4 =	sor.u32 s1, s4;
	s8 =	ssub.s32 $0x2, s1;
	s1 =	smul.u32 $0x19000, s1  }
0xb: {  	s31 =	simm.s32 $0xA;
	[smem:$0x7FF] =	sst s3;
	s6 =	smul.u32 $0x380, s4  }
0xc: {  	s11 =	sadd.s32 $0x8E00, s0;
	_ =	strace $0x80000047;
	s10 =	smul.u32 $0x14000, s4  }
0xd: {  	s5 =	sshll.u32 s4, $0x7;
	s9 =	sshrl.u32 s8, $0x1;
	s4 =	smul.u32 $0x2800, s4  }
0xe: {  	s5 =	sadd.s32 s5, s0;
	s12 =	ssub.s32 s8, s9;
	s6 =	sadd.s32 s6, s0  }
0xf: {  	s0 =	sadd.s32 s7, s0;
	s26 =	sshrl.u32 s10, $0x3;
	s5 =	sadd.s32 $0x7E00, s5  }
0x10: {  	s4 =	sadd.s32 s11, s4;
	s6 =	sadd.s32 $0xE00, s6;
	[dreg:$0x4] =	wrdreg s5  }
0x11: {  	s10 =	sadd.s32 s11, s26;
	[dreg:$0x5] =	wrdreg s4;
	s0 =	sadd.s32 s1, s0  }
0x12: {  	s11 =	smax.u32 s12, $0x1;
	s26 =	simm.s32 $0x6;
	[dreg:$0x3] =	wrdreg s6  }
0x13: {  	s7 =	sadd.s32 $0x800, s10;
	s8 =	sadd.s32 $0x1000, s10;
	s9 =	sadd.s32 $0x1800, s10  }
0x14: {  	s10 =	sadd.s32 $0x2000, s10;
	s12 =	sadd.s32 $0x58E00, s0;
	s0 =	simm.s32 $0x0  }
.LBB2_1:
0x15: {  	s1 =	rddreg [dreg:$0x3];
	s4 =	simm.s32 $0x400  }
0x16: {  	[tilespmem:s4], [sflag:$0xB] =	stream.linear.gather [hbm4b:s1+s3], $0x1900, $0x38;
	[tilespmem:$0x16000] =	vst v63  }
0x17: {  	_ =	swait.ge [sflag:s14], $0x1900  }
0x18: {  	[sflag:s14] =	ssyncset.done $0x0  }
0x19: {  	s13 =	rddreg [dreg:$0x4];
	[sflag:s14] =	ssyncadd.s32 $0xFFFFE700  }
0x1a: {  	[tilespmem:s3], [sflag:$0xB] =	stream.linear.gather [hbm4b:s13+s3], $0x280, $0x38;
	[tilespmem:$0x16000] =	vst v63  }
0x1b: {  	_ =	swait.ge [sflag:s14], $0x280  }
0x1c: {  	[sflag:s14] =	ssyncset.done $0x0  }
0x1d: {  	s4 =	simm.s32 $0x400;
	[sflag:s14] =	ssyncadd.s32 $0xFFFFFD80  }
0x1e: {  	[tilespmem:s16], [sflag:$0x1] =	stream.indirect.gather [hbm4b:s2+s15], $0x80, s4, s15, $0xb8;
	[tilespmem:$0x16000] =	vst v63  }
0x1f: {  	s5 =	simm.s32 $0x480  }
0x20: {  	[tilespmem:s17], [sflag:$0x2] =	stream.indirect.gather [hbm4b:s2+s15], $0x80, s5, s15, $0xb8;
	[tilespmem:$0x16000] =	vst v63  }
0x21: {  	s6 =	simm.s32 $0x500  }
0x22: {  	[tilespmem:s18], [sflag:$0x3] =	stream.indirect.gather [hbm4b:s2+s15], $0x80, s6, s15, $0xb8;
	[tilespmem:$0x16000] =	vst v63  }
0x23: {  	s13 =	simm.s32 $0x580  }
0x24: {  	[tilespmem:s19], [sflag:$0x4] =	stream.indirect.gather [hbm4b:s2+s15], $0x80, s13, s15, $0xb8;
	[tilespmem:$0x16000] =	vst v63  }
0x25: {  	s4 =	simm.s32 $0x600  }
0x26: {  	[tilespmem:s20], [sflag:$0x5] =	stream.indirect.gather [hbm4b:s2+s15], $0x80, s4, s15, $0xb8;
	[tilespmem:$0x16000] =	vst v63  }
0x27: {  	_ =	swait.ge [sflag:s21], $0x4000  }
0x28: {  	[sflag:s21] =	ssyncset.done $0x0  }
0x29: {  	s1 =	sadd.s32 $0x0, s12;
	[sflag:s21] =	ssyncadd.s32 $0xFFFFC000  }
0x2a: {  	[hbm4b:s1+s3] =	stream.linear.scatter [tilespmem:s16], [sflag:$0x6], $0x4000, $0x38;
	[tilespmem:$0x16000] =	vst v63  }
0x2b: {  	_ =	swait.ge [sflag:s22], $0x4000  }
0x2c: {  	[sflag:s22] =	ssyncset.done $0x0  }
0x2d: {  	s5 =	sadd.s32 $0x800, s1;
	[sflag:s22] =	ssyncadd.s32 $0xFFFFC000  }
0x2e: {  	[hbm4b:s5+s3] =	stream.linear.scatter [tilespmem:s17], [sflag:$0x7], $0x4000, $0x38;
	[tilespmem:$0x16000] =	vst v63  }
0x2f: {  	_ =	swait.ge [sflag:s23], $0x4000  }
0x30: {  	[sflag:s23] =	ssyncset.done $0x0  }
0x31: {  	s6 =	sadd.s32 $0x1000, s1;
	[sflag:s23] =	ssyncadd.s32 $0xFFFFC000  }
0x32: {  	[hbm4b:s6+s3] =	stream.linear.scatter [tilespmem:s18], [sflag:$0x8], $0x4000, $0x38;
	[tilespmem:$0x16000] =	vst v63  }
0x33: {  	_ =	swait.ge [sflag:s24], $0x4000  }
0x34: {  	[sflag:s24] =	ssyncset.done $0x0  }
0x35: {  	s13 =	sadd.s32 $0x1800, s1;
	[sflag:s24] =	ssyncadd.s32 $0xFFFFC000  }
0x36: {  	[hbm4b:s13+s3] =	stream.linear.scatter [tilespmem:s19], [sflag:$0x9], $0x4000, $0x38;
	[tilespmem:$0x16000] =	vst v63  }
0x37: {  	_ =	swait.ge [sflag:s25], $0x4000  }
0x38: {  	[sflag:s25] =	ssyncset.done $0x0  }
0x39: {  	s1 =	sadd.s32 $0x2000, s1;
	[sflag:s25] =	ssyncadd.s32 $0xFFFFC000  }
0x3a: {  	[hbm4b:s1+s3] =	stream.linear.scatter [tilespmem:s20], [sflag:$0xA], $0x4000, $0x38;
	[tilespmem:$0x16000] =	vst v63  }
0x3b: {  	_ =	swait.ge [sflag:s26], $0x4000  }
0x3c: {  	[sflag:s26] =	ssyncset.done $0x0  }
0x3d: {  	[sflag:s26] =	ssyncadd.s32 $0xFFFFC000  }
0x3e: {  	_ =	swait.ge [sflag:s28], $0x4000  }
0x3f: {  	[sflag:s28] =	ssyncset.done $0x0  }
0x40: {  	[sflag:s28] =	ssyncadd.s32 $0xFFFFC000  }
0x41: {  	_ =	swait.ge [sflag:s29], $0x4000  }
0x42: {  	[sflag:s29] =	ssyncset.done $0x0  }
0x43: {  	[sflag:s29] =	ssyncadd.s32 $0xFFFFC000  }
0x44: {  	_ =	swait.ge [sflag:s30], $0x4000  }
0x45: {  	[sflag:s30] =	ssyncset.done $0x0  }
0x46: {  	[sflag:s30] =	ssyncadd.s32 $0xFFFFC000  }
0x47: {  	s4 =	simm.s32 $0x5000;
	_ =	swait.ge [sflag:s31], $0x4000  }
0x48: {  	s13 =	simm.s32 $0x880;
	s1 =	simm.s32 $0x2800;
	[sflag:s31] =	ssyncset.done $0x0  }
.LBB2_2:
0x49: {  	p0 =	sne.s32 s4, $0x16800;
	s5 =	sadd.s32 $0xFFFFFE00, s13;
	[sflag:s31] =	ssyncadd.s32 $0xFFFFC000  }
0x4a: {  	[tilespmem:s16], [sflag:$0x1] =	stream.indirect.gather [hbm4b:s2+s15], $0x80, s5, s15, $0xb8;
	[tilespmem:$0x16000] =	vst v63  }
0x4b: {  	s6 =	smov.u32 s4;
	s4 =	sadd.s32 $0x2800, s4;
	s5 =	sadd.s32 $0xFFFFFE80, s13  }
0x4c: {  	[tilespmem:s17], [sflag:$0x2] =	stream.indirect.gather [hbm4b:s2+s15], $0x80, s5, s15, $0xb8;
	[tilespmem:$0x16000] =	vst v63  }
0x4d: {  	s5 =	sadd.s32 $0xFFFFFF00, s13  }
0x4e: {  	[tilespmem:s18], [sflag:$0x3] =	stream.indirect.gather [hbm4b:s2+s15], $0x80, s5, s15, $0xb8;
	[tilespmem:$0x16000] =	vst v63  }
0x4f: {  	s5 =	sadd.s32 $0xFFFFFF80, s13  }
0x50: {  	[tilespmem:s19], [sflag:$0x4] =	stream.indirect.gather [hbm4b:s2+s15], $0x80, s5, s15, $0xb8;
	[tilespmem:$0x16000] =	vst v63  }
0x51: {  	_ = 	snop  }
0x52: {  	[tilespmem:s20], [sflag:$0x5] =	stream.indirect.gather [hbm4b:s2+s15], $0x80, s13, s15, $0xb8;
	[tilespmem:$0x16000] =	vst v63  }
0x53: {  	_ =	swait.ge [sflag:s21], $0x4000  }
0x54: {  	[sflag:s21] =	ssyncset.done $0x0  }
0x55: {  	s5 =	sadd.s32 s1, s12;
	s1 =	smov.u32 s6;
	[sflag:s21] =	ssyncadd.s32 $0xFFFFC000  }
0x56: {  	[hbm4b:s5+s3] =	stream.linear.scatter [tilespmem:s16], [sflag:$0x6], $0x4000, $0x38;
	[tilespmem:$0x16000] =	vst v63  }
0x57: {  	_ =	swait.ge [sflag:s22], $0x4000  }
0x58: {  	[sflag:s22] =	ssyncset.done $0x0  }
0x59: {  	s6 =	sadd.s32 $0x800, s5;
	[sflag:s22] =	ssyncadd.s32 $0xFFFFC000  }
0x5a: {  	[hbm4b:s6+s3] =	stream.linear.scatter [tilespmem:s17], [sflag:$0x7], $0x4000, $0x38;
	[tilespmem:$0x16000] =	vst v63  }
0x5b: {  	_ =	swait.ge [sflag:s23], $0x4000  }
0x5c: {  	[sflag:s23] =	ssyncset.done $0x0  }
0x5d: {  	s6 =	sadd.s32 $0x1000, s5;
	[sflag:s23] =	ssyncadd.s32 $0xFFFFC000  }
0x5e: {  	[hbm4b:s6+s3] =	stream.linear.scatter [tilespmem:s18], [sflag:$0x8], $0x4000, $0x38;
	[tilespmem:$0x16000] =	vst v63  }
0x5f: {  	_ =	swait.ge [sflag:s24], $0x4000  }
0x60: {  	[sflag:s24] =	ssyncset.done $0x0  }
0x61: {  	s6 =	sadd.s32 $0x1800, s5;
	[sflag:s24] =	ssyncadd.s32 $0xFFFFC000  }
0x62: {  	[hbm4b:s6+s3] =	stream.linear.scatter [tilespmem:s19], [sflag:$0x9], $0x4000, $0x38;
	[tilespmem:$0x16000] =	vst v63  }
0x63: {  	_ =	swait.ge [sflag:s25], $0x4000  }
0x64: {  	[sflag:s25] =	ssyncset.done $0x0  }
0x65: {  	s5 =	sadd.s32 $0x2000, s5;
	[sflag:s25] =	ssyncadd.s32 $0xFFFFC000  }
0x66: {  	[hbm4b:s5+s3] =	stream.linear.scatter [tilespmem:s20], [sflag:$0xA], $0x4000, $0x38;
	[tilespmem:$0x16000] =	vst v63  }
0x67: {  	_ =	swait.ge [sflag:s26], $0x4000  }
0x68: {  	[sflag:s26] =	ssyncset.done $0x0  }
0x69: {  	[sflag:s26] =	ssyncadd.s32 $0xFFFFC000  }
0x6a: {  	_ =	swait.ge [sflag:s28], $0x4000  }
0x6b: {  	[sflag:s28] =	ssyncset.done $0x0  }
0x6c: {  	[sflag:s28] =	ssyncadd.s32 $0xFFFFC000  }
0x6d: {  	_ =	swait.ge [sflag:s29], $0x4000  }
0x6e: {  	[sflag:s29] =	ssyncset.done $0x0  }
0x6f: {  	[sflag:s29] =	ssyncadd.s32 $0xFFFFC000  }
.Ltmp0:
0x70: {  	_ =	swait.ge [sflag:s30], $0x4000;
	(pc) =	sbr.rel @p0 .LBB2_2-.Ltmp0, $4  }
0x71: {  	[sflag:s30] =	ssyncset.done $0x0  }
0x72: {  	[sflag:s30] =	ssyncadd.s32 $0xFFFFC000  }
0x73: {  	_ =	swait.ge [sflag:s31], $0x4000  }
0x74: {  	s13 =	sadd.s32 $0x280, s13;
	[sflag:s31] =	ssyncset.done $0x0  }
0x75: {  	s4 =	sadd.s32 $0xFFFFFE00, s13;
	[sflag:s31] =	ssyncadd.s32 $0xFFFFC000  }
0x76: {  	[tilespmem:s16], [sflag:$0x1] =	stream.indirect.gather [hbm4b:s2+s15], $0x80, s4, s15, $0xb8;
	[tilespmem:$0x16000] =	vst v63  }
0x77: {  	s6 =	sadd.s32 $0xFFFFFE80, s13  }
0x78: {  	[tilespmem:s17], [sflag:$0x2] =	stream.indirect.gather [hbm4b:s2+s15], $0x80, s6, s15, $0xb8;
	[tilespmem:$0x16000] =	vst v63  }
0x79: {  	s5 =	sadd.s32 $0xFFFFFF00, s13  }
0x7a: {  	[tilespmem:s18], [sflag:$0x3] =	stream.indirect.gather [hbm4b:s2+s15], $0x80, s5, s15, $0xb8;
	[tilespmem:$0x16000] =	vst v63  }
0x7b: {  	s6 =	sadd.s32 $0xFFFFFF80, s13  }
0x7c: {  	[tilespmem:s19], [sflag:$0x4] =	stream.indirect.gather [hbm4b:s2+s15], $0x80, s6, s15, $0xb8;
	[tilespmem:$0x16000] =	vst v63  }
0x7d: {  	_ = 	snop  }
0x7e: {  	[tilespmem:s20], [sflag:$0x5] =	stream.indirect.gather [hbm4b:s2+s15], $0x80, s13, s15, $0xb8;
	[tilespmem:$0x16000] =	vst v63  }
0x7f: {  	_ =	swait.ge [sflag:s21], $0x4000  }
0x80: {  	[sflag:s21] =	ssyncset.done $0x0  }
0x81: {  	s1 =	sadd.s32 s1, s12;
	[sflag:s21] =	ssyncadd.s32 $0xFFFFC000  }
0x82: {  	[hbm4b:s1+s3] =	stream.linear.scatter [tilespmem:s16], [sflag:$0x6], $0x4000, $0x38;
	[tilespmem:$0x16000] =	vst v63  }
0x83: {  	_ =	swait.ge [sflag:s22], $0x4000  }
0x84: {  	[sflag:s22] =	ssyncset.done $0x0  }
0x85: {  	s5 =	sadd.s32 $0x800, s1;
	[sflag:s22] =	ssyncadd.s32 $0xFFFFC000  }
0x86: {  	[hbm4b:s5+s3] =	stream.linear.scatter [tilespmem:s17], [sflag:$0x7], $0x4000, $0x38;
	[tilespmem:$0x16000] =	vst v63  }
0x87: {  	_ =	swait.ge [sflag:s23], $0x4000  }
0x88: {  	[sflag:s23] =	ssyncset.done $0x0  }
0x89: {  	s6 =	sadd.s32 $0x1000, s1;
	[sflag:s23] =	ssyncadd.s32 $0xFFFFC000  }
0x8a: {  	[hbm4b:s6+s3] =	stream.linear.scatter [tilespmem:s18], [sflag:$0x8], $0x4000, $0x38;
	[tilespmem:$0x16000] =	vst v63  }
0x8b: {  	_ =	swait.ge [sflag:s24], $0x4000  }
0x8c: {  	[sflag:s24] =	ssyncset.done $0x0  }
0x8d: {  	s13 =	sadd.s32 $0x1800, s1;
	[sflag:s24] =	ssyncadd.s32 $0xFFFFC000  }
0x8e: {  	[hbm4b:s13+s3] =	stream.linear.scatter [tilespmem:s19], [sflag:$0x9], $0x4000, $0x38;
	[tilespmem:$0x16000] =	vst v63  }
0x8f: {  	_ =	swait.ge [sflag:s25], $0x4000  }
0x90: {  	[sflag:s25] =	ssyncset.done $0x0  }
0x91: {  	s1 =	sadd.s32 $0x2000, s1;
	[sflag:s25] =	ssyncadd.s32 $0xFFFFC000  }
0x92: {  	[hbm4b:s1+s3] =	stream.linear.scatter [tilespmem:s20], [sflag:$0xA], $0x4000, $0x38;
	[tilespmem:$0x16000] =	vst v63  }
0x93: {  	_ =	swait.ge [sflag:s26], $0x4000  }
0x94: {  	[sflag:s26] =	ssyncset.done $0x0  }
0x95: {  	[sflag:s26] =	ssyncadd.s32 $0xFFFFC000  }
0x96: {  	_ =	swait.ge [sflag:s28], $0x4000  }
0x97: {  	[sflag:s28] =	ssyncset.done $0x0  }
0x98: {  	[sflag:s28] =	ssyncadd.s32 $0xFFFFC000  }
0x99: {  	_ =	swait.ge [sflag:s29], $0x4000  }
0x9a: {  	[sflag:s29] =	ssyncset.done $0x0  }
0x9b: {  	[sflag:s29] =	ssyncadd.s32 $0xFFFFC000  }
0x9c: {  	_ =	swait.ge [sflag:s30], $0x4000  }
0x9d: {  	[sflag:s30] =	ssyncset.done $0x0  }
0x9e: {  	[sflag:s30] =	ssyncadd.s32 $0xFFFFC000  }
0x9f: {  	_ =	swait.ge [sflag:s31], $0x4000  }
0xa0: {  	[sflag:s31] =	ssyncset.done $0x0  }
0xa1: {  	[sflag:s31] =	ssyncadd.s32 $0xFFFFC000  }
0xa2: {  	[tilespmem:s16], [sflag:$0x1] =	stream.indirect.gather [hbm4b:s2+s15], $0x80, s3, s15, $0xb8;
	[tilespmem:$0x16000] =	vst v63  }
0xa3: {  	_ = 	snop  }
0xa4: {  	[tilespmem:s17], [sflag:$0x2] =	stream.indirect.gather [hbm4b:s2+s15], $0x80, s15, s15, $0xb8;
	[tilespmem:$0x16000] =	vst v63  }
0xa5: {  	s4 =	simm.s32 $0x100  }
0xa6: {  	[tilespmem:s18], [sflag:$0x3] =	stream.indirect.gather [hbm4b:s2+s15], $0x80, s4, s15, $0xb8;
	[tilespmem:$0x16000] =	vst v63  }
0xa7: {  	s5 =	simm.s32 $0x180  }
0xa8: {  	[tilespmem:s19], [sflag:$0x4] =	stream.indirect.gather [hbm4b:s2+s15], $0x80, s5, s15, $0xb8;
	[tilespmem:$0x16000] =	vst v63  }
0xa9: {  	s6 =	simm.s32 $0x200  }
0xaa: {  	[tilespmem:s20], [sflag:$0x5] =	stream.indirect.gather [hbm4b:s2+s15], $0x80, s6, s15, $0xb8;
	[tilespmem:$0x16000] =	vst v63  }
0xab: {  	_ =	swait.ge [sflag:s21], $0x4000  }
0xac: {  	[sflag:s21] =	ssyncset.done $0x0  }
0xad: {  	s13 =	rddreg [dreg:$0x5];
	[sflag:s21] =	ssyncadd.s32 $0xFFFFC000  }
0xae: {  	[hbm4b:s13+s3] =	stream.linear.scatter [tilespmem:s16], [sflag:$0x6], $0x4000, $0x38;
	[tilespmem:$0x16000] =	vst v63  }
0xaf: {  	_ =	swait.ge [sflag:s22], $0x4000  }
0xb0: {  	[sflag:s22] =	ssyncset.done $0x0  }
0xb1: {  	[sflag:s22] =	ssyncadd.s32 $0xFFFFC000  }
0xb2: {  	[hbm4b:s7+s3] =	stream.linear.scatter [tilespmem:s17], [sflag:$0x7], $0x4000, $0x38;
	[tilespmem:$0x16000] =	vst v63  }
0xb3: {  	_ =	swait.ge [sflag:s23], $0x4000  }
0xb4: {  	[sflag:s23] =	ssyncset.done $0x0  }
0xb5: {  	[sflag:s23] =	ssyncadd.s32 $0xFFFFC000  }
0xb6: {  	[hbm4b:s8+s3] =	stream.linear.scatter [tilespmem:s18], [sflag:$0x8], $0x4000, $0x38;
	[tilespmem:$0x16000] =	vst v63  }
0xb7: {  	_ =	swait.ge [sflag:s24], $0x4000  }
0xb8: {  	[sflag:s24] =	ssyncset.done $0x0  }
0xb9: {  	[sflag:s24] =	ssyncadd.s32 $0xFFFFC000  }
0xba: {  	[hbm4b:s9+s3] =	stream.linear.scatter [tilespmem:s19], [sflag:$0x9], $0x4000, $0x38;
	[tilespmem:$0x16000] =	vst v63  }
0xbb: {  	_ =	swait.ge [sflag:s25], $0x4000  }
0xbc: {  	[sflag:s25] =	ssyncset.done $0x0  }
0xbd: {  	[sflag:s25] =	ssyncadd.s32 $0xFFFFC000  }
0xbe: {  	[hbm4b:s10+s3] =	stream.linear.scatter [tilespmem:s20], [sflag:$0xA], $0x4000, $0x38;
	[tilespmem:$0x16000] =	vst v63  }
0xbf: {  	_ =	swait.ge [sflag:s26], $0x4000  }
0xc0: {  	[sflag:s26] =	ssyncset.done $0x0  }
0xc1: {  	[sflag:s26] =	ssyncadd.s32 $0xFFFFC000  }
0xc2: {  	_ =	swait.ge [sflag:s28], $0x4000  }
0xc3: {  	[sflag:s28] =	ssyncset.done $0x0  }
0xc4: {  	[sflag:s28] =	ssyncadd.s32 $0xFFFFC000  }
0xc5: {  	_ =	swait.ge [sflag:s29], $0x4000  }
0xc6: {  	[sflag:s29] =	ssyncset.done $0x0  }
0xc7: {  	s0 =	sadd.s32 $0x1, s0;
	[sflag:s29] =	ssyncadd.s32 $0xFFFFC000  }
0xc8: {  	p0 =	sne.s32 s0, s11;
	_ =	swait.ge [sflag:s30], $0x4000  }
.Ltmp1:
0xc9: {  	[sflag:s30] =	ssyncset.done $0x0;
	(pc) =	sbr.rel @p0 .LBB2_1-.Ltmp1, $4  }
0xca: {  	[sflag:s30] =	ssyncadd.s32 $0xFFFFC000  }
0xcb: {  	_ =	swait.ge [sflag:s31], $0x4000  }
0xcc: {  	[sflag:s31] =	ssyncset.done $0x0  }
0xcd: {  	[sflag:s31] =	ssyncadd.s32 $0xFFFFC000  }
0xce: {  	_ =	sfence.sel $0x180000  }
0xcf: {  	[bflag:$0x0] =	sbarrier.arrive $0xFFFF  }
0xd0: {  	_ =	strace $0x90000047  }
0xd1: {  	s0 =	stileid.u32;
	[bflag:$0x2] =	sbarrier.arrive $0xFFFF  }
0xd2: {  	p0 =	sne.s32 s0, $0x0;
	s0 =	rddreg [dreg:$0x2]  }
0xd3: {  	s0 =	sadd.s32 @!p0 $0x100000, s0  }
0xd4: {  	[sflag:s0] =	ssyncadd.tile.s32 @!p0 $0x1;
	_ =	shalt  }
.Lfunc_end2:
_tile_overlayer_lowered:
.L_overlay_start_2:
0xd5: {  	(tag) =	ssettag $0x2  }
0xd6: {  	s0 =	rddreg [dreg:$0x0];
	s2 =	stileid.u32  }
0xd7: {  	s1 =	rddreg [dreg:$0x1];
	p0 =	sne.s32 s2, $0x0  }
0xd8: {  	s3 =	rddreg [dreg:$0x2];
	[bflag:$0x3] =	sbarrier.arrive $0xFFFF;
	s2 =	simm.s32 @!p0 $0x1C0B  }
0xd9: {  	[timem:s3], [sflag:s2] =	dma.local @!p0 [hbm:s0], s1  }
0xda: {  	s0 =	simm.s32 @!p0 $0xB  }
0xdb: {  	_ =	swait.ge @!p0 [sflag:s0], s1  }
0xdc: {  	s1 =	ssub.s32 @!p0 $0x0, s1;
	[sflag:s0] =	ssyncset.done @!p0 $0x0  }
0xdd: {  	[sflag:s0] =	ssyncadd.s32 @!p0 s1  }
0xde: {  	[bflag:$0x3] =	sbarrier.arrive $0xFFFF  }
0xdf: {  	_ =	shalt  }

</sc_bundles>
